<compile_context>
chip_gen: v7x
topology: tpu7x:2x2x1
jax: 0.10.2.dev20260603
libtpu: 0.0.44.dev20260713+nightly
codegen_flags: <defaults>
</compile_context>

<pallas_src>
import jax
import jax.numpy as jnp
from jax import lax
from jax.experimental import pallas as pl
from jax.experimental.pallas import tpu as pltpu
from jax.experimental.pallas import tpu_sc as plsc

B, T, D = 16, 4096, 1024
NC, NS, L = 2, 16, 16
NW = NC * NS

SS = 1024
NSS = T // SS
TC_ROWS = 640
SC_ROWS = SS - TC_ROWS

CH = 48
SPS = SC_ROWS // CH
NCH = NSS * SPS
SLOTS = NCH // NW
NT = B * SLOTS
ND = D // L
NREG = 16
NBLK = ND // NREG


def _sc_chunk_start(slot_c):
    g = slot_c // SPS
    j = slot_c - g * SPS
    return g * SS + TC_ROWS + j * CH


def _sc_partials_kernel(payload_hbm, lens_hbm, partials_hbm, lens_v,
                        lens_sm, buf0, buf1, acc_v, sem0, sem1):
    c = lax.axis_index("c")
    s = lax.axis_index("s")
    w = s * NC + c
    pltpu.sync_copy(lens_hbm, lens_v)
    lens_vec = lens_v[...]
    for b in range(B):
        lens_sm[b] = lens_vec[b]

    def state(t):
        tc_ = jnp.minimum(t, NT - 1) if not isinstance(t, int) else min(t, NT - 1)
        b = tc_ // SLOTS
        kk = tc_ - b * SLOTS
        len_b = lens_sm[b]
        c0 = lax.rem(w + 2 * (NW - b), NW)
        start = _sc_chunk_start(c0 + kk * NW)
        valid = jnp.logical_and(t < NT, start < len_b)
        return b, kk, len_b, start, valid

    def prefetch(t, buf, sem):
        b, _, _, start, valid = state(t)

        @pl.when(valid)
        def _():
            pltpu.async_copy(payload_hbm.at[b, pl.ds(start, CH), :], buf, sem)

    def run_slot(t, buf, sem, nbuf, nsem):
        b, kk, len_b, start, valid = state(t)
        prefetch(t + 1, nbuf, nsem)

        @pl.when(kk == 0)
        def _():
            def zb(d, _):
                acc_v[pl.ds(d * L, L)] = jnp.zeros((L,), jnp.float32)
                return 0
            lax.fori_loop(0, ND, zb, 0)

        @pl.when(valid)
        def _():
            pltpu.make_async_copy(
                payload_hbm.at[0, pl.ds(0, CH), :], buf, sem).wait()
            nv = jnp.clip(len_b - start, 0, CH)
            for dblk in range(NBLK):
                base = dblk * NREG * L
                accs = tuple(acc_v[pl.ds(base + j * L, L)]
                             for j in range(NREG))

                def rbody(r, accs):
                    return tuple(accs[j] + buf[r, pl.ds(base + j * L, L)]
                                 for j in range(NREG))
                accs = plsc.parallel_loop(0, nv, carry=accs)(rbody)
                for j in range(NREG):
                    acc_v[pl.ds(base + j * L, L)] = accs[j]

        @pl.when(kk == SLOTS - 1)
        def _():
            pltpu.sync_copy(acc_v, partials_hbm.at[w, b, :])

    prefetch(0, buf0, sem0)

    def pair_body(tt, _):
        t = tt * 2
        run_slot(t, buf0, sem0, buf1, sem1)
        run_slot(t + 1, buf1, sem1, buf0, sem0)
        return 0

    lax.fori_loop(0, NT // 2, pair_body, 0)


NTT = B * NSS


def _tc_partial_kernel(lens_ref, payload_hbm, out_ref, buf0, buf1, buf2,
                       buf3, sem0, sem1, sem2, sem3):
    row_iota = lax.broadcasted_iota(jnp.int32, (TC_ROWS, 1), 0)

    def state(t):
        tc_ = jnp.minimum(t, NTT - 1) if not isinstance(t, int) else min(t, NTT - 1)
        b = tc_ // NSS
        g = tc_ - b * NSS
        start = g * SS
        valid = jnp.logical_and(t < NTT, start < lens_ref[b])
        return b, g, start, valid

    def prefetch(t, buf, sem):
        b, _, start, valid = state(t)

        @pl.when(valid)
        def _():
            pltpu.make_async_copy(
                payload_hbm.at[b, pl.ds(start, TC_ROWS), :], buf, sem).start()

    def run_slot(t, buf, sem, nbuf, nsem, acc):
        b, g, start, valid = state(t)
        prefetch(t + 3, nbuf, nsem)
        acc = jnp.where(g == 0, jnp.zeros((1, D), jnp.float32), acc)

        def hit():
            pltpu.make_async_copy(
                payload_hbm.at[0, pl.ds(0, TC_ROWS), :], buf, sem).wait()
            nv = lens_ref[b] - start

            def full_sum():
                return jnp.sum(buf[...], axis=0, keepdims=True)

            def masked_sum():
                masked = jnp.where(row_iota < nv, buf[...], 0.0)
                return jnp.sum(masked, axis=0, keepdims=True)

            return acc + lax.cond(nv >= TC_ROWS, full_sum, masked_sum)

        acc = lax.cond(valid, hit, lambda: acc)
        out_ref[pl.ds(b, 1), :] = acc
        return acc

    bufs = (buf0, buf1, buf2, buf3)
    sems = (sem0, sem1, sem2, sem3)
    for q in range(3):
        prefetch(q, bufs[q], sems[q])

    def quad_body(tt, acc):
        t = tt * 4
        for q in range(4):
            acc = run_slot(t + q, bufs[q], sems[q],
                           bufs[(q + 3) % 4], sems[(q + 3) % 4], acc)
        return acc

    lax.fori_loop(0, NTT // 4, quad_body,
                  jnp.zeros((1, D), jnp.float32))


def _tc_combine_kernel(sc_partials_ref, tc_partial_ref, lens_ref, out_ref):
    s = jnp.sum(sc_partials_ref[...], axis=0) + tc_partial_ref[...]
    out_ref[...] = s / lens_ref[...]


@jax.jit
def kernel(payload, seq_lens):
    lens_i32 = seq_lens.astype(jnp.int32)

    mesh = plsc.VectorSubcoreMesh(core_axis_name="c", subcore_axis_name="s",
                                  num_cores=NC, num_subcores=NS)
    sc_partials = pl.kernel(
        _sc_partials_kernel,
        out_type=jax.ShapeDtypeStruct((NW, B, D), jnp.float32),
        mesh=mesh,
        scratch_types=[
            pltpu.VMEM((L,), jnp.int32),
            pltpu.SMEM((B,), jnp.int32),
            pltpu.VMEM((CH, D), jnp.float32),
            pltpu.VMEM((CH, D), jnp.float32),
            pltpu.VMEM((D,), jnp.float32),
            pltpu.SemaphoreType.DMA,
            pltpu.SemaphoreType.DMA,
        ],
    )(payload, lens_i32)

    tc_partial = pl.pallas_call(
        _tc_partial_kernel,
        out_shape=jax.ShapeDtypeStruct((B, D), jnp.float32),
        in_specs=[
            pl.BlockSpec(memory_space=pltpu.SMEM),
            pl.BlockSpec(memory_space=pltpu.HBM),
        ],
        scratch_shapes=[
            pltpu.VMEM((TC_ROWS, D), jnp.float32),
            pltpu.VMEM((TC_ROWS, D), jnp.float32),
            pltpu.VMEM((TC_ROWS, D), jnp.float32),
            pltpu.VMEM((TC_ROWS, D), jnp.float32),
            pltpu.SemaphoreType.DMA,
            pltpu.SemaphoreType.DMA,
            pltpu.SemaphoreType.DMA,
            pltpu.SemaphoreType.DMA,
        ],
    )(lens_i32, payload)

    lens_f = lens_i32.astype(jnp.float32).reshape(B, 1)
    out = pl.pallas_call(
        _tc_combine_kernel,
        out_shape=jax.ShapeDtypeStruct((B, D), jnp.float32),
    )(sc_partials, tc_partial, lens_f)
    return out

# --- scband reference (transcript-rebuilt; emitter-appended) ---
"""Pipeline reference for scband-mean-step-encoder-46729244180643 (READ-ONLY COPY).

The authoritative reference and input builder live on the scoring server;
editing this copy changes nothing except your own understanding.
"""

import jax, jax.numpy as jnp
import numpy as np

B, T, D = 16, 4096, 1024


def setup_inputs(seed: int = 0) -> dict:
    key = jax.random.key(seed)
    k1, k2 = jax.random.split(key)
    payload = jax.random.normal(k1, (B, T, D), dtype=jnp.float32)
    # lengths in [1, T] to avoid empty-sequence NaNs (mirrors valid PaddedBatch)
    seq_lens = jax.random.randint(k2, (B,), 1, T + 1, dtype=jnp.int64)
    return {"payload": payload, "seq_lens": seq_lens}


def reference(payload, seq_lens):
    # Faithful translation of:
    #   means = torch.stack([e[0:l].mean(dim=0) for e, l in zip(x.payload, x.seq_lens)])
    # i.e. a masked mean over the first seq_lens[b] steps of each sequence.
    T_ = payload.shape[1]
    mask = (jnp.arange(T_)[None, :] < seq_lens[:, None]).astype(payload.dtype)  # [B, T]
    sums = jnp.einsum('btd,bt->bd', payload, mask)  # masked sum over time
    means = sums / seq_lens[:, None].astype(payload.dtype)
    return means

if __name__ == "__main__":
    import jax
    _d = setup_inputs()
    print(jax.jit(kernel)(*tuple(_d.values())))

</pallas_src>

<mosaic_0001>
#map = affine_map<(d0, d1) -> (0, 0, 0)>
#map1 = affine_map<(d0, d1) -> (0)>
module attributes {stable_mosaic.version = 14 : i64} {
  func.func @_sc_partials_kernel(%arg0: i32, %arg1: i32, %arg2: memref<16x4096x1024xf32, #tpu.memory_space<hbm>>, %arg3: memref<16xi32, #tpu.memory_space<hbm>>, %arg4: memref<32x16x1024xf32, #tpu.memory_space<hbm>>, %arg5: memref<16xi32, #tpu.memory_space<vmem>>, %arg6: memref<16xi32, #tpu.memory_space<smem>>, %arg7: memref<48x1024xf32, #tpu.memory_space<vmem>>, %arg8: memref<48x1024xf32, #tpu.memory_space<vmem>>, %arg9: memref<1024xf32, #tpu.memory_space<vmem>>, %arg10: memref<!tpu.dma_semaphore, #tpu.memory_space<semaphore_mem>>, %arg11: memref<!tpu.dma_semaphore, #tpu.memory_space<semaphore_mem>>) attributes {dimension_semantics = [#tpu.dimension_semantics<core_parallel>, #tpu.dimension_semantics<subcore_parallel>], iteration_bounds = array<i64: 2, 16>, scalar_prefetch = 0 : i64, scratch_operands = 7 : i64, tpu.core_type = #tpu.core_type<sc_vector_subcore>, window_params = [{transform_indices = #map}, {transform_indices = #map1}, {transform_indices = #map}]} {
    %mul3A = arith.constant 2 : i32
    %mul3A_0 = arith.muli %arg1, %mul3A : i32
    %add3A = arith.addi %mul3A_0, %arg0 : i32
    "tpu.region"() ({
      %run_scoped3A = tpu.sem_alloc : memref<!tpu.dma_semaphore, #tpu.memory_space<semaphore_mem>>
      tpu.enqueue_dma source(%arg3 : memref<16xi32, #tpu.memory_space<hbm>>) target(%arg5 : memref<16xi32, #tpu.memory_space<vmem>>) target_semaphore(%run_scoped3A : memref<!tpu.dma_semaphore, #tpu.memory_space<semaphore_mem>>)
      tpu.wait_dma2 semaphore(%run_scoped3A : memref<!tpu.dma_semaphore, #tpu.memory_space<semaphore_mem>>) src(%arg3 : memref<16xi32, #tpu.memory_space<hbm>>) dst(%arg5 : memref<16xi32, #tpu.memory_space<vmem>>)
      tpu.yield
    }) : () -> ()
    %get3A = arith.constant 0 : index
    %get3A_1 = tpu.vector_load %arg5[%get3A] {strides = array<i32>} : memref<16xi32, #tpu.memory_space<vmem>>, vector<16xi32>,
    %get3A_2 = vector.shape_cast %get3A_1 : vector<16xi32> to vector<16xi32>
    %slice3A = vector.extract_strided_slice %get3A_2 {offsets = [0], sizes = [1], strides = [1]} : vector<16xi32> to vector<1xi32>
    %squeeze3A = vector.extract %slice3A[0] : i32 from vector<1xi32>
    %swap3A = arith.constant 0 : i32
    %swap3A_3 = arith.index_cast %swap3A : i32 to index
    %swap3A_4 = memref.load %arg6[%swap3A_3] : memref<16xi32, #tpu.memory_space<smem>>
    memref.store %squeeze3A, %arg6[%swap3A_3] : memref<16xi32, #tpu.memory_space<smem>>
    %slice3A_5 = vector.extract_strided_slice %get3A_2 {offsets = [1], sizes = [1], strides = [1]} : vector<16xi32> to vector<1xi32>
    %squeeze3A_6 = vector.extract %slice3A_5[0] : i32 from vector<1xi32>
    %swap3A_7 = arith.constant 1 : i32
    %swap3A_8 = arith.index_cast %swap3A_7 : i32 to index
    %swap3A_9 = memref.load %arg6[%swap3A_8] : memref<16xi32, #tpu.memory_space<smem>>
    memref.store %squeeze3A_6, %arg6[%swap3A_8] : memref<16xi32, #tpu.memory_space<smem>>
    %slice3A_10 = vector.extract_strided_slice %get3A_2 {offsets = [2], sizes = [1], strides = [1]} : vector<16xi32> to vector<1xi32>
    %squeeze3A_11 = vector.extract %slice3A_10[0] : i32 from vector<1xi32>
    %swap3A_12 = arith.constant 2 : i32
    %swap3A_13 = arith.index_cast %swap3A_12 : i32 to index
    %swap3A_14 = memref.load %arg6[%swap3A_13] : memref<16xi32, #tpu.memory_space<smem>>
    memref.store %squeeze3A_11, %arg6[%swap3A_13] : memref<16xi32, #tpu.memory_space<smem>>
    %slice3A_15 = vector.extract_strided_slice %get3A_2 {offsets = [3], sizes = [1], strides = [1]} : vector<16xi32> to vector<1xi32>
    %squeeze3A_16 = vector.extract %slice3A_15[0] : i32 from vector<1xi32>
    %swap3A_17 = arith.constant 3 : i32
    %swap3A_18 = arith.index_cast %swap3A_17 : i32 to index
    %swap3A_19 = memref.load %arg6[%swap3A_18] : memref<16xi32, #tpu.memory_space<smem>>
    memref.store %squeeze3A_16, %arg6[%swap3A_18] : memref<16xi32, #tpu.memory_space<smem>>
    %slice3A_20 = vector.extract_strided_slice %get3A_2 {offsets = [4], sizes = [1], strides = [1]} : vector<16xi32> to vector<1xi32>
    %squeeze3A_21 = vector.extract %slice3A_20[0] : i32 from vector<1xi32>
    %swap3A_22 = arith.constant 4 : i32
    %swap3A_23 = arith.index_cast %swap3A_22 : i32 to index
    %swap3A_24 = memref.load %arg6[%swap3A_23] : memref<16xi32, #tpu.memory_space<smem>>
    memref.store %squeeze3A_21, %arg6[%swap3A_23] : memref<16xi32, #tpu.memory_space<smem>>
    %slice3A_25 = vector.extract_strided_slice %get3A_2 {offsets = [5], sizes = [1], strides = [1]} : vector<16xi32> to vector<1xi32>
    %squeeze3A_26 = vector.extract %slice3A_25[0] : i32 from vector<1xi32>
    %swap3A_27 = arith.constant 5 : i32
    %swap3A_28 = arith.index_cast %swap3A_27 : i32 to index
    %swap3A_29 = memref.load %arg6[%swap3A_28] : memref<16xi32, #tpu.memory_space<smem>>
    memref.store %squeeze3A_26, %arg6[%swap3A_28] : memref<16xi32, #tpu.memory_space<smem>>
    %slice3A_30 = vector.extract_strided_slice %get3A_2 {offsets = [6], sizes = [1], strides = [1]} : vector<16xi32> to vector<1xi32>
    %squeeze3A_31 = vector.extract %slice3A_30[0] : i32 from vector<1xi32>
    %swap3A_32 = arith.constant 6 : i32
    %swap3A_33 = arith.index_cast %swap3A_32 : i32 to index
    %swap3A_34 = memref.load %arg6[%swap3A_33] : memref<16xi32, #tpu.memory_space<smem>>
    memref.store %squeeze3A_31, %arg6[%swap3A_33] : memref<16xi32, #tpu.memory_space<smem>>
    %slice3A_35 = vector.extract_strided_slice %get3A_2 {offsets = [7], sizes = [1], strides = [1]} : vector<16xi32> to vector<1xi32>
    %squeeze3A_36 = vector.extract %slice3A_35[0] : i32 from vector<1xi32>
    %swap3A_37 = arith.constant 7 : i32
    %swap3A_38 = arith.index_cast %swap3A_37 : i32 to index
    %swap3A_39 = memref.load %arg6[%swap3A_38] : memref<16xi32, #tpu.memory_space<smem>>
    memref.store %squeeze3A_36, %arg6[%swap3A_38] : memref<16xi32, #tpu.memory_space<smem>>
    %slice3A_40 = vector.extract_strided_slice %get3A_2 {offsets = [8], sizes = [1], strides = [1]} : vector<16xi32> to vector<1xi32>
    %squeeze3A_41 = vector.extract %slice3A_40[0] : i32 from vector<1xi32>
    %swap3A_42 = arith.constant 8 : i32
    %swap3A_43 = arith.index_cast %swap3A_42 : i32 to index
    %swap3A_44 = memref.load %arg6[%swap3A_43] : memref<16xi32, #tpu.memory_space<smem>>
    memref.store %squeeze3A_41, %arg6[%swap3A_43] : memref<16xi32, #tpu.memory_space<smem>>
    %slice3A_45 = vector.extract_strided_slice %get3A_2 {offsets = [9], sizes = [1], strides = [1]} : vector<16xi32> to vector<1xi32>
    %squeeze3A_46 = vector.extract %slice3A_45[0] : i32 from vector<1xi32>
    %swap3A_47 = arith.constant 9 : i32
    %swap3A_48 = arith.index_cast %swap3A_47 : i32 to index
    %swap3A_49 = memref.load %arg6[%swap3A_48] : memref<16xi32, #tpu.memory_space<smem>>
    memref.store %squeeze3A_46, %arg6[%swap3A_48] : memref<16xi32, #tpu.memory_space<smem>>
    %slice3A_50 = vector.extract_strided_slice %get3A_2 {offsets = [10], sizes = [1], strides = [1]} : vector<16xi32> to vector<1xi32>
    %squeeze3A_51 = vector.extract %slice3A_50[0] : i32 from vector<1xi32>
    %swap3A_52 = arith.constant 10 : i32
    %swap3A_53 = arith.index_cast %swap3A_52 : i32 to index
    %swap3A_54 = memref.load %arg6[%swap3A_53] : memref<16xi32, #tpu.memory_space<smem>>
    memref.store %squeeze3A_51, %arg6[%swap3A_53] : memref<16xi32, #tpu.memory_space<smem>>
    %slice3A_55 = vector.extract_strided_slice %get3A_2 {offsets = [11], sizes = [1], strides = [1]} : vector<16xi32> to vector<1xi32>
    %squeeze3A_56 = vector.extract %slice3A_55[0] : i32 from vector<1xi32>
    %swap3A_57 = arith.constant 11 : i32
    %swap3A_58 = arith.index_cast %swap3A_57 : i32 to index
    %swap3A_59 = memref.load %arg6[%swap3A_58] : memref<16xi32, #tpu.memory_space<smem>>
    memref.store %squeeze3A_56, %arg6[%swap3A_58] : memref<16xi32, #tpu.memory_space<smem>>
    %slice3A_60 = vector.extract_strided_slice %get3A_2 {offsets = [12], sizes = [1], strides = [1]} : vector<16xi32> to vector<1xi32>
    %squeeze3A_61 = vector.extract %slice3A_60[0] : i32 from vector<1xi32>
    %swap3A_62 = arith.constant 12 : i32
    %swap3A_63 = arith.index_cast %swap3A_62 : i32 to index
    %swap3A_64 = memref.load %arg6[%swap3A_63] : memref<16xi32, #tpu.memory_space<smem>>
    memref.store %squeeze3A_61, %arg6[%swap3A_63] : memref<16xi32, #tpu.memory_space<smem>>
    %slice3A_65 = vector.extract_strided_slice %get3A_2 {offsets = [13], sizes = [1], strides = [1]} : vector<16xi32> to vector<1xi32>
    %squeeze3A_66 = vector.extract %slice3A_65[0] : i32 from vector<1xi32>
    %swap3A_67 = arith.constant 13 : i32
    %swap3A_68 = arith.index_cast %swap3A_67 : i32 to index
    %swap3A_69 = memref.load %arg6[%swap3A_68] : memref<16xi32, #tpu.memory_space<smem>>
    memref.store %squeeze3A_66, %arg6[%swap3A_68] : memref<16xi32, #tpu.memory_space<smem>>
    %slice3A_70 = vector.extract_strided_slice %get3A_2 {offsets = [14], sizes = [1], strides = [1]} : vector<16xi32> to vector<1xi32>
    %squeeze3A_71 = vector.extract %slice3A_70[0] : i32 from vector<1xi32>
    %swap3A_72 = arith.constant 14 : i32
    %swap3A_73 = arith.index_cast %swap3A_72 : i32 to index
    %swap3A_74 = memref.load %arg6[%swap3A_73] : memref<16xi32, #tpu.memory_space<smem>>
    memref.store %squeeze3A_71, %arg6[%swap3A_73] : memref<16xi32, #tpu.memory_space<smem>>
    %slice3A_75 = vector.extract_strided_slice %get3A_2 {offsets = [15], sizes = [1], strides = [1]} : vector<16xi32> to vector<1xi32>
    %squeeze3A_76 = vector.extract %slice3A_75[0] : i32 from vector<1xi32>
    %swap3A_77 = arith.constant 15 : i32
    %swap3A_78 = arith.index_cast %swap3A_77 : i32 to index
    %swap3A_79 = memref.load %arg6[%swap3A_78] : memref<16xi32, #tpu.memory_space<smem>>
    memref.store %squeeze3A_76, %arg6[%swap3A_78] : memref<16xi32, #tpu.memory_space<smem>>
    %get3A_80 = arith.constant 0 : i32
    %get3A_81 = arith.index_cast %get3A_80 : i32 to index
    %get3A_82 = memref.load %arg6[%get3A_81] : memref<16xi32, #tpu.memory_space<smem>>
    %add3A_83 = arith.constant 64 : i32
    %add3A_84 = arith.addi %add3A, %add3A_83 : i32
    %rem3A = arith.constant 32 : i32
    %rem3A_85 = arith.remsi %add3A_84, %rem3A : i32
    %add3A_86 = arith.constant 0 : i32
    %add3A_87 = arith.addi %rem3A_85, %add3A_86 : i32
    %jit3A = arith.constant 8 : i32
    %div3A = arith.divsi %add3A_87, %jit3A : i32
    %sign3A = arith.constant 0 : i32
    %sign3A_88 = arith.cmpi sgt, %add3A_87, %sign3A : i32
    %sign3A_89 = arith.extui %sign3A_88 : i1 to i32
    %sign3A_90 = arith.constant 0 : i32
    %sign3A_91 = arith.cmpi slt, %add3A_87, %sign3A_90 : i32
    %sign3A_92 = arith.extui %sign3A_91 : i1 to i32
    %sign3A_93 = arith.subi %sign3A_89, %sign3A_92 : i32
    %sign3A_94 = arith.constant 0 : i32
    %sign3A_95 = arith.cmpi sgt, %jit3A, %sign3A_94 : i32
    %sign3A_96 = arith.extui %sign3A_95 : i1 to i32
    %sign3A_97 = arith.constant 0 : i32
    %sign3A_98 = arith.cmpi slt, %jit3A, %sign3A_97 : i32
    %sign3A_99 = arith.extui %sign3A_98 : i1 to i32
    %sign3A_100 = arith.subi %sign3A_96, %sign3A_99 : i32
    %ne3A = arith.cmpi ne, %sign3A_93, %sign3A_100 : i32
    %rem3A_101 = arith.remsi %add3A_87, %jit3A : i32
    %ne3A_102 = arith.constant 0 : i32
    %ne3A_103 = arith.cmpi ne, %rem3A_101, %ne3A_102 : i32
    %and3A = arith.andi %ne3A, %ne3A_103 : i1
    %sub3A = arith.constant 1 : i32
    %sub3A_104 = arith.subi %div3A, %sub3A : i32
    %select_n3A = arith.select %and3A, %sub3A_104, %div3A : i32
    %mul3A_105 = arith.constant 8 : i32
    %mul3A_106 = arith.muli %select_n3A, %mul3A_105 : i32
    %sub3A_107 = arith.subi %add3A_87, %mul3A_106 : i32
    %mul3A_108 = arith.constant 1024 : i32
    %mul3A_109 = arith.muli %select_n3A, %mul3A_108 : i32
    %add3A_110 = arith.constant 640 : i32
    %add3A_111 = arith.addi %mul3A_109, %add3A_110 : i32
    %mul3A_112 = arith.constant 48 : i32
    %mul3A_113 = arith.muli %sub3A_107, %mul3A_112 : i32
    %add3A_114 = arith.addi %add3A_111, %mul3A_113 : i32
    %lt3A = arith.cmpi slt, %add3A_114, %get3A_82 : i32
    %and3A_115 = arith.constant true
    %and3A_116 = arith.andi %and3A_115, %lt3A : i1
    %convert_element_type3A = arith.extui %and3A_116 : i1 to i32
    %cond3A = arith.constant 0 : i32
    %cond3A_117 = arith.cmpi ne, %convert_element_type3A, %cond3A : i32
    scf.if %cond3A_117 {
      %dma_start3A = arith.constant 0 : i32
      %dma_start3A_124 = arith.constant 0 : i32
      %dma_start3A_125 = tpu.memref_slice %arg2[%dma_start3A, %add3A_114, %dma_start3A_124] : memref<16x4096x1024xf32, #tpu.memory_space<hbm>> -> memref<1x48x1024xf32, #tpu.memory_space<hbm>>
      %dma_start3A_126 = tpu.memref_squeeze %dma_start3A_125 : memref<1x48x1024xf32, #tpu.memory_space<hbm>> -> memref<48x1024xf32, #tpu.memory_space<hbm>>
      %dma_start3A_127 = arith.constant 0 : i32
      %dma_start3A_128 = tpu.memref_slice %arg2[%dma_start3A, %add3A_114, %dma_start3A_127] : memref<16x4096x1024xf32, #tpu.memory_space<hbm>> -> memref<1x48x1024xf32, #tpu.memory_space<hbm>>
      %dma_start3A_129 = tpu.memref_squeeze %dma_start3A_128 : memref<1x48x1024xf32, #tpu.memory_space<hbm>> -> memref<48x1024xf32, #tpu.memory_space<hbm>>
      tpu.enqueue_dma source(%dma_start3A_129 : memref<48x1024xf32, #tpu.memory_space<hbm>>) target(%arg7 : memref<48x1024xf32, #tpu.memory_space<vmem>>) target_semaphore(%arg10 : memref<!tpu.dma_semaphore, #tpu.memory_space<semaphore_mem>>)
    } else {
    }
    %scan3A = arith.constant 0 : i32
    %scan3A_118 = arith.constant 0 : i32
    %scan3A_119 = arith.constant 8 : i32
    %scan3A_120 = arith.addi %scan3A_118, %scan3A_119 : i32
    %scan3A_121 = arith.constant 1 : i32
    %scan3A_122 = scf.for %scan3A_124 = %scan3A_118 to %scan3A_120 step %scan3A_121 iter_args(%scan3A_125 = %scan3A) -> (i32)  : i32 {
      %mul3A_126 = arith.constant 2 : i32
      %mul3A_127 = arith.muli %scan3A_124, %mul3A_126 : i32
      %min3A = arith.constant 15 : i32
      %min3A_128 = arith.minsi %mul3A_127, %min3A : i32
      %jit3A_129 = arith.constant 1 : i32
      %div3A_130 = arith.divsi %min3A_128, %jit3A_129 : i32
      %sign3A_131 = arith.constant 0 : i32
      %sign3A_132 = arith.cmpi sgt, %min3A_128, %sign3A_131 : i32
      %sign3A_133 = arith.extui %sign3A_132 : i1 to i32
      %sign3A_134 = arith.constant 0 : i32
      %sign3A_135 = arith.cmpi slt, %min3A_128, %sign3A_134 : i32
      %sign3A_136 = arith.extui %sign3A_135 : i1 to i32
      %sign3A_137 = arith.subi %sign3A_133, %sign3A_136 : i32
      %sign3A_138 = arith.constant 0 : i32
      %sign3A_139 = arith.cmpi sgt, %jit3A_129, %sign3A_138 : i32
      %sign3A_140 = arith.extui %sign3A_139 : i1 to i32
      %sign3A_141 = arith.constant 0 : i32
      %sign3A_142 = arith.cmpi slt, %jit3A_129, %sign3A_141 : i32
      %sign3A_143 = arith.extui %sign3A_142 : i1 to i32
      %sign3A_144 = arith.subi %sign3A_140, %sign3A_143 : i32
      %ne3A_145 = arith.cmpi ne, %sign3A_137, %sign3A_144 : i32
      %rem3A_146 = arith.remsi %min3A_128, %jit3A_129 : i32
      %ne3A_147 = arith.constant 0 : i32
      %ne3A_148 = arith.cmpi ne, %rem3A_146, %ne3A_147 : i32
      %and3A_149 = arith.andi %ne3A_145, %ne3A_148 : i1
      %sub3A_150 = arith.constant 1 : i32
      %sub3A_151 = arith.subi %div3A_130, %sub3A_150 : i32
      %select_n3A_152 = arith.select %and3A_149, %sub3A_151, %div3A_130 : i32
      %mul3A_153 = arith.constant 1 : i32
      %mul3A_154 = arith.muli %select_n3A_152, %mul3A_153 : i32
      %sub3A_155 = arith.subi %min3A_128, %mul3A_154 : i32
      %get3A_156 = arith.index_cast %select_n3A_152 : i32 to index
      %get3A_157 = memref.load %arg6[%get3A_156] : memref<16xi32, #tpu.memory_space<smem>>
      %sub3A_158 = arith.constant 32 : i32
      %sub3A_159 = arith.subi %sub3A_158, %select_n3A_152 : i32
      %mul3A_160 = arith.constant 2 : i32
      %mul3A_161 = arith.muli %mul3A_160, %sub3A_159 : i32
      %add3A_162 = arith.addi %add3A, %mul3A_161 : i32
      %rem3A_163 = arith.constant 32 : i32
      %rem3A_164 = arith.remsi %add3A_162, %rem3A_163 : i32
      %mul3A_165 = arith.constant 32 : i32
      %mul3A_166 = arith.muli %sub3A_155, %mul3A_165 : i32
      %add3A_167 = arith.addi %rem3A_164, %mul3A_166 : i32
      %jit3A_168 = arith.constant 8 : i32
      %div3A_169 = arith.divsi %add3A_167, %jit3A_168 : i32
      %sign3A_170 = arith.constant 0 : i32
      %sign3A_171 = arith.cmpi sgt, %add3A_167, %sign3A_170 : i32
      %sign3A_172 = arith.extui %sign3A_171 : i1 to i32
      %sign3A_173 = arith.constant 0 : i32
      %sign3A_174 = arith.cmpi slt, %add3A_167, %sign3A_173 : i32
      %sign3A_175 = arith.extui %sign3A_174 : i1 to i32
      %sign3A_176 = arith.subi %sign3A_172, %sign3A_175 : i32
      %sign3A_177 = arith.constant 0 : i32
      %sign3A_178 = arith.cmpi sgt, %jit3A_168, %sign3A_177 : i32
      %sign3A_179 = arith.extui %sign3A_178 : i1 to i32
      %sign3A_180 = arith.constant 0 : i32
      %sign3A_181 = arith.cmpi slt, %jit3A_168, %sign3A_180 : i32
      %sign3A_182 = arith.extui %sign3A_181 : i1 to i32
      %sign3A_183 = arith.subi %sign3A_179, %sign3A_182 : i32
      %ne3A_184 = arith.cmpi ne, %sign3A_176, %sign3A_183 : i32
      %rem3A_185 = arith.remsi %add3A_167, %jit3A_168 : i32
      %ne3A_186 = arith.constant 0 : i32
      %ne3A_187 = arith.cmpi ne, %rem3A_185, %ne3A_186 : i32
      %and3A_188 = arith.andi %ne3A_184, %ne3A_187 : i1
      %sub3A_189 = arith.constant 1 : i32
      %sub3A_190 = arith.subi %div3A_169, %sub3A_189 : i32
      %select_n3A_191 = arith.select %and3A_188, %sub3A_190, %div3A_169 : i32
      %mul3A_192 = arith.constant 8 : i32
      %mul3A_193 = arith.muli %select_n3A_191, %mul3A_192 : i32
      %sub3A_194 = arith.subi %add3A_167, %mul3A_193 : i32
      %mul3A_195 = arith.constant 1024 : i32
      %mul3A_196 = arith.muli %select_n3A_191, %mul3A_195 : i32
      %add3A_197 = arith.constant 640 : i32
      %add3A_198 = arith.addi %mul3A_196, %add3A_197 : i32
      %mul3A_199 = arith.constant 48 : i32
      %mul3A_200 = arith.muli %sub3A_194, %mul3A_199 : i32
      %add3A_201 = arith.addi %add3A_198, %mul3A_200 : i32
      %lt3A_202 = arith.constant 16 : i32
      %lt3A_203 = arith.cmpi slt, %mul3A_127, %lt3A_202 : i32
      %lt3A_204 = arith.cmpi slt, %add3A_201, %get3A_157 : i32
      %and3A_205 = arith.andi %lt3A_203, %lt3A_204 : i1
      %add3A_206 = arith.constant 1 : i32
      %add3A_207 = arith.addi %mul3A_127, %add3A_206 : i32
      %min3A_208 = arith.constant 15 : i32
      %min3A_209 = arith.minsi %add3A_207, %min3A_208 : i32
      %jit3A_210 = arith.constant 1 : i32
      %div3A_211 = arith.divsi %min3A_209, %jit3A_210 : i32
      %sign3A_212 = arith.constant 0 : i32
      %sign3A_213 = arith.cmpi sgt, %min3A_209, %sign3A_212 : i32
      %sign3A_214 = arith.extui %sign3A_213 : i1 to i32
      %sign3A_215 = arith.constant 0 : i32
      %sign3A_216 = arith.cmpi slt, %min3A_209, %sign3A_215 : i32
      %sign3A_217 = arith.extui %sign3A_216 : i1 to i32
      %sign3A_218 = arith.subi %sign3A_214, %sign3A_217 : i32
      %sign3A_219 = arith.constant 0 : i32
      %sign3A_220 = arith.cmpi sgt, %jit3A_210, %sign3A_219 : i32
      %sign3A_221 = arith.extui %sign3A_220 : i1 to i32
      %sign3A_222 = arith.constant 0 : i32
      %sign3A_223 = arith.cmpi slt, %jit3A_210, %sign3A_222 : i32
      %sign3A_224 = arith.extui %sign3A_223 : i1 to i32
      %sign3A_225 = arith.subi %sign3A_221, %sign3A_224 : i32
      %ne3A_226 = arith.cmpi ne, %sign3A_218, %sign3A_225 : i32
      %rem3A_227 = arith.remsi %min3A_209, %jit3A_210 : i32
      %ne3A_228 = arith.constant 0 : i32
      %ne3A_229 = arith.cmpi ne, %rem3A_227, %ne3A_228 : i32
      %and3A_230 = arith.andi %ne3A_226, %ne3A_229 : i1
      %sub3A_231 = arith.constant 1 : i32
      %sub3A_232 = arith.subi %div3A_211, %sub3A_231 : i32
      %select_n3A_233 = arith.select %and3A_230, %sub3A_232, %div3A_211 : i32
      %mul3A_234 = arith.constant 1 : i32
      %mul3A_235 = arith.muli %select_n3A_233, %mul3A_234 : i32
      %sub3A_236 = arith.subi %min3A_209, %mul3A_235 : i32
      %get3A_237 = arith.index_cast %select_n3A_233 : i32 to index
      %get3A_238 = memref.load %arg6[%get3A_237] : memref<16xi32, #tpu.memory_space<smem>>
      %sub3A_239 = arith.constant 32 : i32
      %sub3A_240 = arith.subi %sub3A_239, %select_n3A_233 : i32
      %mul3A_241 = arith.constant 2 : i32
      %mul3A_242 = arith.muli %mul3A_241, %sub3A_240 : i32
      %add3A_243 = arith.addi %add3A, %mul3A_242 : i32
      %rem3A_244 = arith.constant 32 : i32
      %rem3A_245 = arith.remsi %add3A_243, %rem3A_244 : i32
      %mul3A_246 = arith.constant 32 : i32
      %mul3A_247 = arith.muli %sub3A_236, %mul3A_246 : i32
      %add3A_248 = arith.addi %rem3A_245, %mul3A_247 : i32
      %jit3A_249 = arith.constant 8 : i32
      %div3A_250 = arith.divsi %add3A_248, %jit3A_249 : i32
      %sign3A_251 = arith.constant 0 : i32
      %sign3A_252 = arith.cmpi sgt, %add3A_248, %sign3A_251 : i32
      %sign3A_253 = arith.extui %sign3A_252 : i1 to i32
      %sign3A_254 = arith.constant 0 : i32
      %sign3A_255 = arith.cmpi slt, %add3A_248, %sign3A_254 : i32
      %sign3A_256 = arith.extui %sign3A_255 : i1 to i32
      %sign3A_257 = arith.subi %sign3A_253, %sign3A_256 : i32
      %sign3A_258 = arith.constant 0 : i32
      %sign3A_259 = arith.cmpi sgt, %jit3A_249, %sign3A_258 : i32
      %sign3A_260 = arith.extui %sign3A_259 : i1 to i32
      %sign3A_261 = arith.constant 0 : i32
      %sign3A_262 = arith.cmpi slt, %jit3A_249, %sign3A_261 : i32
      %sign3A_263 = arith.extui %sign3A_262 : i1 to i32
      %sign3A_264 = arith.subi %sign3A_260, %sign3A_263 : i32
      %ne3A_265 = arith.cmpi ne, %sign3A_257, %sign3A_264 : i32
      %rem3A_266 = arith.remsi %add3A_248, %jit3A_249 : i32
      %ne3A_267 = arith.constant 0 : i32
      %ne3A_268 = arith.cmpi ne, %rem3A_266, %ne3A_267 : i32
      %and3A_269 = arith.andi %ne3A_265, %ne3A_268 : i1
      %sub3A_270 = arith.constant 1 : i32
      %sub3A_271 = arith.subi %div3A_250, %sub3A_270 : i32
      %select_n3A_272 = arith.select %and3A_269, %sub3A_271, %div3A_250 : i32
      %mul3A_273 = arith.constant 8 : i32
      %mul3A_274 = arith.muli %select_n3A_272, %mul3A_273 : i32
      %sub3A_275 = arith.subi %add3A_248, %mul3A_274 : i32
      %mul3A_276 = arith.constant 1024 : i32
      %mul3A_277 = arith.muli %select_n3A_272, %mul3A_276 : i32
      %add3A_278 = arith.constant 640 : i32
      %add3A_279 = arith.addi %mul3A_277, %add3A_278 : i32
      %mul3A_280 = arith.constant 48 : i32
      %mul3A_281 = arith.muli %sub3A_275, %mul3A_280 : i32
      %add3A_282 = arith.addi %add3A_279, %mul3A_281 : i32
      %lt3A_283 = arith.constant 16 : i32
      %lt3A_284 = arith.cmpi slt, %add3A_207, %lt3A_283 : i32
      %lt3A_285 = arith.cmpi slt, %add3A_282, %get3A_238 : i32
      %and3A_286 = arith.andi %lt3A_284, %lt3A_285 : i1
      %convert_element_type3A_287 = arith.extui %and3A_286 : i1 to i32
      %cond3A_288 = arith.constant 0 : i32
      %cond3A_289 = arith.cmpi ne, %convert_element_type3A_287, %cond3A_288 : i32
      scf.if %cond3A_289 {
        %dma_start3A = arith.constant 0 : i32
        %dma_start3A_481 = tpu.memref_slice %arg2[%select_n3A_233, %add3A_282, %dma_start3A] : memref<16x4096x1024xf32, #tpu.memory_space<hbm>> -> memref<1x48x1024xf32, #tpu.memory_space<hbm>>
        %dma_start3A_482 = tpu.memref_squeeze %dma_start3A_481 : memref<1x48x1024xf32, #tpu.memory_space<hbm>> -> memref<48x1024xf32, #tpu.memory_space<hbm>>
        %dma_start3A_483 = arith.constant 0 : i32
        %dma_start3A_484 = tpu.memref_slice %arg2[%select_n3A_233, %add3A_282, %dma_start3A_483] : memref<16x4096x1024xf32, #tpu.memory_space<hbm>> -> memref<1x48x1024xf32, #tpu.memory_space<hbm>>
        %dma_start3A_485 = tpu.memref_squeeze %dma_start3A_484 : memref<1x48x1024xf32, #tpu.memory_space<hbm>> -> memref<48x1024xf32, #tpu.memory_space<hbm>>
        tpu.enqueue_dma source(%dma_start3A_485 : memref<48x1024xf32, #tpu.memory_space<hbm>>) target(%arg8 : memref<48x1024xf32, #tpu.memory_space<vmem>>) target_semaphore(%arg11 : memref<!tpu.dma_semaphore, #tpu.memory_space<semaphore_mem>>)
      } else {
      }
      %eq3A = arith.constant 0 : i32
      %eq3A_290 = arith.cmpi eq, %sub3A_155, %eq3A : i32
      %convert_element_type3A_291 = arith.extui %eq3A_290 : i1 to i32
      %cond3A_292 = arith.constant 0 : i32
      %cond3A_293 = arith.cmpi ne, %convert_element_type3A_291, %cond3A_292 : i32
      scf.if %cond3A_293 {
        %scan3A_481 = arith.constant 0 : i32
        %scan3A_482 = arith.constant 0 : i32
        %scan3A_483 = arith.constant 64 : i32
        %scan3A_484 = arith.addi %scan3A_482, %scan3A_483 : i32
        %scan3A_485 = arith.constant 1 : i32
        %scan3A_486 = scf.for %scan3A_488 = %scan3A_482 to %scan3A_484 step %scan3A_485 iter_args(%scan3A_489 = %scan3A_481) -> (i32)  : i32 {
          %broadcast_in_dim3A = arith.constant 0.000000e+00 : f32
          %broadcast_in_dim3A_490 = vector.broadcast %broadcast_in_dim3A : f32 to vector<16xf32>
          %mul3A_491 = arith.constant 16 : i32
          %mul3A_492 = arith.muli %scan3A_488, %mul3A_491 : i32
          %swap3A_493 = arith.index_cast %mul3A_492 : i32 to index
          %swap3A_494 = tpu.vector_load %arg9[%swap3A_493] {strides = array<i32>} : memref<1024xf32, #tpu.memory_space<vmem>>, vector<16xf32>,
          %swap3A_495 = vector.shape_cast %swap3A_494 : vector<16xf32> to vector<16xf32>
          %swap3A_496 = vector.shape_cast %broadcast_in_dim3A_490 : vector<16xf32> to vector<16xf32>
          tpu.vector_store %arg9[%swap3A_493], %swap3A_496 {strides = array<i32>} : memref<1024xf32, #tpu.memory_space<vmem>>, vector<16xf32>,
          %scan3A_497 = arith.constant 0 : i32
          scf.yield %scan3A_497 : i32
        }
        %scan3A_487 = arith.constant 64 : i32
      } else {
      }
      %convert_element_type3A_294 = arith.extui %and3A_205 : i1 to i32
      %cond3A_295 = arith.constant 0 : i32
      %cond3A_296 = arith.cmpi ne, %convert_element_type3A_294, %cond3A_295 : i32
      scf.if %cond3A_296 {
        %dma_wait3A = arith.constant 0 : i32
        %dma_wait3A_481 = arith.constant 0 : i32
        %dma_wait3A_482 = arith.constant 0 : i32
        %dma_wait3A_483 = tpu.memref_slice %arg2[%dma_wait3A, %dma_wait3A_481, %dma_wait3A_482] : memref<16x4096x1024xf32, #tpu.memory_space<hbm>> -> memref<1x48x1024xf32, #tpu.memory_space<hbm>>
        %dma_wait3A_484 = tpu.memref_squeeze %dma_wait3A_483 : memref<1x48x1024xf32, #tpu.memory_space<hbm>> -> memref<48x1024xf32, #tpu.memory_space<hbm>>
        %dma_wait3A_485 = arith.constant 0 : i32
        %dma_wait3A_486 = arith.constant 0 : i32
        %dma_wait3A_487 = tpu.memref_slice %arg2[%dma_wait3A, %dma_wait3A_485, %dma_wait3A_486] : memref<16x4096x1024xf32, #tpu.memory_space<hbm>> -> memref<1x48x1024xf32, #tpu.memory_space<hbm>>
        %dma_wait3A_488 = tpu.memref_squeeze %dma_wait3A_487 : memref<1x48x1024xf32, #tpu.memory_space<hbm>> -> memref<48x1024xf32, #tpu.memory_space<hbm>>
        tpu.wait_dma2 semaphore(%arg10 : memref<!tpu.dma_semaphore, #tpu.memory_space<semaphore_mem>>) src(%dma_wait3A_488 : memref<48x1024xf32, #tpu.memory_space<hbm>>) dst(%arg7 : memref<48x1024xf32, #tpu.memory_space<vmem>>)
        %sub3A_489 = arith.subi %get3A_157, %add3A_201 : i32
        %jit3A_490 = arith.constant 0 : i32
        %jit3A_491 = arith.constant 48 : i32
        %max3A = arith.maxsi %jit3A_490, %sub3A_489 : i32
        %min3A_492 = arith.minsi %jit3A_491, %max3A : i32
        %get3A_493 = arith.constant 0 : index
        %get3A_494 = tpu.vector_load %arg9[%get3A_493] {strides = array<i32>} : memref<1024xf32, #tpu.memory_space<vmem>>, vector<16xf32>,
        %get3A_495 = vector.shape_cast %get3A_494 : vector<16xf32> to vector<16xf32>
        %get3A_496 = arith.constant 16 : index
        %get3A_497 = tpu.vector_load %arg9[%get3A_496] {strides = array<i32>} : memref<1024xf32, #tpu.memory_space<vmem>>, vector<16xf32>,
        %get3A_498 = vector.shape_cast %get3A_497 : vector<16xf32> to vector<16xf32>
        %get3A_499 = arith.constant 32 : index
        %get3A_500 = tpu.vector_load %arg9[%get3A_499] {strides = array<i32>} : memref<1024xf32, #tpu.memory_space<vmem>>, vector<16xf32>,
        %get3A_501 = vector.shape_cast %get3A_500 : vector<16xf32> to vector<16xf32>
        %get3A_502 = arith.constant 48 : index
        %get3A_503 = tpu.vector_load %arg9[%get3A_502] {strides = array<i32>} : memref<1024xf32, #tpu.memory_space<vmem>>, vector<16xf32>,
        %get3A_504 = vector.shape_cast %get3A_503 : vector<16xf32> to vector<16xf32>
        %get3A_505 = arith.constant 64 : index
        %get3A_506 = tpu.vector_load %arg9[%get3A_505] {strides = array<i32>} : memref<1024xf32, #tpu.memory_space<vmem>>, vector<16xf32>,
        %get3A_507 = vector.shape_cast %get3A_506 : vector<16xf32> to vector<16xf32>
        %get3A_508 = arith.constant 80 : index
        %get3A_509 = tpu.vector_load %arg9[%get3A_508] {strides = array<i32>} : memref<1024xf32, #tpu.memory_space<vmem>>, vector<16xf32>,
        %get3A_510 = vector.shape_cast %get3A_509 : vector<16xf32> to vector<16xf32>
        %get3A_511 = arith.constant 96 : index
        %get3A_512 = tpu.vector_load %arg9[%get3A_511] {strides = array<i32>} : memref<1024xf32, #tpu.memory_space<vmem>>, vector<16xf32>,
        %get3A_513 = vector.shape_cast %get3A_512 : vector<16xf32> to vector<16xf32>
        %get3A_514 = arith.constant 112 : index
        %get3A_515 = tpu.vector_load %arg9[%get3A_514] {strides = array<i32>} : memref<1024xf32, #tpu.memory_space<vmem>>, vector<16xf32>,
        %get3A_516 = vector.shape_cast %get3A_515 : vector<16xf32> to vector<16xf32>
        %get3A_517 = arith.constant 128 : index
        %get3A_518 = tpu.vector_load %arg9[%get3A_517] {strides = array<i32>} : memref<1024xf32, #tpu.memory_space<vmem>>, vector<16xf32>,
        %get3A_519 = vector.shape_cast %get3A_518 : vector<16xf32> to vector<16xf32>
        %get3A_520 = arith.constant 144 : index
        %get3A_521 = tpu.vector_load %arg9[%get3A_520] {strides = array<i32>} : memref<1024xf32, #tpu.memory_space<vmem>>, vector<16xf32>,
        %get3A_522 = vector.shape_cast %get3A_521 : vector<16xf32> to vector<16xf32>
        %get3A_523 = arith.constant 160 : index
        %get3A_524 = tpu.vector_load %arg9[%get3A_523] {strides = array<i32>} : memref<1024xf32, #tpu.memory_space<vmem>>, vector<16xf32>,
        %get3A_525 = vector.shape_cast %get3A_524 : vector<16xf32> to vector<16xf32>
        %get3A_526 = arith.constant 176 : index
        %get3A_527 = tpu.vector_load %arg9[%get3A_526] {strides = array<i32>} : memref<1024xf32, #tpu.memory_space<vmem>>, vector<16xf32>,
        %get3A_528 = vector.shape_cast %get3A_527 : vector<16xf32> to vector<16xf32>
        %get3A_529 = arith.constant 192 : index
        %get3A_530 = tpu.vector_load %arg9[%get3A_529] {strides = array<i32>} : memref<1024xf32, #tpu.memory_space<vmem>>, vector<16xf32>,
        %get3A_531 = vector.shape_cast %get3A_530 : vector<16xf32> to vector<16xf32>
        %get3A_532 = arith.constant 208 : index
        %get3A_533 = tpu.vector_load %arg9[%get3A_532] {strides = array<i32>} : memref<1024xf32, #tpu.memory_space<vmem>>, vector<16xf32>,
        %get3A_534 = vector.shape_cast %get3A_533 : vector<16xf32> to vector<16xf32>
        %get3A_535 = arith.constant 224 : index
        %get3A_536 = tpu.vector_load %arg9[%get3A_535] {strides = array<i32>} : memref<1024xf32, #tpu.memory_space<vmem>>, vector<16xf32>,
        %get3A_537 = vector.shape_cast %get3A_536 : vector<16xf32> to vector<16xf32>
        %get3A_538 = arith.constant 240 : index
        %get3A_539 = tpu.vector_load %arg9[%get3A_538] {strides = array<i32>} : memref<1024xf32, #tpu.memory_space<vmem>>, vector<16xf32>,
        %get3A_540 = vector.shape_cast %get3A_539 : vector<16xf32> to vector<16xf32>
        %parallel_loop3A = arith.constant 0 : i32
        %parallel_loop3A_541 = arith.constant 1 : i32
        %parallel_loop3A_542:16 = scf.for %parallel_loop3A_952 = %parallel_loop3A to %min3A_492 step %parallel_loop3A_541 iter_args(%parallel_loop3A_953 = %get3A_495, %parallel_loop3A_954 = %get3A_498, %parallel_loop3A_955 = %get3A_501, %parallel_loop3A_956 = %get3A_504, %parallel_loop3A_957 = %get3A_507, %parallel_loop3A_958 = %get3A_510, %parallel_loop3A_959 = %get3A_513, %parallel_loop3A_960 = %get3A_516, %parallel_loop3A_961 = %get3A_519, %parallel_loop3A_962 = %get3A_522, %parallel_loop3A_963 = %get3A_525, %parallel_loop3A_964 = %get3A_528, %parallel_loop3A_965 = %get3A_531, %parallel_loop3A_966 = %get3A_534, %parallel_loop3A_967 = %get3A_537, %parallel_loop3A_968 = %get3A_540) -> (vector<16xf32>, vector<16xf32>, vector<16xf32>, vector<16xf32>, vector<16xf32>, vector<16xf32>, vector<16xf32>, vector<16xf32>, vector<16xf32>, vector<16xf32>, vector<16xf32>, vector<16xf32>, vector<16xf32>, vector<16xf32>, vector<16xf32>, vector<16xf32>)  : i32 {
          %parallel_loop3A_969 = arith.index_cast %parallel_loop3A_952 : i32 to index
          %parallel_loop3A_970 = arith.constant 0 : index
          %parallel_loop3A_971 = tpu.vector_load %arg7[%parallel_loop3A_969, %parallel_loop3A_970] {strides = array<i32>} : memref<48x1024xf32, #tpu.memory_space<vmem>>, vector<1x16xf32>,
          %parallel_loop3A_972 = vector.shape_cast %parallel_loop3A_971 : vector<1x16xf32> to vector<16xf32>
          %parallel_loop3A_973 = arith.addf %parallel_loop3A_953, %parallel_loop3A_972 : vector<16xf32>
          %parallel_loop3A_974 = arith.index_cast %parallel_loop3A_952 : i32 to index
          %parallel_loop3A_975 = arith.constant 16 : index
          %parallel_loop3A_976 = tpu.vector_load %arg7[%parallel_loop3A_974, %parallel_loop3A_975] {strides = array<i32>} : memref<48x1024xf32, #tpu.memory_space<vmem>>, vector<1x16xf32>,
          %parallel_loop3A_977 = vector.shape_cast %parallel_loop3A_976 : vector<1x16xf32> to vector<16xf32>
          %parallel_loop3A_978 = arith.addf %parallel_loop3A_954, %parallel_loop3A_977 : vector<16xf32>
          %parallel_loop3A_979 = arith.index_cast %parallel_loop3A_952 : i32 to index
          %parallel_loop3A_980 = arith.constant 32 : index
          %parallel_loop3A_981 = tpu.vector_load %arg7[%parallel_loop3A_979, %parallel_loop3A_980] {strides = array<i32>} : memref<48x1024xf32, #tpu.memory_space<vmem>>, vector<1x16xf32>,
          %parallel_loop3A_982 = vector.shape_cast %parallel_loop3A_981 : vector<1x16xf32> to vector<16xf32>
          %parallel_loop3A_983 = arith.addf %parallel_loop3A_955, %parallel_loop3A_982 : vector<16xf32>
          %parallel_loop3A_984 = arith.index_cast %parallel_loop3A_952 : i32 to index
          %parallel_loop3A_985 = arith.constant 48 : index
          %parallel_loop3A_986 = tpu.vector_load %arg7[%parallel_loop3A_984, %parallel_loop3A_985] {strides = array<i32>} : memref<48x1024xf32, #tpu.memory_space<vmem>>, vector<1x16xf32>,
          %parallel_loop3A_987 = vector.shape_cast %parallel_loop3A_986 : vector<1x16xf32> to vector<16xf32>
          %parallel_loop3A_988 = arith.addf %parallel_loop3A_956, %parallel_loop3A_987 : vector<16xf32>
          %parallel_loop3A_989 = arith.index_cast %parallel_loop3A_952 : i32 to index
          %parallel_loop3A_990 = arith.constant 64 : index
          %parallel_loop3A_991 = tpu.vector_load %arg7[%parallel_loop3A_989, %parallel_loop3A_990] {strides = array<i32>} : memref<48x1024xf32, #tpu.memory_space<vmem>>, vector<1x16xf32>,
          %parallel_loop3A_992 = vector.shape_cast %parallel_loop3A_991 : vector<1x16xf32> to vector<16xf32>
          %parallel_loop3A_993 = arith.addf %parallel_loop3A_957, %parallel_loop3A_992 : vector<16xf32>
          %parallel_loop3A_994 = arith.index_cast %parallel_loop3A_952 : i32 to index
          %parallel_loop3A_995 = arith.constant 80 : index
          %parallel_loop3A_996 = tpu.vector_load %arg7[%parallel_loop3A_994, %parallel_loop3A_995] {strides = array<i32>} : memref<48x1024xf32, #tpu.memory_space<vmem>>, vector<1x16xf32>,
          %parallel_loop3A_997 = vector.shape_cast %parallel_loop3A_996 : vector<1x16xf32> to vector<16xf32>
          %parallel_loop3A_998 = arith.addf %parallel_loop3A_958, %parallel_loop3A_997 : vector<16xf32>
          %parallel_loop3A_999 = arith.index_cast %parallel_loop3A_952 : i32 to index
          %parallel_loop3A_1000 = arith.constant 96 : index
          %parallel_loop3A_1001 = tpu.vector_load %arg7[%parallel_loop3A_999, %parallel_loop3A_1000] {strides = array<i32>} : memref<48x1024xf32, #tpu.memory_space<vmem>>, vector<1x16xf32>,
          %parallel_loop3A_1002 = vector.shape_cast %parallel_loop3A_1001 : vector<1x16xf32> to vector<16xf32>
          %parallel_loop3A_1003 = arith.addf %parallel_loop3A_959, %parallel_loop3A_1002 : vector<16xf32>
          %parallel_loop3A_1004 = arith.index_cast %parallel_loop3A_952 : i32 to index
          %parallel_loop3A_1005 = arith.constant 112 : index
          %parallel_loop3A_1006 = tpu.vector_load %arg7[%parallel_loop3A_1004, %parallel_loop3A_1005] {strides = array<i32>} : memref<48x1024xf32, #tpu.memory_space<vmem>>, vector<1x16xf32>,
          %parallel_loop3A_1007 = vector.shape_cast %parallel_loop3A_1006 : vector<1x16xf32> to vector<16xf32>
          %parallel_loop3A_1008 = arith.addf %parallel_loop3A_960, %parallel_loop3A_1007 : vector<16xf32>
          %parallel_loop3A_1009 = arith.index_cast %parallel_loop3A_952 : i32 to index
          %parallel_loop3A_1010 = arith.constant 128 : index
          %parallel_loop3A_1011 = tpu.vector_load %arg7[%parallel_loop3A_1009, %parallel_loop3A_1010] {strides = array<i32>} : memref<48x1024xf32, #tpu.memory_space<vmem>>, vector<1x16xf32>,
          %parallel_loop3A_1012 = vector.shape_cast %parallel_loop3A_1011 : vector<1x16xf32> to vector<16xf32>
          %parallel_loop3A_1013 = arith.addf %parallel_loop3A_961, %parallel_loop3A_1012 : vector<16xf32>
          %parallel_loop3A_1014 = arith.index_cast %parallel_loop3A_952 : i32 to index
          %parallel_loop3A_1015 = arith.constant 144 : index
          %parallel_loop3A_1016 = tpu.vector_load %arg7[%parallel_loop3A_1014, %parallel_loop3A_1015] {strides = array<i32>} : memref<48x1024xf32, #tpu.memory_space<vmem>>, vector<1x16xf32>,
          %parallel_loop3A_1017 = vector.shape_cast %parallel_loop3A_1016 : vector<1x16xf32> to vector<16xf32>
          %parallel_loop3A_1018 = arith.addf %parallel_loop3A_962, %parallel_loop3A_1017 : vector<16xf32>
          %parallel_loop3A_1019 = arith.index_cast %parallel_loop3A_952 : i32 to index
          %parallel_loop3A_1020 = arith.constant 160 : index
          %parallel_loop3A_1021 = tpu.vector_load %arg7[%parallel_loop3A_1019, %parallel_loop3A_1020] {strides = array<i32>} : memref<48x1024xf32, #tpu.memory_space<vmem>>, vector<1x16xf32>,
          %parallel_loop3A_1022 = vector.shape_cast %parallel_loop3A_1021 : vector<1x16xf32> to vector<16xf32>
          %parallel_loop3A_1023 = arith.addf %parallel_loop3A_963, %parallel_loop3A_1022 : vector<16xf32>
          %parallel_loop3A_1024 = arith.index_cast %parallel_loop3A_952 : i32 to index
          %parallel_loop3A_1025 = arith.constant 176 : index
          %parallel_loop3A_1026 = tpu.vector_load %arg7[%parallel_loop3A_1024, %parallel_loop3A_1025] {strides = array<i32>} : memref<48x1024xf32, #tpu.memory_space<vmem>>, vector<1x16xf32>,
          %parallel_loop3A_1027 = vector.shape_cast %parallel_loop3A_1026 : vector<1x16xf32> to vector<16xf32>
          %parallel_loop3A_1028 = arith.addf %parallel_loop3A_964, %parallel_loop3A_1027 : vector<16xf32>
          %parallel_loop3A_1029 = arith.index_cast %parallel_loop3A_952 : i32 to index
          %parallel_loop3A_1030 = arith.constant 192 : index
          %parallel_loop3A_1031 = tpu.vector_load %arg7[%parallel_loop3A_1029, %parallel_loop3A_1030] {strides = array<i32>} : memref<48x1024xf32, #tpu.memory_space<vmem>>, vector<1x16xf32>,
          %parallel_loop3A_1032 = vector.shape_cast %parallel_loop3A_1031 : vector<1x16xf32> to vector<16xf32>
          %parallel_loop3A_1033 = arith.addf %parallel_loop3A_965, %parallel_loop3A_1032 : vector<16xf32>
          %parallel_loop3A_1034 = arith.index_cast %parallel_loop3A_952 : i32 to index
          %parallel_loop3A_1035 = arith.constant 208 : index
          %parallel_loop3A_1036 = tpu.vector_load %arg7[%parallel_loop3A_1034, %parallel_loop3A_1035] {strides = array<i32>} : memref<48x1024xf32, #tpu.memory_space<vmem>>, vector<1x16xf32>,
          %parallel_loop3A_1037 = vector.shape_cast %parallel_loop3A_1036 : vector<1x16xf32> to vector<16xf32>
          %parallel_loop3A_1038 = arith.addf %parallel_loop3A_966, %parallel_loop3A_1037 : vector<16xf32>
          %parallel_loop3A_1039 = arith.index_cast %parallel_loop3A_952 : i32 to index
          %parallel_loop3A_1040 = arith.constant 224 : index
          %parallel_loop3A_1041 = tpu.vector_load %arg7[%parallel_loop3A_1039, %parallel_loop3A_1040] {strides = array<i32>} : memref<48x1024xf32, #tpu.memory_space<vmem>>, vector<1x16xf32>,
          %parallel_loop3A_1042 = vector.shape_cast %parallel_loop3A_1041 : vector<1x16xf32> to vector<16xf32>
          %parallel_loop3A_1043 = arith.addf %parallel_loop3A_967, %parallel_loop3A_1042 : vector<16xf32>
          %parallel_loop3A_1044 = arith.index_cast %parallel_loop3A_952 : i32 to index
          %parallel_loop3A_1045 = arith.constant 240 : index
          %parallel_loop3A_1046 = tpu.vector_load %arg7[%parallel_loop3A_1044, %parallel_loop3A_1045] {strides = array<i32>} : memref<48x1024xf32, #tpu.memory_space<vmem>>, vector<1x16xf32>,
          %parallel_loop3A_1047 = vector.shape_cast %parallel_loop3A_1046 : vector<1x16xf32> to vector<16xf32>
          %parallel_loop3A_1048 = arith.addf %parallel_loop3A_968, %parallel_loop3A_1047 : vector<16xf32>
          scf.yield %parallel_loop3A_973, %parallel_loop3A_978, %parallel_loop3A_983, %parallel_loop3A_988, %parallel_loop3A_993, %parallel_loop3A_998, %parallel_loop3A_1003, %parallel_loop3A_1008, %parallel_loop3A_1013, %parallel_loop3A_1018, %parallel_loop3A_1023, %parallel_loop3A_1028, %parallel_loop3A_1033, %parallel_loop3A_1038, %parallel_loop3A_1043, %parallel_loop3A_1048 : vector<16xf32>, vector<16xf32>, vector<16xf32>, vector<16xf32>, vector<16xf32>, vector<16xf32>, vector<16xf32>, vector<16xf32>, vector<16xf32>, vector<16xf32>, vector<16xf32>, vector<16xf32>, vector<16xf32>, vector<16xf32>, vector<16xf32>, vector<16xf32>
        } {sc.loop_unroll_factor = 1 : i64, sc.parallel_access}
        %swap3A_543 = arith.constant 0 : index
        %swap3A_544 = tpu.vector_load %arg9[%swap3A_543] {strides = array<i32>} : memref<1024xf32, #tpu.memory_space<vmem>>, vector<16xf32>,
        %swap3A_545 = vector.shape_cast %swap3A_544 : vector<16xf32> to vector<16xf32>
        %swap3A_546 = vector.shape_cast %parallel_loop3A_542#0 : vector<16xf32> to vector<16xf32>
        tpu.vector_store %arg9[%swap3A_543], %swap3A_546 {strides = array<i32>} : memref<1024xf32, #tpu.memory_space<vmem>>, vector<16xf32>,
        %swap3A_547 = arith.constant 16 : index
        %swap3A_548 = tpu.vector_load %arg9[%swap3A_547] {strides = array<i32>} : memref<1024xf32, #tpu.memory_space<vmem>>, vector<16xf32>,
        %swap3A_549 = vector.shape_cast %swap3A_548 : vector<16xf32> to vector<16xf32>
        %swap3A_550 = vector.shape_cast %parallel_loop3A_542#1 : vector<16xf32> to vector<16xf32>
        tpu.vector_store %arg9[%swap3A_547], %swap3A_550 {strides = array<i32>} : memref<1024xf32, #tpu.memory_space<vmem>>, vector<16xf32>,
        %swap3A_551 = arith.constant 32 : index
        %swap3A_552 = tpu.vector_load %arg9[%swap3A_551] {strides = array<i32>} : memref<1024xf32, #tpu.memory_space<vmem>>, vector<16xf32>,
        %swap3A_553 = vector.shape_cast %swap3A_552 : vector<16xf32> to vector<16xf32>
        %swap3A_554 = vector.shape_cast %parallel_loop3A_542#2 : vector<16xf32> to vector<16xf32>
        tpu.vector_store %arg9[%swap3A_551], %swap3A_554 {strides = array<i32>} : memref<1024xf32, #tpu.memory_space<vmem>>, vector<16xf32>,
        %swap3A_555 = arith.constant 48 : index
        %swap3A_556 = tpu.vector_load %arg9[%swap3A_555] {strides = array<i32>} : memref<1024xf32, #tpu.memory_space<vmem>>, vector<16xf32>,
        %swap3A_557 = vector.shape_cast %swap3A_556 : vector<16xf32> to vector<16xf32>
        %swap3A_558 = vector.shape_cast %parallel_loop3A_542#3 : vector<16xf32> to vector<16xf32>
        tpu.vector_store %arg9[%swap3A_555], %swap3A_558 {strides = array<i32>} : memref<1024xf32, #tpu.memory_space<vmem>>, vector<16xf32>,
        %swap3A_559 = arith.constant 64 : index
        %swap3A_560 = tpu.vector_load %arg9[%swap3A_559] {strides = array<i32>} : memref<1024xf32, #tpu.memory_space<vmem>>, vector<16xf32>,
        %swap3A_561 = vector.shape_cast %swap3A_560 : vector<16xf32> to vector<16xf32>
        %swap3A_562 = vector.shape_cast %parallel_loop3A_542#4 : vector<16xf32> to vector<16xf32>
        tpu.vector_store %arg9[%swap3A_559], %swap3A_562 {strides = array<i32>} : memref<1024xf32, #tpu.memory_space<vmem>>, vector<16xf32>,
        %swap3A_563 = arith.constant 80 : index
        %swap3A_564 = tpu.vector_load %arg9[%swap3A_563] {strides = array<i32>} : memref<1024xf32, #tpu.memory_space<vmem>>, vector<16xf32>,
        %swap3A_565 = vector.shape_cast %swap3A_564 : vector<16xf32> to vector<16xf32>
        %swap3A_566 = vector.shape_cast %parallel_loop3A_542#5 : vector<16xf32> to vector<16xf32>
        tpu.vector_store %arg9[%swap3A_563], %swap3A_566 {strides = array<i32>} : memref<1024xf32, #tpu.memory_space<vmem>>, vector<16xf32>,
        %swap3A_567 = arith.constant 96 : index
        %swap3A_568 = tpu.vector_load %arg9[%swap3A_567] {strides = array<i32>} : memref<1024xf32, #tpu.memory_space<vmem>>, vector<16xf32>,
        %swap3A_569 = vector.shape_cast %swap3A_568 : vector<16xf32> to vector<16xf32>
        %swap3A_570 = vector.shape_cast %parallel_loop3A_542#6 : vector<16xf32> to vector<16xf32>
        tpu.vector_store %arg9[%swap3A_567], %swap3A_570 {strides = array<i32>} : memref<1024xf32, #tpu.memory_space<vmem>>, vector<16xf32>,
        %swap3A_571 = arith.constant 112 : index
        %swap3A_572 = tpu.vector_load %arg9[%swap3A_571] {strides = array<i32>} : memref<1024xf32, #tpu.memory_space<vmem>>, vector<16xf32>,
        %swap3A_573 = vector.shape_cast %swap3A_572 : vector<16xf32> to vector<16xf32>
        %swap3A_574 = vector.shape_cast %parallel_loop3A_542#7 : vector<16xf32> to vector<16xf32>
        tpu.vector_store %arg9[%swap3A_571], %swap3A_574 {strides = array<i32>} : memref<1024xf32, #tpu.memory_space<vmem>>, vector<16xf32>,
        %swap3A_575 = arith.constant 128 : index
        %swap3A_576 = tpu.vector_load %arg9[%swap3A_575] {strides = array<i32>} : memref<1024xf32, #tpu.memory_space<vmem>>, vector<16xf32>,
        %swap3A_577 = vector.shape_cast %swap3A_576 : vector<16xf32> to vector<16xf32>
        %swap3A_578 = vector.shape_cast %parallel_loop3A_542#8 : vector<16xf32> to vector<16xf32>
        tpu.vector_store %arg9[%swap3A_575], %swap3A_578 {strides = array<i32>} : memref<1024xf32, #tpu.memory_space<vmem>>, vector<16xf32>,
        %swap3A_579 = arith.constant 144 : index
        %swap3A_580 = tpu.vector_load %arg9[%swap3A_579] {strides = array<i32>} : memref<1024xf32, #tpu.memory_space<vmem>>, vector<16xf32>,
        %swap3A_581 = vector.shape_cast %swap3A_580 : vector<16xf32> to vector<16xf32>
        %swap3A_582 = vector.shape_cast %parallel_loop3A_542#9 : vector<16xf32> to vector<16xf32>
        tpu.vector_store %arg9[%swap3A_579], %swap3A_582 {strides = array<i32>} : memref<1024xf32, #tpu.memory_space<vmem>>, vector<16xf32>,
        %swap3A_583 = arith.constant 160 : index
        %swap3A_584 = tpu.vector_load %arg9[%swap3A_583] {strides = array<i32>} : memref<1024xf32, #tpu.memory_space<vmem>>, vector<16xf32>,
        %swap3A_585 = vector.shape_cast %swap3A_584 : vector<16xf32> to vector<16xf32>
        %swap3A_586 = vector.shape_cast %parallel_loop3A_542#10 : vector<16xf32> to vector<16xf32>
        tpu.vector_store %arg9[%swap3A_583], %swap3A_586 {strides = array<i32>} : memref<1024xf32, #tpu.memory_space<vmem>>, vector<16xf32>,
        %swap3A_587 = arith.constant 176 : index
        %swap3A_588 = tpu.vector_load %arg9[%swap3A_587] {strides = array<i32>} : memref<1024xf32, #tpu.memory_space<vmem>>, vector<16xf32>,
        %swap3A_589 = vector.shape_cast %swap3A_588 : vector<16xf32> to vector<16xf32>
        %swap3A_590 = vector.shape_cast %parallel_loop3A_542#11 : vector<16xf32> to vector<16xf32>
        tpu.vector_store %arg9[%swap3A_587], %swap3A_590 {strides = array<i32>} : memref<1024xf32, #tpu.memory_space<vmem>>, vector<16xf32>,
        %swap3A_591 = arith.constant 192 : index
        %swap3A_592 = tpu.vector_load %arg9[%swap3A_591] {strides = array<i32>} : memref<1024xf32, #tpu.memory_space<vmem>>, vector<16xf32>,
        %swap3A_593 = vector.shape_cast %swap3A_592 : vector<16xf32> to vector<16xf32>
        %swap3A_594 = vector.shape_cast %parallel_loop3A_542#12 : vector<16xf32> to vector<16xf32>
        tpu.vector_store %arg9[%swap3A_591], %swap3A_594 {strides = array<i32>} : memref<1024xf32, #tpu.memory_space<vmem>>, vector<16xf32>,
        %swap3A_595 = arith.constant 208 : index
        %swap3A_596 = tpu.vector_load %arg9[%swap3A_595] {strides = array<i32>} : memref<1024xf32, #tpu.memory_space<vmem>>, vector<16xf32>,
        %swap3A_597 = vector.shape_cast %swap3A_596 : vector<16xf32> to vector<16xf32>
        %swap3A_598 = vector.shape_cast %parallel_loop3A_542#13 : vector<16xf32> to vector<16xf32>
        tpu.vector_store %arg9[%swap3A_595], %swap3A_598 {strides = array<i32>} : memref<1024xf32, #tpu.memory_space<vmem>>, vector<16xf32>,
        %swap3A_599 = arith.constant 224 : index
        %swap3A_600 = tpu.vector_load %arg9[%swap3A_599] {strides = array<i32>} : memref<1024xf32, #tpu.memory_space<vmem>>, vector<16xf32>,
        %swap3A_601 = vector.shape_cast %swap3A_600 : vector<16xf32> to vector<16xf32>
        %swap3A_602 = vector.shape_cast %parallel_loop3A_542#14 : vector<16xf32> to vector<16xf32>
        tpu.vector_store %arg9[%swap3A_599], %swap3A_602 {strides = array<i32>} : memref<1024xf32, #tpu.memory_space<vmem>>, vector<16xf32>,
        %swap3A_603 = arith.constant 240 : index
        %swap3A_604 = tpu.vector_load %arg9[%swap3A_603] {strides = array<i32>} : memref<1024xf32, #tpu.memory_space<vmem>>, vector<16xf32>,
        %swap3A_605 = vector.shape_cast %swap3A_604 : vector<16xf32> to vector<16xf32>
        %swap3A_606 = vector.shape_cast %parallel_loop3A_542#15 : vector<16xf32> to vector<16xf32>
        tpu.vector_store %arg9[%swap3A_603], %swap3A_606 {strides = array<i32>} : memref<1024xf32, #tpu.memory_space<vmem>>, vector<16xf32>,
        %get3A_607 = arith.constant 256 : index
        %get3A_608 = tpu.vector_load %arg9[%get3A_607] {strides = array<i32>} : memref<1024xf32, #tpu.memory_space<vmem>>, vector<16xf32>,
        %get3A_609 = vector.shape_cast %get3A_608 : vector<16xf32> to vector<16xf32>
        %get3A_610 = arith.constant 272 : index
        %get3A_611 = tpu.vector_load %arg9[%get3A_610] {strides = array<i32>} : memref<1024xf32, #tpu.memory_space<vmem>>, vector<16xf32>,
        %get3A_612 = vector.shape_cast %get3A_611 : vector<16xf32> to vector<16xf32>
        %get3A_613 = arith.constant 288 : index
        %get3A_614 = tpu.vector_load %arg9[%get3A_613] {strides = array<i32>} : memref<1024xf32, #tpu.memory_space<vmem>>, vector<16xf32>,
        %get3A_615 = vector.shape_cast %get3A_614 : vector<16xf32> to vector<16xf32>
        %get3A_616 = arith.constant 304 : index
        %get3A_617 = tpu.vector_load %arg9[%get3A_616] {strides = array<i32>} : memref<1024xf32, #tpu.memory_space<vmem>>, vector<16xf32>,
        %get3A_618 = vector.shape_cast %get3A_617 : vector<16xf32> to vector<16xf32>
        %get3A_619 = arith.constant 320 : index
        %get3A_620 = tpu.vector_load %arg9[%get3A_619] {strides = array<i32>} : memref<1024xf32, #tpu.memory_space<vmem>>, vector<16xf32>,
        %get3A_621 = vector.shape_cast %get3A_620 : vector<16xf32> to vector<16xf32>
        %get3A_622 = arith.constant 336 : index
        %get3A_623 = tpu.vector_load %arg9[%get3A_622] {strides = array<i32>} : memref<1024xf32, #tpu.memory_space<vmem>>, vector<16xf32>,
        %get3A_624 = vector.shape_cast %get3A_623 : vector<16xf32> to vector<16xf32>
        %get3A_625 = arith.constant 352 : index
        %get3A_626 = tpu.vector_load %arg9[%get3A_625] {strides = array<i32>} : memref<1024xf32, #tpu.memory_space<vmem>>, vector<16xf32>,
        %get3A_627 = vector.shape_cast %get3A_626 : vector<16xf32> to vector<16xf32>
        %get3A_628 = arith.constant 368 : index
        %get3A_629 = tpu.vector_load %arg9[%get3A_628] {strides = array<i32>} : memref<1024xf32, #tpu.memory_space<vmem>>, vector<16xf32>,
        %get3A_630 = vector.shape_cast %get3A_629 : vector<16xf32> to vector<16xf32>
        %get3A_631 = arith.constant 384 : index
        %get3A_632 = tpu.vector_load %arg9[%get3A_631] {strides = array<i32>} : memref<1024xf32, #tpu.memory_space<vmem>>, vector<16xf32>,
        %get3A_633 = vector.shape_cast %get3A_632 : vector<16xf32> to vector<16xf32>
        %get3A_634 = arith.constant 400 : index
        %get3A_635 = tpu.vector_load %arg9[%get3A_634] {strides = array<i32>} : memref<1024xf32, #tpu.memory_space<vmem>>, vector<16xf32>,
        %get3A_636 = vector.shape_cast %get3A_635 : vector<16xf32> to vector<16xf32>
        %get3A_637 = arith.constant 416 : index
        %get3A_638 = tpu.vector_load %arg9[%get3A_637] {strides = array<i32>} : memref<1024xf32, #tpu.memory_space<vmem>>, vector<16xf32>,
        %get3A_639 = vector.shape_cast %get3A_638 : vector<16xf32> to vector<16xf32>
        %get3A_640 = arith.constant 432 : index
        %get3A_641 = tpu.vector_load %arg9[%get3A_640] {strides = array<i32>} : memref<1024xf32, #tpu.memory_space<vmem>>, vector<16xf32>,
        %get3A_642 = vector.shape_cast %get3A_641 : vector<16xf32> to vector<16xf32>
        %get3A_643 = arith.constant 448 : index
        %get3A_644 = tpu.vector_load %arg9[%get3A_643] {strides = array<i32>} : memref<1024xf32, #tpu.memory_space<vmem>>, vector<16xf32>,
        %get3A_645 = vector.shape_cast %get3A_644 : vector<16xf32> to vector<16xf32>
        %get3A_646 = arith.constant 464 : index
        %get3A_647 = tpu.vector_load %arg9[%get3A_646] {strides = array<i32>} : memref<1024xf32, #tpu.memory_space<vmem>>, vector<16xf32>,
        %get3A_648 = vector.shape_cast %get3A_647 : vector<16xf32> to vector<16xf32>
        %get3A_649 = arith.constant 480 : index
        %get3A_650 = tpu.vector_load %arg9[%get3A_649] {strides = array<i32>} : memref<1024xf32, #tpu.memory_space<vmem>>, vector<16xf32>,
        %get3A_651 = vector.shape_cast %get3A_650 : vector<16xf32> to vector<16xf32>
        %get3A_652 = arith.constant 496 : index
        %get3A_653 = tpu.vector_load %arg9[%get3A_652] {strides = array<i32>} : memref<1024xf32, #tpu.memory_space<vmem>>, vector<16xf32>,
        %get3A_654 = vector.shape_cast %get3A_653 : vector<16xf32> to vector<16xf32>
        %parallel_loop3A_655 = arith.constant 0 : i32
        %parallel_loop3A_656 = arith.constant 1 : i32
        %parallel_loop3A_657:16 = scf.for %parallel_loop3A_952 = %parallel_loop3A_655 to %min3A_492 step %parallel_loop3A_656 iter_args(%parallel_loop3A_953 = %get3A_609, %parallel_loop3A_954 = %get3A_612, %parallel_loop3A_955 = %get3A_615, %parallel_loop3A_956 = %get3A_618, %parallel_loop3A_957 = %get3A_621, %parallel_loop3A_958 = %get3A_624, %parallel_loop3A_959 = %get3A_627, %parallel_loop3A_960 = %get3A_630, %parallel_loop3A_961 = %get3A_633, %parallel_loop3A_962 = %get3A_636, %parallel_loop3A_963 = %get3A_639, %parallel_loop3A_964 = %get3A_642, %parallel_loop3A_965 = %get3A_645, %parallel_loop3A_966 = %get3A_648, %parallel_loop3A_967 = %get3A_651, %parallel_loop3A_968 = %get3A_654) -> (vector<16xf32>, vector<16xf32>, vector<16xf32>, vector<16xf32>, vector<16xf32>, vector<16xf32>, vector<16xf32>, vector<16xf32>, vector<16xf32>, vector<16xf32>, vector<16xf32>, vector<16xf32>, vector<16xf32>, vector<16xf32>, vector<16xf32>, vector<16xf32>)  : i32 {
          %parallel_loop3A_969 = arith.index_cast %parallel_loop3A_952 : i32 to index
          %parallel_loop3A_970 = arith.constant 256 : index
          %parallel_loop3A_971 = tpu.vector_load %arg7[%parallel_loop3A_969, %parallel_loop3A_970] {strides = array<i32>} : memref<48x1024xf32, #tpu.memory_space<vmem>>, vector<1x16xf32>,
          %parallel_loop3A_972 = vector.shape_cast %parallel_loop3A_971 : vector<1x16xf32> to vector<16xf32>
          %parallel_loop3A_973 = arith.addf %parallel_loop3A_953, %parallel_loop3A_972 : vector<16xf32>
          %parallel_loop3A_974 = arith.index_cast %parallel_loop3A_952 : i32 to index
          %parallel_loop3A_975 = arith.constant 272 : index
          %parallel_loop3A_976 = tpu.vector_load %arg7[%parallel_loop3A_974, %parallel_loop3A_975] {strides = array<i32>} : memref<48x1024xf32, #tpu.memory_space<vmem>>, vector<1x16xf32>,
          %parallel_loop3A_977 = vector.shape_cast %parallel_loop3A_976 : vector<1x16xf32> to vector<16xf32>
          %parallel_loop3A_978 = arith.addf %parallel_loop3A_954, %parallel_loop3A_977 : vector<16xf32>
          %parallel_loop3A_979 = arith.index_cast %parallel_loop3A_952 : i32 to index
          %parallel_loop3A_980 = arith.constant 288 : index
          %parallel_loop3A_981 = tpu.vector_load %arg7[%parallel_loop3A_979, %parallel_loop3A_980] {strides = array<i32>} : memref<48x1024xf32, #tpu.memory_space<vmem>>, vector<1x16xf32>,
          %parallel_loop3A_982 = vector.shape_cast %parallel_loop3A_981 : vector<1x16xf32> to vector<16xf32>
          %parallel_loop3A_983 = arith.addf %parallel_loop3A_955, %parallel_loop3A_982 : vector<16xf32>
          %parallel_loop3A_984 = arith.index_cast %parallel_loop3A_952 : i32 to index
          %parallel_loop3A_985 = arith.constant 304 : index
          %parallel_loop3A_986 = tpu.vector_load %arg7[%parallel_loop3A_984, %parallel_loop3A_985] {strides = array<i32>} : memref<48x1024xf32, #tpu.memory_space<vmem>>, vector<1x16xf32>,
          %parallel_loop3A_987 = vector.shape_cast %parallel_loop3A_986 : vector<1x16xf32> to vector<16xf32>
          %parallel_loop3A_988 = arith.addf %parallel_loop3A_956, %parallel_loop3A_987 : vector<16xf32>
          %parallel_loop3A_989 = arith.index_cast %parallel_loop3A_952 : i32 to index
          %parallel_loop3A_990 = arith.constant 320 : index
          %parallel_loop3A_991 = tpu.vector_load %arg7[%parallel_loop3A_989, %parallel_loop3A_990] {strides = array<i32>} : memref<48x1024xf32, #tpu.memory_space<vmem>>, vector<1x16xf32>,
          %parallel_loop3A_992 = vector.shape_cast %parallel_loop3A_991 : vector<1x16xf32> to vector<16xf32>
          %parallel_loop3A_993 = arith.addf %parallel_loop3A_957, %parallel_loop3A_992 : vector<16xf32>
          %parallel_loop3A_994 = arith.index_cast %parallel_loop3A_952 : i32 to index
          %parallel_loop3A_995 = arith.constant 336 : index
          %parallel_loop3A_996 = tpu.vector_load %arg7[%parallel_loop3A_994, %parallel_loop3A_995] {strides = array<i32>} : memref<48x1024xf32, #tpu.memory_space<vmem>>, vector<1x16xf32>,
          %parallel_loop3A_997 = vector.shape_cast %parallel_loop3A_996 : vector<1x16xf32> to vector<16xf32>
          %parallel_loop3A_998 = arith.addf %parallel_loop3A_958, %parallel_loop3A_997 : vector<16xf32>
          %parallel_loop3A_999 = arith.index_cast %parallel_loop3A_952 : i32 to index
          %parallel_loop3A_1000 = arith.constant 352 : index
          %parallel_loop3A_1001 = tpu.vector_load %arg7[%parallel_loop3A_999, %parallel_loop3A_1000] {strides = array<i32>} : memref<48x1024xf32, #tpu.memory_space<vmem>>, vector<1x16xf32>,
          %parallel_loop3A_1002 = vector.shape_cast %parallel_loop3A_1001 : vector<1x16xf32> to vector<16xf32>
          %parallel_loop3A_1003 = arith.addf %parallel_loop3A_959, %parallel_loop3A_1002 : vector<16xf32>
          %parallel_loop3A_1004 = arith.index_cast %parallel_loop3A_952 : i32 to index
          %parallel_loop3A_1005 = arith.constant 368 : index
          %parallel_loop3A_1006 = tpu.vector_load %arg7[%parallel_loop3A_1004, %parallel_loop3A_1005] {strides = array<i32>} : memref<48x1024xf32, #tpu.memory_space<vmem>>, vector<1x16xf32>,
          %parallel_loop3A_1007 = vector.shape_cast %parallel_loop3A_1006 : vector<1x16xf32> to vector<16xf32>
          %parallel_loop3A_1008 = arith.addf %parallel_loop3A_960, %parallel_loop3A_1007 : vector<16xf32>
          %parallel_loop3A_1009 = arith.index_cast %parallel_loop3A_952 : i32 to index
          %parallel_loop3A_1010 = arith.constant 384 : index
          %parallel_loop3A_1011 = tpu.vector_load %arg7[%parallel_loop3A_1009, %parallel_loop3A_1010] {strides = array<i32>} : memref<48x1024xf32, #tpu.memory_space<vmem>>, vector<1x16xf32>,
          %parallel_loop3A_1012 = vector.shape_cast %parallel_loop3A_1011 : vector<1x16xf32> to vector<16xf32>
          %parallel_loop3A_1013 = arith.addf %parallel_loop3A_961, %parallel_loop3A_1012 : vector<16xf32>
          %parallel_loop3A_1014 = arith.index_cast %parallel_loop3A_952 : i32 to index
          %parallel_loop3A_1015 = arith.constant 400 : index
          %parallel_loop3A_1016 = tpu.vector_load %arg7[%parallel_loop3A_1014, %parallel_loop3A_1015] {strides = array<i32>} : memref<48x1024xf32, #tpu.memory_space<vmem>>, vector<1x16xf32>,
          %parallel_loop3A_1017 = vector.shape_cast %parallel_loop3A_1016 : vector<1x16xf32> to vector<16xf32>
          %parallel_loop3A_1018 = arith.addf %parallel_loop3A_962, %parallel_loop3A_1017 : vector<16xf32>
          %parallel_loop3A_1019 = arith.index_cast %parallel_loop3A_952 : i32 to index
          %parallel_loop3A_1020 = arith.constant 416 : index
          %parallel_loop3A_1021 = tpu.vector_load %arg7[%parallel_loop3A_1019, %parallel_loop3A_1020] {strides = array<i32>} : memref<48x1024xf32, #tpu.memory_space<vmem>>, vector<1x16xf32>,
          %parallel_loop3A_1022 = vector.shape_cast %parallel_loop3A_1021 : vector<1x16xf32> to vector<16xf32>
          %parallel_loop3A_1023 = arith.addf %parallel_loop3A_963, %parallel_loop3A_1022 : vector<16xf32>
          %parallel_loop3A_1024 = arith.index_cast %parallel_loop3A_952 : i32 to index
          %parallel_loop3A_1025 = arith.constant 432 : index
          %parallel_loop3A_1026 = tpu.vector_load %arg7[%parallel_loop3A_1024, %parallel_loop3A_1025] {strides = array<i32>} : memref<48x1024xf32, #tpu.memory_space<vmem>>, vector<1x16xf32>,
          %parallel_loop3A_1027 = vector.shape_cast %parallel_loop3A_1026 : vector<1x16xf32> to vector<16xf32>
          %parallel_loop3A_1028 = arith.addf %parallel_loop3A_964, %parallel_loop3A_1027 : vector<16xf32>
          %parallel_loop3A_1029 = arith.index_cast %parallel_loop3A_952 : i32 to index
          %parallel_loop3A_1030 = arith.constant 448 : index
          %parallel_loop3A_1031 = tpu.vector_load %arg7[%parallel_loop3A_1029, %parallel_loop3A_1030] {strides = array<i32>} : memref<48x1024xf32, #tpu.memory_space<vmem>>, vector<1x16xf32>,
          %parallel_loop3A_1032 = vector.shape_cast %parallel_loop3A_1031 : vector<1x16xf32> to vector<16xf32>
          %parallel_loop3A_1033 = arith.addf %parallel_loop3A_965, %parallel_loop3A_1032 : vector<16xf32>
          %parallel_loop3A_1034 = arith.index_cast %parallel_loop3A_952 : i32 to index
          %parallel_loop3A_1035 = arith.constant 464 : index
          %parallel_loop3A_1036 = tpu.vector_load %arg7[%parallel_loop3A_1034, %parallel_loop3A_1035] {strides = array<i32>} : memref<48x1024xf32, #tpu.memory_space<vmem>>, vector<1x16xf32>,
          %parallel_loop3A_1037 = vector.shape_cast %parallel_loop3A_1036 : vector<1x16xf32> to vector<16xf32>
          %parallel_loop3A_1038 = arith.addf %parallel_loop3A_966, %parallel_loop3A_1037 : vector<16xf32>
          %parallel_loop3A_1039 = arith.index_cast %parallel_loop3A_952 : i32 to index
          %parallel_loop3A_1040 = arith.constant 480 : index
          %parallel_loop3A_1041 = tpu.vector_load %arg7[%parallel_loop3A_1039, %parallel_loop3A_1040] {strides = array<i32>} : memref<48x1024xf32, #tpu.memory_space<vmem>>, vector<1x16xf32>,
          %parallel_loop3A_1042 = vector.shape_cast %parallel_loop3A_1041 : vector<1x16xf32> to vector<16xf32>
          %parallel_loop3A_1043 = arith.addf %parallel_loop3A_967, %parallel_loop3A_1042 : vector<16xf32>
          %parallel_loop3A_1044 = arith.index_cast %parallel_loop3A_952 : i32 to index
          %parallel_loop3A_1045 = arith.constant 496 : index
          %parallel_loop3A_1046 = tpu.vector_load %arg7[%parallel_loop3A_1044, %parallel_loop3A_1045] {strides = array<i32>} : memref<48x1024xf32, #tpu.memory_space<vmem>>, vector<1x16xf32>,
          %parallel_loop3A_1047 = vector.shape_cast %parallel_loop3A_1046 : vector<1x16xf32> to vector<16xf32>
          %parallel_loop3A_1048 = arith.addf %parallel_loop3A_968, %parallel_loop3A_1047 : vector<16xf32>
          scf.yield %parallel_loop3A_973, %parallel_loop3A_978, %parallel_loop3A_983, %parallel_loop3A_988, %parallel_loop3A_993, %parallel_loop3A_998, %parallel_loop3A_1003, %parallel_loop3A_1008, %parallel_loop3A_1013, %parallel_loop3A_1018, %parallel_loop3A_1023, %parallel_loop3A_1028, %parallel_loop3A_1033, %parallel_loop3A_1038, %parallel_loop3A_1043, %parallel_loop3A_1048 : vector<16xf32>, vector<16xf32>, vector<16xf32>, vector<16xf32>, vector<16xf32>, vector<16xf32>, vector<16xf32>, vector<16xf32>, vector<16xf32>, vector<16xf32>, vector<16xf32>, vector<16xf32>, vector<16xf32>, vector<16xf32>, vector<16xf32>, vector<16xf32>
        } {sc.loop_unroll_factor = 1 : i64, sc.parallel_access}
        %swap3A_658 = arith.constant 256 : index
        %swap3A_659 = tpu.vector_load %arg9[%swap3A_658] {strides = array<i32>} : memref<1024xf32, #tpu.memory_space<vmem>>, vector<16xf32>,
        %swap3A_660 = vector.shape_cast %swap3A_659 : vector<16xf32> to vector<16xf32>
        %swap3A_661 = vector.shape_cast %parallel_loop3A_657#0 : vector<16xf32> to vector<16xf32>
        tpu.vector_store %arg9[%swap3A_658], %swap3A_661 {strides = array<i32>} : memref<1024xf32, #tpu.memory_space<vmem>>, vector<16xf32>,
        %swap3A_662 = arith.constant 272 : index
        %swap3A_663 = tpu.vector_load %arg9[%swap3A_662] {strides = array<i32>} : memref<1024xf32, #tpu.memory_space<vmem>>, vector<16xf32>,
        %swap3A_664 = vector.shape_cast %swap3A_663 : vector<16xf32> to vector<16xf32>
        %swap3A_665 = vector.shape_cast %parallel_loop3A_657#1 : vector<16xf32> to vector<16xf32>
        tpu.vector_store %arg9[%swap3A_662], %swap3A_665 {strides = array<i32>} : memref<1024xf32, #tpu.memory_space<vmem>>, vector<16xf32>,
        %swap3A_666 = arith.constant 288 : index
        %swap3A_667 = tpu.vector_load %arg9[%swap3A_666] {strides = array<i32>} : memref<1024xf32, #tpu.memory_space<vmem>>, vector<16xf32>,
        %swap3A_668 = vector.shape_cast %swap3A_667 : vector<16xf32> to vector<16xf32>
        %swap3A_669 = vector.shape_cast %parallel_loop3A_657#2 : vector<16xf32> to vector<16xf32>
        tpu.vector_store %arg9[%swap3A_666], %swap3A_669 {strides = array<i32>} : memref<1024xf32, #tpu.memory_space<vmem>>, vector<16xf32>,
        %swap3A_670 = arith.constant 304 : index
        %swap3A_671 = tpu.vector_load %arg9[%swap3A_670] {strides = array<i32>} : memref<1024xf32, #tpu.memory_space<vmem>>, vector<16xf32>,
        %swap3A_672 = vector.shape_cast %swap3A_671 : vector<16xf32> to vector<16xf32>
        %swap3A_673 = vector.shape_cast %parallel_loop3A_657#3 : vector<16xf32> to vector<16xf32>
        tpu.vector_store %arg9[%swap3A_670], %swap3A_673 {strides = array<i32>} : memref<1024xf32, #tpu.memory_space<vmem>>, vector<16xf32>,
        %swap3A_674 = arith.constant 320 : index
        %swap3A_675 = tpu.vector_load %arg9[%swap3A_674] {strides = array<i32>} : memref<1024xf32, #tpu.memory_space<vmem>>, vector<16xf32>,
        %swap3A_676 = vector.shape_cast %swap3A_675 : vector<16xf32> to vector<16xf32>
        %swap3A_677 = vector.shape_cast %parallel_loop3A_657#4 : vector<16xf32> to vector<16xf32>
        tpu.vector_store %arg9[%swap3A_674], %swap3A_677 {strides = array<i32>} : memref<1024xf32, #tpu.memory_space<vmem>>, vector<16xf32>,
        %swap3A_678 = arith.constant 336 : index
        %swap3A_679 = tpu.vector_load %arg9[%swap3A_678] {strides = array<i32>} : memref<1024xf32, #tpu.memory_space<vmem>>, vector<16xf32>,
        %swap3A_680 = vector.shape_cast %swap3A_679 : vector<16xf32> to vector<16xf32>
        %swap3A_681 = vector.shape_cast %parallel_loop3A_657#5 : vector<16xf32> to vector<16xf32>
        tpu.vector_store %arg9[%swap3A_678], %swap3A_681 {strides = array<i32>} : memref<1024xf32, #tpu.memory_space<vmem>>, vector<16xf32>,
        %swap3A_682 = arith.constant 352 : index
        %swap3A_683 = tpu.vector_load %arg9[%swap3A_682] {strides = array<i32>} : memref<1024xf32, #tpu.memory_space<vmem>>, vector<16xf32>,
        %swap3A_684 = vector.shape_cast %swap3A_683 : vector<16xf32> to vector<16xf32>
        %swap3A_685 = vector.shape_cast %parallel_loop3A_657#6 : vector<16xf32> to vector<16xf32>
        tpu.vector_store %arg9[%swap3A_682], %swap3A_685 {strides = array<i32>} : memref<1024xf32, #tpu.memory_space<vmem>>, vector<16xf32>,
        %swap3A_686 = arith.constant 368 : index
        %swap3A_687 = tpu.vector_load %arg9[%swap3A_686] {strides = array<i32>} : memref<1024xf32, #tpu.memory_space<vmem>>, vector<16xf32>,
        %swap3A_688 = vector.shape_cast %swap3A_687 : vector<16xf32> to vector<16xf32>
        %swap3A_689 = vector.shape_cast %parallel_loop3A_657#7 : vector<16xf32> to vector<16xf32>
        tpu.vector_store %arg9[%swap3A_686], %swap3A_689 {strides = array<i32>} : memref<1024xf32, #tpu.memory_space<vmem>>, vector<16xf32>,
        %swap3A_690 = arith.constant 384 : index
        %swap3A_691 = tpu.vector_load %arg9[%swap3A_690] {strides = array<i32>} : memref<1024xf32, #tpu.memory_space<vmem>>, vector<16xf32>,
        %swap3A_692 = vector.shape_cast %swap3A_691 : vector<16xf32> to vector<16xf32>
        %swap3A_693 = vector.shape_cast %parallel_loop3A_657#8 : vector<16xf32> to vector<16xf32>
        tpu.vector_store %arg9[%swap3A_690], %swap3A_693 {strides = array<i32>} : memref<1024xf32, #tpu.memory_space<vmem>>, vector<16xf32>,
        %swap3A_694 = arith.constant 400 : index
        %swap3A_695 = tpu.vector_load %arg9[%swap3A_694] {strides = array<i32>} : memref<1024xf32, #tpu.memory_space<vmem>>, vector<16xf32>,
        %swap3A_696 = vector.shape_cast %swap3A_695 : vector<16xf32> to vector<16xf32>
        %swap3A_697 = vector.shape_cast %parallel_loop3A_657#9 : vector<16xf32> to vector<16xf32>
        tpu.vector_store %arg9[%swap3A_694], %swap3A_697 {strides = array<i32>} : memref<1024xf32, #tpu.memory_space<vmem>>, vector<16xf32>,
        %swap3A_698 = arith.constant 416 : index
        %swap3A_699 = tpu.vector_load %arg9[%swap3A_698] {strides = array<i32>} : memref<1024xf32, #tpu.memory_space<vmem>>, vector<16xf32>,
        %swap3A_700 = vector.shape_cast %swap3A_699 : vector<16xf32> to vector<16xf32>
        %swap3A_701 = vector.shape_cast %parallel_loop3A_657#10 : vector<16xf32> to vector<16xf32>
        tpu.vector_store %arg9[%swap3A_698], %swap3A_701 {strides = array<i32>} : memref<1024xf32, #tpu.memory_space<vmem>>, vector<16xf32>,
        %swap3A_702 = arith.constant 432 : index
        %swap3A_703 = tpu.vector_load %arg9[%swap3A_702] {strides = array<i32>} : memref<1024xf32, #tpu.memory_space<vmem>>, vector<16xf32>,
        %swap3A_704 = vector.shape_cast %swap3A_703 : vector<16xf32> to vector<16xf32>
        %swap3A_705 = vector.shape_cast %parallel_loop3A_657#11 : vector<16xf32> to vector<16xf32>
        tpu.vector_store %arg9[%swap3A_702], %swap3A_705 {strides = array<i32>} : memref<1024xf32, #tpu.memory_space<vmem>>, vector<16xf32>,
        %swap3A_706 = arith.constant 448 : index
        %swap3A_707 = tpu.vector_load %arg9[%swap3A_706] {strides = array<i32>} : memref<1024xf32, #tpu.memory_space<vmem>>, vector<16xf32>,
        %swap3A_708 = vector.shape_cast %swap3A_707 : vector<16xf32> to vector<16xf32>
        %swap3A_709 = vector.shape_cast %parallel_loop3A_657#12 : vector<16xf32> to vector<16xf32>
        tpu.vector_store %arg9[%swap3A_706], %swap3A_709 {strides = array<i32>} : memref<1024xf32, #tpu.memory_space<vmem>>, vector<16xf32>,
        %swap3A_710 = arith.constant 464 : index
        %swap3A_711 = tpu.vector_load %arg9[%swap3A_710] {strides = array<i32>} : memref<1024xf32, #tpu.memory_space<vmem>>, vector<16xf32>,
        %swap3A_712 = vector.shape_cast %swap3A_711 : vector<16xf32> to vector<16xf32>
        %swap3A_713 = vector.shape_cast %parallel_loop3A_657#13 : vector<16xf32> to vector<16xf32>
        tpu.vector_store %arg9[%swap3A_710], %swap3A_713 {strides = array<i32>} : memref<1024xf32, #tpu.memory_space<vmem>>, vector<16xf32>,
        %swap3A_714 = arith.constant 480 : index
        %swap3A_715 = tpu.vector_load %arg9[%swap3A_714] {strides = array<i32>} : memref<1024xf32, #tpu.memory_space<vmem>>, vector<16xf32>,
        %swap3A_716 = vector.shape_cast %swap3A_715 : vector<16xf32> to vector<16xf32>
        %swap3A_717 = vector.shape_cast %parallel_loop3A_657#14 : vector<16xf32> to vector<16xf32>
        tpu.vector_store %arg9[%swap3A_714], %swap3A_717 {strides = array<i32>} : memref<1024xf32, #tpu.memory_space<vmem>>, vector<16xf32>,
        %swap3A_718 = arith.constant 496 : index
        %swap3A_719 = tpu.vector_load %arg9[%swap3A_718] {strides = array<i32>} : memref<1024xf32, #tpu.memory_space<vmem>>, vector<16xf32>,
        %swap3A_720 = vector.shape_cast %swap3A_719 : vector<16xf32> to vector<16xf32>
        %swap3A_721 = vector.shape_cast %parallel_loop3A_657#15 : vector<16xf32> to vector<16xf32>
        tpu.vector_store %arg9[%swap3A_718], %swap3A_721 {strides = array<i32>} : memref<1024xf32, #tpu.memory_space<vmem>>, vector<16xf32>,
        %get3A_722 = arith.constant 512 : index
        %get3A_723 = tpu.vector_load %arg9[%get3A_722] {strides = array<i32>} : memref<1024xf32, #tpu.memory_space<vmem>>, vector<16xf32>,
        %get3A_724 = vector.shape_cast %get3A_723 : vector<16xf32> to vector<16xf32>
        %get3A_725 = arith.constant 528 : index
        %get3A_726 = tpu.vector_load %arg9[%get3A_725] {strides = array<i32>} : memref<1024xf32, #tpu.memory_space<vmem>>, vector<16xf32>,
        %get3A_727 = vector.shape_cast %get3A_726 : vector<16xf32> to vector<16xf32>
        %get3A_728 = arith.constant 544 : index
        %get3A_729 = tpu.vector_load %arg9[%get3A_728] {strides = array<i32>} : memref<1024xf32, #tpu.memory_space<vmem>>, vector<16xf32>,
        %get3A_730 = vector.shape_cast %get3A_729 : vector<16xf32> to vector<16xf32>
        %get3A_731 = arith.constant 560 : index
        %get3A_732 = tpu.vector_load %arg9[%get3A_731] {strides = array<i32>} : memref<1024xf32, #tpu.memory_space<vmem>>, vector<16xf32>,
        %get3A_733 = vector.shape_cast %get3A_732 : vector<16xf32> to vector<16xf32>
        %get3A_734 = arith.constant 576 : index
        %get3A_735 = tpu.vector_load %arg9[%get3A_734] {strides = array<i32>} : memref<1024xf32, #tpu.memory_space<vmem>>, vector<16xf32>,
        %get3A_736 = vector.shape_cast %get3A_735 : vector<16xf32> to vector<16xf32>
        %get3A_737 = arith.constant 592 : index
        %get3A_738 = tpu.vector_load %arg9[%get3A_737] {strides = array<i32>} : memref<1024xf32, #tpu.memory_space<vmem>>, vector<16xf32>,
        %get3A_739 = vector.shape_cast %get3A_738 : vector<16xf32> to vector<16xf32>
        %get3A_740 = arith.constant 608 : index
        %get3A_741 = tpu.vector_load %arg9[%get3A_740] {strides = array<i32>} : memref<1024xf32, #tpu.memory_space<vmem>>, vector<16xf32>,
        %get3A_742 = vector.shape_cast %get3A_741 : vector<16xf32> to vector<16xf32>
        %get3A_743 = arith.constant 624 : index
        %get3A_744 = tpu.vector_load %arg9[%get3A_743] {strides = array<i32>} : memref<1024xf32, #tpu.memory_space<vmem>>, vector<16xf32>,
        %get3A_745 = vector.shape_cast %get3A_744 : vector<16xf32> to vector<16xf32>
        %get3A_746 = arith.constant 640 : index
        %get3A_747 = tpu.vector_load %arg9[%get3A_746] {strides = array<i32>} : memref<1024xf32, #tpu.memory_space<vmem>>, vector<16xf32>,
        %get3A_748 = vector.shape_cast %get3A_747 : vector<16xf32> to vector<16xf32>
        %get3A_749 = arith.constant 656 : index
        %get3A_750 = tpu.vector_load %arg9[%get3A_749] {strides = array<i32>} : memref<1024xf32, #tpu.memory_space<vmem>>, vector<16xf32>,
        %get3A_751 = vector.shape_cast %get3A_750 : vector<16xf32> to vector<16xf32>
        %get3A_752 = arith.constant 672 : index
        %get3A_753 = tpu.vector_load %arg9[%get3A_752] {strides = array<i32>} : memref<1024xf32, #tpu.memory_space<vmem>>, vector<16xf32>,
        %get3A_754 = vector.shape_cast %get3A_753 : vector<16xf32> to vector<16xf32>
        %get3A_755 = arith.constant 688 : index
        %get3A_756 = tpu.vector_load %arg9[%get3A_755] {strides = array<i32>} : memref<1024xf32, #tpu.memory_space<vmem>>, vector<16xf32>,
        %get3A_757 = vector.shape_cast %get3A_756 : vector<16xf32> to vector<16xf32>
        %get3A_758 = arith.constant 704 : index
        %get3A_759 = tpu.vector_load %arg9[%get3A_758] {strides = array<i32>} : memref<1024xf32, #tpu.memory_space<vmem>>, vector<16xf32>,
        %get3A_760 = vector.shape_cast %get3A_759 : vector<16xf32> to vector<16xf32>
        %get3A_761 = arith.constant 720 : index
        %get3A_762 = tpu.vector_load %arg9[%get3A_761] {strides = array<i32>} : memref<1024xf32, #tpu.memory_space<vmem>>, vector<16xf32>,
        %get3A_763 = vector.shape_cast %get3A_762 : vector<16xf32> to vector<16xf32>
        %get3A_764 = arith.constant 736 : index
        %get3A_765 = tpu.vector_load %arg9[%get3A_764] {strides = array<i32>} : memref<1024xf32, #tpu.memory_space<vmem>>, vector<16xf32>,
        %get3A_766 = vector.shape_cast %get3A_765 : vector<16xf32> to vector<16xf32>
        %get3A_767 = arith.constant 752 : index
        %get3A_768 = tpu.vector_load %arg9[%get3A_767] {strides = array<i32>} : memref<1024xf32, #tpu.memory_space<vmem>>, vector<16xf32>,
        %get3A_769 = vector.shape_cast %get3A_768 : vector<16xf32> to vector<16xf32>
        %parallel_loop3A_770 = arith.constant 0 : i32
        %parallel_loop3A_771 = arith.constant 1 : i32
        %parallel_loop3A_772:16 = scf.for %parallel_loop3A_952 = %parallel_loop3A_770 to %min3A_492 step %parallel_loop3A_771 iter_args(%parallel_loop3A_953 = %get3A_724, %parallel_loop3A_954 = %get3A_727, %parallel_loop3A_955 = %get3A_730, %parallel_loop3A_956 = %get3A_733, %parallel_loop3A_957 = %get3A_736, %parallel_loop3A_958 = %get3A_739, %parallel_loop3A_959 = %get3A_742, %parallel_loop3A_960 = %get3A_745, %parallel_loop3A_961 = %get3A_748, %parallel_loop3A_962 = %get3A_751, %parallel_loop3A_963 = %get3A_754, %parallel_loop3A_964 = %get3A_757, %parallel_loop3A_965 = %get3A_760, %parallel_loop3A_966 = %get3A_763, %parallel_loop3A_967 = %get3A_766, %parallel_loop3A_968 = %get3A_769) -> (vector<16xf32>, vector<16xf32>, vector<16xf32>, vector<16xf32>, vector<16xf32>, vector<16xf32>, vector<16xf32>, vector<16xf32>, vector<16xf32>, vector<16xf32>, vector<16xf32>, vector<16xf32>, vector<16xf32>, vector<16xf32>, vector<16xf32>, vector<16xf32>)  : i32 {
          %parallel_loop3A_969 = arith.index_cast %parallel_loop3A_952 : i32 to index
          %parallel_loop3A_970 = arith.constant 512 : index
          %parallel_loop3A_971 = tpu.vector_load %arg7[%parallel_loop3A_969, %parallel_loop3A_970] {strides = array<i32>} : memref<48x1024xf32, #tpu.memory_space<vmem>>, vector<1x16xf32>,
          %parallel_loop3A_972 = vector.shape_cast %parallel_loop3A_971 : vector<1x16xf32> to vector<16xf32>
          %parallel_loop3A_973 = arith.addf %parallel_loop3A_953, %parallel_loop3A_972 : vector<16xf32>
          %parallel_loop3A_974 = arith.index_cast %parallel_loop3A_952 : i32 to index
          %parallel_loop3A_975 = arith.constant 528 : index
          %parallel_loop3A_976 = tpu.vector_load %arg7[%parallel_loop3A_974, %parallel_loop3A_975] {strides = array<i32>} : memref<48x1024xf32, #tpu.memory_space<vmem>>, vector<1x16xf32>,
          %parallel_loop3A_977 = vector.shape_cast %parallel_loop3A_976 : vector<1x16xf32> to vector<16xf32>
          %parallel_loop3A_978 = arith.addf %parallel_loop3A_954, %parallel_loop3A_977 : vector<16xf32>
          %parallel_loop3A_979 = arith.index_cast %parallel_loop3A_952 : i32 to index
          %parallel_loop3A_980 = arith.constant 544 : index
          %parallel_loop3A_981 = tpu.vector_load %arg7[%parallel_loop3A_979, %parallel_loop3A_980] {strides = array<i32>} : memref<48x1024xf32, #tpu.memory_space<vmem>>, vector<1x16xf32>,
          %parallel_loop3A_982 = vector.shape_cast %parallel_loop3A_981 : vector<1x16xf32> to vector<16xf32>
          %parallel_loop3A_983 = arith.addf %parallel_loop3A_955, %parallel_loop3A_982 : vector<16xf32>
          %parallel_loop3A_984 = arith.index_cast %parallel_loop3A_952 : i32 to index
          %parallel_loop3A_985 = arith.constant 560 : index
          %parallel_loop3A_986 = tpu.vector_load %arg7[%parallel_loop3A_984, %parallel_loop3A_985] {strides = array<i32>} : memref<48x1024xf32, #tpu.memory_space<vmem>>, vector<1x16xf32>,
          %parallel_loop3A_987 = vector.shape_cast %parallel_loop3A_986 : vector<1x16xf32> to vector<16xf32>
          %parallel_loop3A_988 = arith.addf %parallel_loop3A_956, %parallel_loop3A_987 : vector<16xf32>
          %parallel_loop3A_989 = arith.index_cast %parallel_loop3A_952 : i32 to index
          %parallel_loop3A_990 = arith.constant 576 : index
          %parallel_loop3A_991 = tpu.vector_load %arg7[%parallel_loop3A_989, %parallel_loop3A_990] {strides = array<i32>} : memref<48x1024xf32, #tpu.memory_space<vmem>>, vector<1x16xf32>,
          %parallel_loop3A_992 = vector.shape_cast %parallel_loop3A_991 : vector<1x16xf32> to vector<16xf32>
          %parallel_loop3A_993 = arith.addf %parallel_loop3A_957, %parallel_loop3A_992 : vector<16xf32>
          %parallel_loop3A_994 = arith.index_cast %parallel_loop3A_952 : i32 to index
          %parallel_loop3A_995 = arith.constant 592 : index
          %parallel_loop3A_996 = tpu.vector_load %arg7[%parallel_loop3A_994, %parallel_loop3A_995] {strides = array<i32>} : memref<48x1024xf32, #tpu.memory_space<vmem>>, vector<1x16xf32>,
          %parallel_loop3A_997 = vector.shape_cast %parallel_loop3A_996 : vector<1x16xf32> to vector<16xf32>
          %parallel_loop3A_998 = arith.addf %parallel_loop3A_958, %parallel_loop3A_997 : vector<16xf32>
          %parallel_loop3A_999 = arith.index_cast %parallel_loop3A_952 : i32 to index
          %parallel_loop3A_1000 = arith.constant 608 : index
          %parallel_loop3A_1001 = tpu.vector_load %arg7[%parallel_loop3A_999, %parallel_loop3A_1000] {strides = array<i32>} : memref<48x1024xf32, #tpu.memory_space<vmem>>, vector<1x16xf32>,
          %parallel_loop3A_1002 = vector.shape_cast %parallel_loop3A_1001 : vector<1x16xf32> to vector<16xf32>
          %parallel_loop3A_1003 = arith.addf %parallel_loop3A_959, %parallel_loop3A_1002 : vector<16xf32>
          %parallel_loop3A_1004 = arith.index_cast %parallel_loop3A_952 : i32 to index
          %parallel_loop3A_1005 = arith.constant 624 : index
          %parallel_loop3A_1006 = tpu.vector_load %arg7[%parallel_loop3A_1004, %parallel_loop3A_1005] {strides = array<i32>} : memref<48x1024xf32, #tpu.memory_space<vmem>>, vector<1x16xf32>,
          %parallel_loop3A_1007 = vector.shape_cast %parallel_loop3A_1006 : vector<1x16xf32> to vector<16xf32>
          %parallel_loop3A_1008 = arith.addf %parallel_loop3A_960, %parallel_loop3A_1007 : vector<16xf32>
          %parallel_loop3A_1009 = arith.index_cast %parallel_loop3A_952 : i32 to index
          %parallel_loop3A_1010 = arith.constant 640 : index
          %parallel_loop3A_1011 = tpu.vector_load %arg7[%parallel_loop3A_1009, %parallel_loop3A_1010] {strides = array<i32>} : memref<48x1024xf32, #tpu.memory_space<vmem>>, vector<1x16xf32>,
          %parallel_loop3A_1012 = vector.shape_cast %parallel_loop3A_1011 : vector<1x16xf32> to vector<16xf32>
          %parallel_loop3A_1013 = arith.addf %parallel_loop3A_961, %parallel_loop3A_1012 : vector<16xf32>
          %parallel_loop3A_1014 = arith.index_cast %parallel_loop3A_952 : i32 to index
          %parallel_loop3A_1015 = arith.constant 656 : index
          %parallel_loop3A_1016 = tpu.vector_load %arg7[%parallel_loop3A_1014, %parallel_loop3A_1015] {strides = array<i32>} : memref<48x1024xf32, #tpu.memory_space<vmem>>, vector<1x16xf32>,
          %parallel_loop3A_1017 = vector.shape_cast %parallel_loop3A_1016 : vector<1x16xf32> to vector<16xf32>
          %parallel_loop3A_1018 = arith.addf %parallel_loop3A_962, %parallel_loop3A_1017 : vector<16xf32>
          %parallel_loop3A_1019 = arith.index_cast %parallel_loop3A_952 : i32 to index
          %parallel_loop3A_1020 = arith.constant 672 : index
          %parallel_loop3A_1021 = tpu.vector_load %arg7[%parallel_loop3A_1019, %parallel_loop3A_1020] {strides = array<i32>} : memref<48x1024xf32, #tpu.memory_space<vmem>>, vector<1x16xf32>,
          %parallel_loop3A_1022 = vector.shape_cast %parallel_loop3A_1021 : vector<1x16xf32> to vector<16xf32>
          %parallel_loop3A_1023 = arith.addf %parallel_loop3A_963, %parallel_loop3A_1022 : vector<16xf32>
          %parallel_loop3A_1024 = arith.index_cast %parallel_loop3A_952 : i32 to index
          %parallel_loop3A_1025 = arith.constant 688 : index
          %parallel_loop3A_1026 = tpu.vector_load %arg7[%parallel_loop3A_1024, %parallel_loop3A_1025] {strides = array<i32>} : memref<48x1024xf32, #tpu.memory_space<vmem>>, vector<1x16xf32>,
          %parallel_loop3A_1027 = vector.shape_cast %parallel_loop3A_1026 : vector<1x16xf32> to vector<16xf32>
          %parallel_loop3A_1028 = arith.addf %parallel_loop3A_964, %parallel_loop3A_1027 : vector<16xf32>
          %parallel_loop3A_1029 = arith.index_cast %parallel_loop3A_952 : i32 to index
          %parallel_loop3A_1030 = arith.constant 704 : index
          %parallel_loop3A_1031 = tpu.vector_load %arg7[%parallel_loop3A_1029, %parallel_loop3A_1030] {strides = array<i32>} : memref<48x1024xf32, #tpu.memory_space<vmem>>, vector<1x16xf32>,
          %parallel_loop3A_1032 = vector.shape_cast %parallel_loop3A_1031 : vector<1x16xf32> to vector<16xf32>
          %parallel_loop3A_1033 = arith.addf %parallel_loop3A_965, %parallel_loop3A_1032 : vector<16xf32>
          %parallel_loop3A_1034 = arith.index_cast %parallel_loop3A_952 : i32 to index
          %parallel_loop3A_1035 = arith.constant 720 : index
          %parallel_loop3A_1036 = tpu.vector_load %arg7[%parallel_loop3A_1034, %parallel_loop3A_1035] {strides = array<i32>} : memref<48x1024xf32, #tpu.memory_space<vmem>>, vector<1x16xf32>,
          %parallel_loop3A_1037 = vector.shape_cast %parallel_loop3A_1036 : vector<1x16xf32> to vector<16xf32>
          %parallel_loop3A_1038 = arith.addf %parallel_loop3A_966, %parallel_loop3A_1037 : vector<16xf32>
          %parallel_loop3A_1039 = arith.index_cast %parallel_loop3A_952 : i32 to index
          %parallel_loop3A_1040 = arith.constant 736 : index
          %parallel_loop3A_1041 = tpu.vector_load %arg7[%parallel_loop3A_1039, %parallel_loop3A_1040] {strides = array<i32>} : memref<48x1024xf32, #tpu.memory_space<vmem>>, vector<1x16xf32>,
          %parallel_loop3A_1042 = vector.shape_cast %parallel_loop3A_1041 : vector<1x16xf32> to vector<16xf32>
          %parallel_loop3A_1043 = arith.addf %parallel_loop3A_967, %parallel_loop3A_1042 : vector<16xf32>
          %parallel_loop3A_1044 = arith.index_cast %parallel_loop3A_952 : i32 to index
          %parallel_loop3A_1045 = arith.constant 752 : index
          %parallel_loop3A_1046 = tpu.vector_load %arg7[%parallel_loop3A_1044, %parallel_loop3A_1045] {strides = array<i32>} : memref<48x1024xf32, #tpu.memory_space<vmem>>, vector<1x16xf32>,
          %parallel_loop3A_1047 = vector.shape_cast %parallel_loop3A_1046 : vector<1x16xf32> to vector<16xf32>
          %parallel_loop3A_1048 = arith.addf %parallel_loop3A_968, %parallel_loop3A_1047 : vector<16xf32>
          scf.yield %parallel_loop3A_973, %parallel_loop3A_978, %parallel_loop3A_983, %parallel_loop3A_988, %parallel_loop3A_993, %parallel_loop3A_998, %parallel_loop3A_1003, %parallel_loop3A_1008, %parallel_loop3A_1013, %parallel_loop3A_1018, %parallel_loop3A_1023, %parallel_loop3A_1028, %parallel_loop3A_1033, %parallel_loop3A_1038, %parallel_loop3A_1043, %parallel_loop3A_1048 : vector<16xf32>, vector<16xf32>, vector<16xf32>, vector<16xf32>, vector<16xf32>, vector<16xf32>, vector<16xf32>, vector<16xf32>, vector<16xf32>, vector<16xf32>, vector<16xf32>, vector<16xf32>, vector<16xf32>, vector<16xf32>, vector<16xf32>, vector<16xf32>
        } {sc.loop_unroll_factor = 1 : i64, sc.parallel_access}
        %swap3A_773 = arith.constant 512 : index
        %swap3A_774 = tpu.vector_load %arg9[%swap3A_773] {strides = array<i32>} : memref<1024xf32, #tpu.memory_space<vmem>>, vector<16xf32>,
        %swap3A_775 = vector.shape_cast %swap3A_774 : vector<16xf32> to vector<16xf32>
        %swap3A_776 = vector.shape_cast %parallel_loop3A_772#0 : vector<16xf32> to vector<16xf32>
        tpu.vector_store %arg9[%swap3A_773], %swap3A_776 {strides = array<i32>} : memref<1024xf32, #tpu.memory_space<vmem>>, vector<16xf32>,
        %swap3A_777 = arith.constant 528 : index
        %swap3A_778 = tpu.vector_load %arg9[%swap3A_777] {strides = array<i32>} : memref<1024xf32, #tpu.memory_space<vmem>>, vector<16xf32>,
        %swap3A_779 = vector.shape_cast %swap3A_778 : vector<16xf32> to vector<16xf32>
        %swap3A_780 = vector.shape_cast %parallel_loop3A_772#1 : vector<16xf32> to vector<16xf32>
        tpu.vector_store %arg9[%swap3A_777], %swap3A_780 {strides = array<i32>} : memref<1024xf32, #tpu.memory_space<vmem>>, vector<16xf32>,
        %swap3A_781 = arith.constant 544 : index
        %swap3A_782 = tpu.vector_load %arg9[%swap3A_781] {strides = array<i32>} : memref<1024xf32, #tpu.memory_space<vmem>>, vector<16xf32>,
        %swap3A_783 = vector.shape_cast %swap3A_782 : vector<16xf32> to vector<16xf32>
        %swap3A_784 = vector.shape_cast %parallel_loop3A_772#2 : vector<16xf32> to vector<16xf32>
        tpu.vector_store %arg9[%swap3A_781], %swap3A_784 {strides = array<i32>} : memref<1024xf32, #tpu.memory_space<vmem>>, vector<16xf32>,
        %swap3A_785 = arith.constant 560 : index
        %swap3A_786 = tpu.vector_load %arg9[%swap3A_785] {strides = array<i32>} : memref<1024xf32, #tpu.memory_space<vmem>>, vector<16xf32>,
        %swap3A_787 = vector.shape_cast %swap3A_786 : vector<16xf32> to vector<16xf32>
        %swap3A_788 = vector.shape_cast %parallel_loop3A_772#3 : vector<16xf32> to vector<16xf32>
        tpu.vector_store %arg9[%swap3A_785], %swap3A_788 {strides = array<i32>} : memref<1024xf32, #tpu.memory_space<vmem>>, vector<16xf32>,
        %swap3A_789 = arith.constant 576 : index
        %swap3A_790 = tpu.vector_load %arg9[%swap3A_789] {strides = array<i32>} : memref<1024xf32, #tpu.memory_space<vmem>>, vector<16xf32>,
        %swap3A_791 = vector.shape_cast %swap3A_790 : vector<16xf32> to vector<16xf32>
        %swap3A_792 = vector.shape_cast %parallel_loop3A_772#4 : vector<16xf32> to vector<16xf32>
        tpu.vector_store %arg9[%swap3A_789], %swap3A_792 {strides = array<i32>} : memref<1024xf32, #tpu.memory_space<vmem>>, vector<16xf32>,
        %swap3A_793 = arith.constant 592 : index
        %swap3A_794 = tpu.vector_load %arg9[%swap3A_793] {strides = array<i32>} : memref<1024xf32, #tpu.memory_space<vmem>>, vector<16xf32>,
        %swap3A_795 = vector.shape_cast %swap3A_794 : vector<16xf32> to vector<16xf32>
        %swap3A_796 = vector.shape_cast %parallel_loop3A_772#5 : vector<16xf32> to vector<16xf32>
        tpu.vector_store %arg9[%swap3A_793], %swap3A_796 {strides = array<i32>} : memref<1024xf32, #tpu.memory_space<vmem>>, vector<16xf32>,
        %swap3A_797 = arith.constant 608 : index
        %swap3A_798 = tpu.vector_load %arg9[%swap3A_797] {strides = array<i32>} : memref<1024xf32, #tpu.memory_space<vmem>>, vector<16xf32>,
        %swap3A_799 = vector.shape_cast %swap3A_798 : vector<16xf32> to vector<16xf32>
        %swap3A_800 = vector.shape_cast %parallel_loop3A_772#6 : vector<16xf32> to vector<16xf32>
        tpu.vector_store %arg9[%swap3A_797], %swap3A_800 {strides = array<i32>} : memref<1024xf32, #tpu.memory_space<vmem>>, vector<16xf32>,
        %swap3A_801 = arith.constant 624 : index
        %swap3A_802 = tpu.vector_load %arg9[%swap3A_801] {strides = array<i32>} : memref<1024xf32, #tpu.memory_space<vmem>>, vector<16xf32>,
        %swap3A_803 = vector.shape_cast %swap3A_802 : vector<16xf32> to vector<16xf32>
        %swap3A_804 = vector.shape_cast %parallel_loop3A_772#7 : vector<16xf32> to vector<16xf32>
        tpu.vector_store %arg9[%swap3A_801], %swap3A_804 {strides = array<i32>} : memref<1024xf32, #tpu.memory_space<vmem>>, vector<16xf32>,
        %swap3A_805 = arith.constant 640 : index
        %swap3A_806 = tpu.vector_load %arg9[%swap3A_805] {strides = array<i32>} : memref<1024xf32, #tpu.memory_space<vmem>>, vector<16xf32>,
        %swap3A_807 = vector.shape_cast %swap3A_806 : vector<16xf32> to vector<16xf32>
        %swap3A_808 = vector.shape_cast %parallel_loop3A_772#8 : vector<16xf32> to vector<16xf32>
        tpu.vector_store %arg9[%swap3A_805], %swap3A_808 {strides = array<i32>} : memref<1024xf32, #tpu.memory_space<vmem>>, vector<16xf32>,
        %swap3A_809 = arith.constant 656 : index
        %swap3A_810 = tpu.vector_load %arg9[%swap3A_809] {strides = array<i32>} : memref<1024xf32, #tpu.memory_space<vmem>>, vector<16xf32>,
        %swap3A_811 = vector.shape_cast %swap3A_810 : vector<16xf32> to vector<16xf32>
        %swap3A_812 = vector.shape_cast %parallel_loop3A_772#9 : vector<16xf32> to vector<16xf32>
        tpu.vector_store %arg9[%swap3A_809], %swap3A_812 {strides = array<i32>} : memref<1024xf32, #tpu.memory_space<vmem>>, vector<16xf32>,
        %swap3A_813 = arith.constant 672 : index
        %swap3A_814 = tpu.vector_load %arg9[%swap3A_813] {strides = array<i32>} : memref<1024xf32, #tpu.memory_space<vmem>>, vector<16xf32>,
        %swap3A_815 = vector.shape_cast %swap3A_814 : vector<16xf32> to vector<16xf32>
        %swap3A_816 = vector.shape_cast %parallel_loop3A_772#10 : vector<16xf32> to vector<16xf32>
        tpu.vector_store %arg9[%swap3A_813], %swap3A_816 {strides = array<i32>} : memref<1024xf32, #tpu.memory_space<vmem>>, vector<16xf32>,
        %swap3A_817 = arith.constant 688 : index
        %swap3A_818 = tpu.vector_load %arg9[%swap3A_817] {strides = array<i32>} : memref<1024xf32, #tpu.memory_space<vmem>>, vector<16xf32>,
        %swap3A_819 = vector.shape_cast %swap3A_818 : vector<16xf32> to vector<16xf32>
        %swap3A_820 = vector.shape_cast %parallel_loop3A_772#11 : vector<16xf32> to vector<16xf32>
        tpu.vector_store %arg9[%swap3A_817], %swap3A_820 {strides = array<i32>} : memref<1024xf32, #tpu.memory_space<vmem>>, vector<16xf32>,
        %swap3A_821 = arith.constant 704 : index
        %swap3A_822 = tpu.vector_load %arg9[%swap3A_821] {strides = array<i32>} : memref<1024xf32, #tpu.memory_space<vmem>>, vector<16xf32>,
        %swap3A_823 = vector.shape_cast %swap3A_822 : vector<16xf32> to vector<16xf32>
        %swap3A_824 = vector.shape_cast %parallel_loop3A_772#12 : vector<16xf32> to vector<16xf32>
        tpu.vector_store %arg9[%swap3A_821], %swap3A_824 {strides = array<i32>} : memref<1024xf32, #tpu.memory_space<vmem>>, vector<16xf32>,
        %swap3A_825 = arith.constant 720 : index
        %swap3A_826 = tpu.vector_load %arg9[%swap3A_825] {strides = array<i32>} : memref<1024xf32, #tpu.memory_space<vmem>>, vector<16xf32>,
        %swap3A_827 = vector.shape_cast %swap3A_826 : vector<16xf32> to vector<16xf32>
        %swap3A_828 = vector.shape_cast %parallel_loop3A_772#13 : vector<16xf32> to vector<16xf32>
        tpu.vector_store %arg9[%swap3A_825], %swap3A_828 {strides = array<i32>} : memref<1024xf32, #tpu.memory_space<vmem>>, vector<16xf32>,
        %swap3A_829 = arith.constant 736 : index
        %swap3A_830 = tpu.vector_load %arg9[%swap3A_829] {strides = array<i32>} : memref<1024xf32, #tpu.memory_space<vmem>>, vector<16xf32>,
        %swap3A_831 = vector.shape_cast %swap3A_830 : vector<16xf32> to vector<16xf32>
        %swap3A_832 = vector.shape_cast %parallel_loop3A_772#14 : vector<16xf32> to vector<16xf32>
        tpu.vector_store %arg9[%swap3A_829], %swap3A_832 {strides = array<i32>} : memref<1024xf32, #tpu.memory_space<vmem>>, vector<16xf32>,
        %swap3A_833 = arith.constant 752 : index
        %swap3A_834 = tpu.vector_load %arg9[%swap3A_833] {strides = array<i32>} : memref<1024xf32, #tpu.memory_space<vmem>>, vector<16xf32>,
        %swap3A_835 = vector.shape_cast %swap3A_834 : vector<16xf32> to vector<16xf32>
        %swap3A_836 = vector.shape_cast %parallel_loop3A_772#15 : vector<16xf32> to vector<16xf32>
        tpu.vector_store %arg9[%swap3A_833], %swap3A_836 {strides = array<i32>} : memref<1024xf32, #tpu.memory_space<vmem>>, vector<16xf32>,
        %get3A_837 = arith.constant 768 : index
        %get3A_838 = tpu.vector_load %arg9[%get3A_837] {strides = array<i32>} : memref<1024xf32, #tpu.memory_space<vmem>>, vector<16xf32>,
        %get3A_839 = vector.shape_cast %get3A_838 : vector<16xf32> to vector<16xf32>
        %get3A_840 = arith.constant 784 : index
        %get3A_841 = tpu.vector_load %arg9[%get3A_840] {strides = array<i32>} : memref<1024xf32, #tpu.memory_space<vmem>>, vector<16xf32>,
        %get3A_842 = vector.shape_cast %get3A_841 : vector<16xf32> to vector<16xf32>
        %get3A_843 = arith.constant 800 : index
        %get3A_844 = tpu.vector_load %arg9[%get3A_843] {strides = array<i32>} : memref<1024xf32, #tpu.memory_space<vmem>>, vector<16xf32>,
        %get3A_845 = vector.shape_cast %get3A_844 : vector<16xf32> to vector<16xf32>
        %get3A_846 = arith.constant 816 : index
        %get3A_847 = tpu.vector_load %arg9[%get3A_846] {strides = array<i32>} : memref<1024xf32, #tpu.memory_space<vmem>>, vector<16xf32>,
        %get3A_848 = vector.shape_cast %get3A_847 : vector<16xf32> to vector<16xf32>
        %get3A_849 = arith.constant 832 : index
        %get3A_850 = tpu.vector_load %arg9[%get3A_849] {strides = array<i32>} : memref<1024xf32, #tpu.memory_space<vmem>>, vector<16xf32>,
        %get3A_851 = vector.shape_cast %get3A_850 : vector<16xf32> to vector<16xf32>
        %get3A_852 = arith.constant 848 : index
        %get3A_853 = tpu.vector_load %arg9[%get3A_852] {strides = array<i32>} : memref<1024xf32, #tpu.memory_space<vmem>>, vector<16xf32>,
        %get3A_854 = vector.shape_cast %get3A_853 : vector<16xf32> to vector<16xf32>
        %get3A_855 = arith.constant 864 : index
        %get3A_856 = tpu.vector_load %arg9[%get3A_855] {strides = array<i32>} : memref<1024xf32, #tpu.memory_space<vmem>>, vector<16xf32>,
        %get3A_857 = vector.shape_cast %get3A_856 : vector<16xf32> to vector<16xf32>
        %get3A_858 = arith.constant 880 : index
        %get3A_859 = tpu.vector_load %arg9[%get3A_858] {strides = array<i32>} : memref<1024xf32, #tpu.memory_space<vmem>>, vector<16xf32>,
        %get3A_860 = vector.shape_cast %get3A_859 : vector<16xf32> to vector<16xf32>
        %get3A_861 = arith.constant 896 : index
        %get3A_862 = tpu.vector_load %arg9[%get3A_861] {strides = array<i32>} : memref<1024xf32, #tpu.memory_space<vmem>>, vector<16xf32>,
        %get3A_863 = vector.shape_cast %get3A_862 : vector<16xf32> to vector<16xf32>
        %get3A_864 = arith.constant 912 : index
        %get3A_865 = tpu.vector_load %arg9[%get3A_864] {strides = array<i32>} : memref<1024xf32, #tpu.memory_space<vmem>>, vector<16xf32>,
        %get3A_866 = vector.shape_cast %get3A_865 : vector<16xf32> to vector<16xf32>
        %get3A_867 = arith.constant 928 : index
        %get3A_868 = tpu.vector_load %arg9[%get3A_867] {strides = array<i32>} : memref<1024xf32, #tpu.memory_space<vmem>>, vector<16xf32>,
        %get3A_869 = vector.shape_cast %get3A_868 : vector<16xf32> to vector<16xf32>
        %get3A_870 = arith.constant 944 : index
        %get3A_871 = tpu.vector_load %arg9[%get3A_870] {strides = array<i32>} : memref<1024xf32, #tpu.memory_space<vmem>>, vector<16xf32>,
        %get3A_872 = vector.shape_cast %get3A_871 : vector<16xf32> to vector<16xf32>
        %get3A_873 = arith.constant 960 : index
        %get3A_874 = tpu.vector_load %arg9[%get3A_873] {strides = array<i32>} : memref<1024xf32, #tpu.memory_space<vmem>>, vector<16xf32>,
        %get3A_875 = vector.shape_cast %get3A_874 : vector<16xf32> to vector<16xf32>
        %get3A_876 = arith.constant 976 : index
        %get3A_877 = tpu.vector_load %arg9[%get3A_876] {strides = array<i32>} : memref<1024xf32, #tpu.memory_space<vmem>>, vector<16xf32>,
        %get3A_878 = vector.shape_cast %get3A_877 : vector<16xf32> to vector<16xf32>
        %get3A_879 = arith.constant 992 : index
        %get3A_880 = tpu.vector_load %arg9[%get3A_879] {strides = array<i32>} : memref<1024xf32, #tpu.memory_space<vmem>>, vector<16xf32>,
        %get3A_881 = vector.shape_cast %get3A_880 : vector<16xf32> to vector<16xf32>
        %get3A_882 = arith.constant 1008 : index
        %get3A_883 = tpu.vector_load %arg9[%get3A_882] {strides = array<i32>} : memref<1024xf32, #tpu.memory_space<vmem>>, vector<16xf32>,
        %get3A_884 = vector.shape_cast %get3A_883 : vector<16xf32> to vector<16xf32>
        %parallel_loop3A_885 = arith.constant 0 : i32
        %parallel_loop3A_886 = arith.constant 1 : i32
        %parallel_loop3A_887:16 = scf.for %parallel_loop3A_952 = %parallel_loop3A_885 to %min3A_492 step %parallel_loop3A_886 iter_args(%parallel_loop3A_953 = %get3A_839, %parallel_loop3A_954 = %get3A_842, %parallel_loop3A_955 = %get3A_845, %parallel_loop3A_956 = %get3A_848, %parallel_loop3A_957 = %get3A_851, %parallel_loop3A_958 = %get3A_854, %parallel_loop3A_959 = %get3A_857, %parallel_loop3A_960 = %get3A_860, %parallel_loop3A_961 = %get3A_863, %parallel_loop3A_962 = %get3A_866, %parallel_loop3A_963 = %get3A_869, %parallel_loop3A_964 = %get3A_872, %parallel_loop3A_965 = %get3A_875, %parallel_loop3A_966 = %get3A_878, %parallel_loop3A_967 = %get3A_881, %parallel_loop3A_968 = %get3A_884) -> (vector<16xf32>, vector<16xf32>, vector<16xf32>, vector<16xf32>, vector<16xf32>, vector<16xf32>, vector<16xf32>, vector<16xf32>, vector<16xf32>, vector<16xf32>, vector<16xf32>, vector<16xf32>, vector<16xf32>, vector<16xf32>, vector<16xf32>, vector<16xf32>)  : i32 {
          %parallel_loop3A_969 = arith.index_cast %parallel_loop3A_952 : i32 to index
          %parallel_loop3A_970 = arith.constant 768 : index
          %parallel_loop3A_971 = tpu.vector_load %arg7[%parallel_loop3A_969, %parallel_loop3A_970] {strides = array<i32>} : memref<48x1024xf32, #tpu.memory_space<vmem>>, vector<1x16xf32>,
          %parallel_loop3A_972 = vector.shape_cast %parallel_loop3A_971 : vector<1x16xf32> to vector<16xf32>
          %parallel_loop3A_973 = arith.addf %parallel_loop3A_953, %parallel_loop3A_972 : vector<16xf32>
          %parallel_loop3A_974 = arith.index_cast %parallel_loop3A_952 : i32 to index
          %parallel_loop3A_975 = arith.constant 784 : index
          %parallel_loop3A_976 = tpu.vector_load %arg7[%parallel_loop3A_974, %parallel_loop3A_975] {strides = array<i32>} : memref<48x1024xf32, #tpu.memory_space<vmem>>, vector<1x16xf32>,
          %parallel_loop3A_977 = vector.shape_cast %parallel_loop3A_976 : vector<1x16xf32> to vector<16xf32>
          %parallel_loop3A_978 = arith.addf %parallel_loop3A_954, %parallel_loop3A_977 : vector<16xf32>
          %parallel_loop3A_979 = arith.index_cast %parallel_loop3A_952 : i32 to index
          %parallel_loop3A_980 = arith.constant 800 : index
          %parallel_loop3A_981 = tpu.vector_load %arg7[%parallel_loop3A_979, %parallel_loop3A_980] {strides = array<i32>} : memref<48x1024xf32, #tpu.memory_space<vmem>>, vector<1x16xf32>,
          %parallel_loop3A_982 = vector.shape_cast %parallel_loop3A_981 : vector<1x16xf32> to vector<16xf32>
          %parallel_loop3A_983 = arith.addf %parallel_loop3A_955, %parallel_loop3A_982 : vector<16xf32>
          %parallel_loop3A_984 = arith.index_cast %parallel_loop3A_952 : i32 to index
          %parallel_loop3A_985 = arith.constant 816 : index
          %parallel_loop3A_986 = tpu.vector_load %arg7[%parallel_loop3A_984, %parallel_loop3A_985] {strides = array<i32>} : memref<48x1024xf32, #tpu.memory_space<vmem>>, vector<1x16xf32>,
          %parallel_loop3A_987 = vector.shape_cast %parallel_loop3A_986 : vector<1x16xf32> to vector<16xf32>
          %parallel_loop3A_988 = arith.addf %parallel_loop3A_956, %parallel_loop3A_987 : vector<16xf32>
          %parallel_loop3A_989 = arith.index_cast %parallel_loop3A_952 : i32 to index
          %parallel_loop3A_990 = arith.constant 832 : index
          %parallel_loop3A_991 = tpu.vector_load %arg7[%parallel_loop3A_989, %parallel_loop3A_990] {strides = array<i32>} : memref<48x1024xf32, #tpu.memory_space<vmem>>, vector<1x16xf32>,
          %parallel_loop3A_992 = vector.shape_cast %parallel_loop3A_991 : vector<1x16xf32> to vector<16xf32>
          %parallel_loop3A_993 = arith.addf %parallel_loop3A_957, %parallel_loop3A_992 : vector<16xf32>
          %parallel_loop3A_994 = arith.index_cast %parallel_loop3A_952 : i32 to index
          %parallel_loop3A_995 = arith.constant 848 : index
          %parallel_loop3A_996 = tpu.vector_load %arg7[%parallel_loop3A_994, %parallel_loop3A_995] {strides = array<i32>} : memref<48x1024xf32, #tpu.memory_space<vmem>>, vector<1x16xf32>,
          %parallel_loop3A_997 = vector.shape_cast %parallel_loop3A_996 : vector<1x16xf32> to vector<16xf32>
          %parallel_loop3A_998 = arith.addf %parallel_loop3A_958, %parallel_loop3A_997 : vector<16xf32>
          %parallel_loop3A_999 = arith.index_cast %parallel_loop3A_952 : i32 to index
          %parallel_loop3A_1000 = arith.constant 864 : index
          %parallel_loop3A_1001 = tpu.vector_load %arg7[%parallel_loop3A_999, %parallel_loop3A_1000] {strides = array<i32>} : memref<48x1024xf32, #tpu.memory_space<vmem>>, vector<1x16xf32>,
          %parallel_loop3A_1002 = vector.shape_cast %parallel_loop3A_1001 : vector<1x16xf32> to vector<16xf32>
          %parallel_loop3A_1003 = arith.addf %parallel_loop3A_959, %parallel_loop3A_1002 : vector<16xf32>
          %parallel_loop3A_1004 = arith.index_cast %parallel_loop3A_952 : i32 to index
          %parallel_loop3A_1005 = arith.constant 880 : index
          %parallel_loop3A_1006 = tpu.vector_load %arg7[%parallel_loop3A_1004, %parallel_loop3A_1005] {strides = array<i32>} : memref<48x1024xf32, #tpu.memory_space<vmem>>, vector<1x16xf32>,
          %parallel_loop3A_1007 = vector.shape_cast %parallel_loop3A_1006 : vector<1x16xf32> to vector<16xf32>
          %parallel_loop3A_1008 = arith.addf %parallel_loop3A_960, %parallel_loop3A_1007 : vector<16xf32>
          %parallel_loop3A_1009 = arith.index_cast %parallel_loop3A_952 : i32 to index
          %parallel_loop3A_1010 = arith.constant 896 : index
          %parallel_loop3A_1011 = tpu.vector_load %arg7[%parallel_loop3A_1009, %parallel_loop3A_1010] {strides = array<i32>} : memref<48x1024xf32, #tpu.memory_space<vmem>>, vector<1x16xf32>,
          %parallel_loop3A_1012 = vector.shape_cast %parallel_loop3A_1011 : vector<1x16xf32> to vector<16xf32>
          %parallel_loop3A_1013 = arith.addf %parallel_loop3A_961, %parallel_loop3A_1012 : vector<16xf32>
          %parallel_loop3A_1014 = arith.index_cast %parallel_loop3A_952 : i32 to index
          %parallel_loop3A_1015 = arith.constant 912 : index
          %parallel_loop3A_1016 = tpu.vector_load %arg7[%parallel_loop3A_1014, %parallel_loop3A_1015] {strides = array<i32>} : memref<48x1024xf32, #tpu.memory_space<vmem>>, vector<1x16xf32>,
          %parallel_loop3A_1017 = vector.shape_cast %parallel_loop3A_1016 : vector<1x16xf32> to vector<16xf32>
          %parallel_loop3A_1018 = arith.addf %parallel_loop3A_962, %parallel_loop3A_1017 : vector<16xf32>
          %parallel_loop3A_1019 = arith.index_cast %parallel_loop3A_952 : i32 to index
          %parallel_loop3A_1020 = arith.constant 928 : index
          %parallel_loop3A_1021 = tpu.vector_load %arg7[%parallel_loop3A_1019, %parallel_loop3A_1020] {strides = array<i32>} : memref<48x1024xf32, #tpu.memory_space<vmem>>, vector<1x16xf32>,
          %parallel_loop3A_1022 = vector.shape_cast %parallel_loop3A_1021 : vector<1x16xf32> to vector<16xf32>
          %parallel_loop3A_1023 = arith.addf %parallel_loop3A_963, %parallel_loop3A_1022 : vector<16xf32>
          %parallel_loop3A_1024 = arith.index_cast %parallel_loop3A_952 : i32 to index
          %parallel_loop3A_1025 = arith.constant 944 : index
          %parallel_loop3A_1026 = tpu.vector_load %arg7[%parallel_loop3A_1024, %parallel_loop3A_1025] {strides = array<i32>} : memref<48x1024xf32, #tpu.memory_space<vmem>>, vector<1x16xf32>,
          %parallel_loop3A_1027 = vector.shape_cast %parallel_loop3A_1026 : vector<1x16xf32> to vector<16xf32>
          %parallel_loop3A_1028 = arith.addf %parallel_loop3A_964, %parallel_loop3A_1027 : vector<16xf32>
          %parallel_loop3A_1029 = arith.index_cast %parallel_loop3A_952 : i32 to index
          %parallel_loop3A_1030 = arith.constant 960 : index
          %parallel_loop3A_1031 = tpu.vector_load %arg7[%parallel_loop3A_1029, %parallel_loop3A_1030] {strides = array<i32>} : memref<48x1024xf32, #tpu.memory_space<vmem>>, vector<1x16xf32>,
          %parallel_loop3A_1032 = vector.shape_cast %parallel_loop3A_1031 : vector<1x16xf32> to vector<16xf32>
          %parallel_loop3A_1033 = arith.addf %parallel_loop3A_965, %parallel_loop3A_1032 : vector<16xf32>
          %parallel_loop3A_1034 = arith.index_cast %parallel_loop3A_952 : i32 to index
          %parallel_loop3A_1035 = arith.constant 976 : index
          %parallel_loop3A_1036 = tpu.vector_load %arg7[%parallel_loop3A_1034, %parallel_loop3A_1035] {strides = array<i32>} : memref<48x1024xf32, #tpu.memory_space<vmem>>, vector<1x16xf32>,
          %parallel_loop3A_1037 = vector.shape_cast %parallel_loop3A_1036 : vector<1x16xf32> to vector<16xf32>
          %parallel_loop3A_1038 = arith.addf %parallel_loop3A_966, %parallel_loop3A_1037 : vector<16xf32>
          %parallel_loop3A_1039 = arith.index_cast %parallel_loop3A_952 : i32 to index
          %parallel_loop3A_1040 = arith.constant 992 : index
          %parallel_loop3A_1041 = tpu.vector_load %arg7[%parallel_loop3A_1039, %parallel_loop3A_1040] {strides = array<i32>} : memref<48x1024xf32, #tpu.memory_space<vmem>>, vector<1x16xf32>,
          %parallel_loop3A_1042 = vector.shape_cast %parallel_loop3A_1041 : vector<1x16xf32> to vector<16xf32>
          %parallel_loop3A_1043 = arith.addf %parallel_loop3A_967, %parallel_loop3A_1042 : vector<16xf32>
          %parallel_loop3A_1044 = arith.index_cast %parallel_loop3A_952 : i32 to index
          %parallel_loop3A_1045 = arith.constant 1008 : index
          %parallel_loop3A_1046 = tpu.vector_load %arg7[%parallel_loop3A_1044, %parallel_loop3A_1045] {strides = array<i32>} : memref<48x1024xf32, #tpu.memory_space<vmem>>, vector<1x16xf32>,
          %parallel_loop3A_1047 = vector.shape_cast %parallel_loop3A_1046 : vector<1x16xf32> to vector<16xf32>
          %parallel_loop3A_1048 = arith.addf %parallel_loop3A_968, %parallel_loop3A_1047 : vector<16xf32>
          scf.yield %parallel_loop3A_973, %parallel_loop3A_978, %parallel_loop3A_983, %parallel_loop3A_988, %parallel_loop3A_993, %parallel_loop3A_998, %parallel_loop3A_1003, %parallel_loop3A_1008, %parallel_loop3A_1013, %parallel_loop3A_1018, %parallel_loop3A_1023, %parallel_loop3A_1028, %parallel_loop3A_1033, %parallel_loop3A_1038, %parallel_loop3A_1043, %parallel_loop3A_1048 : vector<16xf32>, vector<16xf32>, vector<16xf32>, vector<16xf32>, vector<16xf32>, vector<16xf32>, vector<16xf32>, vector<16xf32>, vector<16xf32>, vector<16xf32>, vector<16xf32>, vector<16xf32>, vector<16xf32>, vector<16xf32>, vector<16xf32>, vector<16xf32>
        } {sc.loop_unroll_factor = 1 : i64, sc.parallel_access}
        %swap3A_888 = arith.constant 768 : index
        %swap3A_889 = tpu.vector_load %arg9[%swap3A_888] {strides = array<i32>} : memref<1024xf32, #tpu.memory_space<vmem>>, vector<16xf32>,
        %swap3A_890 = vector.shape_cast %swap3A_889 : vector<16xf32> to vector<16xf32>
        %swap3A_891 = vector.shape_cast %parallel_loop3A_887#0 : vector<16xf32> to vector<16xf32>
        tpu.vector_store %arg9[%swap3A_888], %swap3A_891 {strides = array<i32>} : memref<1024xf32, #tpu.memory_space<vmem>>, vector<16xf32>,
        %swap3A_892 = arith.constant 784 : index
        %swap3A_893 = tpu.vector_load %arg9[%swap3A_892] {strides = array<i32>} : memref<1024xf32, #tpu.memory_space<vmem>>, vector<16xf32>,
        %swap3A_894 = vector.shape_cast %swap3A_893 : vector<16xf32> to vector<16xf32>
        %swap3A_895 = vector.shape_cast %parallel_loop3A_887#1 : vector<16xf32> to vector<16xf32>
        tpu.vector_store %arg9[%swap3A_892], %swap3A_895 {strides = array<i32>} : memref<1024xf32, #tpu.memory_space<vmem>>, vector<16xf32>,
        %swap3A_896 = arith.constant 800 : index
        %swap3A_897 = tpu.vector_load %arg9[%swap3A_896] {strides = array<i32>} : memref<1024xf32, #tpu.memory_space<vmem>>, vector<16xf32>,
        %swap3A_898 = vector.shape_cast %swap3A_897 : vector<16xf32> to vector<16xf32>
        %swap3A_899 = vector.shape_cast %parallel_loop3A_887#2 : vector<16xf32> to vector<16xf32>
        tpu.vector_store %arg9[%swap3A_896], %swap3A_899 {strides = array<i32>} : memref<1024xf32, #tpu.memory_space<vmem>>, vector<16xf32>,
        %swap3A_900 = arith.constant 816 : index
        %swap3A_901 = tpu.vector_load %arg9[%swap3A_900] {strides = array<i32>} : memref<1024xf32, #tpu.memory_space<vmem>>, vector<16xf32>,
        %swap3A_902 = vector.shape_cast %swap3A_901 : vector<16xf32> to vector<16xf32>
        %swap3A_903 = vector.shape_cast %parallel_loop3A_887#3 : vector<16xf32> to vector<16xf32>
        tpu.vector_store %arg9[%swap3A_900], %swap3A_903 {strides = array<i32>} : memref<1024xf32, #tpu.memory_space<vmem>>, vector<16xf32>,
        %swap3A_904 = arith.constant 832 : index
        %swap3A_905 = tpu.vector_load %arg9[%swap3A_904] {strides = array<i32>} : memref<1024xf32, #tpu.memory_space<vmem>>, vector<16xf32>,
        %swap3A_906 = vector.shape_cast %swap3A_905 : vector<16xf32> to vector<16xf32>
        %swap3A_907 = vector.shape_cast %parallel_loop3A_887#4 : vector<16xf32> to vector<16xf32>
        tpu.vector_store %arg9[%swap3A_904], %swap3A_907 {strides = array<i32>} : memref<1024xf32, #tpu.memory_space<vmem>>, vector<16xf32>,
        %swap3A_908 = arith.constant 848 : index
        %swap3A_909 = tpu.vector_load %arg9[%swap3A_908] {strides = array<i32>} : memref<1024xf32, #tpu.memory_space<vmem>>, vector<16xf32>,
        %swap3A_910 = vector.shape_cast %swap3A_909 : vector<16xf32> to vector<16xf32>
        %swap3A_911 = vector.shape_cast %parallel_loop3A_887#5 : vector<16xf32> to vector<16xf32>
        tpu.vector_store %arg9[%swap3A_908], %swap3A_911 {strides = array<i32>} : memref<1024xf32, #tpu.memory_space<vmem>>, vector<16xf32>,
        %swap3A_912 = arith.constant 864 : index
        %swap3A_913 = tpu.vector_load %arg9[%swap3A_912] {strides = array<i32>} : memref<1024xf32, #tpu.memory_space<vmem>>, vector<16xf32>,
        %swap3A_914 = vector.shape_cast %swap3A_913 : vector<16xf32> to vector<16xf32>
        %swap3A_915 = vector.shape_cast %parallel_loop3A_887#6 : vector<16xf32> to vector<16xf32>
        tpu.vector_store %arg9[%swap3A_912], %swap3A_915 {strides = array<i32>} : memref<1024xf32, #tpu.memory_space<vmem>>, vector<16xf32>,
        %swap3A_916 = arith.constant 880 : index
        %swap3A_917 = tpu.vector_load %arg9[%swap3A_916] {strides = array<i32>} : memref<1024xf32, #tpu.memory_space<vmem>>, vector<16xf32>,
        %swap3A_918 = vector.shape_cast %swap3A_917 : vector<16xf32> to vector<16xf32>
        %swap3A_919 = vector.shape_cast %parallel_loop3A_887#7 : vector<16xf32> to vector<16xf32>
        tpu.vector_store %arg9[%swap3A_916], %swap3A_919 {strides = array<i32>} : memref<1024xf32, #tpu.memory_space<vmem>>, vector<16xf32>,
        %swap3A_920 = arith.constant 896 : index
        %swap3A_921 = tpu.vector_load %arg9[%swap3A_920] {strides = array<i32>} : memref<1024xf32, #tpu.memory_space<vmem>>, vector<16xf32>,
        %swap3A_922 = vector.shape_cast %swap3A_921 : vector<16xf32> to vector<16xf32>
        %swap3A_923 = vector.shape_cast %parallel_loop3A_887#8 : vector<16xf32> to vector<16xf32>
        tpu.vector_store %arg9[%swap3A_920], %swap3A_923 {strides = array<i32>} : memref<1024xf32, #tpu.memory_space<vmem>>, vector<16xf32>,
        %swap3A_924 = arith.constant 912 : index
        %swap3A_925 = tpu.vector_load %arg9[%swap3A_924] {strides = array<i32>} : memref<1024xf32, #tpu.memory_space<vmem>>, vector<16xf32>,
        %swap3A_926 = vector.shape_cast %swap3A_925 : vector<16xf32> to vector<16xf32>
        %swap3A_927 = vector.shape_cast %parallel_loop3A_887#9 : vector<16xf32> to vector<16xf32>
        tpu.vector_store %arg9[%swap3A_924], %swap3A_927 {strides = array<i32>} : memref<1024xf32, #tpu.memory_space<vmem>>, vector<16xf32>,
        %swap3A_928 = arith.constant 928 : index
        %swap3A_929 = tpu.vector_load %arg9[%swap3A_928] {strides = array<i32>} : memref<1024xf32, #tpu.memory_space<vmem>>, vector<16xf32>,
        %swap3A_930 = vector.shape_cast %swap3A_929 : vector<16xf32> to vector<16xf32>
        %swap3A_931 = vector.shape_cast %parallel_loop3A_887#10 : vector<16xf32> to vector<16xf32>
        tpu.vector_store %arg9[%swap3A_928], %swap3A_931 {strides = array<i32>} : memref<1024xf32, #tpu.memory_space<vmem>>, vector<16xf32>,
        %swap3A_932 = arith.constant 944 : index
        %swap3A_933 = tpu.vector_load %arg9[%swap3A_932] {strides = array<i32>} : memref<1024xf32, #tpu.memory_space<vmem>>, vector<16xf32>,
        %swap3A_934 = vector.shape_cast %swap3A_933 : vector<16xf32> to vector<16xf32>
        %swap3A_935 = vector.shape_cast %parallel_loop3A_887#11 : vector<16xf32> to vector<16xf32>
        tpu.vector_store %arg9[%swap3A_932], %swap3A_935 {strides = array<i32>} : memref<1024xf32, #tpu.memory_space<vmem>>, vector<16xf32>,
        %swap3A_936 = arith.constant 960 : index
        %swap3A_937 = tpu.vector_load %arg9[%swap3A_936] {strides = array<i32>} : memref<1024xf32, #tpu.memory_space<vmem>>, vector<16xf32>,
        %swap3A_938 = vector.shape_cast %swap3A_937 : vector<16xf32> to vector<16xf32>
        %swap3A_939 = vector.shape_cast %parallel_loop3A_887#12 : vector<16xf32> to vector<16xf32>
        tpu.vector_store %arg9[%swap3A_936], %swap3A_939 {strides = array<i32>} : memref<1024xf32, #tpu.memory_space<vmem>>, vector<16xf32>,
        %swap3A_940 = arith.constant 976 : index
        %swap3A_941 = tpu.vector_load %arg9[%swap3A_940] {strides = array<i32>} : memref<1024xf32, #tpu.memory_space<vmem>>, vector<16xf32>,
        %swap3A_942 = vector.shape_cast %swap3A_941 : vector<16xf32> to vector<16xf32>
        %swap3A_943 = vector.shape_cast %parallel_loop3A_887#13 : vector<16xf32> to vector<16xf32>
        tpu.vector_store %arg9[%swap3A_940], %swap3A_943 {strides = array<i32>} : memref<1024xf32, #tpu.memory_space<vmem>>, vector<16xf32>,
        %swap3A_944 = arith.constant 992 : index
        %swap3A_945 = tpu.vector_load %arg9[%swap3A_944] {strides = array<i32>} : memref<1024xf32, #tpu.memory_space<vmem>>, vector<16xf32>,
        %swap3A_946 = vector.shape_cast %swap3A_945 : vector<16xf32> to vector<16xf32>
        %swap3A_947 = vector.shape_cast %parallel_loop3A_887#14 : vector<16xf32> to vector<16xf32>
        tpu.vector_store %arg9[%swap3A_944], %swap3A_947 {strides = array<i32>} : memref<1024xf32, #tpu.memory_space<vmem>>, vector<16xf32>,
        %swap3A_948 = arith.constant 1008 : index
        %swap3A_949 = tpu.vector_load %arg9[%swap3A_948] {strides = array<i32>} : memref<1024xf32, #tpu.memory_space<vmem>>, vector<16xf32>,
        %swap3A_950 = vector.shape_cast %swap3A_949 : vector<16xf32> to vector<16xf32>
        %swap3A_951 = vector.shape_cast %parallel_loop3A_887#15 : vector<16xf32> to vector<16xf32>
        tpu.vector_store %arg9[%swap3A_948], %swap3A_951 {strides = array<i32>} : memref<1024xf32, #tpu.memory_space<vmem>>, vector<16xf32>,
      } else {
      }
      %eq3A_297 = arith.constant 0 : i32
      %eq3A_298 = arith.cmpi eq, %sub3A_155, %eq3A_297 : i32
      %convert_element_type3A_299 = arith.extui %eq3A_298 : i1 to i32
      %cond3A_300 = arith.constant 0 : i32
      %cond3A_301 = arith.cmpi ne, %convert_element_type3A_299, %cond3A_300 : i32
      scf.if %cond3A_301 {
        "tpu.region"() ({
          %run_scoped3A = tpu.sem_alloc : memref<!tpu.dma_semaphore, #tpu.memory_space<semaphore_mem>>
          %dma_start3A = arith.constant 0 : i32
          %dma_start3A_481 = tpu.memref_slice %arg4[%add3A, %select_n3A_152, %dma_start3A] : memref<32x16x1024xf32, #tpu.memory_space<hbm>> -> memref<1x1x1024xf32, #tpu.memory_space<hbm>>
          %dma_start3A_482 = tpu.memref_squeeze %dma_start3A_481 : memref<1x1x1024xf32, #tpu.memory_space<hbm>> -> memref<1024xf32, #tpu.memory_space<hbm>>
          %dma_start3A_483 = arith.constant 0 : i32
          %dma_start3A_484 = tpu.memref_slice %arg4[%add3A, %select_n3A_152, %dma_start3A_483] : memref<32x16x1024xf32, #tpu.memory_space<hbm>> -> memref<1x1x1024xf32, #tpu.memory_space<hbm>>
          %dma_start3A_485 = tpu.memref_squeeze %dma_start3A_484 : memref<1x1x1024xf32, #tpu.memory_space<hbm>> -> memref<1024xf32, #tpu.memory_space<hbm>>
          tpu.enqueue_dma source(%arg9 : memref<1024xf32, #tpu.memory_space<vmem>>) target(%dma_start3A_485 : memref<1024xf32, #tpu.memory_space<hbm>>) target_semaphore(%run_scoped3A : memref<!tpu.dma_semaphore, #tpu.memory_space<semaphore_mem>>)
          %dma_wait3A = arith.constant 0 : i32
          %dma_wait3A_486 = tpu.memref_slice %arg4[%add3A, %select_n3A_152, %dma_wait3A] : memref<32x16x1024xf32, #tpu.memory_space<hbm>> -> memref<1x1x1024xf32, #tpu.memory_space<hbm>>
          %dma_wait3A_487 = tpu.memref_squeeze %dma_wait3A_486 : memref<1x1x1024xf32, #tpu.memory_space<hbm>> -> memref<1024xf32, #tpu.memory_space<hbm>>
          %dma_wait3A_488 = arith.constant 0 : i32
          %dma_wait3A_489 = tpu.memref_slice %arg4[%add3A, %select_n3A_152, %dma_wait3A_488] : memref<32x16x1024xf32, #tpu.memory_space<hbm>> -> memref<1x1x1024xf32, #tpu.memory_space<hbm>>
          %dma_wait3A_490 = tpu.memref_squeeze %dma_wait3A_489 : memref<1x1x1024xf32, #tpu.memory_space<hbm>> -> memref<1024xf32, #tpu.memory_space<hbm>>
          tpu.wait_dma2 semaphore(%run_scoped3A : memref<!tpu.dma_semaphore, #tpu.memory_space<semaphore_mem>>) src(%arg9 : memref<1024xf32, #tpu.memory_space<vmem>>) dst(%dma_wait3A_490 : memref<1024xf32, #tpu.memory_space<hbm>>)
          tpu.yield
        }) : () -> ()
      } else {
      }
      %add3A_302 = arith.constant 1 : i32
      %add3A_303 = arith.addi %mul3A_127, %add3A_302 : i32
      %min3A_304 = arith.constant 15 : i32
      %min3A_305 = arith.minsi %add3A_303, %min3A_304 : i32
      %jit3A_306 = arith.constant 1 : i32
      %div3A_307 = arith.divsi %min3A_305, %jit3A_306 : i32
      %sign3A_308 = arith.constant 0 : i32
      %sign3A_309 = arith.cmpi sgt, %min3A_305, %sign3A_308 : i32
      %sign3A_310 = arith.extui %sign3A_309 : i1 to i32
      %sign3A_311 = arith.constant 0 : i32
      %sign3A_312 = arith.cmpi slt, %min3A_305, %sign3A_311 : i32
      %sign3A_313 = arith.extui %sign3A_312 : i1 to i32
      %sign3A_314 = arith.subi %sign3A_310, %sign3A_313 : i32
      %sign3A_315 = arith.constant 0 : i32
      %sign3A_316 = arith.cmpi sgt, %jit3A_306, %sign3A_315 : i32
      %sign3A_317 = arith.extui %sign3A_316 : i1 to i32
      %sign3A_318 = arith.constant 0 : i32
      %sign3A_319 = arith.cmpi slt, %jit3A_306, %sign3A_318 : i32
      %sign3A_320 = arith.extui %sign3A_319 : i1 to i32
      %sign3A_321 = arith.subi %sign3A_317, %sign3A_320 : i32
      %ne3A_322 = arith.cmpi ne, %sign3A_314, %sign3A_321 : i32
      %rem3A_323 = arith.remsi %min3A_305, %jit3A_306 : i32
      %ne3A_324 = arith.constant 0 : i32
      %ne3A_325 = arith.cmpi ne, %rem3A_323, %ne3A_324 : i32
      %and3A_326 = arith.andi %ne3A_322, %ne3A_325 : i1
      %sub3A_327 = arith.constant 1 : i32
      %sub3A_328 = arith.subi %div3A_307, %sub3A_327 : i32
      %select_n3A_329 = arith.select %and3A_326, %sub3A_328, %div3A_307 : i32
      %mul3A_330 = arith.constant 1 : i32
      %mul3A_331 = arith.muli %select_n3A_329, %mul3A_330 : i32
      %sub3A_332 = arith.subi %min3A_305, %mul3A_331 : i32
      %get3A_333 = arith.index_cast %select_n3A_329 : i32 to index
      %get3A_334 = memref.load %arg6[%get3A_333] : memref<16xi32, #tpu.memory_space<smem>>
      %sub3A_335 = arith.constant 32 : i32
      %sub3A_336 = arith.subi %sub3A_335, %select_n3A_329 : i32
      %mul3A_337 = arith.constant 2 : i32
      %mul3A_338 = arith.muli %mul3A_337, %sub3A_336 : i32
      %add3A_339 = arith.addi %add3A, %mul3A_338 : i32
      %rem3A_340 = arith.constant 32 : i32
      %rem3A_341 = arith.remsi %add3A_339, %rem3A_340 : i32
      %mul3A_342 = arith.constant 32 : i32
      %mul3A_343 = arith.muli %sub3A_332, %mul3A_342 : i32
      %add3A_344 = arith.addi %rem3A_341, %mul3A_343 : i32
      %jit3A_345 = arith.constant 8 : i32
      %div3A_346 = arith.divsi %add3A_344, %jit3A_345 : i32
      %sign3A_347 = arith.constant 0 : i32
      %sign3A_348 = arith.cmpi sgt, %add3A_344, %sign3A_347 : i32
      %sign3A_349 = arith.extui %sign3A_348 : i1 to i32
      %sign3A_350 = arith.constant 0 : i32
      %sign3A_351 = arith.cmpi slt, %add3A_344, %sign3A_350 : i32
      %sign3A_352 = arith.extui %sign3A_351 : i1 to i32
      %sign3A_353 = arith.subi %sign3A_349, %sign3A_352 : i32
      %sign3A_354 = arith.constant 0 : i32
      %sign3A_355 = arith.cmpi sgt, %jit3A_345, %sign3A_354 : i32
      %sign3A_356 = arith.extui %sign3A_355 : i1 to i32
      %sign3A_357 = arith.constant 0 : i32
      %sign3A_358 = arith.cmpi slt, %jit3A_345, %sign3A_357 : i32
      %sign3A_359 = arith.extui %sign3A_358 : i1 to i32
      %sign3A_360 = arith.subi %sign3A_356, %sign3A_359 : i32
      %ne3A_361 = arith.cmpi ne, %sign3A_353, %sign3A_360 : i32
      %rem3A_362 = arith.remsi %add3A_344, %jit3A_345 : i32
      %ne3A_363 = arith.constant 0 : i32
      %ne3A_364 = arith.cmpi ne, %rem3A_362, %ne3A_363 : i32
      %and3A_365 = arith.andi %ne3A_361, %ne3A_364 : i1
      %sub3A_366 = arith.constant 1 : i32
      %sub3A_367 = arith.subi %div3A_346, %sub3A_366 : i32
      %select_n3A_368 = arith.select %and3A_365, %sub3A_367, %div3A_346 : i32
      %mul3A_369 = arith.constant 8 : i32
      %mul3A_370 = arith.muli %select_n3A_368, %mul3A_369 : i32
      %sub3A_371 = arith.subi %add3A_344, %mul3A_370 : i32
      %mul3A_372 = arith.constant 1024 : i32
      %mul3A_373 = arith.muli %select_n3A_368, %mul3A_372 : i32
      %add3A_374 = arith.constant 640 : i32
      %add3A_375 = arith.addi %mul3A_373, %add3A_374 : i32
      %mul3A_376 = arith.constant 48 : i32
      %mul3A_377 = arith.muli %sub3A_371, %mul3A_376 : i32
      %add3A_378 = arith.addi %add3A_375, %mul3A_377 : i32
      %lt3A_379 = arith.constant 16 : i32
      %lt3A_380 = arith.cmpi slt, %add3A_303, %lt3A_379 : i32
      %lt3A_381 = arith.cmpi slt, %add3A_378, %get3A_334 : i32
      %and3A_382 = arith.andi %lt3A_380, %lt3A_381 : i1
      %add3A_383 = arith.constant 1 : i32
      %add3A_384 = arith.addi %add3A_303, %add3A_383 : i32
      %min3A_385 = arith.constant 15 : i32
      %min3A_386 = arith.minsi %add3A_384, %min3A_385 : i32
      %jit3A_387 = arith.constant 1 : i32
      %div3A_388 = arith.divsi %min3A_386, %jit3A_387 : i32
      %sign3A_389 = arith.constant 0 : i32
      %sign3A_390 = arith.cmpi sgt, %min3A_386, %sign3A_389 : i32
      %sign3A_391 = arith.extui %sign3A_390 : i1 to i32
      %sign3A_392 = arith.constant 0 : i32
      %sign3A_393 = arith.cmpi slt, %min3A_386, %sign3A_392 : i32
      %sign3A_394 = arith.extui %sign3A_393 : i1 to i32
      %sign3A_395 = arith.subi %sign3A_391, %sign3A_394 : i32
      %sign3A_396 = arith.constant 0 : i32
      %sign3A_397 = arith.cmpi sgt, %jit3A_387, %sign3A_396 : i32
      %sign3A_398 = arith.extui %sign3A_397 : i1 to i32
      %sign3A_399 = arith.constant 0 : i32
      %sign3A_400 = arith.cmpi slt, %jit3A_387, %sign3A_399 : i32
      %sign3A_401 = arith.extui %sign3A_400 : i1 to i32
      %sign3A_402 = arith.subi %sign3A_398, %sign3A_401 : i32
      %ne3A_403 = arith.cmpi ne, %sign3A_395, %sign3A_402 : i32
      %rem3A_404 = arith.remsi %min3A_386, %jit3A_387 : i32
      %ne3A_405 = arith.constant 0 : i32
      %ne3A_406 = arith.cmpi ne, %rem3A_404, %ne3A_405 : i32
      %and3A_407 = arith.andi %ne3A_403, %ne3A_406 : i1
      %sub3A_408 = arith.constant 1 : i32
      %sub3A_409 = arith.subi %div3A_388, %sub3A_408 : i32
      %select_n3A_410 = arith.select %and3A_407, %sub3A_409, %div3A_388 : i32
      %mul3A_411 = arith.constant 1 : i32
      %mul3A_412 = arith.muli %select_n3A_410, %mul3A_411 : i32
      %sub3A_413 = arith.subi %min3A_386, %mul3A_412 : i32
      %get3A_414 = arith.index_cast %select_n3A_410 : i32 to index
      %get3A_415 = memref.load %arg6[%get3A_414] : memref<16xi32, #tpu.memory_space<smem>>
      %sub3A_416 = arith.constant 32 : i32
      %sub3A_417 = arith.subi %sub3A_416, %select_n3A_410 : i32
      %mul3A_418 = arith.constant 2 : i32
      %mul3A_419 = arith.muli %mul3A_418, %sub3A_417 : i32
      %add3A_420 = arith.addi %add3A, %mul3A_419 : i32
      %rem3A_421 = arith.constant 32 : i32
      %rem3A_422 = arith.remsi %add3A_420, %rem3A_421 : i32
      %mul3A_423 = arith.constant 32 : i32
      %mul3A_424 = arith.muli %sub3A_413, %mul3A_423 : i32
      %add3A_425 = arith.addi %rem3A_422, %mul3A_424 : i32
      %jit3A_426 = arith.constant 8 : i32
      %div3A_427 = arith.divsi %add3A_425, %jit3A_426 : i32
      %sign3A_428 = arith.constant 0 : i32
      %sign3A_429 = arith.cmpi sgt, %add3A_425, %sign3A_428 : i32
      %sign3A_430 = arith.extui %sign3A_429 : i1 to i32
      %sign3A_431 = arith.constant 0 : i32
      %sign3A_432 = arith.cmpi slt, %add3A_425, %sign3A_431 : i32
      %sign3A_433 = arith.extui %sign3A_432 : i1 to i32
      %sign3A_434 = arith.subi %sign3A_430, %sign3A_433 : i32
      %sign3A_435 = arith.constant 0 : i32
      %sign3A_436 = arith.cmpi sgt, %jit3A_426, %sign3A_435 : i32
      %sign3A_437 = arith.extui %sign3A_436 : i1 to i32
      %sign3A_438 = arith.constant 0 : i32
      %sign3A_439 = arith.cmpi slt, %jit3A_426, %sign3A_438 : i32
      %sign3A_440 = arith.extui %sign3A_439 : i1 to i32
      %sign3A_441 = arith.subi %sign3A_437, %sign3A_440 : i32
      %ne3A_442 = arith.cmpi ne, %sign3A_434, %sign3A_441 : i32
      %rem3A_443 = arith.remsi %add3A_425, %jit3A_426 : i32
      %ne3A_444 = arith.constant 0 : i32
      %ne3A_445 = arith.cmpi ne, %rem3A_443, %ne3A_444 : i32
      %and3A_446 = arith.andi %ne3A_442, %ne3A_445 : i1
      %sub3A_447 = arith.constant 1 : i32
      %sub3A_448 = arith.subi %div3A_427, %sub3A_447 : i32
      %select_n3A_449 = arith.select %and3A_446, %sub3A_448, %div3A_427 : i32
      %mul3A_450 = arith.constant 8 : i32
      %mul3A_451 = arith.muli %select_n3A_449, %mul3A_450 : i32
      %sub3A_452 = arith.subi %add3A_425, %mul3A_451 : i32
      %mul3A_453 = arith.constant 1024 : i32
      %mul3A_454 = arith.muli %select_n3A_449, %mul3A_453 : i32
      %add3A_455 = arith.constant 640 : i32
      %add3A_456 = arith.addi %mul3A_454, %add3A_455 : i32
      %mul3A_457 = arith.constant 48 : i32
      %mul3A_458 = arith.muli %sub3A_452, %mul3A_457 : i32
      %add3A_459 = arith.addi %add3A_456, %mul3A_458 : i32
      %lt3A_460 = arith.constant 16 : i32
      %lt3A_461 = arith.cmpi slt, %add3A_384, %lt3A_460 : i32
      %lt3A_462 = arith.cmpi slt, %add3A_459, %get3A_415 : i32
      %and3A_463 = arith.andi %lt3A_461, %lt3A_462 : i1
      %convert_element_type3A_464 = arith.extui %and3A_463 : i1 to i32
      %cond3A_465 = arith.constant 0 : i32
      %cond3A_466 = arith.cmpi ne, %convert_element_type3A_464, %cond3A_465 : i32
      scf.if %cond3A_466 {
        %dma_start3A = arith.constant 0 : i32
        %dma_start3A_481 = tpu.memref_slice %arg2[%select_n3A_410, %add3A_459, %dma_start3A] : memref<16x4096x1024xf32, #tpu.memory_space<hbm>> -> memref<1x48x1024xf32, #tpu.memory_space<hbm>>
        %dma_start3A_482 = tpu.memref_squeeze %dma_start3A_481 : memref<1x48x1024xf32, #tpu.memory_space<hbm>> -> memref<48x1024xf32, #tpu.memory_space<hbm>>
        %dma_start3A_483 = arith.constant 0 : i32
        %dma_start3A_484 = tpu.memref_slice %arg2[%select_n3A_410, %add3A_459, %dma_start3A_483] : memref<16x4096x1024xf32, #tpu.memory_space<hbm>> -> memref<1x48x1024xf32, #tpu.memory_space<hbm>>
        %dma_start3A_485 = tpu.memref_squeeze %dma_start3A_484 : memref<1x48x1024xf32, #tpu.memory_space<hbm>> -> memref<48x1024xf32, #tpu.memory_space<hbm>>
        tpu.enqueue_dma source(%dma_start3A_485 : memref<48x1024xf32, #tpu.memory_space<hbm>>) target(%arg7 : memref<48x1024xf32, #tpu.memory_space<vmem>>) target_semaphore(%arg10 : memref<!tpu.dma_semaphore, #tpu.memory_space<semaphore_mem>>)
      } else {
      }
      %eq3A_467 = arith.constant 0 : i32
      %eq3A_468 = arith.cmpi eq, %sub3A_332, %eq3A_467 : i32
      %convert_element_type3A_469 = arith.extui %eq3A_468 : i1 to i32
      %cond3A_470 = arith.constant 0 : i32
      %cond3A_471 = arith.cmpi ne, %convert_element_type3A_469, %cond3A_470 : i32
      scf.if %cond3A_471 {
        %scan3A_481 = arith.constant 0 : i32
        %scan3A_482 = arith.constant 0 : i32
        %scan3A_483 = arith.constant 64 : i32
        %scan3A_484 = arith.addi %scan3A_482, %scan3A_483 : i32
        %scan3A_485 = arith.constant 1 : i32
        %scan3A_486 = scf.for %scan3A_488 = %scan3A_482 to %scan3A_484 step %scan3A_485 iter_args(%scan3A_489 = %scan3A_481) -> (i32)  : i32 {
          %broadcast_in_dim3A = arith.constant 0.000000e+00 : f32
          %broadcast_in_dim3A_490 = vector.broadcast %broadcast_in_dim3A : f32 to vector<16xf32>
          %mul3A_491 = arith.constant 16 : i32
          %mul3A_492 = arith.muli %scan3A_488, %mul3A_491 : i32
          %swap3A_493 = arith.index_cast %mul3A_492 : i32 to index
          %swap3A_494 = tpu.vector_load %arg9[%swap3A_493] {strides = array<i32>} : memref<1024xf32, #tpu.memory_space<vmem>>, vector<16xf32>,
          %swap3A_495 = vector.shape_cast %swap3A_494 : vector<16xf32> to vector<16xf32>
          %swap3A_496 = vector.shape_cast %broadcast_in_dim3A_490 : vector<16xf32> to vector<16xf32>
          tpu.vector_store %arg9[%swap3A_493], %swap3A_496 {strides = array<i32>} : memref<1024xf32, #tpu.memory_space<vmem>>, vector<16xf32>,
          %scan3A_497 = arith.constant 0 : i32
          scf.yield %scan3A_497 : i32
        }
        %scan3A_487 = arith.constant 64 : i32
      } else {
      }
      %convert_element_type3A_472 = arith.extui %and3A_382 : i1 to i32
      %cond3A_473 = arith.constant 0 : i32
      %cond3A_474 = arith.cmpi ne, %convert_element_type3A_472, %cond3A_473 : i32
      scf.if %cond3A_474 {
        %dma_wait3A = arith.constant 0 : i32
        %dma_wait3A_481 = arith.constant 0 : i32
        %dma_wait3A_482 = arith.constant 0 : i32
        %dma_wait3A_483 = tpu.memref_slice %arg2[%dma_wait3A, %dma_wait3A_481, %dma_wait3A_482] : memref<16x4096x1024xf32, #tpu.memory_space<hbm>> -> memref<1x48x1024xf32, #tpu.memory_space<hbm>>
        %dma_wait3A_484 = tpu.memref_squeeze %dma_wait3A_483 : memref<1x48x1024xf32, #tpu.memory_space<hbm>> -> memref<48x1024xf32, #tpu.memory_space<hbm>>
        %dma_wait3A_485 = arith.constant 0 : i32
        %dma_wait3A_486 = arith.constant 0 : i32
        %dma_wait3A_487 = tpu.memref_slice %arg2[%dma_wait3A, %dma_wait3A_485, %dma_wait3A_486] : memref<16x4096x1024xf32, #tpu.memory_space<hbm>> -> memref<1x48x1024xf32, #tpu.memory_space<hbm>>
        %dma_wait3A_488 = tpu.memref_squeeze %dma_wait3A_487 : memref<1x48x1024xf32, #tpu.memory_space<hbm>> -> memref<48x1024xf32, #tpu.memory_space<hbm>>
        tpu.wait_dma2 semaphore(%arg11 : memref<!tpu.dma_semaphore, #tpu.memory_space<semaphore_mem>>) src(%dma_wait3A_488 : memref<48x1024xf32, #tpu.memory_space<hbm>>) dst(%arg8 : memref<48x1024xf32, #tpu.memory_space<vmem>>)
        %sub3A_489 = arith.subi %get3A_334, %add3A_378 : i32
        %jit3A_490 = arith.constant 0 : i32
        %jit3A_491 = arith.constant 48 : i32
        %max3A = arith.maxsi %jit3A_490, %sub3A_489 : i32
        %min3A_492 = arith.minsi %jit3A_491, %max3A : i32
        %get3A_493 = arith.constant 0 : index
        %get3A_494 = tpu.vector_load %arg9[%get3A_493] {strides = array<i32>} : memref<1024xf32, #tpu.memory_space<vmem>>, vector<16xf32>,
        %get3A_495 = vector.shape_cast %get3A_494 : vector<16xf32> to vector<16xf32>
        %get3A_496 = arith.constant 16 : index
        %get3A_497 = tpu.vector_load %arg9[%get3A_496] {strides = array<i32>} : memref<1024xf32, #tpu.memory_space<vmem>>, vector<16xf32>,
        %get3A_498 = vector.shape_cast %get3A_497 : vector<16xf32> to vector<16xf32>
        %get3A_499 = arith.constant 32 : index
        %get3A_500 = tpu.vector_load %arg9[%get3A_499] {strides = array<i32>} : memref<1024xf32, #tpu.memory_space<vmem>>, vector<16xf32>,
        %get3A_501 = vector.shape_cast %get3A_500 : vector<16xf32> to vector<16xf32>
        %get3A_502 = arith.constant 48 : index
        %get3A_503 = tpu.vector_load %arg9[%get3A_502] {strides = array<i32>} : memref<1024xf32, #tpu.memory_space<vmem>>, vector<16xf32>,
        %get3A_504 = vector.shape_cast %get3A_503 : vector<16xf32> to vector<16xf32>
        %get3A_505 = arith.constant 64 : index
        %get3A_506 = tpu.vector_load %arg9[%get3A_505] {strides = array<i32>} : memref<1024xf32, #tpu.memory_space<vmem>>, vector<16xf32>,
        %get3A_507 = vector.shape_cast %get3A_506 : vector<16xf32> to vector<16xf32>
        %get3A_508 = arith.constant 80 : index
        %get3A_509 = tpu.vector_load %arg9[%get3A_508] {strides = array<i32>} : memref<1024xf32, #tpu.memory_space<vmem>>, vector<16xf32>,
        %get3A_510 = vector.shape_cast %get3A_509 : vector<16xf32> to vector<16xf32>
        %get3A_511 = arith.constant 96 : index
        %get3A_512 = tpu.vector_load %arg9[%get3A_511] {strides = array<i32>} : memref<1024xf32, #tpu.memory_space<vmem>>, vector<16xf32>,
        %get3A_513 = vector.shape_cast %get3A_512 : vector<16xf32> to vector<16xf32>
        %get3A_514 = arith.constant 112 : index
        %get3A_515 = tpu.vector_load %arg9[%get3A_514] {strides = array<i32>} : memref<1024xf32, #tpu.memory_space<vmem>>, vector<16xf32>,
        %get3A_516 = vector.shape_cast %get3A_515 : vector<16xf32> to vector<16xf32>
        %get3A_517 = arith.constant 128 : index
        %get3A_518 = tpu.vector_load %arg9[%get3A_517] {strides = array<i32>} : memref<1024xf32, #tpu.memory_space<vmem>>, vector<16xf32>,
        %get3A_519 = vector.shape_cast %get3A_518 : vector<16xf32> to vector<16xf32>
        %get3A_520 = arith.constant 144 : index
        %get3A_521 = tpu.vector_load %arg9[%get3A_520] {strides = array<i32>} : memref<1024xf32, #tpu.memory_space<vmem>>, vector<16xf32>,
        %get3A_522 = vector.shape_cast %get3A_521 : vector<16xf32> to vector<16xf32>
        %get3A_523 = arith.constant 160 : index
        %get3A_524 = tpu.vector_load %arg9[%get3A_523] {strides = array<i32>} : memref<1024xf32, #tpu.memory_space<vmem>>, vector<16xf32>,
        %get3A_525 = vector.shape_cast %get3A_524 : vector<16xf32> to vector<16xf32>
        %get3A_526 = arith.constant 176 : index
        %get3A_527 = tpu.vector_load %arg9[%get3A_526] {strides = array<i32>} : memref<1024xf32, #tpu.memory_space<vmem>>, vector<16xf32>,
        %get3A_528 = vector.shape_cast %get3A_527 : vector<16xf32> to vector<16xf32>
        %get3A_529 = arith.constant 192 : index
        %get3A_530 = tpu.vector_load %arg9[%get3A_529] {strides = array<i32>} : memref<1024xf32, #tpu.memory_space<vmem>>, vector<16xf32>,
        %get3A_531 = vector.shape_cast %get3A_530 : vector<16xf32> to vector<16xf32>
        %get3A_532 = arith.constant 208 : index
        %get3A_533 = tpu.vector_load %arg9[%get3A_532] {strides = array<i32>} : memref<1024xf32, #tpu.memory_space<vmem>>, vector<16xf32>,
        %get3A_534 = vector.shape_cast %get3A_533 : vector<16xf32> to vector<16xf32>
        %get3A_535 = arith.constant 224 : index
        %get3A_536 = tpu.vector_load %arg9[%get3A_535] {strides = array<i32>} : memref<1024xf32, #tpu.memory_space<vmem>>, vector<16xf32>,
        %get3A_537 = vector.shape_cast %get3A_536 : vector<16xf32> to vector<16xf32>
        %get3A_538 = arith.constant 240 : index
        %get3A_539 = tpu.vector_load %arg9[%get3A_538] {strides = array<i32>} : memref<1024xf32, #tpu.memory_space<vmem>>, vector<16xf32>,
        %get3A_540 = vector.shape_cast %get3A_539 : vector<16xf32> to vector<16xf32>
        %parallel_loop3A = arith.constant 0 : i32
        %parallel_loop3A_541 = arith.constant 1 : i32
        %parallel_loop3A_542:16 = scf.for %parallel_loop3A_952 = %parallel_loop3A to %min3A_492 step %parallel_loop3A_541 iter_args(%parallel_loop3A_953 = %get3A_495, %parallel_loop3A_954 = %get3A_498, %parallel_loop3A_955 = %get3A_501, %parallel_loop3A_956 = %get3A_504, %parallel_loop3A_957 = %get3A_507, %parallel_loop3A_958 = %get3A_510, %parallel_loop3A_959 = %get3A_513, %parallel_loop3A_960 = %get3A_516, %parallel_loop3A_961 = %get3A_519, %parallel_loop3A_962 = %get3A_522, %parallel_loop3A_963 = %get3A_525, %parallel_loop3A_964 = %get3A_528, %parallel_loop3A_965 = %get3A_531, %parallel_loop3A_966 = %get3A_534, %parallel_loop3A_967 = %get3A_537, %parallel_loop3A_968 = %get3A_540) -> (vector<16xf32>, vector<16xf32>, vector<16xf32>, vector<16xf32>, vector<16xf32>, vector<16xf32>, vector<16xf32>, vector<16xf32>, vector<16xf32>, vector<16xf32>, vector<16xf32>, vector<16xf32>, vector<16xf32>, vector<16xf32>, vector<16xf32>, vector<16xf32>)  : i32 {
          %parallel_loop3A_969 = arith.index_cast %parallel_loop3A_952 : i32 to index
          %parallel_loop3A_970 = arith.constant 0 : index
          %parallel_loop3A_971 = tpu.vector_load %arg8[%parallel_loop3A_969, %parallel_loop3A_970] {strides = array<i32>} : memref<48x1024xf32, #tpu.memory_space<vmem>>, vector<1x16xf32>,
          %parallel_loop3A_972 = vector.shape_cast %parallel_loop3A_971 : vector<1x16xf32> to vector<16xf32>
          %parallel_loop3A_973 = arith.addf %parallel_loop3A_953, %parallel_loop3A_972 : vector<16xf32>
          %parallel_loop3A_974 = arith.index_cast %parallel_loop3A_952 : i32 to index
          %parallel_loop3A_975 = arith.constant 16 : index
          %parallel_loop3A_976 = tpu.vector_load %arg8[%parallel_loop3A_974, %parallel_loop3A_975] {strides = array<i32>} : memref<48x1024xf32, #tpu.memory_space<vmem>>, vector<1x16xf32>,
          %parallel_loop3A_977 = vector.shape_cast %parallel_loop3A_976 : vector<1x16xf32> to vector<16xf32>
          %parallel_loop3A_978 = arith.addf %parallel_loop3A_954, %parallel_loop3A_977 : vector<16xf32>
          %parallel_loop3A_979 = arith.index_cast %parallel_loop3A_952 : i32 to index
          %parallel_loop3A_980 = arith.constant 32 : index
          %parallel_loop3A_981 = tpu.vector_load %arg8[%parallel_loop3A_979, %parallel_loop3A_980] {strides = array<i32>} : memref<48x1024xf32, #tpu.memory_space<vmem>>, vector<1x16xf32>,
          %parallel_loop3A_982 = vector.shape_cast %parallel_loop3A_981 : vector<1x16xf32> to vector<16xf32>
          %parallel_loop3A_983 = arith.addf %parallel_loop3A_955, %parallel_loop3A_982 : vector<16xf32>
          %parallel_loop3A_984 = arith.index_cast %parallel_loop3A_952 : i32 to index
          %parallel_loop3A_985 = arith.constant 48 : index
          %parallel_loop3A_986 = tpu.vector_load %arg8[%parallel_loop3A_984, %parallel_loop3A_985] {strides = array<i32>} : memref<48x1024xf32, #tpu.memory_space<vmem>>, vector<1x16xf32>,
          %parallel_loop3A_987 = vector.shape_cast %parallel_loop3A_986 : vector<1x16xf32> to vector<16xf32>
          %parallel_loop3A_988 = arith.addf %parallel_loop3A_956, %parallel_loop3A_987 : vector<16xf32>
          %parallel_loop3A_989 = arith.index_cast %parallel_loop3A_952 : i32 to index
          %parallel_loop3A_990 = arith.constant 64 : index
          %parallel_loop3A_991 = tpu.vector_load %arg8[%parallel_loop3A_989, %parallel_loop3A_990] {strides = array<i32>} : memref<48x1024xf32, #tpu.memory_space<vmem>>, vector<1x16xf32>,
          %parallel_loop3A_992 = vector.shape_cast %parallel_loop3A_991 : vector<1x16xf32> to vector<16xf32>
          %parallel_loop3A_993 = arith.addf %parallel_loop3A_957, %parallel_loop3A_992 : vector<16xf32>
          %parallel_loop3A_994 = arith.index_cast %parallel_loop3A_952 : i32 to index
          %parallel_loop3A_995 = arith.constant 80 : index
          %parallel_loop3A_996 = tpu.vector_load %arg8[%parallel_loop3A_994, %parallel_loop3A_995] {strides = array<i32>} : memref<48x1024xf32, #tpu.memory_space<vmem>>, vector<1x16xf32>,
          %parallel_loop3A_997 = vector.shape_cast %parallel_loop3A_996 : vector<1x16xf32> to vector<16xf32>
          %parallel_loop3A_998 = arith.addf %parallel_loop3A_958, %parallel_loop3A_997 : vector<16xf32>
          %parallel_loop3A_999 = arith.index_cast %parallel_loop3A_952 : i32 to index
          %parallel_loop3A_1000 = arith.constant 96 : index
          %parallel_loop3A_1001 = tpu.vector_load %arg8[%parallel_loop3A_999, %parallel_loop3A_1000] {strides = array<i32>} : memref<48x1024xf32, #tpu.memory_space<vmem>>, vector<1x16xf32>,
          %parallel_loop3A_1002 = vector.shape_cast %parallel_loop3A_1001 : vector<1x16xf32> to vector<16xf32>
          %parallel_loop3A_1003 = arith.addf %parallel_loop3A_959, %parallel_loop3A_1002 : vector<16xf32>
          %parallel_loop3A_1004 = arith.index_cast %parallel_loop3A_952 : i32 to index
          %parallel_loop3A_1005 = arith.constant 112 : index
          %parallel_loop3A_1006 = tpu.vector_load %arg8[%parallel_loop3A_1004, %parallel_loop3A_1005] {strides = array<i32>} : memref<48x1024xf32, #tpu.memory_space<vmem>>, vector<1x16xf32>,
          %parallel_loop3A_1007 = vector.shape_cast %parallel_loop3A_1006 : vector<1x16xf32> to vector<16xf32>
          %parallel_loop3A_1008 = arith.addf %parallel_loop3A_960, %parallel_loop3A_1007 : vector<16xf32>
          %parallel_loop3A_1009 = arith.index_cast %parallel_loop3A_952 : i32 to index
          %parallel_loop3A_1010 = arith.constant 128 : index
          %parallel_loop3A_1011 = tpu.vector_load %arg8[%parallel_loop3A_1009, %parallel_loop3A_1010] {strides = array<i32>} : memref<48x1024xf32, #tpu.memory_space<vmem>>, vector<1x16xf32>,
          %parallel_loop3A_1012 = vector.shape_cast %parallel_loop3A_1011 : vector<1x16xf32> to vector<16xf32>
          %parallel_loop3A_1013 = arith.addf %parallel_loop3A_961, %parallel_loop3A_1012 : vector<16xf32>
          %parallel_loop3A_1014 = arith.index_cast %parallel_loop3A_952 : i32 to index
          %parallel_loop3A_1015 = arith.constant 144 : index
          %parallel_loop3A_1016 = tpu.vector_load %arg8[%parallel_loop3A_1014, %parallel_loop3A_1015] {strides = array<i32>} : memref<48x1024xf32, #tpu.memory_space<vmem>>, vector<1x16xf32>,
          %parallel_loop3A_1017 = vector.shape_cast %parallel_loop3A_1016 : vector<1x16xf32> to vector<16xf32>
          %parallel_loop3A_1018 = arith.addf %parallel_loop3A_962, %parallel_loop3A_1017 : vector<16xf32>
          %parallel_loop3A_1019 = arith.index_cast %parallel_loop3A_952 : i32 to index
          %parallel_loop3A_1020 = arith.constant 160 : index
          %parallel_loop3A_1021 = tpu.vector_load %arg8[%parallel_loop3A_1019, %parallel_loop3A_1020] {strides = array<i32>} : memref<48x1024xf32, #tpu.memory_space<vmem>>, vector<1x16xf32>,
          %parallel_loop3A_1022 = vector.shape_cast %parallel_loop3A_1021 : vector<1x16xf32> to vector<16xf32>
          %parallel_loop3A_1023 = arith.addf %parallel_loop3A_963, %parallel_loop3A_1022 : vector<16xf32>
          %parallel_loop3A_1024 = arith.index_cast %parallel_loop3A_952 : i32 to index
          %parallel_loop3A_1025 = arith.constant 176 : index
          %parallel_loop3A_1026 = tpu.vector_load %arg8[%parallel_loop3A_1024, %parallel_loop3A_1025] {strides = array<i32>} : memref<48x1024xf32, #tpu.memory_space<vmem>>, vector<1x16xf32>,
          %parallel_loop3A_1027 = vector.shape_cast %parallel_loop3A_1026 : vector<1x16xf32> to vector<16xf32>
          %parallel_loop3A_1028 = arith.addf %parallel_loop3A_964, %parallel_loop3A_1027 : vector<16xf32>
          %parallel_loop3A_1029 = arith.index_cast %parallel_loop3A_952 : i32 to index
          %parallel_loop3A_1030 = arith.constant 192 : index
          %parallel_loop3A_1031 = tpu.vector_load %arg8[%parallel_loop3A_1029, %parallel_loop3A_1030] {strides = array<i32>} : memref<48x1024xf32, #tpu.memory_space<vmem>>, vector<1x16xf32>,
          %parallel_loop3A_1032 = vector.shape_cast %parallel_loop3A_1031 : vector<1x16xf32> to vector<16xf32>
          %parallel_loop3A_1033 = arith.addf %parallel_loop3A_965, %parallel_loop3A_1032 : vector<16xf32>
          %parallel_loop3A_1034 = arith.index_cast %parallel_loop3A_952 : i32 to index
          %parallel_loop3A_1035 = arith.constant 208 : index
          %parallel_loop3A_1036 = tpu.vector_load %arg8[%parallel_loop3A_1034, %parallel_loop3A_1035] {strides = array<i32>} : memref<48x1024xf32, #tpu.memory_space<vmem>>, vector<1x16xf32>,
          %parallel_loop3A_1037 = vector.shape_cast %parallel_loop3A_1036 : vector<1x16xf32> to vector<16xf32>
          %parallel_loop3A_1038 = arith.addf %parallel_loop3A_966, %parallel_loop3A_1037 : vector<16xf32>
          %parallel_loop3A_1039 = arith.index_cast %parallel_loop3A_952 : i32 to index
          %parallel_loop3A_1040 = arith.constant 224 : index
          %parallel_loop3A_1041 = tpu.vector_load %arg8[%parallel_loop3A_1039, %parallel_loop3A_1040] {strides = array<i32>} : memref<48x1024xf32, #tpu.memory_space<vmem>>, vector<1x16xf32>,
          %parallel_loop3A_1042 = vector.shape_cast %parallel_loop3A_1041 : vector<1x16xf32> to vector<16xf32>
          %parallel_loop3A_1043 = arith.addf %parallel_loop3A_967, %parallel_loop3A_1042 : vector<16xf32>
          %parallel_loop3A_1044 = arith.index_cast %parallel_loop3A_952 : i32 to index
          %parallel_loop3A_1045 = arith.constant 240 : index
          %parallel_loop3A_1046 = tpu.vector_load %arg8[%parallel_loop3A_1044, %parallel_loop3A_1045] {strides = array<i32>} : memref<48x1024xf32, #tpu.memory_space<vmem>>, vector<1x16xf32>,
          %parallel_loop3A_1047 = vector.shape_cast %parallel_loop3A_1046 : vector<1x16xf32> to vector<16xf32>
          %parallel_loop3A_1048 = arith.addf %parallel_loop3A_968, %parallel_loop3A_1047 : vector<16xf32>
          scf.yield %parallel_loop3A_973, %parallel_loop3A_978, %parallel_loop3A_983, %parallel_loop3A_988, %parallel_loop3A_993, %parallel_loop3A_998, %parallel_loop3A_1003, %parallel_loop3A_1008, %parallel_loop3A_1013, %parallel_loop3A_1018, %parallel_loop3A_1023, %parallel_loop3A_1028, %parallel_loop3A_1033, %parallel_loop3A_1038, %parallel_loop3A_1043, %parallel_loop3A_1048 : vector<16xf32>, vector<16xf32>, vector<16xf32>, vector<16xf32>, vector<16xf32>, vector<16xf32>, vector<16xf32>, vector<16xf32>, vector<16xf32>, vector<16xf32>, vector<16xf32>, vector<16xf32>, vector<16xf32>, vector<16xf32>, vector<16xf32>, vector<16xf32>
        } {sc.loop_unroll_factor = 1 : i64, sc.parallel_access}
        %swap3A_543 = arith.constant 0 : index
        %swap3A_544 = tpu.vector_load %arg9[%swap3A_543] {strides = array<i32>} : memref<1024xf32, #tpu.memory_space<vmem>>, vector<16xf32>,
        %swap3A_545 = vector.shape_cast %swap3A_544 : vector<16xf32> to vector<16xf32>
        %swap3A_546 = vector.shape_cast %parallel_loop3A_542#0 : vector<16xf32> to vector<16xf32>
        tpu.vector_store %arg9[%swap3A_543], %swap3A_546 {strides = array<i32>} : memref<1024xf32, #tpu.memory_space<vmem>>, vector<16xf32>,
        %swap3A_547 = arith.constant 16 : index
        %swap3A_548 = tpu.vector_load %arg9[%swap3A_547] {strides = array<i32>} : memref<1024xf32, #tpu.memory_space<vmem>>, vector<16xf32>,
        %swap3A_549 = vector.shape_cast %swap3A_548 : vector<16xf32> to vector<16xf32>
        %swap3A_550 = vector.shape_cast %parallel_loop3A_542#1 : vector<16xf32> to vector<16xf32>
        tpu.vector_store %arg9[%swap3A_547], %swap3A_550 {strides = array<i32>} : memref<1024xf32, #tpu.memory_space<vmem>>, vector<16xf32>,
        %swap3A_551 = arith.constant 32 : index
        %swap3A_552 = tpu.vector_load %arg9[%swap3A_551] {strides = array<i32>} : memref<1024xf32, #tpu.memory_space<vmem>>, vector<16xf32>,
        %swap3A_553 = vector.shape_cast %swap3A_552 : vector<16xf32> to vector<16xf32>
        %swap3A_554 = vector.shape_cast %parallel_loop3A_542#2 : vector<16xf32> to vector<16xf32>
        tpu.vector_store %arg9[%swap3A_551], %swap3A_554 {strides = array<i32>} : memref<1024xf32, #tpu.memory_space<vmem>>, vector<16xf32>,
        %swap3A_555 = arith.constant 48 : index
        %swap3A_556 = tpu.vector_load %arg9[%swap3A_555] {strides = array<i32>} : memref<1024xf32, #tpu.memory_space<vmem>>, vector<16xf32>,
        %swap3A_557 = vector.shape_cast %swap3A_556 : vector<16xf32> to vector<16xf32>
        %swap3A_558 = vector.shape_cast %parallel_loop3A_542#3 : vector<16xf32> to vector<16xf32>
        tpu.vector_store %arg9[%swap3A_555], %swap3A_558 {strides = array<i32>} : memref<1024xf32, #tpu.memory_space<vmem>>, vector<16xf32>,
        %swap3A_559 = arith.constant 64 : index
        %swap3A_560 = tpu.vector_load %arg9[%swap3A_559] {strides = array<i32>} : memref<1024xf32, #tpu.memory_space<vmem>>, vector<16xf32>,
        %swap3A_561 = vector.shape_cast %swap3A_560 : vector<16xf32> to vector<16xf32>
        %swap3A_562 = vector.shape_cast %parallel_loop3A_542#4 : vector<16xf32> to vector<16xf32>
        tpu.vector_store %arg9[%swap3A_559], %swap3A_562 {strides = array<i32>} : memref<1024xf32, #tpu.memory_space<vmem>>, vector<16xf32>,
        %swap3A_563 = arith.constant 80 : index
        %swap3A_564 = tpu.vector_load %arg9[%swap3A_563] {strides = array<i32>} : memref<1024xf32, #tpu.memory_space<vmem>>, vector<16xf32>,
        %swap3A_565 = vector.shape_cast %swap3A_564 : vector<16xf32> to vector<16xf32>
        %swap3A_566 = vector.shape_cast %parallel_loop3A_542#5 : vector<16xf32> to vector<16xf32>
        tpu.vector_store %arg9[%swap3A_563], %swap3A_566 {strides = array<i32>} : memref<1024xf32, #tpu.memory_space<vmem>>, vector<16xf32>,
        %swap3A_567 = arith.constant 96 : index
        %swap3A_568 = tpu.vector_load %arg9[%swap3A_567] {strides = array<i32>} : memref<1024xf32, #tpu.memory_space<vmem>>, vector<16xf32>,
        %swap3A_569 = vector.shape_cast %swap3A_568 : vector<16xf32> to vector<16xf32>
        %swap3A_570 = vector.shape_cast %parallel_loop3A_542#6 : vector<16xf32> to vector<16xf32>
        tpu.vector_store %arg9[%swap3A_567], %swap3A_570 {strides = array<i32>} : memref<1024xf32, #tpu.memory_space<vmem>>, vector<16xf32>,
        %swap3A_571 = arith.constant 112 : index
        %swap3A_572 = tpu.vector_load %arg9[%swap3A_571] {strides = array<i32>} : memref<1024xf32, #tpu.memory_space<vmem>>, vector<16xf32>,
        %swap3A_573 = vector.shape_cast %swap3A_572 : vector<16xf32> to vector<16xf32>
        %swap3A_574 = vector.shape_cast %parallel_loop3A_542#7 : vector<16xf32> to vector<16xf32>
        tpu.vector_store %arg9[%swap3A_571], %swap3A_574 {strides = array<i32>} : memref<1024xf32, #tpu.memory_space<vmem>>, vector<16xf32>,
        %swap3A_575 = arith.constant 128 : index
        %swap3A_576 = tpu.vector_load %arg9[%swap3A_575] {strides = array<i32>} : memref<1024xf32, #tpu.memory_space<vmem>>, vector<16xf32>,
        %swap3A_577 = vector.shape_cast %swap3A_576 : vector<16xf32> to vector<16xf32>
        %swap3A_578 = vector.shape_cast %parallel_loop3A_542#8 : vector<16xf32> to vector<16xf32>
        tpu.vector_store %arg9[%swap3A_575], %swap3A_578 {strides = array<i32>} : memref<1024xf32, #tpu.memory_space<vmem>>, vector<16xf32>,
        %swap3A_579 = arith.constant 144 : index
        %swap3A_580 = tpu.vector_load %arg9[%swap3A_579] {strides = array<i32>} : memref<1024xf32, #tpu.memory_space<vmem>>, vector<16xf32>,
        %swap3A_581 = vector.shape_cast %swap3A_580 : vector<16xf32> to vector<16xf32>
        %swap3A_582 = vector.shape_cast %parallel_loop3A_542#9 : vector<16xf32> to vector<16xf32>
        tpu.vector_store %arg9[%swap3A_579], %swap3A_582 {strides = array<i32>} : memref<1024xf32, #tpu.memory_space<vmem>>, vector<16xf32>,
        %swap3A_583 = arith.constant 160 : index
        %swap3A_584 = tpu.vector_load %arg9[%swap3A_583] {strides = array<i32>} : memref<1024xf32, #tpu.memory_space<vmem>>, vector<16xf32>,
        %swap3A_585 = vector.shape_cast %swap3A_584 : vector<16xf32> to vector<16xf32>
        %swap3A_586 = vector.shape_cast %parallel_loop3A_542#10 : vector<16xf32> to vector<16xf32>
        tpu.vector_store %arg9[%swap3A_583], %swap3A_586 {strides = array<i32>} : memref<1024xf32, #tpu.memory_space<vmem>>, vector<16xf32>,
        %swap3A_587 = arith.constant 176 : index
        %swap3A_588 = tpu.vector_load %arg9[%swap3A_587] {strides = array<i32>} : memref<1024xf32, #tpu.memory_space<vmem>>, vector<16xf32>,
        %swap3A_589 = vector.shape_cast %swap3A_588 : vector<16xf32> to vector<16xf32>
        %swap3A_590 = vector.shape_cast %parallel_loop3A_542#11 : vector<16xf32> to vector<16xf32>
        tpu.vector_store %arg9[%swap3A_587], %swap3A_590 {strides = array<i32>} : memref<1024xf32, #tpu.memory_space<vmem>>, vector<16xf32>,
        %swap3A_591 = arith.constant 192 : index
        %swap3A_592 = tpu.vector_load %arg9[%swap3A_591] {strides = array<i32>} : memref<1024xf32, #tpu.memory_space<vmem>>, vector<16xf32>,
        %swap3A_593 = vector.shape_cast %swap3A_592 : vector<16xf32> to vector<16xf32>
        %swap3A_594 = vector.shape_cast %parallel_loop3A_542#12 : vector<16xf32> to vector<16xf32>
        tpu.vector_store %arg9[%swap3A_591], %swap3A_594 {strides = array<i32>} : memref<1024xf32, #tpu.memory_space<vmem>>, vector<16xf32>,
        %swap3A_595 = arith.constant 208 : index
        %swap3A_596 = tpu.vector_load %arg9[%swap3A_595] {strides = array<i32>} : memref<1024xf32, #tpu.memory_space<vmem>>, vector<16xf32>,
        %swap3A_597 = vector.shape_cast %swap3A_596 : vector<16xf32> to vector<16xf32>
        %swap3A_598 = vector.shape_cast %parallel_loop3A_542#13 : vector<16xf32> to vector<16xf32>
        tpu.vector_store %arg9[%swap3A_595], %swap3A_598 {strides = array<i32>} : memref<1024xf32, #tpu.memory_space<vmem>>, vector<16xf32>,
        %swap3A_599 = arith.constant 224 : index
        %swap3A_600 = tpu.vector_load %arg9[%swap3A_599] {strides = array<i32>} : memref<1024xf32, #tpu.memory_space<vmem>>, vector<16xf32>,
        %swap3A_601 = vector.shape_cast %swap3A_600 : vector<16xf32> to vector<16xf32>
        %swap3A_602 = vector.shape_cast %parallel_loop3A_542#14 : vector<16xf32> to vector<16xf32>
        tpu.vector_store %arg9[%swap3A_599], %swap3A_602 {strides = array<i32>} : memref<1024xf32, #tpu.memory_space<vmem>>, vector<16xf32>,
        %swap3A_603 = arith.constant 240 : index
        %swap3A_604 = tpu.vector_load %arg9[%swap3A_603] {strides = array<i32>} : memref<1024xf32, #tpu.memory_space<vmem>>, vector<16xf32>,
        %swap3A_605 = vector.shape_cast %swap3A_604 : vector<16xf32> to vector<16xf32>
        %swap3A_606 = vector.shape_cast %parallel_loop3A_542#15 : vector<16xf32> to vector<16xf32>
        tpu.vector_store %arg9[%swap3A_603], %swap3A_606 {strides = array<i32>} : memref<1024xf32, #tpu.memory_space<vmem>>, vector<16xf32>,
        %get3A_607 = arith.constant 256 : index
        %get3A_608 = tpu.vector_load %arg9[%get3A_607] {strides = array<i32>} : memref<1024xf32, #tpu.memory_space<vmem>>, vector<16xf32>,
        %get3A_609 = vector.shape_cast %get3A_608 : vector<16xf32> to vector<16xf32>
        %get3A_610 = arith.constant 272 : index
        %get3A_611 = tpu.vector_load %arg9[%get3A_610] {strides = array<i32>} : memref<1024xf32, #tpu.memory_space<vmem>>, vector<16xf32>,
        %get3A_612 = vector.shape_cast %get3A_611 : vector<16xf32> to vector<16xf32>
        %get3A_613 = arith.constant 288 : index
        %get3A_614 = tpu.vector_load %arg9[%get3A_613] {strides = array<i32>} : memref<1024xf32, #tpu.memory_space<vmem>>, vector<16xf32>,
        %get3A_615 = vector.shape_cast %get3A_614 : vector<16xf32> to vector<16xf32>
        %get3A_616 = arith.constant 304 : index
        %get3A_617 = tpu.vector_load %arg9[%get3A_616] {strides = array<i32>} : memref<1024xf32, #tpu.memory_space<vmem>>, vector<16xf32>,
        %get3A_618 = vector.shape_cast %get3A_617 : vector<16xf32> to vector<16xf32>
        %get3A_619 = arith.constant 320 : index
        %get3A_620 = tpu.vector_load %arg9[%get3A_619] {strides = array<i32>} : memref<1024xf32, #tpu.memory_space<vmem>>, vector<16xf32>,
        %get3A_621 = vector.shape_cast %get3A_620 : vector<16xf32> to vector<16xf32>
        %get3A_622 = arith.constant 336 : index
        %get3A_623 = tpu.vector_load %arg9[%get3A_622] {strides = array<i32>} : memref<1024xf32, #tpu.memory_space<vmem>>, vector<16xf32>,
        %get3A_624 = vector.shape_cast %get3A_623 : vector<16xf32> to vector<16xf32>
        %get3A_625 = arith.constant 352 : index
        %get3A_626 = tpu.vector_load %arg9[%get3A_625] {strides = array<i32>} : memref<1024xf32, #tpu.memory_space<vmem>>, vector<16xf32>,
        %get3A_627 = vector.shape_cast %get3A_626 : vector<16xf32> to vector<16xf32>
        %get3A_628 = arith.constant 368 : index
        %get3A_629 = tpu.vector_load %arg9[%get3A_628] {strides = array<i32>} : memref<1024xf32, #tpu.memory_space<vmem>>, vector<16xf32>,
        %get3A_630 = vector.shape_cast %get3A_629 : vector<16xf32> to vector<16xf32>
        %get3A_631 = arith.constant 384 : index
        %get3A_632 = tpu.vector_load %arg9[%get3A_631] {strides = array<i32>} : memref<1024xf32, #tpu.memory_space<vmem>>, vector<16xf32>,
        %get3A_633 = vector.shape_cast %get3A_632 : vector<16xf32> to vector<16xf32>
        %get3A_634 = arith.constant 400 : index
        %get3A_635 = tpu.vector_load %arg9[%get3A_634] {strides = array<i32>} : memref<1024xf32, #tpu.memory_space<vmem>>, vector<16xf32>,
        %get3A_636 = vector.shape_cast %get3A_635 : vector<16xf32> to vector<16xf32>
        %get3A_637 = arith.constant 416 : index
        %get3A_638 = tpu.vector_load %arg9[%get3A_637] {strides = array<i32>} : memref<1024xf32, #tpu.memory_space<vmem>>, vector<16xf32>,
        %get3A_639 = vector.shape_cast %get3A_638 : vector<16xf32> to vector<16xf32>
        %get3A_640 = arith.constant 432 : index
        %get3A_641 = tpu.vector_load %arg9[%get3A_640] {strides = array<i32>} : memref<1024xf32, #tpu.memory_space<vmem>>, vector<16xf32>,
        %get3A_642 = vector.shape_cast %get3A_641 : vector<16xf32> to vector<16xf32>
        %get3A_643 = arith.constant 448 : index
        %get3A_644 = tpu.vector_load %arg9[%get3A_643] {strides = array<i32>} : memref<1024xf32, #tpu.memory_space<vmem>>, vector<16xf32>,
        %get3A_645 = vector.shape_cast %get3A_644 : vector<16xf32> to vector<16xf32>
        %get3A_646 = arith.constant 464 : index
        %get3A_647 = tpu.vector_load %arg9[%get3A_646] {strides = array<i32>} : memref<1024xf32, #tpu.memory_space<vmem>>, vector<16xf32>,
        %get3A_648 = vector.shape_cast %get3A_647 : vector<16xf32> to vector<16xf32>
        %get3A_649 = arith.constant 480 : index
        %get3A_650 = tpu.vector_load %arg9[%get3A_649] {strides = array<i32>} : memref<1024xf32, #tpu.memory_space<vmem>>, vector<16xf32>,
        %get3A_651 = vector.shape_cast %get3A_650 : vector<16xf32> to vector<16xf32>
        %get3A_652 = arith.constant 496 : index
        %get3A_653 = tpu.vector_load %arg9[%get3A_652] {strides = array<i32>} : memref<1024xf32, #tpu.memory_space<vmem>>, vector<16xf32>,
        %get3A_654 = vector.shape_cast %get3A_653 : vector<16xf32> to vector<16xf32>
        %parallel_loop3A_655 = arith.constant 0 : i32
        %parallel_loop3A_656 = arith.constant 1 : i32
        %parallel_loop3A_657:16 = scf.for %parallel_loop3A_952 = %parallel_loop3A_655 to %min3A_492 step %parallel_loop3A_656 iter_args(%parallel_loop3A_953 = %get3A_609, %parallel_loop3A_954 = %get3A_612, %parallel_loop3A_955 = %get3A_615, %parallel_loop3A_956 = %get3A_618, %parallel_loop3A_957 = %get3A_621, %parallel_loop3A_958 = %get3A_624, %parallel_loop3A_959 = %get3A_627, %parallel_loop3A_960 = %get3A_630, %parallel_loop3A_961 = %get3A_633, %parallel_loop3A_962 = %get3A_636, %parallel_loop3A_963 = %get3A_639, %parallel_loop3A_964 = %get3A_642, %parallel_loop3A_965 = %get3A_645, %parallel_loop3A_966 = %get3A_648, %parallel_loop3A_967 = %get3A_651, %parallel_loop3A_968 = %get3A_654) -> (vector<16xf32>, vector<16xf32>, vector<16xf32>, vector<16xf32>, vector<16xf32>, vector<16xf32>, vector<16xf32>, vector<16xf32>, vector<16xf32>, vector<16xf32>, vector<16xf32>, vector<16xf32>, vector<16xf32>, vector<16xf32>, vector<16xf32>, vector<16xf32>)  : i32 {
          %parallel_loop3A_969 = arith.index_cast %parallel_loop3A_952 : i32 to index
          %parallel_loop3A_970 = arith.constant 256 : index
          %parallel_loop3A_971 = tpu.vector_load %arg8[%parallel_loop3A_969, %parallel_loop3A_970] {strides = array<i32>} : memref<48x1024xf32, #tpu.memory_space<vmem>>, vector<1x16xf32>,
          %parallel_loop3A_972 = vector.shape_cast %parallel_loop3A_971 : vector<1x16xf32> to vector<16xf32>
          %parallel_loop3A_973 = arith.addf %parallel_loop3A_953, %parallel_loop3A_972 : vector<16xf32>
          %parallel_loop3A_974 = arith.index_cast %parallel_loop3A_952 : i32 to index
          %parallel_loop3A_975 = arith.constant 272 : index
          %parallel_loop3A_976 = tpu.vector_load %arg8[%parallel_loop3A_974, %parallel_loop3A_975] {strides = array<i32>} : memref<48x1024xf32, #tpu.memory_space<vmem>>, vector<1x16xf32>,
          %parallel_loop3A_977 = vector.shape_cast %parallel_loop3A_976 : vector<1x16xf32> to vector<16xf32>
          %parallel_loop3A_978 = arith.addf %parallel_loop3A_954, %parallel_loop3A_977 : vector<16xf32>
          %parallel_loop3A_979 = arith.index_cast %parallel_loop3A_952 : i32 to index
          %parallel_loop3A_980 = arith.constant 288 : index
          %parallel_loop3A_981 = tpu.vector_load %arg8[%parallel_loop3A_979, %parallel_loop3A_980] {strides = array<i32>} : memref<48x1024xf32, #tpu.memory_space<vmem>>, vector<1x16xf32>,
          %parallel_loop3A_982 = vector.shape_cast %parallel_loop3A_981 : vector<1x16xf32> to vector<16xf32>
          %parallel_loop3A_983 = arith.addf %parallel_loop3A_955, %parallel_loop3A_982 : vector<16xf32>
          %parallel_loop3A_984 = arith.index_cast %parallel_loop3A_952 : i32 to index
          %parallel_loop3A_985 = arith.constant 304 : index
          %parallel_loop3A_986 = tpu.vector_load %arg8[%parallel_loop3A_984, %parallel_loop3A_985] {strides = array<i32>} : memref<48x1024xf32, #tpu.memory_space<vmem>>, vector<1x16xf32>,
          %parallel_loop3A_987 = vector.shape_cast %parallel_loop3A_986 : vector<1x16xf32> to vector<16xf32>
          %parallel_loop3A_988 = arith.addf %parallel_loop3A_956, %parallel_loop3A_987 : vector<16xf32>
          %parallel_loop3A_989 = arith.index_cast %parallel_loop3A_952 : i32 to index
          %parallel_loop3A_990 = arith.constant 320 : index
          %parallel_loop3A_991 = tpu.vector_load %arg8[%parallel_loop3A_989, %parallel_loop3A_990] {strides = array<i32>} : memref<48x1024xf32, #tpu.memory_space<vmem>>, vector<1x16xf32>,
          %parallel_loop3A_992 = vector.shape_cast %parallel_loop3A_991 : vector<1x16xf32> to vector<16xf32>
          %parallel_loop3A_993 = arith.addf %parallel_loop3A_957, %parallel_loop3A_992 : vector<16xf32>
          %parallel_loop3A_994 = arith.index_cast %parallel_loop3A_952 : i32 to index
          %parallel_loop3A_995 = arith.constant 336 : index
          %parallel_loop3A_996 = tpu.vector_load %arg8[%parallel_loop3A_994, %parallel_loop3A_995] {strides = array<i32>} : memref<48x1024xf32, #tpu.memory_space<vmem>>, vector<1x16xf32>,
          %parallel_loop3A_997 = vector.shape_cast %parallel_loop3A_996 : vector<1x16xf32> to vector<16xf32>
          %parallel_loop3A_998 = arith.addf %parallel_loop3A_958, %parallel_loop3A_997 : vector<16xf32>
          %parallel_loop3A_999 = arith.index_cast %parallel_loop3A_952 : i32 to index
          %parallel_loop3A_1000 = arith.constant 352 : index
          %parallel_loop3A_1001 = tpu.vector_load %arg8[%parallel_loop3A_999, %parallel_loop3A_1000] {strides = array<i32>} : memref<48x1024xf32, #tpu.memory_space<vmem>>, vector<1x16xf32>,
          %parallel_loop3A_1002 = vector.shape_cast %parallel_loop3A_1001 : vector<1x16xf32> to vector<16xf32>
          %parallel_loop3A_1003 = arith.addf %parallel_loop3A_959, %parallel_loop3A_1002 : vector<16xf32>
          %parallel_loop3A_1004 = arith.index_cast %parallel_loop3A_952 : i32 to index
          %parallel_loop3A_1005 = arith.constant 368 : index
          %parallel_loop3A_1006 = tpu.vector_load %arg8[%parallel_loop3A_1004, %parallel_loop3A_1005] {strides = array<i32>} : memref<48x1024xf32, #tpu.memory_space<vmem>>, vector<1x16xf32>,
          %parallel_loop3A_1007 = vector.shape_cast %parallel_loop3A_1006 : vector<1x16xf32> to vector<16xf32>
          %parallel_loop3A_1008 = arith.addf %parallel_loop3A_960, %parallel_loop3A_1007 : vector<16xf32>
          %parallel_loop3A_1009 = arith.index_cast %parallel_loop3A_952 : i32 to index
          %parallel_loop3A_1010 = arith.constant 384 : index
          %parallel_loop3A_1011 = tpu.vector_load %arg8[%parallel_loop3A_1009, %parallel_loop3A_1010] {strides = array<i32>} : memref<48x1024xf32, #tpu.memory_space<vmem>>, vector<1x16xf32>,
          %parallel_loop3A_1012 = vector.shape_cast %parallel_loop3A_1011 : vector<1x16xf32> to vector<16xf32>
          %parallel_loop3A_1013 = arith.addf %parallel_loop3A_961, %parallel_loop3A_1012 : vector<16xf32>
          %parallel_loop3A_1014 = arith.index_cast %parallel_loop3A_952 : i32 to index
          %parallel_loop3A_1015 = arith.constant 400 : index
          %parallel_loop3A_1016 = tpu.vector_load %arg8[%parallel_loop3A_1014, %parallel_loop3A_1015] {strides = array<i32>} : memref<48x1024xf32, #tpu.memory_space<vmem>>, vector<1x16xf32>,
          %parallel_loop3A_1017 = vector.shape_cast %parallel_loop3A_1016 : vector<1x16xf32> to vector<16xf32>
          %parallel_loop3A_1018 = arith.addf %parallel_loop3A_962, %parallel_loop3A_1017 : vector<16xf32>
          %parallel_loop3A_1019 = arith.index_cast %parallel_loop3A_952 : i32 to index
          %parallel_loop3A_1020 = arith.constant 416 : index
          %parallel_loop3A_1021 = tpu.vector_load %arg8[%parallel_loop3A_1019, %parallel_loop3A_1020] {strides = array<i32>} : memref<48x1024xf32, #tpu.memory_space<vmem>>, vector<1x16xf32>,
          %parallel_loop3A_1022 = vector.shape_cast %parallel_loop3A_1021 : vector<1x16xf32> to vector<16xf32>
          %parallel_loop3A_1023 = arith.addf %parallel_loop3A_963, %parallel_loop3A_1022 : vector<16xf32>
          %parallel_loop3A_1024 = arith.index_cast %parallel_loop3A_952 : i32 to index
          %parallel_loop3A_1025 = arith.constant 432 : index
          %parallel_loop3A_1026 = tpu.vector_load %arg8[%parallel_loop3A_1024, %parallel_loop3A_1025] {strides = array<i32>} : memref<48x1024xf32, #tpu.memory_space<vmem>>, vector<1x16xf32>,
          %parallel_loop3A_1027 = vector.shape_cast %parallel_loop3A_1026 : vector<1x16xf32> to vector<16xf32>
          %parallel_loop3A_1028 = arith.addf %parallel_loop3A_964, %parallel_loop3A_1027 : vector<16xf32>
          %parallel_loop3A_1029 = arith.index_cast %parallel_loop3A_952 : i32 to index
          %parallel_loop3A_1030 = arith.constant 448 : index
          %parallel_loop3A_1031 = tpu.vector_load %arg8[%parallel_loop3A_1029, %parallel_loop3A_1030] {strides = array<i32>} : memref<48x1024xf32, #tpu.memory_space<vmem>>, vector<1x16xf32>,
          %parallel_loop3A_1032 = vector.shape_cast %parallel_loop3A_1031 : vector<1x16xf32> to vector<16xf32>
          %parallel_loop3A_1033 = arith.addf %parallel_loop3A_965, %parallel_loop3A_1032 : vector<16xf32>
          %parallel_loop3A_1034 = arith.index_cast %parallel_loop3A_952 : i32 to index
          %parallel_loop3A_1035 = arith.constant 464 : index
          %parallel_loop3A_1036 = tpu.vector_load %arg8[%parallel_loop3A_1034, %parallel_loop3A_1035] {strides = array<i32>} : memref<48x1024xf32, #tpu.memory_space<vmem>>, vector<1x16xf32>,
          %parallel_loop3A_1037 = vector.shape_cast %parallel_loop3A_1036 : vector<1x16xf32> to vector<16xf32>
          %parallel_loop3A_1038 = arith.addf %parallel_loop3A_966, %parallel_loop3A_1037 : vector<16xf32>
          %parallel_loop3A_1039 = arith.index_cast %parallel_loop3A_952 : i32 to index
          %parallel_loop3A_1040 = arith.constant 480 : index
          %parallel_loop3A_1041 = tpu.vector_load %arg8[%parallel_loop3A_1039, %parallel_loop3A_1040] {strides = array<i32>} : memref<48x1024xf32, #tpu.memory_space<vmem>>, vector<1x16xf32>,
          %parallel_loop3A_1042 = vector.shape_cast %parallel_loop3A_1041 : vector<1x16xf32> to vector<16xf32>
          %parallel_loop3A_1043 = arith.addf %parallel_loop3A_967, %parallel_loop3A_1042 : vector<16xf32>
          %parallel_loop3A_1044 = arith.index_cast %parallel_loop3A_952 : i32 to index
          %parallel_loop3A_1045 = arith.constant 496 : index
          %parallel_loop3A_1046 = tpu.vector_load %arg8[%parallel_loop3A_1044, %parallel_loop3A_1045] {strides = array<i32>} : memref<48x1024xf32, #tpu.memory_space<vmem>>, vector<1x16xf32>,
          %parallel_loop3A_1047 = vector.shape_cast %parallel_loop3A_1046 : vector<1x16xf32> to vector<16xf32>
          %parallel_loop3A_1048 = arith.addf %parallel_loop3A_968, %parallel_loop3A_1047 : vector<16xf32>
          scf.yield %parallel_loop3A_973, %parallel_loop3A_978, %parallel_loop3A_983, %parallel_loop3A_988, %parallel_loop3A_993, %parallel_loop3A_998, %parallel_loop3A_1003, %parallel_loop3A_1008, %parallel_loop3A_1013, %parallel_loop3A_1018, %parallel_loop3A_1023, %parallel_loop3A_1028, %parallel_loop3A_1033, %parallel_loop3A_1038, %parallel_loop3A_1043, %parallel_loop3A_1048 : vector<16xf32>, vector<16xf32>, vector<16xf32>, vector<16xf32>, vector<16xf32>, vector<16xf32>, vector<16xf32>, vector<16xf32>, vector<16xf32>, vector<16xf32>, vector<16xf32>, vector<16xf32>, vector<16xf32>, vector<16xf32>, vector<16xf32>, vector<16xf32>
        } {sc.loop_unroll_factor = 1 : i64, sc.parallel_access}
        %swap3A_658 = arith.constant 256 : index
        %swap3A_659 = tpu.vector_load %arg9[%swap3A_658] {strides = array<i32>} : memref<1024xf32, #tpu.memory_space<vmem>>, vector<16xf32>,
        %swap3A_660 = vector.shape_cast %swap3A_659 : vector<16xf32> to vector<16xf32>
        %swap3A_661 = vector.shape_cast %parallel_loop3A_657#0 : vector<16xf32> to vector<16xf32>
        tpu.vector_store %arg9[%swap3A_658], %swap3A_661 {strides = array<i32>} : memref<1024xf32, #tpu.memory_space<vmem>>, vector<16xf32>,
        %swap3A_662 = arith.constant 272 : index
        %swap3A_663 = tpu.vector_load %arg9[%swap3A_662] {strides = array<i32>} : memref<1024xf32, #tpu.memory_space<vmem>>, vector<16xf32>,
        %swap3A_664 = vector.shape_cast %swap3A_663 : vector<16xf32> to vector<16xf32>
        %swap3A_665 = vector.shape_cast %parallel_loop3A_657#1 : vector<16xf32> to vector<16xf32>
        tpu.vector_store %arg9[%swap3A_662], %swap3A_665 {strides = array<i32>} : memref<1024xf32, #tpu.memory_space<vmem>>, vector<16xf32>,
        %swap3A_666 = arith.constant 288 : index
        %swap3A_667 = tpu.vector_load %arg9[%swap3A_666] {strides = array<i32>} : memref<1024xf32, #tpu.memory_space<vmem>>, vector<16xf32>,
        %swap3A_668 = vector.shape_cast %swap3A_667 : vector<16xf32> to vector<16xf32>
        %swap3A_669 = vector.shape_cast %parallel_loop3A_657#2 : vector<16xf32> to vector<16xf32>
        tpu.vector_store %arg9[%swap3A_666], %swap3A_669 {strides = array<i32>} : memref<1024xf32, #tpu.memory_space<vmem>>, vector<16xf32>,
        %swap3A_670 = arith.constant 304 : index
        %swap3A_671 = tpu.vector_load %arg9[%swap3A_670] {strides = array<i32>} : memref<1024xf32, #tpu.memory_space<vmem>>, vector<16xf32>,
        %swap3A_672 = vector.shape_cast %swap3A_671 : vector<16xf32> to vector<16xf32>
        %swap3A_673 = vector.shape_cast %parallel_loop3A_657#3 : vector<16xf32> to vector<16xf32>
        tpu.vector_store %arg9[%swap3A_670], %swap3A_673 {strides = array<i32>} : memref<1024xf32, #tpu.memory_space<vmem>>, vector<16xf32>,
        %swap3A_674 = arith.constant 320 : index
        %swap3A_675 = tpu.vector_load %arg9[%swap3A_674] {strides = array<i32>} : memref<1024xf32, #tpu.memory_space<vmem>>, vector<16xf32>,
        %swap3A_676 = vector.shape_cast %swap3A_675 : vector<16xf32> to vector<16xf32>
        %swap3A_677 = vector.shape_cast %parallel_loop3A_657#4 : vector<16xf32> to vector<16xf32>
        tpu.vector_store %arg9[%swap3A_674], %swap3A_677 {strides = array<i32>} : memref<1024xf32, #tpu.memory_space<vmem>>, vector<16xf32>,
        %swap3A_678 = arith.constant 336 : index
        %swap3A_679 = tpu.vector_load %arg9[%swap3A_678] {strides = array<i32>} : memref<1024xf32, #tpu.memory_space<vmem>>, vector<16xf32>,
        %swap3A_680 = vector.shape_cast %swap3A_679 : vector<16xf32> to vector<16xf32>
        %swap3A_681 = vector.shape_cast %parallel_loop3A_657#5 : vector<16xf32> to vector<16xf32>
        tpu.vector_store %arg9[%swap3A_678], %swap3A_681 {strides = array<i32>} : memref<1024xf32, #tpu.memory_space<vmem>>, vector<16xf32>,
        %swap3A_682 = arith.constant 352 : index
        %swap3A_683 = tpu.vector_load %arg9[%swap3A_682] {strides = array<i32>} : memref<1024xf32, #tpu.memory_space<vmem>>, vector<16xf32>,
        %swap3A_684 = vector.shape_cast %swap3A_683 : vector<16xf32> to vector<16xf32>
        %swap3A_685 = vector.shape_cast %parallel_loop3A_657#6 : vector<16xf32> to vector<16xf32>
        tpu.vector_store %arg9[%swap3A_682], %swap3A_685 {strides = array<i32>} : memref<1024xf32, #tpu.memory_space<vmem>>, vector<16xf32>,
        %swap3A_686 = arith.constant 368 : index
        %swap3A_687 = tpu.vector_load %arg9[%swap3A_686] {strides = array<i32>} : memref<1024xf32, #tpu.memory_space<vmem>>, vector<16xf32>,
        %swap3A_688 = vector.shape_cast %swap3A_687 : vector<16xf32> to vector<16xf32>
        %swap3A_689 = vector.shape_cast %parallel_loop3A_657#7 : vector<16xf32> to vector<16xf32>
        tpu.vector_store %arg9[%swap3A_686], %swap3A_689 {strides = array<i32>} : memref<1024xf32, #tpu.memory_space<vmem>>, vector<16xf32>,
        %swap3A_690 = arith.constant 384 : index
        %swap3A_691 = tpu.vector_load %arg9[%swap3A_690] {strides = array<i32>} : memref<1024xf32, #tpu.memory_space<vmem>>, vector<16xf32>,
        %swap3A_692 = vector.shape_cast %swap3A_691 : vector<16xf32> to vector<16xf32>
        %swap3A_693 = vector.shape_cast %parallel_loop3A_657#8 : vector<16xf32> to vector<16xf32>
        tpu.vector_store %arg9[%swap3A_690], %swap3A_693 {strides = array<i32>} : memref<1024xf32, #tpu.memory_space<vmem>>, vector<16xf32>,
        %swap3A_694 = arith.constant 400 : index
        %swap3A_695 = tpu.vector_load %arg9[%swap3A_694] {strides = array<i32>} : memref<1024xf32, #tpu.memory_space<vmem>>, vector<16xf32>,
        %swap3A_696 = vector.shape_cast %swap3A_695 : vector<16xf32> to vector<16xf32>
        %swap3A_697 = vector.shape_cast %parallel_loop3A_657#9 : vector<16xf32> to vector<16xf32>
        tpu.vector_store %arg9[%swap3A_694], %swap3A_697 {strides = array<i32>} : memref<1024xf32, #tpu.memory_space<vmem>>, vector<16xf32>,
        %swap3A_698 = arith.constant 416 : index
        %swap3A_699 = tpu.vector_load %arg9[%swap3A_698] {strides = array<i32>} : memref<1024xf32, #tpu.memory_space<vmem>>, vector<16xf32>,
        %swap3A_700 = vector.shape_cast %swap3A_699 : vector<16xf32> to vector<16xf32>
        %swap3A_701 = vector.shape_cast %parallel_loop3A_657#10 : vector<16xf32> to vector<16xf32>
        tpu.vector_store %arg9[%swap3A_698], %swap3A_701 {strides = array<i32>} : memref<1024xf32, #tpu.memory_space<vmem>>, vector<16xf32>,
        %swap3A_702 = arith.constant 432 : index
        %swap3A_703 = tpu.vector_load %arg9[%swap3A_702] {strides = array<i32>} : memref<1024xf32, #tpu.memory_space<vmem>>, vector<16xf32>,
        %swap3A_704 = vector.shape_cast %swap3A_703 : vector<16xf32> to vector<16xf32>
        %swap3A_705 = vector.shape_cast %parallel_loop3A_657#11 : vector<16xf32> to vector<16xf32>
        tpu.vector_store %arg9[%swap3A_702], %swap3A_705 {strides = array<i32>} : memref<1024xf32, #tpu.memory_space<vmem>>, vector<16xf32>,
        %swap3A_706 = arith.constant 448 : index
        %swap3A_707 = tpu.vector_load %arg9[%swap3A_706] {strides = array<i32>} : memref<1024xf32, #tpu.memory_space<vmem>>, vector<16xf32>,
        %swap3A_708 = vector.shape_cast %swap3A_707 : vector<16xf32> to vector<16xf32>
        %swap3A_709 = vector.shape_cast %parallel_loop3A_657#12 : vector<16xf32> to vector<16xf32>
        tpu.vector_store %arg9[%swap3A_706], %swap3A_709 {strides = array<i32>} : memref<1024xf32, #tpu.memory_space<vmem>>, vector<16xf32>,
        %swap3A_710 = arith.constant 464 : index
        %swap3A_711 = tpu.vector_load %arg9[%swap3A_710] {strides = array<i32>} : memref<1024xf32, #tpu.memory_space<vmem>>, vector<16xf32>,
        %swap3A_712 = vector.shape_cast %swap3A_711 : vector<16xf32> to vector<16xf32>
        %swap3A_713 = vector.shape_cast %parallel_loop3A_657#13 : vector<16xf32> to vector<16xf32>
        tpu.vector_store %arg9[%swap3A_710], %swap3A_713 {strides = array<i32>} : memref<1024xf32, #tpu.memory_space<vmem>>, vector<16xf32>,
        %swap3A_714 = arith.constant 480 : index
        %swap3A_715 = tpu.vector_load %arg9[%swap3A_714] {strides = array<i32>} : memref<1024xf32, #tpu.memory_space<vmem>>, vector<16xf32>,
        %swap3A_716 = vector.shape_cast %swap3A_715 : vector<16xf32> to vector<16xf32>
        %swap3A_717 = vector.shape_cast %parallel_loop3A_657#14 : vector<16xf32> to vector<16xf32>
        tpu.vector_store %arg9[%swap3A_714], %swap3A_717 {strides = array<i32>} : memref<1024xf32, #tpu.memory_space<vmem>>, vector<16xf32>,
        %swap3A_718 = arith.constant 496 : index
        %swap3A_719 = tpu.vector_load %arg9[%swap3A_718] {strides = array<i32>} : memref<1024xf32, #tpu.memory_space<vmem>>, vector<16xf32>,
        %swap3A_720 = vector.shape_cast %swap3A_719 : vector<16xf32> to vector<16xf32>
        %swap3A_721 = vector.shape_cast %parallel_loop3A_657#15 : vector<16xf32> to vector<16xf32>
        tpu.vector_store %arg9[%swap3A_718], %swap3A_721 {strides = array<i32>} : memref<1024xf32, #tpu.memory_space<vmem>>, vector<16xf32>,
        %get3A_722 = arith.constant 512 : index
        %get3A_723 = tpu.vector_load %arg9[%get3A_722] {strides = array<i32>} : memref<1024xf32, #tpu.memory_space<vmem>>, vector<16xf32>,
        %get3A_724 = vector.shape_cast %get3A_723 : vector<16xf32> to vector<16xf32>
        %get3A_725 = arith.constant 528 : index
        %get3A_726 = tpu.vector_load %arg9[%get3A_725] {strides = array<i32>} : memref<1024xf32, #tpu.memory_space<vmem>>, vector<16xf32>,
        %get3A_727 = vector.shape_cast %get3A_726 : vector<16xf32> to vector<16xf32>
        %get3A_728 = arith.constant 544 : index
        %get3A_729 = tpu.vector_load %arg9[%get3A_728] {strides = array<i32>} : memref<1024xf32, #tpu.memory_space<vmem>>, vector<16xf32>,
        %get3A_730 = vector.shape_cast %get3A_729 : vector<16xf32> to vector<16xf32>
        %get3A_731 = arith.constant 560 : index
        %get3A_732 = tpu.vector_load %arg9[%get3A_731] {strides = array<i32>} : memref<1024xf32, #tpu.memory_space<vmem>>, vector<16xf32>,
        %get3A_733 = vector.shape_cast %get3A_732 : vector<16xf32> to vector<16xf32>
        %get3A_734 = arith.constant 576 : index
        %get3A_735 = tpu.vector_load %arg9[%get3A_734] {strides = array<i32>} : memref<1024xf32, #tpu.memory_space<vmem>>, vector<16xf32>,
        %get3A_736 = vector.shape_cast %get3A_735 : vector<16xf32> to vector<16xf32>
        %get3A_737 = arith.constant 592 : index
        %get3A_738 = tpu.vector_load %arg9[%get3A_737] {strides = array<i32>} : memref<1024xf32, #tpu.memory_space<vmem>>, vector<16xf32>,
        %get3A_739 = vector.shape_cast %get3A_738 : vector<16xf32> to vector<16xf32>
        %get3A_740 = arith.constant 608 : index
        %get3A_741 = tpu.vector_load %arg9[%get3A_740] {strides = array<i32>} : memref<1024xf32, #tpu.memory_space<vmem>>, vector<16xf32>,
        %get3A_742 = vector.shape_cast %get3A_741 : vector<16xf32> to vector<16xf32>
        %get3A_743 = arith.constant 624 : index
        %get3A_744 = tpu.vector_load %arg9[%get3A_743] {strides = array<i32>} : memref<1024xf32, #tpu.memory_space<vmem>>, vector<16xf32>,
        %get3A_745 = vector.shape_cast %get3A_744 : vector<16xf32> to vector<16xf32>
        %get3A_746 = arith.constant 640 : index
        %get3A_747 = tpu.vector_load %arg9[%get3A_746] {strides = array<i32>} : memref<1024xf32, #tpu.memory_space<vmem>>, vector<16xf32>,
        %get3A_748 = vector.shape_cast %get3A_747 : vector<16xf32> to vector<16xf32>
        %get3A_749 = arith.constant 656 : index
        %get3A_750 = tpu.vector_load %arg9[%get3A_749] {strides = array<i32>} : memref<1024xf32, #tpu.memory_space<vmem>>, vector<16xf32>,
        %get3A_751 = vector.shape_cast %get3A_750 : vector<16xf32> to vector<16xf32>
        %get3A_752 = arith.constant 672 : index
        %get3A_753 = tpu.vector_load %arg9[%get3A_752] {strides = array<i32>} : memref<1024xf32, #tpu.memory_space<vmem>>, vector<16xf32>,
        %get3A_754 = vector.shape_cast %get3A_753 : vector<16xf32> to vector<16xf32>
        %get3A_755 = arith.constant 688 : index
        %get3A_756 = tpu.vector_load %arg9[%get3A_755] {strides = array<i32>} : memref<1024xf32, #tpu.memory_space<vmem>>, vector<16xf32>,
        %get3A_757 = vector.shape_cast %get3A_756 : vector<16xf32> to vector<16xf32>
        %get3A_758 = arith.constant 704 : index
        %get3A_759 = tpu.vector_load %arg9[%get3A_758] {strides = array<i32>} : memref<1024xf32, #tpu.memory_space<vmem>>, vector<16xf32>,
        %get3A_760 = vector.shape_cast %get3A_759 : vector<16xf32> to vector<16xf32>
        %get3A_761 = arith.constant 720 : index
        %get3A_762 = tpu.vector_load %arg9[%get3A_761] {strides = array<i32>} : memref<1024xf32, #tpu.memory_space<vmem>>, vector<16xf32>,
        %get3A_763 = vector.shape_cast %get3A_762 : vector<16xf32> to vector<16xf32>
        %get3A_764 = arith.constant 736 : index
        %get3A_765 = tpu.vector_load %arg9[%get3A_764] {strides = array<i32>} : memref<1024xf32, #tpu.memory_space<vmem>>, vector<16xf32>,
        %get3A_766 = vector.shape_cast %get3A_765 : vector<16xf32> to vector<16xf32>
        %get3A_767 = arith.constant 752 : index
        %get3A_768 = tpu.vector_load %arg9[%get3A_767] {strides = array<i32>} : memref<1024xf32, #tpu.memory_space<vmem>>, vector<16xf32>,
        %get3A_769 = vector.shape_cast %get3A_768 : vector<16xf32> to vector<16xf32>
        %parallel_loop3A_770 = arith.constant 0 : i32
        %parallel_loop3A_771 = arith.constant 1 : i32
        %parallel_loop3A_772:16 = scf.for %parallel_loop3A_952 = %parallel_loop3A_770 to %min3A_492 step %parallel_loop3A_771 iter_args(%parallel_loop3A_953 = %get3A_724, %parallel_loop3A_954 = %get3A_727, %parallel_loop3A_955 = %get3A_730, %parallel_loop3A_956 = %get3A_733, %parallel_loop3A_957 = %get3A_736, %parallel_loop3A_958 = %get3A_739, %parallel_loop3A_959 = %get3A_742, %parallel_loop3A_960 = %get3A_745, %parallel_loop3A_961 = %get3A_748, %parallel_loop3A_962 = %get3A_751, %parallel_loop3A_963 = %get3A_754, %parallel_loop3A_964 = %get3A_757, %parallel_loop3A_965 = %get3A_760, %parallel_loop3A_966 = %get3A_763, %parallel_loop3A_967 = %get3A_766, %parallel_loop3A_968 = %get3A_769) -> (vector<16xf32>, vector<16xf32>, vector<16xf32>, vector<16xf32>, vector<16xf32>, vector<16xf32>, vector<16xf32>, vector<16xf32>, vector<16xf32>, vector<16xf32>, vector<16xf32>, vector<16xf32>, vector<16xf32>, vector<16xf32>, vector<16xf32>, vector<16xf32>)  : i32 {
          %parallel_loop3A_969 = arith.index_cast %parallel_loop3A_952 : i32 to index
          %parallel_loop3A_970 = arith.constant 512 : index
          %parallel_loop3A_971 = tpu.vector_load %arg8[%parallel_loop3A_969, %parallel_loop3A_970] {strides = array<i32>} : memref<48x1024xf32, #tpu.memory_space<vmem>>, vector<1x16xf32>,
          %parallel_loop3A_972 = vector.shape_cast %parallel_loop3A_971 : vector<1x16xf32> to vector<16xf32>
          %parallel_loop3A_973 = arith.addf %parallel_loop3A_953, %parallel_loop3A_972 : vector<16xf32>
          %parallel_loop3A_974 = arith.index_cast %parallel_loop3A_952 : i32 to index
          %parallel_loop3A_975 = arith.constant 528 : index
          %parallel_loop3A_976 = tpu.vector_load %arg8[%parallel_loop3A_974, %parallel_loop3A_975] {strides = array<i32>} : memref<48x1024xf32, #tpu.memory_space<vmem>>, vector<1x16xf32>,
          %parallel_loop3A_977 = vector.shape_cast %parallel_loop3A_976 : vector<1x16xf32> to vector<16xf32>
          %parallel_loop3A_978 = arith.addf %parallel_loop3A_954, %parallel_loop3A_977 : vector<16xf32>
          %parallel_loop3A_979 = arith.index_cast %parallel_loop3A_952 : i32 to index
          %parallel_loop3A_980 = arith.constant 544 : index
          %parallel_loop3A_981 = tpu.vector_load %arg8[%parallel_loop3A_979, %parallel_loop3A_980] {strides = array<i32>} : memref<48x1024xf32, #tpu.memory_space<vmem>>, vector<1x16xf32>,
          %parallel_loop3A_982 = vector.shape_cast %parallel_loop3A_981 : vector<1x16xf32> to vector<16xf32>
          %parallel_loop3A_983 = arith.addf %parallel_loop3A_955, %parallel_loop3A_982 : vector<16xf32>
          %parallel_loop3A_984 = arith.index_cast %parallel_loop3A_952 : i32 to index
          %parallel_loop3A_985 = arith.constant 560 : index
          %parallel_loop3A_986 = tpu.vector_load %arg8[%parallel_loop3A_984, %parallel_loop3A_985] {strides = array<i32>} : memref<48x1024xf32, #tpu.memory_space<vmem>>, vector<1x16xf32>,
          %parallel_loop3A_987 = vector.shape_cast %parallel_loop3A_986 : vector<1x16xf32> to vector<16xf32>
          %parallel_loop3A_988 = arith.addf %parallel_loop3A_956, %parallel_loop3A_987 : vector<16xf32>
          %parallel_loop3A_989 = arith.index_cast %parallel_loop3A_952 : i32 to index
          %parallel_loop3A_990 = arith.constant 576 : index
          %parallel_loop3A_991 = tpu.vector_load %arg8[%parallel_loop3A_989, %parallel_loop3A_990] {strides = array<i32>} : memref<48x1024xf32, #tpu.memory_space<vmem>>, vector<1x16xf32>,
          %parallel_loop3A_992 = vector.shape_cast %parallel_loop3A_991 : vector<1x16xf32> to vector<16xf32>
          %parallel_loop3A_993 = arith.addf %parallel_loop3A_957, %parallel_loop3A_992 : vector<16xf32>
          %parallel_loop3A_994 = arith.index_cast %parallel_loop3A_952 : i32 to index
          %parallel_loop3A_995 = arith.constant 592 : index
          %parallel_loop3A_996 = tpu.vector_load %arg8[%parallel_loop3A_994, %parallel_loop3A_995] {strides = array<i32>} : memref<48x1024xf32, #tpu.memory_space<vmem>>, vector<1x16xf32>,
          %parallel_loop3A_997 = vector.shape_cast %parallel_loop3A_996 : vector<1x16xf32> to vector<16xf32>
          %parallel_loop3A_998 = arith.addf %parallel_loop3A_958, %parallel_loop3A_997 : vector<16xf32>
          %parallel_loop3A_999 = arith.index_cast %parallel_loop3A_952 : i32 to index
          %parallel_loop3A_1000 = arith.constant 608 : index
          %parallel_loop3A_1001 = tpu.vector_load %arg8[%parallel_loop3A_999, %parallel_loop3A_1000] {strides = array<i32>} : memref<48x1024xf32, #tpu.memory_space<vmem>>, vector<1x16xf32>,
          %parallel_loop3A_1002 = vector.shape_cast %parallel_loop3A_1001 : vector<1x16xf32> to vector<16xf32>
          %parallel_loop3A_1003 = arith.addf %parallel_loop3A_959, %parallel_loop3A_1002 : vector<16xf32>
          %parallel_loop3A_1004 = arith.index_cast %parallel_loop3A_952 : i32 to index
          %parallel_loop3A_1005 = arith.constant 624 : index
          %parallel_loop3A_1006 = tpu.vector_load %arg8[%parallel_loop3A_1004, %parallel_loop3A_1005] {strides = array<i32>} : memref<48x1024xf32, #tpu.memory_space<vmem>>, vector<1x16xf32>,
          %parallel_loop3A_1007 = vector.shape_cast %parallel_loop3A_1006 : vector<1x16xf32> to vector<16xf32>
          %parallel_loop3A_1008 = arith.addf %parallel_loop3A_960, %parallel_loop3A_1007 : vector<16xf32>
          %parallel_loop3A_1009 = arith.index_cast %parallel_loop3A_952 : i32 to index
          %parallel_loop3A_1010 = arith.constant 640 : index
          %parallel_loop3A_1011 = tpu.vector_load %arg8[%parallel_loop3A_1009, %parallel_loop3A_1010] {strides = array<i32>} : memref<48x1024xf32, #tpu.memory_space<vmem>>, vector<1x16xf32>,
          %parallel_loop3A_1012 = vector.shape_cast %parallel_loop3A_1011 : vector<1x16xf32> to vector<16xf32>
          %parallel_loop3A_1013 = arith.addf %parallel_loop3A_961, %parallel_loop3A_1012 : vector<16xf32>
          %parallel_loop3A_1014 = arith.index_cast %parallel_loop3A_952 : i32 to index
          %parallel_loop3A_1015 = arith.constant 656 : index
          %parallel_loop3A_1016 = tpu.vector_load %arg8[%parallel_loop3A_1014, %parallel_loop3A_1015] {strides = array<i32>} : memref<48x1024xf32, #tpu.memory_space<vmem>>, vector<1x16xf32>,
          %parallel_loop3A_1017 = vector.shape_cast %parallel_loop3A_1016 : vector<1x16xf32> to vector<16xf32>
          %parallel_loop3A_1018 = arith.addf %parallel_loop3A_962, %parallel_loop3A_1017 : vector<16xf32>
          %parallel_loop3A_1019 = arith.index_cast %parallel_loop3A_952 : i32 to index
          %parallel_loop3A_1020 = arith.constant 672 : index
          %parallel_loop3A_1021 = tpu.vector_load %arg8[%parallel_loop3A_1019, %parallel_loop3A_1020] {strides = array<i32>} : memref<48x1024xf32, #tpu.memory_space<vmem>>, vector<1x16xf32>,
          %parallel_loop3A_1022 = vector.shape_cast %parallel_loop3A_1021 : vector<1x16xf32> to vector<16xf32>
          %parallel_loop3A_1023 = arith.addf %parallel_loop3A_963, %parallel_loop3A_1022 : vector<16xf32>
          %parallel_loop3A_1024 = arith.index_cast %parallel_loop3A_952 : i32 to index
          %parallel_loop3A_1025 = arith.constant 688 : index
          %parallel_loop3A_1026 = tpu.vector_load %arg8[%parallel_loop3A_1024, %parallel_loop3A_1025] {strides = array<i32>} : memref<48x1024xf32, #tpu.memory_space<vmem>>, vector<1x16xf32>,
          %parallel_loop3A_1027 = vector.shape_cast %parallel_loop3A_1026 : vector<1x16xf32> to vector<16xf32>
          %parallel_loop3A_1028 = arith.addf %parallel_loop3A_964, %parallel_loop3A_1027 : vector<16xf32>
          %parallel_loop3A_1029 = arith.index_cast %parallel_loop3A_952 : i32 to index
          %parallel_loop3A_1030 = arith.constant 704 : index
          %parallel_loop3A_1031 = tpu.vector_load %arg8[%parallel_loop3A_1029, %parallel_loop3A_1030] {strides = array<i32>} : memref<48x1024xf32, #tpu.memory_space<vmem>>, vector<1x16xf32>,
          %parallel_loop3A_1032 = vector.shape_cast %parallel_loop3A_1031 : vector<1x16xf32> to vector<16xf32>
          %parallel_loop3A_1033 = arith.addf %parallel_loop3A_965, %parallel_loop3A_1032 : vector<16xf32>
          %parallel_loop3A_1034 = arith.index_cast %parallel_loop3A_952 : i32 to index
          %parallel_loop3A_1035 = arith.constant 720 : index
          %parallel_loop3A_1036 = tpu.vector_load %arg8[%parallel_loop3A_1034, %parallel_loop3A_1035] {strides = array<i32>} : memref<48x1024xf32, #tpu.memory_space<vmem>>, vector<1x16xf32>,
          %parallel_loop3A_1037 = vector.shape_cast %parallel_loop3A_1036 : vector<1x16xf32> to vector<16xf32>
          %parallel_loop3A_1038 = arith.addf %parallel_loop3A_966, %parallel_loop3A_1037 : vector<16xf32>
          %parallel_loop3A_1039 = arith.index_cast %parallel_loop3A_952 : i32 to index
          %parallel_loop3A_1040 = arith.constant 736 : index
          %parallel_loop3A_1041 = tpu.vector_load %arg8[%parallel_loop3A_1039, %parallel_loop3A_1040] {strides = array<i32>} : memref<48x1024xf32, #tpu.memory_space<vmem>>, vector<1x16xf32>,
          %parallel_loop3A_1042 = vector.shape_cast %parallel_loop3A_1041 : vector<1x16xf32> to vector<16xf32>
          %parallel_loop3A_1043 = arith.addf %parallel_loop3A_967, %parallel_loop3A_1042 : vector<16xf32>
          %parallel_loop3A_1044 = arith.index_cast %parallel_loop3A_952 : i32 to index
          %parallel_loop3A_1045 = arith.constant 752 : index
          %parallel_loop3A_1046 = tpu.vector_load %arg8[%parallel_loop3A_1044, %parallel_loop3A_1045] {strides = array<i32>} : memref<48x1024xf32, #tpu.memory_space<vmem>>, vector<1x16xf32>,
          %parallel_loop3A_1047 = vector.shape_cast %parallel_loop3A_1046 : vector<1x16xf32> to vector<16xf32>
          %parallel_loop3A_1048 = arith.addf %parallel_loop3A_968, %parallel_loop3A_1047 : vector<16xf32>
          scf.yield %parallel_loop3A_973, %parallel_loop3A_978, %parallel_loop3A_983, %parallel_loop3A_988, %parallel_loop3A_993, %parallel_loop3A_998, %parallel_loop3A_1003, %parallel_loop3A_1008, %parallel_loop3A_1013, %parallel_loop3A_1018, %parallel_loop3A_1023, %parallel_loop3A_1028, %parallel_loop3A_1033, %parallel_loop3A_1038, %parallel_loop3A_1043, %parallel_loop3A_1048 : vector<16xf32>, vector<16xf32>, vector<16xf32>, vector<16xf32>, vector<16xf32>, vector<16xf32>, vector<16xf32>, vector<16xf32>, vector<16xf32>, vector<16xf32>, vector<16xf32>, vector<16xf32>, vector<16xf32>, vector<16xf32>, vector<16xf32>, vector<16xf32>
        } {sc.loop_unroll_factor = 1 : i64, sc.parallel_access}
        %swap3A_773 = arith.constant 512 : index
        %swap3A_774 = tpu.vector_load %arg9[%swap3A_773] {strides = array<i32>} : memref<1024xf32, #tpu.memory_space<vmem>>, vector<16xf32>,
        %swap3A_775 = vector.shape_cast %swap3A_774 : vector<16xf32> to vector<16xf32>
        %swap3A_776 = vector.shape_cast %parallel_loop3A_772#0 : vector<16xf32> to vector<16xf32>
        tpu.vector_store %arg9[%swap3A_773], %swap3A_776 {strides = array<i32>} : memref<1024xf32, #tpu.memory_space<vmem>>, vector<16xf32>,
        %swap3A_777 = arith.constant 528 : index
        %swap3A_778 = tpu.vector_load %arg9[%swap3A_777] {strides = array<i32>} : memref<1024xf32, #tpu.memory_space<vmem>>, vector<16xf32>,
        %swap3A_779 = vector.shape_cast %swap3A_778 : vector<16xf32> to vector<16xf32>
        %swap3A_780 = vector.shape_cast %parallel_loop3A_772#1 : vector<16xf32> to vector<16xf32>
        tpu.vector_store %arg9[%swap3A_777], %swap3A_780 {strides = array<i32>} : memref<1024xf32, #tpu.memory_space<vmem>>, vector<16xf32>,
        %swap3A_781 = arith.constant 544 : index
        %swap3A_782 = tpu.vector_load %arg9[%swap3A_781] {strides = array<i32>} : memref<1024xf32, #tpu.memory_space<vmem>>, vector<16xf32>,
        %swap3A_783 = vector.shape_cast %swap3A_782 : vector<16xf32> to vector<16xf32>
        %swap3A_784 = vector.shape_cast %parallel_loop3A_772#2 : vector<16xf32> to vector<16xf32>
        tpu.vector_store %arg9[%swap3A_781], %swap3A_784 {strides = array<i32>} : memref<1024xf32, #tpu.memory_space<vmem>>, vector<16xf32>,
        %swap3A_785 = arith.constant 560 : index
        %swap3A_786 = tpu.vector_load %arg9[%swap3A_785] {strides = array<i32>} : memref<1024xf32, #tpu.memory_space<vmem>>, vector<16xf32>,
        %swap3A_787 = vector.shape_cast %swap3A_786 : vector<16xf32> to vector<16xf32>
        %swap3A_788 = vector.shape_cast %parallel_loop3A_772#3 : vector<16xf32> to vector<16xf32>
        tpu.vector_store %arg9[%swap3A_785], %swap3A_788 {strides = array<i32>} : memref<1024xf32, #tpu.memory_space<vmem>>, vector<16xf32>,
        %swap3A_789 = arith.constant 576 : index
        %swap3A_790 = tpu.vector_load %arg9[%swap3A_789] {strides = array<i32>} : memref<1024xf32, #tpu.memory_space<vmem>>, vector<16xf32>,
        %swap3A_791 = vector.shape_cast %swap3A_790 : vector<16xf32> to vector<16xf32>
        %swap3A_792 = vector.shape_cast %parallel_loop3A_772#4 : vector<16xf32> to vector<16xf32>
        tpu.vector_store %arg9[%swap3A_789], %swap3A_792 {strides = array<i32>} : memref<1024xf32, #tpu.memory_space<vmem>>, vector<16xf32>,
        %swap3A_793 = arith.constant 592 : index
        %swap3A_794 = tpu.vector_load %arg9[%swap3A_793] {strides = array<i32>} : memref<1024xf32, #tpu.memory_space<vmem>>, vector<16xf32>,
        %swap3A_795 = vector.shape_cast %swap3A_794 : vector<16xf32> to vector<16xf32>
        %swap3A_796 = vector.shape_cast %parallel_loop3A_772#5 : vector<16xf32> to vector<16xf32>
        tpu.vector_store %arg9[%swap3A_793], %swap3A_796 {strides = array<i32>} : memref<1024xf32, #tpu.memory_space<vmem>>, vector<16xf32>,
        %swap3A_797 = arith.constant 608 : index
        %swap3A_798 = tpu.vector_load %arg9[%swap3A_797] {strides = array<i32>} : memref<1024xf32, #tpu.memory_space<vmem>>, vector<16xf32>,
        %swap3A_799 = vector.shape_cast %swap3A_798 : vector<16xf32> to vector<16xf32>
        %swap3A_800 = vector.shape_cast %parallel_loop3A_772#6 : vector<16xf32> to vector<16xf32>
        tpu.vector_store %arg9[%swap3A_797], %swap3A_800 {strides = array<i32>} : memref<1024xf32, #tpu.memory_space<vmem>>, vector<16xf32>,
        %swap3A_801 = arith.constant 624 : index
        %swap3A_802 = tpu.vector_load %arg9[%swap3A_801] {strides = array<i32>} : memref<1024xf32, #tpu.memory_space<vmem>>, vector<16xf32>,
        %swap3A_803 = vector.shape_cast %swap3A_802 : vector<16xf32> to vector<16xf32>
        %swap3A_804 = vector.shape_cast %parallel_loop3A_772#7 : vector<16xf32> to vector<16xf32>
        tpu.vector_store %arg9[%swap3A_801], %swap3A_804 {strides = array<i32>} : memref<1024xf32, #tpu.memory_space<vmem>>, vector<16xf32>,
        %swap3A_805 = arith.constant 640 : index
        %swap3A_806 = tpu.vector_load %arg9[%swap3A_805] {strides = array<i32>} : memref<1024xf32, #tpu.memory_space<vmem>>, vector<16xf32>,
        %swap3A_807 = vector.shape_cast %swap3A_806 : vector<16xf32> to vector<16xf32>
        %swap3A_808 = vector.shape_cast %parallel_loop3A_772#8 : vector<16xf32> to vector<16xf32>
        tpu.vector_store %arg9[%swap3A_805], %swap3A_808 {strides = array<i32>} : memref<1024xf32, #tpu.memory_space<vmem>>, vector<16xf32>,
        %swap3A_809 = arith.constant 656 : index
        %swap3A_810 = tpu.vector_load %arg9[%swap3A_809] {strides = array<i32>} : memref<1024xf32, #tpu.memory_space<vmem>>, vector<16xf32>,
        %swap3A_811 = vector.shape_cast %swap3A_810 : vector<16xf32> to vector<16xf32>
        %swap3A_812 = vector.shape_cast %parallel_loop3A_772#9 : vector<16xf32> to vector<16xf32>
        tpu.vector_store %arg9[%swap3A_809], %swap3A_812 {strides = array<i32>} : memref<1024xf32, #tpu.memory_space<vmem>>, vector<16xf32>,
        %swap3A_813 = arith.constant 672 : index
        %swap3A_814 = tpu.vector_load %arg9[%swap3A_813] {strides = array<i32>} : memref<1024xf32, #tpu.memory_space<vmem>>, vector<16xf32>,
        %swap3A_815 = vector.shape_cast %swap3A_814 : vector<16xf32> to vector<16xf32>
        %swap3A_816 = vector.shape_cast %parallel_loop3A_772#10 : vector<16xf32> to vector<16xf32>
        tpu.vector_store %arg9[%swap3A_813], %swap3A_816 {strides = array<i32>} : memref<1024xf32, #tpu.memory_space<vmem>>, vector<16xf32>,
        %swap3A_817 = arith.constant 688 : index
        %swap3A_818 = tpu.vector_load %arg9[%swap3A_817] {strides = array<i32>} : memref<1024xf32, #tpu.memory_space<vmem>>, vector<16xf32>,
        %swap3A_819 = vector.shape_cast %swap3A_818 : vector<16xf32> to vector<16xf32>
        %swap3A_820 = vector.shape_cast %parallel_loop3A_772#11 : vector<16xf32> to vector<16xf32>
        tpu.vector_store %arg9[%swap3A_817], %swap3A_820 {strides = array<i32>} : memref<1024xf32, #tpu.memory_space<vmem>>, vector<16xf32>,
        %swap3A_821 = arith.constant 704 : index
        %swap3A_822 = tpu.vector_load %arg9[%swap3A_821] {strides = array<i32>} : memref<1024xf32, #tpu.memory_space<vmem>>, vector<16xf32>,
        %swap3A_823 = vector.shape_cast %swap3A_822 : vector<16xf32> to vector<16xf32>
        %swap3A_824 = vector.shape_cast %parallel_loop3A_772#12 : vector<16xf32> to vector<16xf32>
        tpu.vector_store %arg9[%swap3A_821], %swap3A_824 {strides = array<i32>} : memref<1024xf32, #tpu.memory_space<vmem>>, vector<16xf32>,
        %swap3A_825 = arith.constant 720 : index
        %swap3A_826 = tpu.vector_load %arg9[%swap3A_825] {strides = array<i32>} : memref<1024xf32, #tpu.memory_space<vmem>>, vector<16xf32>,
        %swap3A_827 = vector.shape_cast %swap3A_826 : vector<16xf32> to vector<16xf32>
        %swap3A_828 = vector.shape_cast %parallel_loop3A_772#13 : vector<16xf32> to vector<16xf32>
        tpu.vector_store %arg9[%swap3A_825], %swap3A_828 {strides = array<i32>} : memref<1024xf32, #tpu.memory_space<vmem>>, vector<16xf32>,
        %swap3A_829 = arith.constant 736 : index
        %swap3A_830 = tpu.vector_load %arg9[%swap3A_829] {strides = array<i32>} : memref<1024xf32, #tpu.memory_space<vmem>>, vector<16xf32>,
        %swap3A_831 = vector.shape_cast %swap3A_830 : vector<16xf32> to vector<16xf32>
        %swap3A_832 = vector.shape_cast %parallel_loop3A_772#14 : vector<16xf32> to vector<16xf32>
        tpu.vector_store %arg9[%swap3A_829], %swap3A_832 {strides = array<i32>} : memref<1024xf32, #tpu.memory_space<vmem>>, vector<16xf32>,
        %swap3A_833 = arith.constant 752 : index
        %swap3A_834 = tpu.vector_load %arg9[%swap3A_833] {strides = array<i32>} : memref<1024xf32, #tpu.memory_space<vmem>>, vector<16xf32>,
        %swap3A_835 = vector.shape_cast %swap3A_834 : vector<16xf32> to vector<16xf32>
        %swap3A_836 = vector.shape_cast %parallel_loop3A_772#15 : vector<16xf32> to vector<16xf32>
        tpu.vector_store %arg9[%swap3A_833], %swap3A_836 {strides = array<i32>} : memref<1024xf32, #tpu.memory_space<vmem>>, vector<16xf32>,
        %get3A_837 = arith.constant 768 : index
        %get3A_838 = tpu.vector_load %arg9[%get3A_837] {strides = array<i32>} : memref<1024xf32, #tpu.memory_space<vmem>>, vector<16xf32>,
        %get3A_839 = vector.shape_cast %get3A_838 : vector<16xf32> to vector<16xf32>
        %get3A_840 = arith.constant 784 : index
        %get3A_841 = tpu.vector_load %arg9[%get3A_840] {strides = array<i32>} : memref<1024xf32, #tpu.memory_space<vmem>>, vector<16xf32>,
        %get3A_842 = vector.shape_cast %get3A_841 : vector<16xf32> to vector<16xf32>
        %get3A_843 = arith.constant 800 : index
        %get3A_844 = tpu.vector_load %arg9[%get3A_843] {strides = array<i32>} : memref<1024xf32, #tpu.memory_space<vmem>>, vector<16xf32>,
        %get3A_845 = vector.shape_cast %get3A_844 : vector<16xf32> to vector<16xf32>
        %get3A_846 = arith.constant 816 : index
        %get3A_847 = tpu.vector_load %arg9[%get3A_846] {strides = array<i32>} : memref<1024xf32, #tpu.memory_space<vmem>>, vector<16xf32>,
        %get3A_848 = vector.shape_cast %get3A_847 : vector<16xf32> to vector<16xf32>
        %get3A_849 = arith.constant 832 : index
        %get3A_850 = tpu.vector_load %arg9[%get3A_849] {strides = array<i32>} : memref<1024xf32, #tpu.memory_space<vmem>>, vector<16xf32>,
        %get3A_851 = vector.shape_cast %get3A_850 : vector<16xf32> to vector<16xf32>
        %get3A_852 = arith.constant 848 : index
        %get3A_853 = tpu.vector_load %arg9[%get3A_852] {strides = array<i32>} : memref<1024xf32, #tpu.memory_space<vmem>>, vector<16xf32>,
        %get3A_854 = vector.shape_cast %get3A_853 : vector<16xf32> to vector<16xf32>
        %get3A_855 = arith.constant 864 : index
        %get3A_856 = tpu.vector_load %arg9[%get3A_855] {strides = array<i32>} : memref<1024xf32, #tpu.memory_space<vmem>>, vector<16xf32>,
        %get3A_857 = vector.shape_cast %get3A_856 : vector<16xf32> to vector<16xf32>
        %get3A_858 = arith.constant 880 : index
        %get3A_859 = tpu.vector_load %arg9[%get3A_858] {strides = array<i32>} : memref<1024xf32, #tpu.memory_space<vmem>>, vector<16xf32>,
        %get3A_860 = vector.shape_cast %get3A_859 : vector<16xf32> to vector<16xf32>
        %get3A_861 = arith.constant 896 : index
        %get3A_862 = tpu.vector_load %arg9[%get3A_861] {strides = array<i32>} : memref<1024xf32, #tpu.memory_space<vmem>>, vector<16xf32>,
        %get3A_863 = vector.shape_cast %get3A_862 : vector<16xf32> to vector<16xf32>
        %get3A_864 = arith.constant 912 : index
        %get3A_865 = tpu.vector_load %arg9[%get3A_864] {strides = array<i32>} : memref<1024xf32, #tpu.memory_space<vmem>>, vector<16xf32>,
        %get3A_866 = vector.shape_cast %get3A_865 : vector<16xf32> to vector<16xf32>
        %get3A_867 = arith.constant 928 : index
        %get3A_868 = tpu.vector_load %arg9[%get3A_867] {strides = array<i32>} : memref<1024xf32, #tpu.memory_space<vmem>>, vector<16xf32>,
        %get3A_869 = vector.shape_cast %get3A_868 : vector<16xf32> to vector<16xf32>
        %get3A_870 = arith.constant 944 : index
        %get3A_871 = tpu.vector_load %arg9[%get3A_870] {strides = array<i32>} : memref<1024xf32, #tpu.memory_space<vmem>>, vector<16xf32>,
        %get3A_872 = vector.shape_cast %get3A_871 : vector<16xf32> to vector<16xf32>
        %get3A_873 = arith.constant 960 : index
        %get3A_874 = tpu.vector_load %arg9[%get3A_873] {strides = array<i32>} : memref<1024xf32, #tpu.memory_space<vmem>>, vector<16xf32>,
        %get3A_875 = vector.shape_cast %get3A_874 : vector<16xf32> to vector<16xf32>
        %get3A_876 = arith.constant 976 : index
        %get3A_877 = tpu.vector_load %arg9[%get3A_876] {strides = array<i32>} : memref<1024xf32, #tpu.memory_space<vmem>>, vector<16xf32>,
        %get3A_878 = vector.shape_cast %get3A_877 : vector<16xf32> to vector<16xf32>
        %get3A_879 = arith.constant 992 : index
        %get3A_880 = tpu.vector_load %arg9[%get3A_879] {strides = array<i32>} : memref<1024xf32, #tpu.memory_space<vmem>>, vector<16xf32>,
        %get3A_881 = vector.shape_cast %get3A_880 : vector<16xf32> to vector<16xf32>
        %get3A_882 = arith.constant 1008 : index
        %get3A_883 = tpu.vector_load %arg9[%get3A_882] {strides = array<i32>} : memref<1024xf32, #tpu.memory_space<vmem>>, vector<16xf32>,
        %get3A_884 = vector.shape_cast %get3A_883 : vector<16xf32> to vector<16xf32>
        %parallel_loop3A_885 = arith.constant 0 : i32
        %parallel_loop3A_886 = arith.constant 1 : i32
        %parallel_loop3A_887:16 = scf.for %parallel_loop3A_952 = %parallel_loop3A_885 to %min3A_492 step %parallel_loop3A_886 iter_args(%parallel_loop3A_953 = %get3A_839, %parallel_loop3A_954 = %get3A_842, %parallel_loop3A_955 = %get3A_845, %parallel_loop3A_956 = %get3A_848, %parallel_loop3A_957 = %get3A_851, %parallel_loop3A_958 = %get3A_854, %parallel_loop3A_959 = %get3A_857, %parallel_loop3A_960 = %get3A_860, %parallel_loop3A_961 = %get3A_863, %parallel_loop3A_962 = %get3A_866, %parallel_loop3A_963 = %get3A_869, %parallel_loop3A_964 = %get3A_872, %parallel_loop3A_965 = %get3A_875, %parallel_loop3A_966 = %get3A_878, %parallel_loop3A_967 = %get3A_881, %parallel_loop3A_968 = %get3A_884) -> (vector<16xf32>, vector<16xf32>, vector<16xf32>, vector<16xf32>, vector<16xf32>, vector<16xf32>, vector<16xf32>, vector<16xf32>, vector<16xf32>, vector<16xf32>, vector<16xf32>, vector<16xf32>, vector<16xf32>, vector<16xf32>, vector<16xf32>, vector<16xf32>)  : i32 {
          %parallel_loop3A_969 = arith.index_cast %parallel_loop3A_952 : i32 to index
          %parallel_loop3A_970 = arith.constant 768 : index
          %parallel_loop3A_971 = tpu.vector_load %arg8[%parallel_loop3A_969, %parallel_loop3A_970] {strides = array<i32>} : memref<48x1024xf32, #tpu.memory_space<vmem>>, vector<1x16xf32>,
          %parallel_loop3A_972 = vector.shape_cast %parallel_loop3A_971 : vector<1x16xf32> to vector<16xf32>
          %parallel_loop3A_973 = arith.addf %parallel_loop3A_953, %parallel_loop3A_972 : vector<16xf32>
          %parallel_loop3A_974 = arith.index_cast %parallel_loop3A_952 : i32 to index
          %parallel_loop3A_975 = arith.constant 784 : index
          %parallel_loop3A_976 = tpu.vector_load %arg8[%parallel_loop3A_974, %parallel_loop3A_975] {strides = array<i32>} : memref<48x1024xf32, #tpu.memory_space<vmem>>, vector<1x16xf32>,
          %parallel_loop3A_977 = vector.shape_cast %parallel_loop3A_976 : vector<1x16xf32> to vector<16xf32>
          %parallel_loop3A_978 = arith.addf %parallel_loop3A_954, %parallel_loop3A_977 : vector<16xf32>
          %parallel_loop3A_979 = arith.index_cast %parallel_loop3A_952 : i32 to index
          %parallel_loop3A_980 = arith.constant 800 : index
          %parallel_loop3A_981 = tpu.vector_load %arg8[%parallel_loop3A_979, %parallel_loop3A_980] {strides = array<i32>} : memref<48x1024xf32, #tpu.memory_space<vmem>>, vector<1x16xf32>,
          %parallel_loop3A_982 = vector.shape_cast %parallel_loop3A_981 : vector<1x16xf32> to vector<16xf32>
          %parallel_loop3A_983 = arith.addf %parallel_loop3A_955, %parallel_loop3A_982 : vector<16xf32>
          %parallel_loop3A_984 = arith.index_cast %parallel_loop3A_952 : i32 to index
          %parallel_loop3A_985 = arith.constant 816 : index
          %parallel_loop3A_986 = tpu.vector_load %arg8[%parallel_loop3A_984, %parallel_loop3A_985] {strides = array<i32>} : memref<48x1024xf32, #tpu.memory_space<vmem>>, vector<1x16xf32>,
          %parallel_loop3A_987 = vector.shape_cast %parallel_loop3A_986 : vector<1x16xf32> to vector<16xf32>
          %parallel_loop3A_988 = arith.addf %parallel_loop3A_956, %parallel_loop3A_987 : vector<16xf32>
          %parallel_loop3A_989 = arith.index_cast %parallel_loop3A_952 : i32 to index
          %parallel_loop3A_990 = arith.constant 832 : index
          %parallel_loop3A_991 = tpu.vector_load %arg8[%parallel_loop3A_989, %parallel_loop3A_990] {strides = array<i32>} : memref<48x1024xf32, #tpu.memory_space<vmem>>, vector<1x16xf32>,
          %parallel_loop3A_992 = vector.shape_cast %parallel_loop3A_991 : vector<1x16xf32> to vector<16xf32>
          %parallel_loop3A_993 = arith.addf %parallel_loop3A_957, %parallel_loop3A_992 : vector<16xf32>
          %parallel_loop3A_994 = arith.index_cast %parallel_loop3A_952 : i32 to index
          %parallel_loop3A_995 = arith.constant 848 : index
          %parallel_loop3A_996 = tpu.vector_load %arg8[%parallel_loop3A_994, %parallel_loop3A_995] {strides = array<i32>} : memref<48x1024xf32, #tpu.memory_space<vmem>>, vector<1x16xf32>,
          %parallel_loop3A_997 = vector.shape_cast %parallel_loop3A_996 : vector<1x16xf32> to vector<16xf32>
          %parallel_loop3A_998 = arith.addf %parallel_loop3A_958, %parallel_loop3A_997 : vector<16xf32>
          %parallel_loop3A_999 = arith.index_cast %parallel_loop3A_952 : i32 to index
          %parallel_loop3A_1000 = arith.constant 864 : index
          %parallel_loop3A_1001 = tpu.vector_load %arg8[%parallel_loop3A_999, %parallel_loop3A_1000] {strides = array<i32>} : memref<48x1024xf32, #tpu.memory_space<vmem>>, vector<1x16xf32>,
          %parallel_loop3A_1002 = vector.shape_cast %parallel_loop3A_1001 : vector<1x16xf32> to vector<16xf32>
          %parallel_loop3A_1003 = arith.addf %parallel_loop3A_959, %parallel_loop3A_1002 : vector<16xf32>
          %parallel_loop3A_1004 = arith.index_cast %parallel_loop3A_952 : i32 to index
          %parallel_loop3A_1005 = arith.constant 880 : index
          %parallel_loop3A_1006 = tpu.vector_load %arg8[%parallel_loop3A_1004, %parallel_loop3A_1005] {strides = array<i32>} : memref<48x1024xf32, #tpu.memory_space<vmem>>, vector<1x16xf32>,
          %parallel_loop3A_1007 = vector.shape_cast %parallel_loop3A_1006 : vector<1x16xf32> to vector<16xf32>
          %parallel_loop3A_1008 = arith.addf %parallel_loop3A_960, %parallel_loop3A_1007 : vector<16xf32>
          %parallel_loop3A_1009 = arith.index_cast %parallel_loop3A_952 : i32 to index
          %parallel_loop3A_1010 = arith.constant 896 : index
          %parallel_loop3A_1011 = tpu.vector_load %arg8[%parallel_loop3A_1009, %parallel_loop3A_1010] {strides = array<i32>} : memref<48x1024xf32, #tpu.memory_space<vmem>>, vector<1x16xf32>,
          %parallel_loop3A_1012 = vector.shape_cast %parallel_loop3A_1011 : vector<1x16xf32> to vector<16xf32>
          %parallel_loop3A_1013 = arith.addf %parallel_loop3A_961, %parallel_loop3A_1012 : vector<16xf32>
          %parallel_loop3A_1014 = arith.index_cast %parallel_loop3A_952 : i32 to index
          %parallel_loop3A_1015 = arith.constant 912 : index
          %parallel_loop3A_1016 = tpu.vector_load %arg8[%parallel_loop3A_1014, %parallel_loop3A_1015] {strides = array<i32>} : memref<48x1024xf32, #tpu.memory_space<vmem>>, vector<1x16xf32>,
          %parallel_loop3A_1017 = vector.shape_cast %parallel_loop3A_1016 : vector<1x16xf32> to vector<16xf32>
          %parallel_loop3A_1018 = arith.addf %parallel_loop3A_962, %parallel_loop3A_1017 : vector<16xf32>
          %parallel_loop3A_1019 = arith.index_cast %parallel_loop3A_952 : i32 to index
          %parallel_loop3A_1020 = arith.constant 928 : index
          %parallel_loop3A_1021 = tpu.vector_load %arg8[%parallel_loop3A_1019, %parallel_loop3A_1020] {strides = array<i32>} : memref<48x1024xf32, #tpu.memory_space<vmem>>, vector<1x16xf32>,
          %parallel_loop3A_1022 = vector.shape_cast %parallel_loop3A_1021 : vector<1x16xf32> to vector<16xf32>
          %parallel_loop3A_1023 = arith.addf %parallel_loop3A_963, %parallel_loop3A_1022 : vector<16xf32>
          %parallel_loop3A_1024 = arith.index_cast %parallel_loop3A_952 : i32 to index
          %parallel_loop3A_1025 = arith.constant 944 : index
          %parallel_loop3A_1026 = tpu.vector_load %arg8[%parallel_loop3A_1024, %parallel_loop3A_1025] {strides = array<i32>} : memref<48x1024xf32, #tpu.memory_space<vmem>>, vector<1x16xf32>,
          %parallel_loop3A_1027 = vector.shape_cast %parallel_loop3A_1026 : vector<1x16xf32> to vector<16xf32>
          %parallel_loop3A_1028 = arith.addf %parallel_loop3A_964, %parallel_loop3A_1027 : vector<16xf32>
          %parallel_loop3A_1029 = arith.index_cast %parallel_loop3A_952 : i32 to index
          %parallel_loop3A_1030 = arith.constant 960 : index
          %parallel_loop3A_1031 = tpu.vector_load %arg8[%parallel_loop3A_1029, %parallel_loop3A_1030] {strides = array<i32>} : memref<48x1024xf32, #tpu.memory_space<vmem>>, vector<1x16xf32>,
          %parallel_loop3A_1032 = vector.shape_cast %parallel_loop3A_1031 : vector<1x16xf32> to vector<16xf32>
          %parallel_loop3A_1033 = arith.addf %parallel_loop3A_965, %parallel_loop3A_1032 : vector<16xf32>
          %parallel_loop3A_1034 = arith.index_cast %parallel_loop3A_952 : i32 to index
          %parallel_loop3A_1035 = arith.constant 976 : index
          %parallel_loop3A_1036 = tpu.vector_load %arg8[%parallel_loop3A_1034, %parallel_loop3A_1035] {strides = array<i32>} : memref<48x1024xf32, #tpu.memory_space<vmem>>, vector<1x16xf32>,
          %parallel_loop3A_1037 = vector.shape_cast %parallel_loop3A_1036 : vector<1x16xf32> to vector<16xf32>
          %parallel_loop3A_1038 = arith.addf %parallel_loop3A_966, %parallel_loop3A_1037 : vector<16xf32>
          %parallel_loop3A_1039 = arith.index_cast %parallel_loop3A_952 : i32 to index
          %parallel_loop3A_1040 = arith.constant 992 : index
          %parallel_loop3A_1041 = tpu.vector_load %arg8[%parallel_loop3A_1039, %parallel_loop3A_1040] {strides = array<i32>} : memref<48x1024xf32, #tpu.memory_space<vmem>>, vector<1x16xf32>,
          %parallel_loop3A_1042 = vector.shape_cast %parallel_loop3A_1041 : vector<1x16xf32> to vector<16xf32>
          %parallel_loop3A_1043 = arith.addf %parallel_loop3A_967, %parallel_loop3A_1042 : vector<16xf32>
          %parallel_loop3A_1044 = arith.index_cast %parallel_loop3A_952 : i32 to index
          %parallel_loop3A_1045 = arith.constant 1008 : index
          %parallel_loop3A_1046 = tpu.vector_load %arg8[%parallel_loop3A_1044, %parallel_loop3A_1045] {strides = array<i32>} : memref<48x1024xf32, #tpu.memory_space<vmem>>, vector<1x16xf32>,
          %parallel_loop3A_1047 = vector.shape_cast %parallel_loop3A_1046 : vector<1x16xf32> to vector<16xf32>
          %parallel_loop3A_1048 = arith.addf %parallel_loop3A_968, %parallel_loop3A_1047 : vector<16xf32>
          scf.yield %parallel_loop3A_973, %parallel_loop3A_978, %parallel_loop3A_983, %parallel_loop3A_988, %parallel_loop3A_993, %parallel_loop3A_998, %parallel_loop3A_1003, %parallel_loop3A_1008, %parallel_loop3A_1013, %parallel_loop3A_1018, %parallel_loop3A_1023, %parallel_loop3A_1028, %parallel_loop3A_1033, %parallel_loop3A_1038, %parallel_loop3A_1043, %parallel_loop3A_1048 : vector<16xf32>, vector<16xf32>, vector<16xf32>, vector<16xf32>, vector<16xf32>, vector<16xf32>, vector<16xf32>, vector<16xf32>, vector<16xf32>, vector<16xf32>, vector<16xf32>, vector<16xf32>, vector<16xf32>, vector<16xf32>, vector<16xf32>, vector<16xf32>
        } {sc.loop_unroll_factor = 1 : i64, sc.parallel_access}
        %swap3A_888 = arith.constant 768 : index
        %swap3A_889 = tpu.vector_load %arg9[%swap3A_888] {strides = array<i32>} : memref<1024xf32, #tpu.memory_space<vmem>>, vector<16xf32>,
        %swap3A_890 = vector.shape_cast %swap3A_889 : vector<16xf32> to vector<16xf32>
        %swap3A_891 = vector.shape_cast %parallel_loop3A_887#0 : vector<16xf32> to vector<16xf32>
        tpu.vector_store %arg9[%swap3A_888], %swap3A_891 {strides = array<i32>} : memref<1024xf32, #tpu.memory_space<vmem>>, vector<16xf32>,
        %swap3A_892 = arith.constant 784 : index
        %swap3A_893 = tpu.vector_load %arg9[%swap3A_892] {strides = array<i32>} : memref<1024xf32, #tpu.memory_space<vmem>>, vector<16xf32>,
        %swap3A_894 = vector.shape_cast %swap3A_893 : vector<16xf32> to vector<16xf32>
        %swap3A_895 = vector.shape_cast %parallel_loop3A_887#1 : vector<16xf32> to vector<16xf32>
        tpu.vector_store %arg9[%swap3A_892], %swap3A_895 {strides = array<i32>} : memref<1024xf32, #tpu.memory_space<vmem>>, vector<16xf32>,
        %swap3A_896 = arith.constant 800 : index
        %swap3A_897 = tpu.vector_load %arg9[%swap3A_896] {strides = array<i32>} : memref<1024xf32, #tpu.memory_space<vmem>>, vector<16xf32>,
        %swap3A_898 = vector.shape_cast %swap3A_897 : vector<16xf32> to vector<16xf32>
        %swap3A_899 = vector.shape_cast %parallel_loop3A_887#2 : vector<16xf32> to vector<16xf32>
        tpu.vector_store %arg9[%swap3A_896], %swap3A_899 {strides = array<i32>} : memref<1024xf32, #tpu.memory_space<vmem>>, vector<16xf32>,
        %swap3A_900 = arith.constant 816 : index
        %swap3A_901 = tpu.vector_load %arg9[%swap3A_900] {strides = array<i32>} : memref<1024xf32, #tpu.memory_space<vmem>>, vector<16xf32>,
        %swap3A_902 = vector.shape_cast %swap3A_901 : vector<16xf32> to vector<16xf32>
        %swap3A_903 = vector.shape_cast %parallel_loop3A_887#3 : vector<16xf32> to vector<16xf32>
        tpu.vector_store %arg9[%swap3A_900], %swap3A_903 {strides = array<i32>} : memref<1024xf32, #tpu.memory_space<vmem>>, vector<16xf32>,
        %swap3A_904 = arith.constant 832 : index
        %swap3A_905 = tpu.vector_load %arg9[%swap3A_904] {strides = array<i32>} : memref<1024xf32, #tpu.memory_space<vmem>>, vector<16xf32>,
        %swap3A_906 = vector.shape_cast %swap3A_905 : vector<16xf32> to vector<16xf32>
        %swap3A_907 = vector.shape_cast %parallel_loop3A_887#4 : vector<16xf32> to vector<16xf32>
        tpu.vector_store %arg9[%swap3A_904], %swap3A_907 {strides = array<i32>} : memref<1024xf32, #tpu.memory_space<vmem>>, vector<16xf32>,
        %swap3A_908 = arith.constant 848 : index
        %swap3A_909 = tpu.vector_load %arg9[%swap3A_908] {strides = array<i32>} : memref<1024xf32, #tpu.memory_space<vmem>>, vector<16xf32>,
        %swap3A_910 = vector.shape_cast %swap3A_909 : vector<16xf32> to vector<16xf32>
        %swap3A_911 = vector.shape_cast %parallel_loop3A_887#5 : vector<16xf32> to vector<16xf32>
        tpu.vector_store %arg9[%swap3A_908], %swap3A_911 {strides = array<i32>} : memref<1024xf32, #tpu.memory_space<vmem>>, vector<16xf32>,
        %swap3A_912 = arith.constant 864 : index
        %swap3A_913 = tpu.vector_load %arg9[%swap3A_912] {strides = array<i32>} : memref<1024xf32, #tpu.memory_space<vmem>>, vector<16xf32>,
        %swap3A_914 = vector.shape_cast %swap3A_913 : vector<16xf32> to vector<16xf32>
        %swap3A_915 = vector.shape_cast %parallel_loop3A_887#6 : vector<16xf32> to vector<16xf32>
        tpu.vector_store %arg9[%swap3A_912], %swap3A_915 {strides = array<i32>} : memref<1024xf32, #tpu.memory_space<vmem>>, vector<16xf32>,
        %swap3A_916 = arith.constant 880 : index
        %swap3A_917 = tpu.vector_load %arg9[%swap3A_916] {strides = array<i32>} : memref<1024xf32, #tpu.memory_space<vmem>>, vector<16xf32>,
        %swap3A_918 = vector.shape_cast %swap3A_917 : vector<16xf32> to vector<16xf32>
        %swap3A_919 = vector.shape_cast %parallel_loop3A_887#7 : vector<16xf32> to vector<16xf32>
        tpu.vector_store %arg9[%swap3A_916], %swap3A_919 {strides = array<i32>} : memref<1024xf32, #tpu.memory_space<vmem>>, vector<16xf32>,
        %swap3A_920 = arith.constant 896 : index
        %swap3A_921 = tpu.vector_load %arg9[%swap3A_920] {strides = array<i32>} : memref<1024xf32, #tpu.memory_space<vmem>>, vector<16xf32>,
        %swap3A_922 = vector.shape_cast %swap3A_921 : vector<16xf32> to vector<16xf32>
        %swap3A_923 = vector.shape_cast %parallel_loop3A_887#8 : vector<16xf32> to vector<16xf32>
        tpu.vector_store %arg9[%swap3A_920], %swap3A_923 {strides = array<i32>} : memref<1024xf32, #tpu.memory_space<vmem>>, vector<16xf32>,
        %swap3A_924 = arith.constant 912 : index
        %swap3A_925 = tpu.vector_load %arg9[%swap3A_924] {strides = array<i32>} : memref<1024xf32, #tpu.memory_space<vmem>>, vector<16xf32>,
        %swap3A_926 = vector.shape_cast %swap3A_925 : vector<16xf32> to vector<16xf32>
        %swap3A_927 = vector.shape_cast %parallel_loop3A_887#9 : vector<16xf32> to vector<16xf32>
        tpu.vector_store %arg9[%swap3A_924], %swap3A_927 {strides = array<i32>} : memref<1024xf32, #tpu.memory_space<vmem>>, vector<16xf32>,
        %swap3A_928 = arith.constant 928 : index
        %swap3A_929 = tpu.vector_load %arg9[%swap3A_928] {strides = array<i32>} : memref<1024xf32, #tpu.memory_space<vmem>>, vector<16xf32>,
        %swap3A_930 = vector.shape_cast %swap3A_929 : vector<16xf32> to vector<16xf32>
        %swap3A_931 = vector.shape_cast %parallel_loop3A_887#10 : vector<16xf32> to vector<16xf32>
        tpu.vector_store %arg9[%swap3A_928], %swap3A_931 {strides = array<i32>} : memref<1024xf32, #tpu.memory_space<vmem>>, vector<16xf32>,
        %swap3A_932 = arith.constant 944 : index
        %swap3A_933 = tpu.vector_load %arg9[%swap3A_932] {strides = array<i32>} : memref<1024xf32, #tpu.memory_space<vmem>>, vector<16xf32>,
        %swap3A_934 = vector.shape_cast %swap3A_933 : vector<16xf32> to vector<16xf32>
        %swap3A_935 = vector.shape_cast %parallel_loop3A_887#11 : vector<16xf32> to vector<16xf32>
        tpu.vector_store %arg9[%swap3A_932], %swap3A_935 {strides = array<i32>} : memref<1024xf32, #tpu.memory_space<vmem>>, vector<16xf32>,
        %swap3A_936 = arith.constant 960 : index
        %swap3A_937 = tpu.vector_load %arg9[%swap3A_936] {strides = array<i32>} : memref<1024xf32, #tpu.memory_space<vmem>>, vector<16xf32>,
        %swap3A_938 = vector.shape_cast %swap3A_937 : vector<16xf32> to vector<16xf32>
        %swap3A_939 = vector.shape_cast %parallel_loop3A_887#12 : vector<16xf32> to vector<16xf32>
        tpu.vector_store %arg9[%swap3A_936], %swap3A_939 {strides = array<i32>} : memref<1024xf32, #tpu.memory_space<vmem>>, vector<16xf32>,
        %swap3A_940 = arith.constant 976 : index
        %swap3A_941 = tpu.vector_load %arg9[%swap3A_940] {strides = array<i32>} : memref<1024xf32, #tpu.memory_space<vmem>>, vector<16xf32>,
        %swap3A_942 = vector.shape_cast %swap3A_941 : vector<16xf32> to vector<16xf32>
        %swap3A_943 = vector.shape_cast %parallel_loop3A_887#13 : vector<16xf32> to vector<16xf32>
        tpu.vector_store %arg9[%swap3A_940], %swap3A_943 {strides = array<i32>} : memref<1024xf32, #tpu.memory_space<vmem>>, vector<16xf32>,
        %swap3A_944 = arith.constant 992 : index
        %swap3A_945 = tpu.vector_load %arg9[%swap3A_944] {strides = array<i32>} : memref<1024xf32, #tpu.memory_space<vmem>>, vector<16xf32>,
        %swap3A_946 = vector.shape_cast %swap3A_945 : vector<16xf32> to vector<16xf32>
        %swap3A_947 = vector.shape_cast %parallel_loop3A_887#14 : vector<16xf32> to vector<16xf32>
        tpu.vector_store %arg9[%swap3A_944], %swap3A_947 {strides = array<i32>} : memref<1024xf32, #tpu.memory_space<vmem>>, vector<16xf32>,
        %swap3A_948 = arith.constant 1008 : index
        %swap3A_949 = tpu.vector_load %arg9[%swap3A_948] {strides = array<i32>} : memref<1024xf32, #tpu.memory_space<vmem>>, vector<16xf32>,
        %swap3A_950 = vector.shape_cast %swap3A_949 : vector<16xf32> to vector<16xf32>
        %swap3A_951 = vector.shape_cast %parallel_loop3A_887#15 : vector<16xf32> to vector<16xf32>
        tpu.vector_store %arg9[%swap3A_948], %swap3A_951 {strides = array<i32>} : memref<1024xf32, #tpu.memory_space<vmem>>, vector<16xf32>,
      } else {
      }
      %eq3A_475 = arith.constant 0 : i32
      %eq3A_476 = arith.cmpi eq, %sub3A_332, %eq3A_475 : i32
      %convert_element_type3A_477 = arith.extui %eq3A_476 : i1 to i32
      %cond3A_478 = arith.constant 0 : i32
      %cond3A_479 = arith.cmpi ne, %convert_element_type3A_477, %cond3A_478 : i32
      scf.if %cond3A_479 {
        "tpu.region"() ({
          %run_scoped3A = tpu.sem_alloc : memref<!tpu.dma_semaphore, #tpu.memory_space<semaphore_mem>>
          %dma_start3A = arith.constant 0 : i32
          %dma_start3A_481 = tpu.memref_slice %arg4[%add3A, %select_n3A_329, %dma_start3A] : memref<32x16x1024xf32, #tpu.memory_space<hbm>> -> memref<1x1x1024xf32, #tpu.memory_space<hbm>>
          %dma_start3A_482 = tpu.memref_squeeze %dma_start3A_481 : memref<1x1x1024xf32, #tpu.memory_space<hbm>> -> memref<1024xf32, #tpu.memory_space<hbm>>
          %dma_start3A_483 = arith.constant 0 : i32
          %dma_start3A_484 = tpu.memref_slice %arg4[%add3A, %select_n3A_329, %dma_start3A_483] : memref<32x16x1024xf32, #tpu.memory_space<hbm>> -> memref<1x1x1024xf32, #tpu.memory_space<hbm>>
          %dma_start3A_485 = tpu.memref_squeeze %dma_start3A_484 : memref<1x1x1024xf32, #tpu.memory_space<hbm>> -> memref<1024xf32, #tpu.memory_space<hbm>>
          tpu.enqueue_dma source(%arg9 : memref<1024xf32, #tpu.memory_space<vmem>>) target(%dma_start3A_485 : memref<1024xf32, #tpu.memory_space<hbm>>) target_semaphore(%run_scoped3A : memref<!tpu.dma_semaphore, #tpu.memory_space<semaphore_mem>>)
          %dma_wait3A = arith.constant 0 : i32
          %dma_wait3A_486 = tpu.memref_slice %arg4[%add3A, %select_n3A_329, %dma_wait3A] : memref<32x16x1024xf32, #tpu.memory_space<hbm>> -> memref<1x1x1024xf32, #tpu.memory_space<hbm>>
          %dma_wait3A_487 = tpu.memref_squeeze %dma_wait3A_486 : memref<1x1x1024xf32, #tpu.memory_space<hbm>> -> memref<1024xf32, #tpu.memory_space<hbm>>
          %dma_wait3A_488 = arith.constant 0 : i32
          %dma_wait3A_489 = tpu.memref_slice %arg4[%add3A, %select_n3A_329, %dma_wait3A_488] : memref<32x16x1024xf32, #tpu.memory_space<hbm>> -> memref<1x1x1024xf32, #tpu.memory_space<hbm>>
          %dma_wait3A_490 = tpu.memref_squeeze %dma_wait3A_489 : memref<1x1x1024xf32, #tpu.memory_space<hbm>> -> memref<1024xf32, #tpu.memory_space<hbm>>
          tpu.wait_dma2 semaphore(%run_scoped3A : memref<!tpu.dma_semaphore, #tpu.memory_space<semaphore_mem>>) src(%arg9 : memref<1024xf32, #tpu.memory_space<vmem>>) dst(%dma_wait3A_490 : memref<1024xf32, #tpu.memory_space<hbm>>)
          tpu.yield
        }) : () -> ()
      } else {
      }
      %scan3A_480 = arith.constant 0 : i32
      scf.yield %scan3A_480 : i32
    }
    %scan3A_123 = arith.constant 8 : i32
    return
  }
}

module attributes {stable_mosaic.version = 14 : i64} {
  func.func @_tc_partial_kernel(%arg0: memref<16xi32, #tpu.memory_space<smem>>, %arg1: memref<16x4096x1024xf32, #tpu.memory_space<hbm>>, %arg2: memref<16x1024xf32, #tpu.memory_space<vmem>>, %arg3: memref<640x1024xf32, #tpu.memory_space<vmem>>, %arg4: memref<640x1024xf32, #tpu.memory_space<vmem>>, %arg5: memref<640x1024xf32, #tpu.memory_space<vmem>>, %arg6: memref<640x1024xf32, #tpu.memory_space<vmem>>, %arg7: memref<!tpu.dma_semaphore, #tpu.memory_space<semaphore_mem>>, %arg8: memref<!tpu.dma_semaphore, #tpu.memory_space<semaphore_mem>>, %arg9: memref<!tpu.dma_semaphore, #tpu.memory_space<semaphore_mem>>, %arg10: memref<!tpu.dma_semaphore, #tpu.memory_space<semaphore_mem>>) attributes {dimension_semantics = [], scalar_prefetch = 0 : i64, scratch_operands = 8 : i64, tpu.core_type = #tpu.core_type<tc>} {
    %iota3A = tpu.iota {dimensions = array<i32: 0>} : vector<640x1xi32>
    %get3A = arith.constant 0 : index
    %get3A_0 = memref.load %arg0[%get3A] : memref<16xi32, #tpu.memory_space<smem>>
    %gt3A = arith.constant 0 : i32
    %gt3A_1 = arith.cmpi sgt, %get3A_0, %gt3A : i32
    %and3A = arith.constant true
    %and3A_2 = arith.andi %and3A, %gt3A_1 : i1
    %convert_element_type3A = arith.extui %and3A_2 : i1 to i32
    %cond3A = arith.constant 0 : i32
    %cond3A_3 = arith.cmpi ne, %convert_element_type3A, %cond3A : i32
    scf.if %cond3A_3 {
      %dma_start3A = arith.constant 0 : i32
      %dma_start3A_28 = arith.constant 0 : i32
      %dma_start3A_29 = arith.constant 0 : i32
      %dma_start3A_30 = tpu.memref_slice %arg1[%dma_start3A, %dma_start3A_28, %dma_start3A_29] : memref<16x4096x1024xf32, #tpu.memory_space<hbm>> -> memref<1x640x1024xf32, #tpu.memory_space<hbm>>
      %dma_start3A_31 = tpu.memref_squeeze %dma_start3A_30 : memref<1x640x1024xf32, #tpu.memory_space<hbm>> -> memref<640x1024xf32, #tpu.memory_space<hbm>>
      tpu.enqueue_dma source(%dma_start3A_31 : memref<640x1024xf32, #tpu.memory_space<hbm>>) target(%arg3 : memref<640x1024xf32, #tpu.memory_space<vmem>>) target_semaphore(%arg7 : memref<!tpu.dma_semaphore, #tpu.memory_space<semaphore_mem>>)
    } else {
    }
    %get3A_4 = arith.constant 0 : index
    %get3A_5 = memref.load %arg0[%get3A_4] : memref<16xi32, #tpu.memory_space<smem>>
    %gt3A_6 = arith.constant 1024 : i32
    %gt3A_7 = arith.cmpi sgt, %get3A_5, %gt3A_6 : i32
    %and3A_8 = arith.constant true
    %and3A_9 = arith.andi %and3A_8, %gt3A_7 : i1
    %convert_element_type3A_10 = arith.extui %and3A_9 : i1 to i32
    %cond3A_11 = arith.constant 0 : i32
    %cond3A_12 = arith.cmpi ne, %convert_element_type3A_10, %cond3A_11 : i32
    scf.if %cond3A_12 {
      %dma_start3A = arith.constant 0 : i32
      %dma_start3A_28 = arith.constant 1024 : i32
      %dma_start3A_29 = arith.constant 0 : i32
      %dma_start3A_30 = tpu.memref_slice %arg1[%dma_start3A, %dma_start3A_28, %dma_start3A_29] : memref<16x4096x1024xf32, #tpu.memory_space<hbm>> -> memref<1x640x1024xf32, #tpu.memory_space<hbm>>
      %dma_start3A_31 = tpu.memref_squeeze %dma_start3A_30 : memref<1x640x1024xf32, #tpu.memory_space<hbm>> -> memref<640x1024xf32, #tpu.memory_space<hbm>>
      tpu.enqueue_dma source(%dma_start3A_31 : memref<640x1024xf32, #tpu.memory_space<hbm>>) target(%arg4 : memref<640x1024xf32, #tpu.memory_space<vmem>>) target_semaphore(%arg8 : memref<!tpu.dma_semaphore, #tpu.memory_space<semaphore_mem>>)
    } else {
    }
    %get3A_13 = arith.constant 0 : index
    %get3A_14 = memref.load %arg0[%get3A_13] : memref<16xi32, #tpu.memory_space<smem>>
    %gt3A_15 = arith.constant 2048 : i32
    %gt3A_16 = arith.cmpi sgt, %get3A_14, %gt3A_15 : i32
    %and3A_17 = arith.constant true
    %and3A_18 = arith.andi %and3A_17, %gt3A_16 : i1
    %convert_element_type3A_19 = arith.extui %and3A_18 : i1 to i32
    %cond3A_20 = arith.constant 0 : i32
    %cond3A_21 = arith.cmpi ne, %convert_element_type3A_19, %cond3A_20 : i32
    scf.if %cond3A_21 {
      %dma_start3A = arith.constant 0 : i32
      %dma_start3A_28 = arith.constant 2048 : i32
      %dma_start3A_29 = arith.constant 0 : i32
      %dma_start3A_30 = tpu.memref_slice %arg1[%dma_start3A, %dma_start3A_28, %dma_start3A_29] : memref<16x4096x1024xf32, #tpu.memory_space<hbm>> -> memref<1x640x1024xf32, #tpu.memory_space<hbm>>
      %dma_start3A_31 = tpu.memref_squeeze %dma_start3A_30 : memref<1x640x1024xf32, #tpu.memory_space<hbm>> -> memref<640x1024xf32, #tpu.memory_space<hbm>>
      tpu.enqueue_dma source(%dma_start3A_31 : memref<640x1024xf32, #tpu.memory_space<hbm>>) target(%arg5 : memref<640x1024xf32, #tpu.memory_space<vmem>>) target_semaphore(%arg9 : memref<!tpu.dma_semaphore, #tpu.memory_space<semaphore_mem>>)
    } else {
    }
    %broadcast_in_dim3A = arith.constant 0.000000e+00 : f32
    %broadcast_in_dim3A_22 = vector.broadcast %broadcast_in_dim3A : f32 to vector<1x1024xf32>
    %scan3A = arith.constant 0 : i32
    %scan3A_23 = arith.constant 16 : i32
    %scan3A_24 = arith.addi %scan3A, %scan3A_23 : i32
    %scan3A_25 = arith.constant 1 : i32
    %scan3A_26 = scf.for %scan3A_28 = %scan3A to %scan3A_24 step %scan3A_25 iter_args(%scan3A_29 = %broadcast_in_dim3A_22) -> (vector<1x1024xf32>)  : i32 {
      %mul3A = arith.constant 4 : i32
      %mul3A_30 = arith.muli %scan3A_28, %mul3A : i32
      %add3A = arith.constant 0 : i32
      %add3A_31 = arith.addi %mul3A_30, %add3A : i32
      %min3A = arith.constant 63 : i32
      %min3A_32 = arith.minsi %add3A_31, %min3A : i32
      %jit3A = arith.constant 4 : i32
      %div3A = arith.divsi %min3A_32, %jit3A : i32
      %sign3A = arith.constant 0 : i32
      %sign3A_33 = arith.cmpi sgt, %min3A_32, %sign3A : i32
      %sign3A_34 = arith.extui %sign3A_33 : i1 to i32
      %sign3A_35 = arith.constant 0 : i32
      %sign3A_36 = arith.cmpi slt, %min3A_32, %sign3A_35 : i32
      %sign3A_37 = arith.extui %sign3A_36 : i1 to i32
      %sign3A_38 = arith.subi %sign3A_34, %sign3A_37 : i32
      %sign3A_39 = arith.constant 0 : i32
      %sign3A_40 = arith.cmpi sgt, %jit3A, %sign3A_39 : i32
      %sign3A_41 = arith.extui %sign3A_40 : i1 to i32
      %sign3A_42 = arith.constant 0 : i32
      %sign3A_43 = arith.cmpi slt, %jit3A, %sign3A_42 : i32
      %sign3A_44 = arith.extui %sign3A_43 : i1 to i32
      %sign3A_45 = arith.subi %sign3A_41, %sign3A_44 : i32
      %ne3A = arith.cmpi ne, %sign3A_38, %sign3A_45 : i32
      %rem3A = arith.remsi %min3A_32, %jit3A : i32
      %ne3A_46 = arith.constant 0 : i32
      %ne3A_47 = arith.cmpi ne, %rem3A, %ne3A_46 : i32
      %and3A_48 = arith.andi %ne3A, %ne3A_47 : i1
      %sub3A = arith.constant 1 : i32
      %sub3A_49 = arith.subi %div3A, %sub3A : i32
      %select_n3A = arith.select %and3A_48, %sub3A_49, %div3A : i32
      %mul3A_50 = arith.constant 4 : i32
      %mul3A_51 = arith.muli %select_n3A, %mul3A_50 : i32
      %sub3A_52 = arith.subi %min3A_32, %mul3A_51 : i32
      %mul3A_53 = arith.constant 1024 : i32
      %mul3A_54 = arith.muli %sub3A_52, %mul3A_53 : i32
      %lt3A = arith.constant 64 : i32
      %lt3A_55 = arith.cmpi slt, %add3A_31, %lt3A : i32
      %get3A_56 = arith.index_cast %select_n3A : i32 to index
      %get3A_57 = memref.load %arg0[%get3A_56] : memref<16xi32, #tpu.memory_space<smem>>
      %lt3A_58 = arith.cmpi slt, %mul3A_54, %get3A_57 : i32
      %and3A_59 = arith.andi %lt3A_55, %lt3A_58 : i1
      %add3A_60 = arith.constant 3 : i32
      %add3A_61 = arith.addi %add3A_31, %add3A_60 : i32
      %min3A_62 = arith.constant 63 : i32
      %min3A_63 = arith.minsi %add3A_61, %min3A_62 : i32
      %jit3A_64 = arith.constant 4 : i32
      %div3A_65 = arith.divsi %min3A_63, %jit3A_64 : i32
      %sign3A_66 = arith.constant 0 : i32
      %sign3A_67 = arith.cmpi sgt, %min3A_63, %sign3A_66 : i32
      %sign3A_68 = arith.extui %sign3A_67 : i1 to i32
      %sign3A_69 = arith.constant 0 : i32
      %sign3A_70 = arith.cmpi slt, %min3A_63, %sign3A_69 : i32
      %sign3A_71 = arith.extui %sign3A_70 : i1 to i32
      %sign3A_72 = arith.subi %sign3A_68, %sign3A_71 : i32
      %sign3A_73 = arith.constant 0 : i32
      %sign3A_74 = arith.cmpi sgt, %jit3A_64, %sign3A_73 : i32
      %sign3A_75 = arith.extui %sign3A_74 : i1 to i32
      %sign3A_76 = arith.constant 0 : i32
      %sign3A_77 = arith.cmpi slt, %jit3A_64, %sign3A_76 : i32
      %sign3A_78 = arith.extui %sign3A_77 : i1 to i32
      %sign3A_79 = arith.subi %sign3A_75, %sign3A_78 : i32
      %ne3A_80 = arith.cmpi ne, %sign3A_72, %sign3A_79 : i32
      %rem3A_81 = arith.remsi %min3A_63, %jit3A_64 : i32
      %ne3A_82 = arith.constant 0 : i32
      %ne3A_83 = arith.cmpi ne, %rem3A_81, %ne3A_82 : i32
      %and3A_84 = arith.andi %ne3A_80, %ne3A_83 : i1
      %sub3A_85 = arith.constant 1 : i32
      %sub3A_86 = arith.subi %div3A_65, %sub3A_85 : i32
      %select_n3A_87 = arith.select %and3A_84, %sub3A_86, %div3A_65 : i32
      %mul3A_88 = arith.constant 4 : i32
      %mul3A_89 = arith.muli %select_n3A_87, %mul3A_88 : i32
      %sub3A_90 = arith.subi %min3A_63, %mul3A_89 : i32
      %mul3A_91 = arith.constant 1024 : i32
      %mul3A_92 = arith.muli %sub3A_90, %mul3A_91 : i32
      %lt3A_93 = arith.constant 64 : i32
      %lt3A_94 = arith.cmpi slt, %add3A_61, %lt3A_93 : i32
      %get3A_95 = arith.index_cast %select_n3A_87 : i32 to index
      %get3A_96 = memref.load %arg0[%get3A_95] : memref<16xi32, #tpu.memory_space<smem>>
      %lt3A_97 = arith.cmpi slt, %mul3A_92, %get3A_96 : i32
      %and3A_98 = arith.andi %lt3A_94, %lt3A_97 : i1
      %convert_element_type3A_99 = arith.extui %and3A_98 : i1 to i32
      %cond3A_100 = arith.constant 0 : i32
      %cond3A_101 = arith.cmpi ne, %convert_element_type3A_99, %cond3A_100 : i32
      scf.if %cond3A_101 {
        %dma_start3A = arith.constant 0 : i32
        %dma_start3A_391 = tpu.memref_slice %arg1[%select_n3A_87, %mul3A_92, %dma_start3A] : memref<16x4096x1024xf32, #tpu.memory_space<hbm>> -> memref<1x640x1024xf32, #tpu.memory_space<hbm>>
        %dma_start3A_392 = tpu.memref_squeeze %dma_start3A_391 : memref<1x640x1024xf32, #tpu.memory_space<hbm>> -> memref<640x1024xf32, #tpu.memory_space<hbm>>
        tpu.enqueue_dma source(%dma_start3A_392 : memref<640x1024xf32, #tpu.memory_space<hbm>>) target(%arg6 : memref<640x1024xf32, #tpu.memory_space<vmem>>) target_semaphore(%arg10 : memref<!tpu.dma_semaphore, #tpu.memory_space<semaphore_mem>>)
      } else {
      }
      %eq3A = arith.constant 0 : i32
      %eq3A_102 = arith.cmpi eq, %sub3A_52, %eq3A : i32
      %broadcast_in_dim3A_103 = arith.constant 0.000000e+00 : f32
      %broadcast_in_dim3A_104 = vector.broadcast %broadcast_in_dim3A_103 : f32 to vector<1x1024xf32>
      %select_n3A_105 = arith.select %eq3A_102, %broadcast_in_dim3A_104, %scan3A_29 : vector<1x1024xf32>
      %convert_element_type3A_106 = arith.extui %and3A_59 : i1 to i32
      %cond3A_107 = arith.constant 0 : i32
      %cond3A_108 = arith.cmpi ne, %convert_element_type3A_106, %cond3A_107 : i32
      %cond3A_109 = scf.if %cond3A_108 -> (vector<1x1024xf32>) {
        %dma_wait3A = arith.constant 0 : i32
        %dma_wait3A_391 = arith.constant 0 : i32
        %dma_wait3A_392 = arith.constant 0 : i32
        %dma_wait3A_393 = tpu.memref_slice %arg1[%dma_wait3A, %dma_wait3A_391, %dma_wait3A_392] : memref<16x4096x1024xf32, #tpu.memory_space<hbm>> -> memref<1x640x1024xf32, #tpu.memory_space<hbm>>
        %dma_wait3A_394 = tpu.memref_squeeze %dma_wait3A_393 : memref<1x640x1024xf32, #tpu.memory_space<hbm>> -> memref<640x1024xf32, #tpu.memory_space<hbm>>
        tpu.wait_dma2 semaphore(%arg7 : memref<!tpu.dma_semaphore, #tpu.memory_space<semaphore_mem>>) src(%dma_wait3A_394 : memref<640x1024xf32, #tpu.memory_space<hbm>>) dst(%arg3 : memref<640x1024xf32, #tpu.memory_space<vmem>>)
        %get3A_395 = arith.index_cast %select_n3A : i32 to index
        %get3A_396 = memref.load %arg0[%get3A_395] : memref<16xi32, #tpu.memory_space<smem>>
        %sub3A_397 = arith.subi %get3A_396, %mul3A_54 : i32
        %ge3A = arith.constant 640 : i32
        %ge3A_398 = arith.cmpi sge, %sub3A_397, %ge3A : i32
        %convert_element_type3A_399 = arith.extui %ge3A_398 : i1 to i32
        %cond3A_400 = arith.constant 0 : i32
        %cond3A_401 = arith.cmpi ne, %convert_element_type3A_399, %cond3A_400 : i32
        %cond3A_402 = scf.if %cond3A_401 -> (vector<1x1024xf32>) {
          %get3A_404 = arith.constant 0 : index
          %get3A_405 = arith.constant 0 : index
          %get3A_406 = vector.load %arg3[%get3A_404, %get3A_405] : memref<640x1024xf32, #tpu.memory_space<vmem>>, vector<640x1024xf32>
          %reduce_sum3A = arith.constant dense<0.000000e+00> : vector<1024xf32>
          %reduce_sum3A_407 = vector.multi_reduction <add>, %get3A_406, %reduce_sum3A [0] : vector<640x1024xf32> to vector<1024xf32>
          %broadcast_in_dim3A_408 = vector.shape_cast %reduce_sum3A_407 : vector<1024xf32> to vector<1x1024xf32>
          scf.yield %broadcast_in_dim3A_408 : vector<1x1024xf32>
        } else {
          %lt3A_404 = vector.broadcast %sub3A_397 : i32 to vector<640x1xi32>
          %lt3A_405 = arith.cmpi slt, %iota3A, %lt3A_404 : vector<640x1xi32>
          %get3A_406 = arith.constant 0 : index
          %get3A_407 = arith.constant 0 : index
          %get3A_408 = vector.load %arg3[%get3A_406, %get3A_407] : memref<640x1024xf32, #tpu.memory_space<vmem>>, vector<640x1024xf32>
          %jit3A_409 = arith.constant 0.000000e+00 : f32
          %broadcast_in_dim3A_410 = vector.shape_cast %lt3A_405 : vector<640x1xi1> to vector<640x1xi1>
          %broadcast_in_dim3A_411 = vector.broadcast %broadcast_in_dim3A_410 : vector<640x1xi1> to vector<640x1024xi1>
          %broadcast_in_dim3A_412 = vector.broadcast %jit3A_409 : f32 to vector<640x1024xf32>
          %select_n3A_413 = arith.select %broadcast_in_dim3A_411, %get3A_408, %broadcast_in_dim3A_412 : vector<640x1024xi1>, vector<640x1024xf32>
          %reduce_sum3A = arith.constant dense<0.000000e+00> : vector<1024xf32>
          %reduce_sum3A_414 = vector.multi_reduction <add>, %select_n3A_413, %reduce_sum3A [0] : vector<640x1024xf32> to vector<1024xf32>
          %broadcast_in_dim3A_415 = vector.shape_cast %reduce_sum3A_414 : vector<1024xf32> to vector<1x1024xf32>
          scf.yield %broadcast_in_dim3A_415 : vector<1x1024xf32>
        }
        %add3A_403 = arith.addf %select_n3A_105, %cond3A_402 : vector<1x1024xf32>
        scf.yield %add3A_403 : vector<1x1024xf32>
      } else {
        scf.yield %select_n3A_105 : vector<1x1024xf32>
      }
      %swap3A = arith.index_cast %select_n3A : i32 to index
      %swap3A_110 = arith.constant 0 : index
      %swap3A_111 = vector.load %arg2[%swap3A, %swap3A_110] : memref<16x1024xf32, #tpu.memory_space<vmem>>, vector<1x1024xf32>
      tpu.vector_store %arg2[%swap3A, %swap3A_110], %cond3A_109 {strides = array<i32>} : memref<16x1024xf32, #tpu.memory_space<vmem>>, vector<1x1024xf32>,
      %add3A_112 = arith.constant 1 : i32
      %add3A_113 = arith.addi %mul3A_30, %add3A_112 : i32
      %min3A_114 = arith.constant 63 : i32
      %min3A_115 = arith.minsi %add3A_113, %min3A_114 : i32
      %jit3A_116 = arith.constant 4 : i32
      %div3A_117 = arith.divsi %min3A_115, %jit3A_116 : i32
      %sign3A_118 = arith.constant 0 : i32
      %sign3A_119 = arith.cmpi sgt, %min3A_115, %sign3A_118 : i32
      %sign3A_120 = arith.extui %sign3A_119 : i1 to i32
      %sign3A_121 = arith.constant 0 : i32
      %sign3A_122 = arith.cmpi slt, %min3A_115, %sign3A_121 : i32
      %sign3A_123 = arith.extui %sign3A_122 : i1 to i32
      %sign3A_124 = arith.subi %sign3A_120, %sign3A_123 : i32
      %sign3A_125 = arith.constant 0 : i32
      %sign3A_126 = arith.cmpi sgt, %jit3A_116, %sign3A_125 : i32
      %sign3A_127 = arith.extui %sign3A_126 : i1 to i32
      %sign3A_128 = arith.constant 0 : i32
      %sign3A_129 = arith.cmpi slt, %jit3A_116, %sign3A_128 : i32
      %sign3A_130 = arith.extui %sign3A_129 : i1 to i32
      %sign3A_131 = arith.subi %sign3A_127, %sign3A_130 : i32
      %ne3A_132 = arith.cmpi ne, %sign3A_124, %sign3A_131 : i32
      %rem3A_133 = arith.remsi %min3A_115, %jit3A_116 : i32
      %ne3A_134 = arith.constant 0 : i32
      %ne3A_135 = arith.cmpi ne, %rem3A_133, %ne3A_134 : i32
      %and3A_136 = arith.andi %ne3A_132, %ne3A_135 : i1
      %sub3A_137 = arith.constant 1 : i32
      %sub3A_138 = arith.subi %div3A_117, %sub3A_137 : i32
      %select_n3A_139 = arith.select %and3A_136, %sub3A_138, %div3A_117 : i32
      %mul3A_140 = arith.constant 4 : i32
      %mul3A_141 = arith.muli %select_n3A_139, %mul3A_140 : i32
      %sub3A_142 = arith.subi %min3A_115, %mul3A_141 : i32
      %mul3A_143 = arith.constant 1024 : i32
      %mul3A_144 = arith.muli %sub3A_142, %mul3A_143 : i32
      %lt3A_145 = arith.constant 64 : i32
      %lt3A_146 = arith.cmpi slt, %add3A_113, %lt3A_145 : i32
      %get3A_147 = arith.index_cast %select_n3A_139 : i32 to index
      %get3A_148 = memref.load %arg0[%get3A_147] : memref<16xi32, #tpu.memory_space<smem>>
      %lt3A_149 = arith.cmpi slt, %mul3A_144, %get3A_148 : i32
      %and3A_150 = arith.andi %lt3A_146, %lt3A_149 : i1
      %add3A_151 = arith.constant 3 : i32
      %add3A_152 = arith.addi %add3A_113, %add3A_151 : i32
      %min3A_153 = arith.constant 63 : i32
      %min3A_154 = arith.minsi %add3A_152, %min3A_153 : i32
      %jit3A_155 = arith.constant 4 : i32
      %div3A_156 = arith.divsi %min3A_154, %jit3A_155 : i32
      %sign3A_157 = arith.constant 0 : i32
      %sign3A_158 = arith.cmpi sgt, %min3A_154, %sign3A_157 : i32
      %sign3A_159 = arith.extui %sign3A_158 : i1 to i32
      %sign3A_160 = arith.constant 0 : i32
      %sign3A_161 = arith.cmpi slt, %min3A_154, %sign3A_160 : i32
      %sign3A_162 = arith.extui %sign3A_161 : i1 to i32
      %sign3A_163 = arith.subi %sign3A_159, %sign3A_162 : i32
      %sign3A_164 = arith.constant 0 : i32
      %sign3A_165 = arith.cmpi sgt, %jit3A_155, %sign3A_164 : i32
      %sign3A_166 = arith.extui %sign3A_165 : i1 to i32
      %sign3A_167 = arith.constant 0 : i32
      %sign3A_168 = arith.cmpi slt, %jit3A_155, %sign3A_167 : i32
      %sign3A_169 = arith.extui %sign3A_168 : i1 to i32
      %sign3A_170 = arith.subi %sign3A_166, %sign3A_169 : i32
      %ne3A_171 = arith.cmpi ne, %sign3A_163, %sign3A_170 : i32
      %rem3A_172 = arith.remsi %min3A_154, %jit3A_155 : i32
      %ne3A_173 = arith.constant 0 : i32
      %ne3A_174 = arith.cmpi ne, %rem3A_172, %ne3A_173 : i32
      %and3A_175 = arith.andi %ne3A_171, %ne3A_174 : i1
      %sub3A_176 = arith.constant 1 : i32
      %sub3A_177 = arith.subi %div3A_156, %sub3A_176 : i32
      %select_n3A_178 = arith.select %and3A_175, %sub3A_177, %div3A_156 : i32
      %mul3A_179 = arith.constant 4 : i32
      %mul3A_180 = arith.muli %select_n3A_178, %mul3A_179 : i32
      %sub3A_181 = arith.subi %min3A_154, %mul3A_180 : i32
      %mul3A_182 = arith.constant 1024 : i32
      %mul3A_183 = arith.muli %sub3A_181, %mul3A_182 : i32
      %lt3A_184 = arith.constant 64 : i32
      %lt3A_185 = arith.cmpi slt, %add3A_152, %lt3A_184 : i32
      %get3A_186 = arith.index_cast %select_n3A_178 : i32 to index
      %get3A_187 = memref.load %arg0[%get3A_186] : memref<16xi32, #tpu.memory_space<smem>>
      %lt3A_188 = arith.cmpi slt, %mul3A_183, %get3A_187 : i32
      %and3A_189 = arith.andi %lt3A_185, %lt3A_188 : i1
      %convert_element_type3A_190 = arith.extui %and3A_189 : i1 to i32
      %cond3A_191 = arith.constant 0 : i32
      %cond3A_192 = arith.cmpi ne, %convert_element_type3A_190, %cond3A_191 : i32
      scf.if %cond3A_192 {
        %dma_start3A = arith.constant 0 : i32
        %dma_start3A_391 = tpu.memref_slice %arg1[%select_n3A_178, %mul3A_183, %dma_start3A] : memref<16x4096x1024xf32, #tpu.memory_space<hbm>> -> memref<1x640x1024xf32, #tpu.memory_space<hbm>>
        %dma_start3A_392 = tpu.memref_squeeze %dma_start3A_391 : memref<1x640x1024xf32, #tpu.memory_space<hbm>> -> memref<640x1024xf32, #tpu.memory_space<hbm>>
        tpu.enqueue_dma source(%dma_start3A_392 : memref<640x1024xf32, #tpu.memory_space<hbm>>) target(%arg3 : memref<640x1024xf32, #tpu.memory_space<vmem>>) target_semaphore(%arg7 : memref<!tpu.dma_semaphore, #tpu.memory_space<semaphore_mem>>)
      } else {
      }
      %eq3A_193 = arith.constant 0 : i32
      %eq3A_194 = arith.cmpi eq, %sub3A_142, %eq3A_193 : i32
      %broadcast_in_dim3A_195 = arith.constant 0.000000e+00 : f32
      %broadcast_in_dim3A_196 = vector.broadcast %broadcast_in_dim3A_195 : f32 to vector<1x1024xf32>
      %select_n3A_197 = arith.select %eq3A_194, %broadcast_in_dim3A_196, %cond3A_109 : vector<1x1024xf32>
      %convert_element_type3A_198 = arith.extui %and3A_150 : i1 to i32
      %cond3A_199 = arith.constant 0 : i32
      %cond3A_200 = arith.cmpi ne, %convert_element_type3A_198, %cond3A_199 : i32
      %cond3A_201 = scf.if %cond3A_200 -> (vector<1x1024xf32>) {
        %dma_wait3A = arith.constant 0 : i32
        %dma_wait3A_391 = arith.constant 0 : i32
        %dma_wait3A_392 = arith.constant 0 : i32
        %dma_wait3A_393 = tpu.memref_slice %arg1[%dma_wait3A, %dma_wait3A_391, %dma_wait3A_392] : memref<16x4096x1024xf32, #tpu.memory_space<hbm>> -> memref<1x640x1024xf32, #tpu.memory_space<hbm>>
        %dma_wait3A_394 = tpu.memref_squeeze %dma_wait3A_393 : memref<1x640x1024xf32, #tpu.memory_space<hbm>> -> memref<640x1024xf32, #tpu.memory_space<hbm>>
        tpu.wait_dma2 semaphore(%arg8 : memref<!tpu.dma_semaphore, #tpu.memory_space<semaphore_mem>>) src(%dma_wait3A_394 : memref<640x1024xf32, #tpu.memory_space<hbm>>) dst(%arg4 : memref<640x1024xf32, #tpu.memory_space<vmem>>)
        %get3A_395 = arith.index_cast %select_n3A_139 : i32 to index
        %get3A_396 = memref.load %arg0[%get3A_395] : memref<16xi32, #tpu.memory_space<smem>>
        %sub3A_397 = arith.subi %get3A_396, %mul3A_144 : i32
        %ge3A = arith.constant 640 : i32
        %ge3A_398 = arith.cmpi sge, %sub3A_397, %ge3A : i32
        %convert_element_type3A_399 = arith.extui %ge3A_398 : i1 to i32
        %cond3A_400 = arith.constant 0 : i32
        %cond3A_401 = arith.cmpi ne, %convert_element_type3A_399, %cond3A_400 : i32
        %cond3A_402 = scf.if %cond3A_401 -> (vector<1x1024xf32>) {
          %get3A_404 = arith.constant 0 : index
          %get3A_405 = arith.constant 0 : index
          %get3A_406 = vector.load %arg4[%get3A_404, %get3A_405] : memref<640x1024xf32, #tpu.memory_space<vmem>>, vector<640x1024xf32>
          %reduce_sum3A = arith.constant dense<0.000000e+00> : vector<1024xf32>
          %reduce_sum3A_407 = vector.multi_reduction <add>, %get3A_406, %reduce_sum3A [0] : vector<640x1024xf32> to vector<1024xf32>
          %broadcast_in_dim3A_408 = vector.shape_cast %reduce_sum3A_407 : vector<1024xf32> to vector<1x1024xf32>
          scf.yield %broadcast_in_dim3A_408 : vector<1x1024xf32>
        } else {
          %lt3A_404 = vector.broadcast %sub3A_397 : i32 to vector<640x1xi32>
          %lt3A_405 = arith.cmpi slt, %iota3A, %lt3A_404 : vector<640x1xi32>
          %get3A_406 = arith.constant 0 : index
          %get3A_407 = arith.constant 0 : index
          %get3A_408 = vector.load %arg4[%get3A_406, %get3A_407] : memref<640x1024xf32, #tpu.memory_space<vmem>>, vector<640x1024xf32>
          %jit3A_409 = arith.constant 0.000000e+00 : f32
          %broadcast_in_dim3A_410 = vector.shape_cast %lt3A_405 : vector<640x1xi1> to vector<640x1xi1>
          %broadcast_in_dim3A_411 = vector.broadcast %broadcast_in_dim3A_410 : vector<640x1xi1> to vector<640x1024xi1>
          %broadcast_in_dim3A_412 = vector.broadcast %jit3A_409 : f32 to vector<640x1024xf32>
          %select_n3A_413 = arith.select %broadcast_in_dim3A_411, %get3A_408, %broadcast_in_dim3A_412 : vector<640x1024xi1>, vector<640x1024xf32>
          %reduce_sum3A = arith.constant dense<0.000000e+00> : vector<1024xf32>
          %reduce_sum3A_414 = vector.multi_reduction <add>, %select_n3A_413, %reduce_sum3A [0] : vector<640x1024xf32> to vector<1024xf32>
          %broadcast_in_dim3A_415 = vector.shape_cast %reduce_sum3A_414 : vector<1024xf32> to vector<1x1024xf32>
          scf.yield %broadcast_in_dim3A_415 : vector<1x1024xf32>
        }
        %add3A_403 = arith.addf %select_n3A_197, %cond3A_402 : vector<1x1024xf32>
        scf.yield %add3A_403 : vector<1x1024xf32>
      } else {
        scf.yield %select_n3A_197 : vector<1x1024xf32>
      }
      %swap3A_202 = arith.index_cast %select_n3A_139 : i32 to index
      %swap3A_203 = arith.constant 0 : index
      %swap3A_204 = vector.load %arg2[%swap3A_202, %swap3A_203] : memref<16x1024xf32, #tpu.memory_space<vmem>>, vector<1x1024xf32>
      tpu.vector_store %arg2[%swap3A_202, %swap3A_203], %cond3A_201 {strides = array<i32>} : memref<16x1024xf32, #tpu.memory_space<vmem>>, vector<1x1024xf32>,
      %add3A_205 = arith.constant 2 : i32
      %add3A_206 = arith.addi %mul3A_30, %add3A_205 : i32
      %min3A_207 = arith.constant 63 : i32
      %min3A_208 = arith.minsi %add3A_206, %min3A_207 : i32
      %jit3A_209 = arith.constant 4 : i32
      %div3A_210 = arith.divsi %min3A_208, %jit3A_209 : i32
      %sign3A_211 = arith.constant 0 : i32
      %sign3A_212 = arith.cmpi sgt, %min3A_208, %sign3A_211 : i32
      %sign3A_213 = arith.extui %sign3A_212 : i1 to i32
      %sign3A_214 = arith.constant 0 : i32
      %sign3A_215 = arith.cmpi slt, %min3A_208, %sign3A_214 : i32
      %sign3A_216 = arith.extui %sign3A_215 : i1 to i32
      %sign3A_217 = arith.subi %sign3A_213, %sign3A_216 : i32
      %sign3A_218 = arith.constant 0 : i32
      %sign3A_219 = arith.cmpi sgt, %jit3A_209, %sign3A_218 : i32
      %sign3A_220 = arith.extui %sign3A_219 : i1 to i32
      %sign3A_221 = arith.constant 0 : i32
      %sign3A_222 = arith.cmpi slt, %jit3A_209, %sign3A_221 : i32
      %sign3A_223 = arith.extui %sign3A_222 : i1 to i32
      %sign3A_224 = arith.subi %sign3A_220, %sign3A_223 : i32
      %ne3A_225 = arith.cmpi ne, %sign3A_217, %sign3A_224 : i32
      %rem3A_226 = arith.remsi %min3A_208, %jit3A_209 : i32
      %ne3A_227 = arith.constant 0 : i32
      %ne3A_228 = arith.cmpi ne, %rem3A_226, %ne3A_227 : i32
      %and3A_229 = arith.andi %ne3A_225, %ne3A_228 : i1
      %sub3A_230 = arith.constant 1 : i32
      %sub3A_231 = arith.subi %div3A_210, %sub3A_230 : i32
      %select_n3A_232 = arith.select %and3A_229, %sub3A_231, %div3A_210 : i32
      %mul3A_233 = arith.constant 4 : i32
      %mul3A_234 = arith.muli %select_n3A_232, %mul3A_233 : i32
      %sub3A_235 = arith.subi %min3A_208, %mul3A_234 : i32
      %mul3A_236 = arith.constant 1024 : i32
      %mul3A_237 = arith.muli %sub3A_235, %mul3A_236 : i32
      %lt3A_238 = arith.constant 64 : i32
      %lt3A_239 = arith.cmpi slt, %add3A_206, %lt3A_238 : i32
      %get3A_240 = arith.index_cast %select_n3A_232 : i32 to index
      %get3A_241 = memref.load %arg0[%get3A_240] : memref<16xi32, #tpu.memory_space<smem>>
      %lt3A_242 = arith.cmpi slt, %mul3A_237, %get3A_241 : i32
      %and3A_243 = arith.andi %lt3A_239, %lt3A_242 : i1
      %add3A_244 = arith.constant 3 : i32
      %add3A_245 = arith.addi %add3A_206, %add3A_244 : i32
      %min3A_246 = arith.constant 63 : i32
      %min3A_247 = arith.minsi %add3A_245, %min3A_246 : i32
      %jit3A_248 = arith.constant 4 : i32
      %div3A_249 = arith.divsi %min3A_247, %jit3A_248 : i32
      %sign3A_250 = arith.constant 0 : i32
      %sign3A_251 = arith.cmpi sgt, %min3A_247, %sign3A_250 : i32
      %sign3A_252 = arith.extui %sign3A_251 : i1 to i32
      %sign3A_253 = arith.constant 0 : i32
      %sign3A_254 = arith.cmpi slt, %min3A_247, %sign3A_253 : i32
      %sign3A_255 = arith.extui %sign3A_254 : i1 to i32
      %sign3A_256 = arith.subi %sign3A_252, %sign3A_255 : i32
      %sign3A_257 = arith.constant 0 : i32
      %sign3A_258 = arith.cmpi sgt, %jit3A_248, %sign3A_257 : i32
      %sign3A_259 = arith.extui %sign3A_258 : i1 to i32
      %sign3A_260 = arith.constant 0 : i32
      %sign3A_261 = arith.cmpi slt, %jit3A_248, %sign3A_260 : i32
      %sign3A_262 = arith.extui %sign3A_261 : i1 to i32
      %sign3A_263 = arith.subi %sign3A_259, %sign3A_262 : i32
      %ne3A_264 = arith.cmpi ne, %sign3A_256, %sign3A_263 : i32
      %rem3A_265 = arith.remsi %min3A_247, %jit3A_248 : i32
      %ne3A_266 = arith.constant 0 : i32
      %ne3A_267 = arith.cmpi ne, %rem3A_265, %ne3A_266 : i32
      %and3A_268 = arith.andi %ne3A_264, %ne3A_267 : i1
      %sub3A_269 = arith.constant 1 : i32
      %sub3A_270 = arith.subi %div3A_249, %sub3A_269 : i32
      %select_n3A_271 = arith.select %and3A_268, %sub3A_270, %div3A_249 : i32
      %mul3A_272 = arith.constant 4 : i32
      %mul3A_273 = arith.muli %select_n3A_271, %mul3A_272 : i32
      %sub3A_274 = arith.subi %min3A_247, %mul3A_273 : i32
      %mul3A_275 = arith.constant 1024 : i32
      %mul3A_276 = arith.muli %sub3A_274, %mul3A_275 : i32
      %lt3A_277 = arith.constant 64 : i32
      %lt3A_278 = arith.cmpi slt, %add3A_245, %lt3A_277 : i32
      %get3A_279 = arith.index_cast %select_n3A_271 : i32 to index
      %get3A_280 = memref.load %arg0[%get3A_279] : memref<16xi32, #tpu.memory_space<smem>>
      %lt3A_281 = arith.cmpi slt, %mul3A_276, %get3A_280 : i32
      %and3A_282 = arith.andi %lt3A_278, %lt3A_281 : i1
      %convert_element_type3A_283 = arith.extui %and3A_282 : i1 to i32
      %cond3A_284 = arith.constant 0 : i32
      %cond3A_285 = arith.cmpi ne, %convert_element_type3A_283, %cond3A_284 : i32
      scf.if %cond3A_285 {
        %dma_start3A = arith.constant 0 : i32
        %dma_start3A_391 = tpu.memref_slice %arg1[%select_n3A_271, %mul3A_276, %dma_start3A] : memref<16x4096x1024xf32, #tpu.memory_space<hbm>> -> memref<1x640x1024xf32, #tpu.memory_space<hbm>>
        %dma_start3A_392 = tpu.memref_squeeze %dma_start3A_391 : memref<1x640x1024xf32, #tpu.memory_space<hbm>> -> memref<640x1024xf32, #tpu.memory_space<hbm>>
        tpu.enqueue_dma source(%dma_start3A_392 : memref<640x1024xf32, #tpu.memory_space<hbm>>) target(%arg4 : memref<640x1024xf32, #tpu.memory_space<vmem>>) target_semaphore(%arg8 : memref<!tpu.dma_semaphore, #tpu.memory_space<semaphore_mem>>)
      } else {
      }
      %eq3A_286 = arith.constant 0 : i32
      %eq3A_287 = arith.cmpi eq, %sub3A_235, %eq3A_286 : i32
      %broadcast_in_dim3A_288 = arith.constant 0.000000e+00 : f32
      %broadcast_in_dim3A_289 = vector.broadcast %broadcast_in_dim3A_288 : f32 to vector<1x1024xf32>
      %select_n3A_290 = arith.select %eq3A_287, %broadcast_in_dim3A_289, %cond3A_201 : vector<1x1024xf32>
      %convert_element_type3A_291 = arith.extui %and3A_243 : i1 to i32
      %cond3A_292 = arith.constant 0 : i32
      %cond3A_293 = arith.cmpi ne, %convert_element_type3A_291, %cond3A_292 : i32
      %cond3A_294 = scf.if %cond3A_293 -> (vector<1x1024xf32>) {
        %dma_wait3A = arith.constant 0 : i32
        %dma_wait3A_391 = arith.constant 0 : i32
        %dma_wait3A_392 = arith.constant 0 : i32
        %dma_wait3A_393 = tpu.memref_slice %arg1[%dma_wait3A, %dma_wait3A_391, %dma_wait3A_392] : memref<16x4096x1024xf32, #tpu.memory_space<hbm>> -> memref<1x640x1024xf32, #tpu.memory_space<hbm>>
        %dma_wait3A_394 = tpu.memref_squeeze %dma_wait3A_393 : memref<1x640x1024xf32, #tpu.memory_space<hbm>> -> memref<640x1024xf32, #tpu.memory_space<hbm>>
        tpu.wait_dma2 semaphore(%arg9 : memref<!tpu.dma_semaphore, #tpu.memory_space<semaphore_mem>>) src(%dma_wait3A_394 : memref<640x1024xf32, #tpu.memory_space<hbm>>) dst(%arg5 : memref<640x1024xf32, #tpu.memory_space<vmem>>)
        %get3A_395 = arith.index_cast %select_n3A_232 : i32 to index
        %get3A_396 = memref.load %arg0[%get3A_395] : memref<16xi32, #tpu.memory_space<smem>>
        %sub3A_397 = arith.subi %get3A_396, %mul3A_237 : i32
        %ge3A = arith.constant 640 : i32
        %ge3A_398 = arith.cmpi sge, %sub3A_397, %ge3A : i32
        %convert_element_type3A_399 = arith.extui %ge3A_398 : i1 to i32
        %cond3A_400 = arith.constant 0 : i32
        %cond3A_401 = arith.cmpi ne, %convert_element_type3A_399, %cond3A_400 : i32
        %cond3A_402 = scf.if %cond3A_401 -> (vector<1x1024xf32>) {
          %get3A_404 = arith.constant 0 : index
          %get3A_405 = arith.constant 0 : index
          %get3A_406 = vector.load %arg5[%get3A_404, %get3A_405] : memref<640x1024xf32, #tpu.memory_space<vmem>>, vector<640x1024xf32>
          %reduce_sum3A = arith.constant dense<0.000000e+00> : vector<1024xf32>
          %reduce_sum3A_407 = vector.multi_reduction <add>, %get3A_406, %reduce_sum3A [0] : vector<640x1024xf32> to vector<1024xf32>
          %broadcast_in_dim3A_408 = vector.shape_cast %reduce_sum3A_407 : vector<1024xf32> to vector<1x1024xf32>
          scf.yield %broadcast_in_dim3A_408 : vector<1x1024xf32>
        } else {
          %lt3A_404 = vector.broadcast %sub3A_397 : i32 to vector<640x1xi32>
          %lt3A_405 = arith.cmpi slt, %iota3A, %lt3A_404 : vector<640x1xi32>
          %get3A_406 = arith.constant 0 : index
          %get3A_407 = arith.constant 0 : index
          %get3A_408 = vector.load %arg5[%get3A_406, %get3A_407] : memref<640x1024xf32, #tpu.memory_space<vmem>>, vector<640x1024xf32>
          %jit3A_409 = arith.constant 0.000000e+00 : f32
          %broadcast_in_dim3A_410 = vector.shape_cast %lt3A_405 : vector<640x1xi1> to vector<640x1xi1>
          %broadcast_in_dim3A_411 = vector.broadcast %broadcast_in_dim3A_410 : vector<640x1xi1> to vector<640x1024xi1>
          %broadcast_in_dim3A_412 = vector.broadcast %jit3A_409 : f32 to vector<640x1024xf32>
          %select_n3A_413 = arith.select %broadcast_in_dim3A_411, %get3A_408, %broadcast_in_dim3A_412 : vector<640x1024xi1>, vector<640x1024xf32>
          %reduce_sum3A = arith.constant dense<0.000000e+00> : vector<1024xf32>
          %reduce_sum3A_414 = vector.multi_reduction <add>, %select_n3A_413, %reduce_sum3A [0] : vector<640x1024xf32> to vector<1024xf32>
          %broadcast_in_dim3A_415 = vector.shape_cast %reduce_sum3A_414 : vector<1024xf32> to vector<1x1024xf32>
          scf.yield %broadcast_in_dim3A_415 : vector<1x1024xf32>
        }
        %add3A_403 = arith.addf %select_n3A_290, %cond3A_402 : vector<1x1024xf32>
        scf.yield %add3A_403 : vector<1x1024xf32>
      } else {
        scf.yield %select_n3A_290 : vector<1x1024xf32>
      }
      %swap3A_295 = arith.index_cast %select_n3A_232 : i32 to index
      %swap3A_296 = arith.constant 0 : index
      %swap3A_297 = vector.load %arg2[%swap3A_295, %swap3A_296] : memref<16x1024xf32, #tpu.memory_space<vmem>>, vector<1x1024xf32>
      tpu.vector_store %arg2[%swap3A_295, %swap3A_296], %cond3A_294 {strides = array<i32>} : memref<16x1024xf32, #tpu.memory_space<vmem>>, vector<1x1024xf32>,
      %add3A_298 = arith.constant 3 : i32
      %add3A_299 = arith.addi %mul3A_30, %add3A_298 : i32
      %min3A_300 = arith.constant 63 : i32
      %min3A_301 = arith.minsi %add3A_299, %min3A_300 : i32
      %jit3A_302 = arith.constant 4 : i32
      %div3A_303 = arith.divsi %min3A_301, %jit3A_302 : i32
      %sign3A_304 = arith.constant 0 : i32
      %sign3A_305 = arith.cmpi sgt, %min3A_301, %sign3A_304 : i32
      %sign3A_306 = arith.extui %sign3A_305 : i1 to i32
      %sign3A_307 = arith.constant 0 : i32
      %sign3A_308 = arith.cmpi slt, %min3A_301, %sign3A_307 : i32
      %sign3A_309 = arith.extui %sign3A_308 : i1 to i32
      %sign3A_310 = arith.subi %sign3A_306, %sign3A_309 : i32
      %sign3A_311 = arith.constant 0 : i32
      %sign3A_312 = arith.cmpi sgt, %jit3A_302, %sign3A_311 : i32
      %sign3A_313 = arith.extui %sign3A_312 : i1 to i32
      %sign3A_314 = arith.constant 0 : i32
      %sign3A_315 = arith.cmpi slt, %jit3A_302, %sign3A_314 : i32
      %sign3A_316 = arith.extui %sign3A_315 : i1 to i32
      %sign3A_317 = arith.subi %sign3A_313, %sign3A_316 : i32
      %ne3A_318 = arith.cmpi ne, %sign3A_310, %sign3A_317 : i32
      %rem3A_319 = arith.remsi %min3A_301, %jit3A_302 : i32
      %ne3A_320 = arith.constant 0 : i32
      %ne3A_321 = arith.cmpi ne, %rem3A_319, %ne3A_320 : i32
      %and3A_322 = arith.andi %ne3A_318, %ne3A_321 : i1
      %sub3A_323 = arith.constant 1 : i32
      %sub3A_324 = arith.subi %div3A_303, %sub3A_323 : i32
      %select_n3A_325 = arith.select %and3A_322, %sub3A_324, %div3A_303 : i32
      %mul3A_326 = arith.constant 4 : i32
      %mul3A_327 = arith.muli %select_n3A_325, %mul3A_326 : i32
      %sub3A_328 = arith.subi %min3A_301, %mul3A_327 : i32
      %mul3A_329 = arith.constant 1024 : i32
      %mul3A_330 = arith.muli %sub3A_328, %mul3A_329 : i32
      %lt3A_331 = arith.constant 64 : i32
      %lt3A_332 = arith.cmpi slt, %add3A_299, %lt3A_331 : i32
      %get3A_333 = arith.index_cast %select_n3A_325 : i32 to index
      %get3A_334 = memref.load %arg0[%get3A_333] : memref<16xi32, #tpu.memory_space<smem>>
      %lt3A_335 = arith.cmpi slt, %mul3A_330, %get3A_334 : i32
      %and3A_336 = arith.andi %lt3A_332, %lt3A_335 : i1
      %add3A_337 = arith.constant 3 : i32
      %add3A_338 = arith.addi %add3A_299, %add3A_337 : i32
      %min3A_339 = arith.constant 63 : i32
      %min3A_340 = arith.minsi %add3A_338, %min3A_339 : i32
      %jit3A_341 = arith.constant 4 : i32
      %div3A_342 = arith.divsi %min3A_340, %jit3A_341 : i32
      %sign3A_343 = arith.constant 0 : i32
      %sign3A_344 = arith.cmpi sgt, %min3A_340, %sign3A_343 : i32
      %sign3A_345 = arith.extui %sign3A_344 : i1 to i32
      %sign3A_346 = arith.constant 0 : i32
      %sign3A_347 = arith.cmpi slt, %min3A_340, %sign3A_346 : i32
      %sign3A_348 = arith.extui %sign3A_347 : i1 to i32
      %sign3A_349 = arith.subi %sign3A_345, %sign3A_348 : i32
      %sign3A_350 = arith.constant 0 : i32
      %sign3A_351 = arith.cmpi sgt, %jit3A_341, %sign3A_350 : i32
      %sign3A_352 = arith.extui %sign3A_351 : i1 to i32
      %sign3A_353 = arith.constant 0 : i32
      %sign3A_354 = arith.cmpi slt, %jit3A_341, %sign3A_353 : i32
      %sign3A_355 = arith.extui %sign3A_354 : i1 to i32
      %sign3A_356 = arith.subi %sign3A_352, %sign3A_355 : i32
      %ne3A_357 = arith.cmpi ne, %sign3A_349, %sign3A_356 : i32
      %rem3A_358 = arith.remsi %min3A_340, %jit3A_341 : i32
      %ne3A_359 = arith.constant 0 : i32
      %ne3A_360 = arith.cmpi ne, %rem3A_358, %ne3A_359 : i32
      %and3A_361 = arith.andi %ne3A_357, %ne3A_360 : i1
      %sub3A_362 = arith.constant 1 : i32
      %sub3A_363 = arith.subi %div3A_342, %sub3A_362 : i32
      %select_n3A_364 = arith.select %and3A_361, %sub3A_363, %div3A_342 : i32
      %mul3A_365 = arith.constant 4 : i32
      %mul3A_366 = arith.muli %select_n3A_364, %mul3A_365 : i32
      %sub3A_367 = arith.subi %min3A_340, %mul3A_366 : i32
      %mul3A_368 = arith.constant 1024 : i32
      %mul3A_369 = arith.muli %sub3A_367, %mul3A_368 : i32
      %lt3A_370 = arith.constant 64 : i32
      %lt3A_371 = arith.cmpi slt, %add3A_338, %lt3A_370 : i32
      %get3A_372 = arith.index_cast %select_n3A_364 : i32 to index
      %get3A_373 = memref.load %arg0[%get3A_372] : memref<16xi32, #tpu.memory_space<smem>>
      %lt3A_374 = arith.cmpi slt, %mul3A_369, %get3A_373 : i32
      %and3A_375 = arith.andi %lt3A_371, %lt3A_374 : i1
      %convert_element_type3A_376 = arith.extui %and3A_375 : i1 to i32
      %cond3A_377 = arith.constant 0 : i32
      %cond3A_378 = arith.cmpi ne, %convert_element_type3A_376, %cond3A_377 : i32
      scf.if %cond3A_378 {
        %dma_start3A = arith.constant 0 : i32
        %dma_start3A_391 = tpu.memref_slice %arg1[%select_n3A_364, %mul3A_369, %dma_start3A] : memref<16x4096x1024xf32, #tpu.memory_space<hbm>> -> memref<1x640x1024xf32, #tpu.memory_space<hbm>>
        %dma_start3A_392 = tpu.memref_squeeze %dma_start3A_391 : memref<1x640x1024xf32, #tpu.memory_space<hbm>> -> memref<640x1024xf32, #tpu.memory_space<hbm>>
        tpu.enqueue_dma source(%dma_start3A_392 : memref<640x1024xf32, #tpu.memory_space<hbm>>) target(%arg5 : memref<640x1024xf32, #tpu.memory_space<vmem>>) target_semaphore(%arg9 : memref<!tpu.dma_semaphore, #tpu.memory_space<semaphore_mem>>)
      } else {
      }
      %eq3A_379 = arith.constant 0 : i32
      %eq3A_380 = arith.cmpi eq, %sub3A_328, %eq3A_379 : i32
      %broadcast_in_dim3A_381 = arith.constant 0.000000e+00 : f32
      %broadcast_in_dim3A_382 = vector.broadcast %broadcast_in_dim3A_381 : f32 to vector<1x1024xf32>
      %select_n3A_383 = arith.select %eq3A_380, %broadcast_in_dim3A_382, %cond3A_294 : vector<1x1024xf32>
      %convert_element_type3A_384 = arith.extui %and3A_336 : i1 to i32
      %cond3A_385 = arith.constant 0 : i32
      %cond3A_386 = arith.cmpi ne, %convert_element_type3A_384, %cond3A_385 : i32
      %cond3A_387 = scf.if %cond3A_386 -> (vector<1x1024xf32>) {
        %dma_wait3A = arith.constant 0 : i32
        %dma_wait3A_391 = arith.constant 0 : i32
        %dma_wait3A_392 = arith.constant 0 : i32
        %dma_wait3A_393 = tpu.memref_slice %arg1[%dma_wait3A, %dma_wait3A_391, %dma_wait3A_392] : memref<16x4096x1024xf32, #tpu.memory_space<hbm>> -> memref<1x640x1024xf32, #tpu.memory_space<hbm>>
        %dma_wait3A_394 = tpu.memref_squeeze %dma_wait3A_393 : memref<1x640x1024xf32, #tpu.memory_space<hbm>> -> memref<640x1024xf32, #tpu.memory_space<hbm>>
        tpu.wait_dma2 semaphore(%arg10 : memref<!tpu.dma_semaphore, #tpu.memory_space<semaphore_mem>>) src(%dma_wait3A_394 : memref<640x1024xf32, #tpu.memory_space<hbm>>) dst(%arg6 : memref<640x1024xf32, #tpu.memory_space<vmem>>)
        %get3A_395 = arith.index_cast %select_n3A_325 : i32 to index
        %get3A_396 = memref.load %arg0[%get3A_395] : memref<16xi32, #tpu.memory_space<smem>>
        %sub3A_397 = arith.subi %get3A_396, %mul3A_330 : i32
        %ge3A = arith.constant 640 : i32
        %ge3A_398 = arith.cmpi sge, %sub3A_397, %ge3A : i32
        %convert_element_type3A_399 = arith.extui %ge3A_398 : i1 to i32
        %cond3A_400 = arith.constant 0 : i32
        %cond3A_401 = arith.cmpi ne, %convert_element_type3A_399, %cond3A_400 : i32
        %cond3A_402 = scf.if %cond3A_401 -> (vector<1x1024xf32>) {
          %get3A_404 = arith.constant 0 : index
          %get3A_405 = arith.constant 0 : index
          %get3A_406 = vector.load %arg6[%get3A_404, %get3A_405] : memref<640x1024xf32, #tpu.memory_space<vmem>>, vector<640x1024xf32>
          %reduce_sum3A = arith.constant dense<0.000000e+00> : vector<1024xf32>
          %reduce_sum3A_407 = vector.multi_reduction <add>, %get3A_406, %reduce_sum3A [0] : vector<640x1024xf32> to vector<1024xf32>
          %broadcast_in_dim3A_408 = vector.shape_cast %reduce_sum3A_407 : vector<1024xf32> to vector<1x1024xf32>
          scf.yield %broadcast_in_dim3A_408 : vector<1x1024xf32>
        } else {
          %lt3A_404 = vector.broadcast %sub3A_397 : i32 to vector<640x1xi32>
          %lt3A_405 = arith.cmpi slt, %iota3A, %lt3A_404 : vector<640x1xi32>
          %get3A_406 = arith.constant 0 : index
          %get3A_407 = arith.constant 0 : index
          %get3A_408 = vector.load %arg6[%get3A_406, %get3A_407] : memref<640x1024xf32, #tpu.memory_space<vmem>>, vector<640x1024xf32>
          %jit3A_409 = arith.constant 0.000000e+00 : f32
          %broadcast_in_dim3A_410 = vector.shape_cast %lt3A_405 : vector<640x1xi1> to vector<640x1xi1>
          %broadcast_in_dim3A_411 = vector.broadcast %broadcast_in_dim3A_410 : vector<640x1xi1> to vector<640x1024xi1>
          %broadcast_in_dim3A_412 = vector.broadcast %jit3A_409 : f32 to vector<640x1024xf32>
          %select_n3A_413 = arith.select %broadcast_in_dim3A_411, %get3A_408, %broadcast_in_dim3A_412 : vector<640x1024xi1>, vector<640x1024xf32>
          %reduce_sum3A = arith.constant dense<0.000000e+00> : vector<1024xf32>
          %reduce_sum3A_414 = vector.multi_reduction <add>, %select_n3A_413, %reduce_sum3A [0] : vector<640x1024xf32> to vector<1024xf32>
          %broadcast_in_dim3A_415 = vector.shape_cast %reduce_sum3A_414 : vector<1024xf32> to vector<1x1024xf32>
          scf.yield %broadcast_in_dim3A_415 : vector<1x1024xf32>
        }
        %add3A_403 = arith.addf %select_n3A_383, %cond3A_402 : vector<1x1024xf32>
        scf.yield %add3A_403 : vector<1x1024xf32>
      } else {
        scf.yield %select_n3A_383 : vector<1x1024xf32>
      }
      %swap3A_388 = arith.index_cast %select_n3A_325 : i32 to index
      %swap3A_389 = arith.constant 0 : index
      %swap3A_390 = vector.load %arg2[%swap3A_388, %swap3A_389] : memref<16x1024xf32, #tpu.memory_space<vmem>>, vector<1x1024xf32>
      tpu.vector_store %arg2[%swap3A_388, %swap3A_389], %cond3A_387 {strides = array<i32>} : memref<16x1024xf32, #tpu.memory_space<vmem>>, vector<1x1024xf32>,
      scf.yield %cond3A_387 : vector<1x1024xf32>
    }
    %scan3A_27 = arith.constant 16 : i32
    return
  }
}

module attributes {stable_mosaic.version = 14 : i64} {
  func.func @_tc_combine_kernel(%arg0: memref<32x16x1024xf32, #tpu.memory_space<vmem>>, %arg1: memref<16x1024xf32, #tpu.memory_space<vmem>>, %arg2: memref<16x1xf32, #tpu.memory_space<vmem>>, %arg3: memref<16x1024xf32, #tpu.memory_space<vmem>>) attributes {dimension_semantics = [], scalar_prefetch = 0 : i64, scratch_operands = 0 : i64, tpu.core_type = #tpu.core_type<tc>} {
    %get3A = arith.constant 0 : index
    %get3A_0 = arith.constant 0 : index
    %get3A_1 = arith.constant 0 : index
    %get3A_2 = vector.load %arg0[%get3A, %get3A_0, %get3A_1] : memref<32x16x1024xf32, #tpu.memory_space<vmem>>, vector<32x16x1024xf32>
    %reduce_sum3A = arith.constant dense<0.000000e+00> : vector<16x1024xf32>
    %reduce_sum3A_3 = vector.multi_reduction <add>, %get3A_2, %reduce_sum3A [0] : vector<32x16x1024xf32> to vector<16x1024xf32>
    %get3A_4 = arith.constant 0 : index
    %get3A_5 = arith.constant 0 : index
    %get3A_6 = vector.load %arg1[%get3A_4, %get3A_5] : memref<16x1024xf32, #tpu.memory_space<vmem>>, vector<16x1024xf32>
    %add3A = arith.addf %reduce_sum3A_3, %get3A_6 : vector<16x1024xf32>
    %get3A_7 = arith.constant 0 : index
    %get3A_8 = arith.constant 0 : index
    %get3A_9 = vector.load %arg2[%get3A_7, %get3A_8] : memref<16x1xf32, #tpu.memory_space<vmem>>, vector<16x1xf32>
    %div3A = vector.broadcast %get3A_9 : vector<16x1xf32> to vector<16x1024xf32>
    %div3A_10 = arith.divf %add3A, %div3A : vector<16x1024xf32>
    %swap3A = arith.constant 0 : index
    %swap3A_11 = arith.constant 0 : index
    %swap3A_12 = vector.load %arg3[%swap3A, %swap3A_11] : memref<16x1024xf32, #tpu.memory_space<vmem>>, vector<16x1024xf32>
    tpu.vector_store %arg3[%swap3A, %swap3A_11], %div3A_10 {strides = array<i32>} : memref<16x1024xf32, #tpu.memory_space<vmem>>, vector<16x1024xf32>,
    return
  }
}

</mosaic_0001>

<sc_bundles>
// kernel: kernel.5.cloned.1.call-start
scs
__scs_entry_jumppad:
0x0: {  	(pc) =	sbr.rel $0x88, $3  }
0x1: {  	(tag) =	ssettag $0x0;
	lr =	simm.s32 $0x1  }
0x2: {  	[smem:$0x3F9F] =	sst lr;
	_ =	strace $0xD0000000  }
0x3: {  	_ = 	snop  }
0x4: {  	_ = 	snop  }
0x5: {  	_ = 	snop  }
0x6: {  	_ = 	snop  }
0x7: {  	_ = 	snop  }
__scs_overlays_trampoline_lowered:
0x8: {  	[smem:$0x3FAE] =	sst s0  }
0x9: {  	[smem:$0x3FAF] =	sst s1  }
0xa: {  	[smem:$0x3FB0] =	sst s2  }
0xb: {  	[smem:$0x3FB1] =	sst s3  }
0xc: {  	[smem:$0x3FB2] =	sst s4  }
0xd: {  	[smem:$0x3FB3] =	sst s5  }
0xe: {  	[smem:$0x3FB4] =	sst s6  }
0xf: {  	[smem:$0x3FB5] =	sst s7  }
0x10: {  	[smem:$0x3FB6] =	sst s8  }
0x11: {  	[smem:$0x3FB7] =	sst s9;
	s0 =	simm.s32 @!p0 $0x0  }
0x12: {  	s1 =	sld [smem:$0x3F9D];
	s0 =	simm.s32 @p0 $0x1  }
0x13: {  	[smem:$0x3FB8] =	sst s0;
	s0 =	simm.s32 @!p1 $0x0  }
0x14: {  	s2 =	sld [smem:$0x3F9C];
	s0 =	simm.s32 @p1 $0x1  }
0x15: {  	[smem:$0x3FB9] =	sst s0;
	s0 =	simm.s32 @!p2 $0x0  }
0x16: {  	s3 =	sld [smem:$0x3FDB];
	s0 =	simm.s32 @p2 $0x1  }
0x17: {  	s4 =	simm.s32 $0x1BF5;
	[smem:$0x3FBB] =	sst s0  }
0x18: {  	s0 =	sld [smem:$0x3F9E];
	_ =	swait.ge [sflag:s4], $0x0  }
0x19: {  	s7 =	sld [smem:$0x3F9F]  }
0x1a: {  	s8 =	sadd.s32 $0xFFFFE003, lr  }
0x1b: {  	s9 =	sadd.s32 $0xFFFFFEF7, lr;
	s5 =	simm.s32 $0xFFFFFFFF;
	p2 =	slt.u32 s8, $0xFFFFF086  }
0x1c: {  	p1 =	slt.u32 s9, $0xF7A;
	s5 =	simm.s32 @!p2 $0x0  }
0x1d: {  	s5 =	simm.s32 @p1 $0x1;
	p0 =	seq.s32 s7, s2  }
0x1e: {  	s7 =	smul.u32 @!p0 $0xF7A, s2;
	p2 =	seq.s32 @!p0 s5, $0x0  }
0x1f: {  	s9 =	smul.u32 $0xF7A, s1;
	s8 =	simm.s32 @!p0 $0x1BF5;
	p2 =	por !p2, p0  }
0x20: {  	[sflag:s8] =	ssyncset.s32 @!p0 $0xFFFFF086;
	s6 =	sadd.s32 @!p0 s3, s7;
	s7 =	simm.s32 @!p0 $0x108  }
0x21: {  	s3 =	sadd.s32 s3, s9;
	s6 =	sadd.s32 @!p0 $0x88, s6;
	s7 =	simm.s32 @p2 $0x1082  }
0x22: {  	[simem:s7], [sflag:s8] =	dma.local @!p0 [hbm:s6], $0xF7A  }
0x23: {  	s9 =	sor.u32 $0xD0000000, s2;
	s6 =	simm.s32 $0x108;
	_ =	swait.ge @!p0 [sflag:s8], $0x0  }
0x24: {  	s3 =	sadd.s32 $0x88, s3;
	s6 =	simm.s32 @!p1 $0x1082;
	[sflag:s4] =	ssyncset.s32 $0xFFFFF086  }
0x25: {  	[simem:s6], [sflag:s4] =	dma.local [hbm:s3], $0xF7A  }
0x26: {  	[smem:$0x3F9F] =	sst s1;
	(tag) =	ssettag s2;
	_ =	strace s9  }
0x27: {  	s1 =	sld [smem:$0x3FAF]  }
0x28: {  	s2 =	sld [smem:$0x3FB0]  }
0x29: {  	s4 =	sld [smem:$0x3FB2]  }
0x2a: {  	p0 =	seq.s32 s5, $0x0;
	s5 =	sld [smem:$0x3FB3]  }
0x2b: {  	s6 =	sld [smem:$0x3FB4]  }
0x2c: {  	s7 =	sld [smem:$0x3FB5]  }
0x2d: {  	s3 =	simm.s32 $0x108;
	s8 =	sld [smem:$0x3FB6]  }
0x2e: {  	s3 =	simm.s32 @!p0 $0x1082;
	s9 =	sld [smem:$0x3FB7]  }
0x2f: {  	lr =	sadd.s32 s0, s3;
	s0 =	sld [smem:$0x3FAE]  }
0x30: {  	s3 =	sld [smem:$0x3FB1]  }
0x31: {  	[smem:$0x3FBA] =	sst s10  }
0x32: {  	s10 =	sld [smem:$0x3FB8];
	_ =	sdelay $0x3  }
0x33: {  	p0 =	seq.s32 s10, $0x1;
	s10 =	sld [smem:$0x3FBA];
	_ =	sdelay $0x3  }
0x34: {  	[smem:$0x3FBA] =	sst s10  }
0x35: {  	s10 =	sld [smem:$0x3FB9];
	_ =	sdelay $0x3  }
0x36: {  	p1 =	seq.s32 s10, $0x1;
	s10 =	sld [smem:$0x3FBA];
	_ =	sdelay $0x3  }
0x37: {  	[smem:$0x3FBA] =	sst s10  }
0x38: {  	s10 =	sld [smem:$0x3FBB]  }
0x39: {  	_ = 	snop;
	(pc) =	sbr.ind lr, $3  }
0x3a: {  	_ = 	snop  }
0x3b: {  	_ = 	snop  }
0x3c: {  	p2 =	seq.s32 s10, $0x1;
	s10 =	sld [smem:$0x3FBA]  }
0x3d: {  	_ =	shalt  }
0x3e: {  	_ =	shalt  }
0x3f: {  	_ =	shalt  }
0x40: {  	_ =	shalt  }
0x41: {  	_ =	shalt  }
0x42: {  	_ =	shalt  }
0x43: {  	_ =	shalt  }
0x44: {  	_ =	shalt  }
0x45: {  	_ =	shalt  }
0x46: {  	_ =	shalt  }
0x47: {  	_ =	shalt  }
0x48: {  	_ =	shalt  }
0x49: {  	_ =	shalt  }
0x4a: {  	_ =	shalt  }
0x4b: {  	_ =	shalt  }
0x4c: {  	_ =	shalt  }
0x4d: {  	_ =	shalt  }
0x4e: {  	_ =	shalt  }
0x4f: {  	_ =	shalt  }
0x50: {  	_ =	shalt  }
0x51: {  	_ =	shalt  }
0x52: {  	_ =	shalt  }
0x53: {  	_ =	shalt  }
0x54: {  	_ =	shalt  }
0x55: {  	_ =	shalt  }
0x56: {  	_ =	shalt  }
0x57: {  	_ =	shalt  }
0x58: {  	_ =	shalt  }
0x59: {  	_ =	shalt  }
0x5a: {  	_ =	shalt  }
0x5b: {  	_ =	shalt  }
0x5c: {  	_ =	shalt  }
0x5d: {  	_ =	shalt  }
0x5e: {  	_ =	shalt  }
0x5f: {  	_ =	shalt  }
0x60: {  	_ =	shalt  }
0x61: {  	_ =	shalt  }
0x62: {  	_ =	shalt  }
0x63: {  	_ =	shalt  }
0x64: {  	_ =	shalt  }
0x65: {  	_ =	shalt  }
0x66: {  	_ =	shalt  }
0x67: {  	_ =	shalt  }
0x68: {  	_ =	shalt  }
0x69: {  	_ =	shalt  }
0x6a: {  	_ =	shalt  }
0x6b: {  	_ =	shalt  }
0x6c: {  	_ =	shalt  }
0x6d: {  	_ =	shalt  }
0x6e: {  	_ =	shalt  }
0x6f: {  	_ =	shalt  }
0x70: {  	_ =	shalt  }
0x71: {  	_ =	shalt  }
0x72: {  	_ =	shalt  }
0x73: {  	_ =	shalt  }
0x74: {  	_ =	shalt  }
0x75: {  	_ =	shalt  }
0x76: {  	_ =	shalt  }
0x77: {  	_ =	shalt  }
0x78: {  	_ =	shalt  }
0x79: {  	_ =	shalt  }
0x7a: {  	_ =	shalt  }
0x7b: {  	_ =	shalt  }
0x7c: {  	_ =	shalt  }
0x7d: {  	_ =	shalt  }
0x7e: {  	_ =	shalt  }
0x7f: {  	_ =	shalt  }
0x80: {  	_ =	shalt  }
0x81: {  	_ =	shalt  }
0x82: {  	_ =	shalt  }
0x83: {  	_ =	shalt  }
0x84: {  	_ =	shalt  }
0x85: {  	_ =	shalt  }
0x86: {  	_ =	shalt  }
0x87: {  	_ =	shalt  }
.Lfunc_end0:
.L_simem_size_0:
called_computation_lowered:
.L_overlay_start_0:
0x88: {  	s2 =	sld [smem:$0x3FD9]  }
0x89: {  	s3 =	sld [smem:$0x3FFE];
	_ =	sdelay $0x1  }
0x8a: {  	s1 =	srdreg.scid  }
0x8b: {  	s0 =	sand.u32 $0x1, s1  }
0x8c: {  	s17 =	sshll.u32 s0, $0xA;
	s2 =	sadd.s32 s3, s2  }
0x8d: {  	s2 =	sadd.s32 s2, s17  }
0x8e: {  	[smem:$0x3FC6] =	sst s2  }
0x8f: {  	_ = 	snop  }
0x90: {  	s2 =	sld [smem:$0x3FC9]  }
0x91: {  	s18 =	sld [smem:$0x3FC8];
	(tm) =	ssettm $0x1  }
0x92: {  	s4 =	sld [smem:$0x3FFB];
	_ =	sdelay $0x3  }
0x93: {  	_ =	strace s4  }
0x94: {  	s4 =	sld [smem:$0x3FFC];
	_ =	sdelay $0x3  }
0x95: {  	_ =	strace s4  }
0x96: {  	s4 =	sld [smem:$0x3FFD];
	_ =	sdelay $0x3  }
0x97: {  	_ =	strace s4  }
0x98: {  	_ =	strace $0x8FFFFFFF  }
0x99: {  	s19 =	sld [smem:$0x3FDB];
	_ =	sdelay $0x1  }
0x9a: {  	s5 =	simm.s32 $_scs_section_size  }
0x9b: {  	s6 =	simm.s32 $_size__tile_overlayer_lowered;
	s7 =	simm.s32 $_tile_overlayer_lowered  }
0x9c: {  	s22 =	simm.s32 $0x1BFF;
	s21 =	sshll.u32 s7, $0x1;
	s4 =	sadd.s32 s5, s19  }
0x9d: {  	s8 =	simm.s32 $0x0;
	s20 =	sshll.u32 s6, $0x1;
	s6 =	sadd.s32 s21, s4  }
0x9e: {  	[timem:s8], [sflag:s22] =	dma.local [hbm:s6], s20  }
0x9f: {  	_ =	swait.ge [sflag:s22], s20  }
0xa0: {  	s5 =	ssub.s32 $0x0, s20;
	[sflag:s22] =	ssyncset.done $0x0  }
0xa1: {  	[sflag:s22] =	ssyncadd.s32 s5;
	_ =	sdelay $0x1  }
0xa2: {  	s23 =	simm.s32 $0x1B8B  }
0xa3: {  	_ =	swait.ge [sflag:s23], $0x1  }
0xa4: {  	[sflag:s23] =	ssyncset.done $0x0  }
0xa5: {  	s25 =	simm.s32 $0x1B8E;
	s24 =	sld [smem:$0x3FFE];
	[sflag:s23] =	ssyncadd.s32 $0xFFFFFFFF  }
0xa6: {  	s26 =	simm.s32 $execute0_lowered;
	[smem:$0x3FD2] =	sst s25  }
0xa7: {  	s6 =	sshll.u32 s26, $0x1;
	_ =	strace $0x80000046;
	[dreg:$0x1] =	wrdreg $0xFFFFFFFF  }
0xa8: {  	s28 =	simm.s32 $_size_execute0_lowered;
	s4 =	sadd.s32 s4, s6;
	[dreg:$0x0] =	wrdreg $0x0  }
0xa9: {  	s6 =	sshll.u32 s28, $0x1;
	[dreg:$0x2] =	wrdreg s4  }
0xaa: {  	[dreg:$0x3] =	wrdreg s6  }
0xab: {  	[dreg:$0x4] =	wrdreg $0xC0  }
0xac: {  	_ =	task [dreg:s8], $0x5FFFF  }
0xad: {  	[dreg:$0x1] =	wrdreg $0xFFFFFFFF  }
0xae: {  	[dreg:$0x0] =	wrdreg $0x60  }
0xaf: {  	[dreg:$0x2] =	wrdreg s2  }
0xb0: {  	[dreg:$0x3] =	wrdreg s18  }
0xb1: {  	[dreg:$0x4] =	wrdreg s24  }
0xb2: {  	[dreg:$0x5] =	wrdreg $0x9  }
0xb3: {  	_ =	task.clear_ibuf [dreg:s8], $0x6FFFF;
	_ =	strace $0x90000046  }
0xb4: {  	s29 =	simm.s32 $0x9;
	_ =	strace $0x80000048  }
0xb5: {  	_ =	swait.ge [sflag:s29], $0x1  }
0xb6: {  	[sflag:s29] =	ssyncadd.s32 $0xFFFFFFFF  }
0xb7: {  	_ =	strace $0x90000048  }
0xb8: {  	_ =	sfence  }
0xb9: {  	s30 =	sld [smem:$0x0];
	_ =	sdelay $0x2  }
0xba: {  	s31 =	sshll.u32 s1, $0xD;
	s1 =	sshrl.u32 s1, $0x2  }
0xbb: {  	s3 =	sand.u32 $0x4000, s31;
	s1 =	sadd.s32 s1, s30  }
0xbc: {  	s0 =	sor.u32 s3, s0;
	s1 =	sshll.u32 s1, $0x11  }
0xbd: {  	s0 =	sor.u32 s1, s0  }
0xbe: {  	s0 =	sadd.s32 $0x8F2B, s0  }
0xbf: {  	[sflag:s0] =	ssyncadd.remote.s32 $0x1  }
0xc0: {  	_ =	sfence.sel $0xFFFF  }
0xc1: {  	[dreg:$0x0] =	wrdreg $0xFFFFFFFF;
	(pc) =	sbr.abs _section_cstart, $3  }
0xc2: {  	[dreg:$0x1] =	wrdreg $0xFFFFFFFF  }
0xc3: {  	_ =	task.clear_ibuf [dreg:s8], $0x2FFFF;
	_ =	strace $0x9FFFFFFF  }
0xc4: {  	(tm) =	ssettm $0x7FFFFFFF  }
0xc5: {  	_ =	shalt  }
tec
execute0_lowered:
.L_overlay_start_1:
0x0: {  	(tag) =	ssettag $0x1  }
0x1: {  	s0 =	srdreg.scid  }
0x2: {  	s5 =	stileid.u32;
	s1 =	rddreg [dreg:$0x0]  }
0x3: {  	s4 =	rddreg [dreg:$0x2];
	s25 =	simm.s32 $0x0;
	s12 =	simm.s32 $0x3  }
0x4: {  	s14 =	simm.s32 $0x80;
	s0 =	sand.u32 $0x1, s0;
	s2 =	sshll.u32 s5, $0x1  }
0x5: {  	s15 =	simm.s32 $0x400;
	s16 =	simm.s32 $0x18080;
	s3 =	sor.u32 s0, s2  }
0x6: {  	s6 =	sshll.u32 s5, $0x8;
	[smem:$0x7FF] =	sst s25;
	s2 =	sand.u32 $0x7, s3  }
0x7: {  	s6 =	sand.u32 $0xC00, s6;
	s0 =	ssub.s32 $0x2, s0;
	s2 =	smul.u32 $0x30, s2  }
0x8: {  	_ =	strace $0x80000047;
	s28 =	sshrl.u32 s0, $0x1;
	s31 =	sadd.s32 $0x1E, s3  }
.Ltmp0:
0x9: {  	s0 =	ssub.s32 s0, s28;
	s2 =	sor.u32 s6, s2;
	(pc) =	sbr.rel .LBB2_1-.Ltmp0, $4  }
0xa: {  	[dreg:$0x8] =	wrdreg s31;
	s0 =	smax.u32 s0, $0x1;
	s26 =	sadd.s32 $0x280, s2  }
0xb: {  	s17 =	simm.s32 $0x2;
	[dreg:$0x9] =	wrdreg s0;
	s29 =	sshll.u32 s26, $0x7  }
0xc: {  	s7 =	sadd.s32 $0x800, s4;
	[dreg:$0x6] =	wrdreg s26;
	s30 =	sadd.s32 s1, s29  }
0xd: {  	v0 =	vimm.f32 $0.0e+00;
	s9 =	sshll.u32 s3, $0xE;
	s2 =	simm.s32 $0x0;
	[dreg:$0x7] =	wrdreg s30  }
.LBB2_27:
0xe: {  	s2 =	rddreg [dreg:$0xa]  }
0xf: {  	s0 =	rddreg [dreg:$0x9];
	s2 =	sadd.s32 $0x1, s2  }
0x10: {  	p0 =	sne.s32 s2, s0  }
.Ltmp1:
0x11: {  	_ = 	snop;
	(pc) =	sbr.rel @!p0 .LBB2_28-.Ltmp1, $1  }
0x12: {  	_ =	sdelay $0x3  }
.LBB2_1:
0x13: {  	[dreg:$0xa] =	wrdreg s2  }
0x14: {  	s0 =	rddreg [dreg:$0x1];
	s10 =	simm.s32 $0x0  }
0x15: {  	[tilespmem:s10], [sflag:$0x3] =	stream.linear.gather [hbm4b:s0+s10], $0x80, $0x38;
	[tilespmem:$0x18480] =	vst v63  }
0x16: {  	_ =	swait.ge [sflag:s12], $0x80  }
0x17: {  	[sflag:s12] =	ssyncset.done $0x0  }
0x18: {  	[sflag:s12] =	ssyncadd.s32 $0xFFFFFF80  }
0x19: {  	v1 =	vld [tilespmem:$0x0];
	_ =	sdelay $0x4  }
0x1a: {  	(v2sf) =	vpush v1, $0x0;
	_ =	sdelay $0x1  }
0x1b: {  	(v2sf) =	vpush v1, $0x1  }
0x1c: {  	(v2sf) =	vpush v1, $0x2  }
0x1d: {  	(v2sf) =	vpush v1, $0x3;
	_ =	sdelay $0x1  }
0x1e: {  	(v2sf) =	vpush v1, $0x4  }
0x1f: {  	(v2sf) =	vpush v1, $0x5  }
0x20: {  	(v2sf) =	vpush v1, $0x6  }
0x21: {  	(v2sf) =	vpush v1, $0x7  }
0x22: {  	(v2sf) =	vpush v1, $0x8  }
0x23: {  	(v2sf) =	vpush v1, $0x9  }
0x24: {  	(v2sf) =	vpush v1, $0xA  }
0x25: {  	(v2sf) =	vpush v1, $0xB  }
0x26: {  	(v2sf) =	vpush v1, $0xC  }
0x27: {  	s5 =	rddreg [dreg:$0x6];
	s11 =	spop (v2sf)  }
0x28: {  	(v2sf) =	vpush v1, $0xD;
	[smem:$0x0] =	sst s11  }
0x29: {  	(v2sf) =	vpush v1, $0xE;
	s13 =	spop (v2sf);
	p0 =	sge.s32 s5, s11;
	s5 =	rddreg [dreg:$0x7]  }
0x2a: {  	(v2sf) =	vpush v1, $0xF;
	s4 =	spop (v2sf);
	[smem:$0x1] =	sst s13;
	s0 =	simm.s32 @!p0 $0x0  }
0x2b: {  	s2 =	simm.s32 @!p0 $0x80;
	s18 =	spop (v2sf);
	[smem:$0x2] =	sst s4  }
0x2c: {  	[tilespmem:s2], [sflag:$0x1] =	stream.linear.gather @!p0 [hbm4b:s5+s0], $0xC000, $0x38;
	[tilespmem:$0x18480] =	vst v63  }
0x2d: {  	s19 =	spop (v2sf);
	[smem:$0x3] =	sst s18  }
0x2e: {  	s20 =	spop (v2sf);
	[smem:$0x4] =	sst s19  }
0x2f: {  	s19 =	rddreg [dreg:$0x8];
	s21 =	spop (v2sf)  }
0x30: {  	[smem:$0x5] =	sst s20;
	s22 =	spop (v2sf)  }
0x31: {  	[smem:$0x6] =	sst s21;
	s23 =	spop (v2sf)  }
0x32: {  	[smem:$0x7] =	sst s22;
	s24 =	spop (v2sf)  }
0x33: {  	[smem:$0x8] =	sst s23;
	s25 =	spop (v2sf)  }
0x34: {  	[smem:$0x9] =	sst s24;
	s26 =	spop (v2sf)  }
0x35: {  	[smem:$0xA] =	sst s25;
	s28 =	spop (v2sf)  }
.Ltmp2:
0x36: {  	[smem:$0xB] =	sst s26;
	(pc) =	sbr.rel .LBB2_2-.Ltmp2, $4  }
0x37: {  	s29 =	spop (v2sf);
	[smem:$0xC] =	sst s28  }
0x38: {  	s30 =	spop (v2sf);
	[smem:$0xD] =	sst s29  }
0x39: {  	[smem:$0xE] =	sst s30;
	s31 =	spop (v2sf)  }
0x3a: {  	s20 =	smov.u32 s3;
	s21 =	simm.s32 $0x0;
	[smem:$0xF] =	sst s31  }
.LBB2_25:
0x3b: {  	v22 =	vld [tilespmem:s2+$0xD8C0]  }
0x3c: {  	v23 =	vld [tilespmem:s2+$0xD8D0]  }
0x3d: {  	v62 =	vld [tilespmem:s2+$0xD8E0]  }
0x3e: {  	v63 =	vld [tilespmem:s2+$0xD8F0];
	[tilespmem:$0x18400] =	vst v11  }
0x3f: {  	[tilespmem:$0x18410] =	vst v12  }
0x40: {  	[tilespmem:$0x18420] =	vst v13  }
0x41: {  	[tilespmem:$0x18430] =	vst v14  }
0x42: {  	[tilespmem:$0x18440] =	vst v15  }
0x43: {  	v10 =	vadd.f32 v21, v10;
	[tilespmem:$0x18450] =	vst v16  }
0x44: {  	v9 =	vadd.f32 v20, v9;
	[tilespmem:$0x18470] =	vst v8  }
0x45: {  	v7 =	vadd.f32 v19, v7;
	[tilespmem:$0x18380] =	vst v10  }
0x46: {  	v2 =	vadd.f32 v18, v2;
	[tilespmem:$0x18390] =	vst v9  }
0x47: {  	v1 =	vadd.f32 v17, v1;
	[tilespmem:$0x183A0] =	vst v7  }
0x48: {  	[tilespmem:$0x183B0] =	vst v2;
	v3 =	vadd.f32 v22, v3  }
0x49: {  	[tilespmem:$0x18460] =	vst v1;
	v5 =	vadd.f32 v23, v5  }
0x4a: {  	v2 =	vadd.f32 v62, v6;
	[tilespmem:$0x183C0] =	vst v3  }
0x4b: {  	v3 =	vadd.f32 v63, v4;
	[tilespmem:$0x183D0] =	vst v5  }
0x4c: {  	[tilespmem:$0x183E0] =	vst v2  }
0x4d: {  	[tilespmem:$0x183F0] =	vst v3  }
.LBB2_26:
0x4e: {  	s0 =	sshll.u32 s22, $0x7  }
0x4f: {  	s0 =	sand.u32 $0x380, s0  }
0x50: {  	s0 =	sor.u32 s0, s9  }
0x51: {  	s21 =	sadd.s32 $0x1, s21;
	s0 =	sor.u32 s26, s0  }
0x52: {  	p0 =	sne.s32 s21, $0x8;
	s0 =	sshrl.u32 s0, $0x3  }
.Ltmp3:
0x53: {  	s0 =	sadd.s32 s7, s0;
	(pc) =	sbr.rel @!p0 .LBB2_27-.Ltmp3, $4  }
0x54: {  	[hbm4b:s0+s14] =	stream.strided.scatter [tilespmem:s16], [sflag:$0x3], $0x400, s15, s14, $0x38;
	[tilespmem:$0x18480] =	vst v63  }
0x55: {  	_ =	swait.ge [sflag:s12], $0x400  }
0x56: {  	[sflag:s12] =	ssyncset.done $0x0  }
0x57: {  	s20 =	sadd.s32 $0x1C, s20;
	s19 =	sadd.s32 $0x1C, s19;
	[sflag:s12] =	ssyncadd.s32 $0xFFFFFC00  }
.LBB2_2:
0x58: {  	s22 =	sshllo.u32 s21, $0x1  }
0x59: {  	s0 =	sshll.u32 s22, $0x1  }
0x5a: {  	s2 =	sand.u32 $0x1F, s19;
	s26 =	sand.u32 $0x1F, s20;
	s0 =	ssub.s32 s3, s0  }
0x5b: {  	s28 =	sshll.u32 s21, $0x1;
	s23 =	smul.u32 $0x30, s2;
	s4 =	sand.u32 $0x7, s0  }
0x5c: {  	s31 =	sshll.u32 s21, $0x2;
	s0 =	sshll.u32 s0, $0x7;
	s4 =	smul.u32 $0x30, s4  }
0x5d: {  	s2 =	sshrl.u32 s2, $0x3;
	s25 =	sld [smem:s22+$0x0];
	s0 =	sand.u32 $0xC00, s0  }
0x5e: {  	s18 =	sshrl.u32 s26, $0x3;
	s24 =	smul.u32 $0x280, s2;
	s0 =	sor.u32 s0, s4  }
0x5f: {  	s2 =	smul.u32 $0x30, s26;
	s26 =	ssub.s32 s3, s31;
	s0 =	sadd.s32 $0x280, s0  }
0x60: {  	s30 =	sand.u32 $0x7, s26;
	s26 =	sshll.u32 s26, $0x7;
	p0 =	sge.s32 s0, s25  }
0x61: {  	s26 =	sand.u32 $0xC00, s26;
	s29 =	sshll.u32 @!p0 s22, $0x16;
	s0 =	sshll.u32 @!p0 s0, $0xA  }
0x62: {  	s4 =	sld [smem:s28+$0x0];
	s0 =	sadd.s32 @!p0 s29, s0;
	s29 =	smul.u32 $0x30, s30  }
0x63: {  	s31 =	simm.s32 @!p0 $0xC080;
	s30 =	simm.s32 @!p0 $0x0;
	s0 =	sshrl.u32 @!p0 s0, $0x3  }
0x64: {  	s0 =	sadd.s32 @!p0 s1, s0;
	s26 =	sor.u32 s26, s29;
	s29 =	simm.s32 $0x40  }
0x65: {  	[tilespmem:s31], [sflag:$0x2] =	stream.linear.gather @!p0 [hbm4b:s0+s30], $0xC000, $0x38;
	[tilespmem:$0x18480] =	vst v63  }
0x66: {  	s0 =	smul.u32 $0x280, s18;
	s26 =	sadd.s32 $0x280, s26;
	s30 =	simm.s32 $0x0  }
.LBB2_3:
0x67: {  	p1 =	sne.s32 s29, $0xFC0;
	[tilespmem:s30+$0x18080] =	vst v0;
	s30 =	smov.u32 s29;
	s29 =	sadd.s32 $0x40, s29  }
.Ltmp4:
0x68: {  	(pc) =	sbr.rel @p1 .LBB2_3-.Ltmp4, $2  }
0x69: {  	_ =	sdelay $0x2  }
0x6a: {  	s30 =	sshra.s32 s30, $0x2  }
0x6b: {  	p1 =	sge.s32 s26, s4  }
.Ltmp5:
0x6c: {  	_ = 	snop;
	(pc) =	sbr.rel @p1 .LBB2_14-.Ltmp5, $2  }
0x6d: {  	_ =	sdelay $0x2  }
0x6e: {  	[tilespmem:s30+$0x18080] =	vst v0  }
0x6f: {  	s5 =	simm.s32 $0x1  }
0x70: {  	_ =	swait.ge [sflag:s5], $0xC000  }
0x71: {  	[sflag:s5] =	ssyncset.done $0x0  }
0x72: {  	[sflag:s5] =	ssyncadd.s32 $0xFFFF4000  }
0x73: {  	v1 =	vld [tilespmem:$0x18170]  }
0x74: {  	v2 =	vld [tilespmem:$0x18160]  }
0x75: {  	v3 =	vld [tilespmem:$0x18150]  }
0x76: {  	v5 =	vld [tilespmem:$0x18140]  }
0x77: {  	v7 =	vld [tilespmem:$0x18130]  }
0x78: {  	v9 =	vld [tilespmem:$0x18120]  }
0x79: {  	v11 =	vld [tilespmem:$0x18110]  }
0x7a: {  	v12 =	vld [tilespmem:$0x18100]  }
0x7b: {  	v14 =	vld [tilespmem:$0x180F0]  }
0x7c: {  	v16 =	vld [tilespmem:$0x180E0]  }
0x7d: {  	v15 =	vld [tilespmem:$0x180D0]  }
0x7e: {  	v10 =	vld [tilespmem:$0x180C0]  }
0x7f: {  	v8 =	vld [tilespmem:$0x180B0]  }
0x80: {  	s26 =	simm.s32 $0x0;
	v6 =	vld [tilespmem:$0x180A0]  }
0x81: {  	s29 =	sand.u32 $0xFFFFE000, s26;
	s26 =	sand.u32 $0x380, s26;
	v4 =	vld [tilespmem:$0x18090]  }
0x82: {  	s30 =	sor.u32 s26, s29;
	v17 =	vld [tilespmem:$0x18080]  }
0x83: {  	v13 =	vld [tilespmem:s30+$0x4F0]  }
0x84: {  	s2 =	ssub.s32 s4, s2;
	v19 =	vld [tilespmem:s30+$0x80]  }
0x85: {  	s0 =	ssub.s32 s2, s0;
	v20 =	vld [tilespmem:s30+$0x90]  }
0x86: {  	s0 =	sadd.s32 $0xFFFFFD80, s0;
	v21 =	vld [tilespmem:s30+$0xA0]  }
0x87: {  	p1 =	sgt.s32 s0, $0x1;
	v22 =	vld [tilespmem:s30+$0xB0]  }
0x88: {  	v23 =	vld [tilespmem:s30+$0xC0];
	s0 =	simm.s32 @!p1 $0x1  }
0x89: {  	v24 =	vld [tilespmem:s30+$0xD0];
	s26 =	smin.u32 s0, $0x30  }
0x8a: {  	v25 =	vld [tilespmem:s30+$0xE0];
	s29 =	sshll.u32 s26, $0xA  }
0x8b: {  	v26 =	vld [tilespmem:s30+$0xF0];
	p1 =	sne.s32 s29, $0x400  }
.Ltmp6:
0x8c: {  	v18 =	vld [tilespmem:s30+$0x480];
	v13 =	vadd.f32 v13, v1;
	(pc) =	sbr.rel @!p1 .LBB2_7-.Ltmp6, $4  }
0x8d: {  	v1 =	vadd.f32 v19, v17;
	v4 =	vadd.f32 v20, v4;
	v19 =	vld [tilespmem:s30+$0x490]  }
0x8e: {  	v6 =	vadd.f32 v21, v6;
	v8 =	vadd.f32 v22, v8;
	v17 =	vld [tilespmem:s30+$0x4A0]  }
0x8f: {  	v10 =	vadd.f32 v23, v10;
	v15 =	vadd.f32 v24, v15;
	v20 =	vld [tilespmem:s30+$0x4B0]  }
0x90: {  	s31 =	simm.s32 $0x80;
	s2 =	simm.s32 $0x400;
	s0 =	smov.u32 s30;
	v16 =	vadd.f32 v25, v16;
	v14 =	vadd.f32 v26, v14;
	v21 =	vld [tilespmem:s30+$0x4C0]  }
.LBB2_6:
0x91: {  	s4 =	sand.u32 $0xFFFFE000, s2;
	s5 =	sand.u32 $0x380, s31;
	s2 =	sadd.s32 $0x400, s2;
	v12 =	vadd.f32 v18, v12;
	v18 =	vld [tilespmem:s0+$0x4D0]  }
0x92: {  	p1 =	sne.s32 s29, s2;
	v11 =	vadd.f32 v19, v11;
	v19 =	vld [tilespmem:s0+$0x4E0];
	s0 =	sor.u32 s5, s4  }
0x93: {  	v22 =	vld [tilespmem:s0+$0x4F0];
	v9 =	vadd.f32 v17, v9  }
0x94: {  	v17 =	vld [tilespmem:s0+$0x80];
	v7 =	vadd.f32 v20, v7  }
0x95: {  	v20 =	vld [tilespmem:s0+$0x90];
	v5 =	vadd.f32 v21, v5  }
0x96: {  	v21 =	vld [tilespmem:s0+$0xA0];
	v3 =	vadd.f32 v18, v3  }
0x97: {  	v18 =	vld [tilespmem:s0+$0xB0];
	v2 =	vadd.f32 v19, v2  }
0x98: {  	v19 =	vld [tilespmem:s0+$0xC0];
	v13 =	vadd.f32 v22, v13  }
0x99: {  	v1 =	vadd.f32 v17, v1;
	v17 =	vld [tilespmem:s0+$0xD0]  }
0x9a: {  	v4 =	vadd.f32 v20, v4;
	v20 =	vld [tilespmem:s0+$0xE0]  }
0x9b: {  	v6 =	vadd.f32 v21, v6;
	v21 =	vld [tilespmem:s0+$0xF0]  }
.Ltmp7:
0x9c: {  	v8 =	vadd.f32 v18, v8;
	v18 =	vld [tilespmem:s0+$0x480];
	(pc) =	sbr.rel @p1 .LBB2_6-.Ltmp7, $4  }
0x9d: {  	v10 =	vadd.f32 v19, v10;
	v19 =	vld [tilespmem:s0+$0x490]  }
0x9e: {  	v15 =	vadd.f32 v17, v15;
	v17 =	vld [tilespmem:s0+$0x4A0]  }
0x9f: {  	v16 =	vadd.f32 v20, v16;
	v20 =	vld [tilespmem:s0+$0x4B0]  }
0xa0: {  	s31 =	sadd.s32 $0x80, s31;
	v14 =	vadd.f32 v21, v14;
	v21 =	vld [tilespmem:s0+$0x4C0]  }
.LBB2_7:
0xa1: {  	v22 =	vld [tilespmem:s0+$0x4D0]  }
0xa2: {  	v23 =	vld [tilespmem:s0+$0x4E0]  }
0xa3: {  	[tilespmem:$0x18080] =	vst v1;
	v24 =	vld [tilespmem:$0x18270]  }
0xa4: {  	[tilespmem:$0x18090] =	vst v4;
	v1 =	vld [tilespmem:$0x18260]  }
0xa5: {  	[tilespmem:$0x180A0] =	vst v6;
	v4 =	vld [tilespmem:$0x18250]  }
0xa6: {  	[tilespmem:$0x180B0] =	vst v8;
	v6 =	vld [tilespmem:$0x18240]  }
0xa7: {  	[tilespmem:$0x180C0] =	vst v10;
	v8 =	vld [tilespmem:$0x18230]  }
0xa8: {  	[tilespmem:$0x180D0] =	vst v15;
	v10 =	vld [tilespmem:$0x18220]  }
0xa9: {  	v15 =	vadd.f32 v18, v12;
	v12 =	vld [tilespmem:$0x18210];
	[tilespmem:$0x18170] =	vst v13  }
0xaa: {  	[tilespmem:$0x180E0] =	vst v16;
	v16 =	vadd.f32 v19, v11;
	v11 =	vld [tilespmem:$0x18200]  }
0xab: {  	[tilespmem:$0x180F0] =	vst v14;
	v14 =	vld [tilespmem:$0x181F0]  }
0xac: {  	v9 =	vadd.f32 v17, v9;
	[tilespmem:$0x18100] =	vst v15;
	v15 =	vld [tilespmem:$0x181E0]  }
0xad: {  	v7 =	vadd.f32 v20, v7;
	[tilespmem:$0x18110] =	vst v16;
	v16 =	vld [tilespmem:$0x18180]  }
0xae: {  	v5 =	vadd.f32 v21, v5;
	[tilespmem:$0x18120] =	vst v9;
	v9 =	vld [tilespmem:$0x181D0]  }
0xaf: {  	v3 =	vadd.f32 v22, v3;
	[tilespmem:$0x18130] =	vst v7;
	v7 =	vld [tilespmem:$0x181C0]  }
0xb0: {  	v2 =	vadd.f32 v23, v2;
	[tilespmem:$0x18140] =	vst v5;
	v5 =	vld [tilespmem:$0x181B0]  }
0xb1: {  	[tilespmem:$0x18150] =	vst v3;
	v3 =	vld [tilespmem:$0x181A0]  }
0xb2: {  	[tilespmem:$0x18160] =	vst v2;
	v2 =	vld [tilespmem:$0x18190]  }
0xb3: {  	v13 =	vld [tilespmem:s30+$0xCF0]  }
0xb4: {  	v17 =	vld [tilespmem:s30+$0x880]  }
0xb5: {  	v18 =	vld [tilespmem:s30+$0x890]  }
0xb6: {  	v20 =	vld [tilespmem:s30+$0x8A0]  }
0xb7: {  	v22 =	vld [tilespmem:s30+$0x8B0]  }
0xb8: {  	v23 =	vld [tilespmem:s30+$0x8C0]  }
0xb9: {  	v25 =	vld [tilespmem:s30+$0x8D0]  }
0xba: {  	v26 =	vld [tilespmem:s30+$0x8E0]  }
0xbb: {  	p1 =	sne.s32 s29, $0x400;
	v27 =	vld [tilespmem:s30+$0x8F0]  }
.Ltmp8:
0xbc: {  	v21 =	vld [tilespmem:s30+$0xC80];
	v13 =	vadd.f32 v13, v24;
	(pc) =	sbr.rel @!p1 .LBB2_9-.Ltmp8, $4  }
0xbd: {  	v19 =	vld [tilespmem:s30+$0xC90];
	v16 =	vadd.f32 v17, v16;
	v2 =	vadd.f32 v18, v2  }
0xbe: {  	v3 =	vadd.f32 v20, v3;
	v5 =	vadd.f32 v22, v5;
	v17 =	vld [tilespmem:s30+$0xCA0]  }
0xbf: {  	v7 =	vadd.f32 v23, v7;
	v9 =	vadd.f32 v25, v9;
	v18 =	vld [tilespmem:s30+$0xCB0]  }
0xc0: {  	s2 =	simm.s32 $0x400;
	s0 =	simm.s32 $0x80;
	v15 =	vadd.f32 v26, v15;
	v14 =	vadd.f32 v27, v14;
	v20 =	vld [tilespmem:s30+$0xCC0]  }
.LBB2_8:
0xc1: {  	s4 =	sand.u32 $0xFFFFE000, s2;
	s5 =	sand.u32 $0x380, s0;
	s2 =	sadd.s32 $0x400, s2;
	v11 =	vadd.f32 v21, v11;
	v21 =	vld [tilespmem:s30+$0xCD0]  }
0xc2: {  	p1 =	sne.s32 s29, s2;
	v12 =	vadd.f32 v19, v12;
	v19 =	vld [tilespmem:s30+$0xCE0];
	s30 =	sor.u32 s5, s4  }
0xc3: {  	v22 =	vld [tilespmem:s30+$0xCF0];
	v10 =	vadd.f32 v17, v10  }
0xc4: {  	v17 =	vld [tilespmem:s30+$0x880];
	v8 =	vadd.f32 v18, v8  }
0xc5: {  	v18 =	vld [tilespmem:s30+$0x890];
	v6 =	vadd.f32 v20, v6  }
0xc6: {  	v20 =	vld [tilespmem:s30+$0x8A0];
	v4 =	vadd.f32 v21, v4  }
0xc7: {  	v21 =	vld [tilespmem:s30+$0x8B0];
	v1 =	vadd.f32 v19, v1  }
0xc8: {  	v19 =	vld [tilespmem:s30+$0x8C0];
	v13 =	vadd.f32 v22, v13  }
0xc9: {  	v16 =	vadd.f32 v17, v16;
	v17 =	vld [tilespmem:s30+$0x8D0]  }
0xca: {  	v2 =	vadd.f32 v18, v2;
	v18 =	vld [tilespmem:s30+$0x8E0]  }
0xcb: {  	v3 =	vadd.f32 v20, v3;
	v20 =	vld [tilespmem:s30+$0x8F0]  }
.Ltmp9:
0xcc: {  	v5 =	vadd.f32 v21, v5;
	v21 =	vld [tilespmem:s30+$0xC80];
	(pc) =	sbr.rel @p1 .LBB2_8-.Ltmp9, $4  }
0xcd: {  	v7 =	vadd.f32 v19, v7;
	v19 =	vld [tilespmem:s30+$0xC90]  }
0xce: {  	v9 =	vadd.f32 v17, v9;
	v17 =	vld [tilespmem:s30+$0xCA0]  }
0xcf: {  	v15 =	vadd.f32 v18, v15;
	v18 =	vld [tilespmem:s30+$0xCB0]  }
0xd0: {  	s0 =	sadd.s32 $0x80, s0;
	v14 =	vadd.f32 v20, v14;
	v20 =	vld [tilespmem:s30+$0xCC0]  }
.LBB2_9:
0xd1: {  	v22 =	vld [tilespmem:s30+$0xCD0]  }
0xd2: {  	v23 =	vld [tilespmem:s30+$0xCE0]  }
0xd3: {  	[tilespmem:$0x18180] =	vst v16;
	v16 =	vld [tilespmem:$0x18370]  }
0xd4: {  	[tilespmem:$0x18190] =	vst v2;
	v2 =	vld [tilespmem:$0x18360]  }
0xd5: {  	[tilespmem:$0x181A0] =	vst v3;
	v3 =	vld [tilespmem:$0x18350]  }
0xd6: {  	[tilespmem:$0x181B0] =	vst v5;
	v5 =	vld [tilespmem:$0x18340]  }
0xd7: {  	[tilespmem:$0x181C0] =	vst v7;
	v7 =	vld [tilespmem:$0x18330]  }
0xd8: {  	[tilespmem:$0x181D0] =	vst v9;
	v9 =	vld [tilespmem:$0x18320]  }
0xd9: {  	v21 =	vadd.f32 v21, v11;
	v11 =	vld [tilespmem:$0x18310];
	[tilespmem:$0x18270] =	vst v13  }
0xda: {  	v24 =	vld [tilespmem:$0x182F0];
	[tilespmem:$0x181E0] =	vst v15  }
0xdb: {  	v13 =	vld [tilespmem:$0x18280];
	v15 =	vadd.f32 v19, v12;
	[tilespmem:$0x181F0] =	vst v14  }
0xdc: {  	v12 =	vld [tilespmem:$0x18300];
	v10 =	vadd.f32 v17, v10;
	[tilespmem:$0x18200] =	vst v21  }
0xdd: {  	v14 =	vld [tilespmem:$0x182E0];
	v8 =	vadd.f32 v18, v8;
	[tilespmem:$0x18210] =	vst v15  }
0xde: {  	v18 =	vld [tilespmem:$0x182D0];
	v6 =	vadd.f32 v20, v6;
	[tilespmem:$0x18220] =	vst v10  }
0xdf: {  	v10 =	vld [tilespmem:$0x182C0];
	v4 =	vadd.f32 v22, v4;
	[tilespmem:$0x18230] =	vst v8  }
0xe0: {  	s30 =	simm.s32 $0x0;
	v1 =	vadd.f32 v23, v1;
	[tilespmem:$0x18240] =	vst v6;
	v6 =	vld [tilespmem:$0x182B0]  }
0xe1: {  	s31 =	sand.u32 $0xFFFFE000, s30;
	s0 =	sand.u32 $0x380, s30;
	[tilespmem:$0x18250] =	vst v4;
	v4 =	vld [tilespmem:$0x182A0]  }
0xe2: {  	s2 =	sor.u32 s0, s31;
	[tilespmem:$0x18260] =	vst v1;
	v1 =	vld [tilespmem:$0x18290]  }
0xe3: {  	v8 =	vld [tilespmem:s2+$0x14F0]  }
0xe4: {  	v15 =	vld [tilespmem:s2+$0x1080]  }
0xe5: {  	v17 =	vld [tilespmem:s2+$0x1090]  }
0xe6: {  	v20 =	vld [tilespmem:s2+$0x10A0]  }
0xe7: {  	v22 =	vld [tilespmem:s2+$0x10B0]  }
0xe8: {  	v23 =	vld [tilespmem:s2+$0x10C0]  }
0xe9: {  	v25 =	vld [tilespmem:s2+$0x10D0]  }
0xea: {  	v26 =	vld [tilespmem:s2+$0x10E0]  }
0xeb: {  	p1 =	sne.s32 s29, $0x400;
	v27 =	vld [tilespmem:s2+$0x10F0]  }
.Ltmp10:
0xec: {  	v21 =	vld [tilespmem:s2+$0x1480];
	v8 =	vadd.f32 v8, v16;
	(pc) =	sbr.rel @!p1 .LBB2_11-.Ltmp10, $4  }
0xed: {  	v19 =	vld [tilespmem:s2+$0x1490];
	v16 =	vadd.f32 v15, v13;
	v1 =	vadd.f32 v17, v1  }
0xee: {  	v15 =	vadd.f32 v20, v4;
	v6 =	vadd.f32 v22, v6;
	v17 =	vld [tilespmem:s2+$0x14A0]  }
0xef: {  	v10 =	vadd.f32 v23, v10;
	v13 =	vadd.f32 v25, v18;
	v18 =	vld [tilespmem:s2+$0x14B0]  }
0xf0: {  	s4 =	simm.s32 $0x80;
	s0 =	simm.s32 $0x400;
	v14 =	vadd.f32 v26, v14;
	v4 =	vadd.f32 v27, v24;
	v20 =	vld [tilespmem:s2+$0x14C0]  }
.LBB2_10:
0xf1: {  	s5 =	sand.u32 $0xFFFFE000, s0;
	s8 =	sand.u32 $0x380, s4;
	s0 =	sadd.s32 $0x400, s0;
	v12 =	vadd.f32 v21, v12;
	v21 =	vld [tilespmem:s2+$0x14D0]  }
0xf2: {  	p1 =	sne.s32 s29, s0;
	v11 =	vadd.f32 v19, v11;
	v19 =	vld [tilespmem:s2+$0x14E0];
	s2 =	sor.u32 s8, s5  }
0xf3: {  	v22 =	vld [tilespmem:s2+$0x14F0];
	v9 =	vadd.f32 v17, v9  }
0xf4: {  	v17 =	vld [tilespmem:s2+$0x1080];
	v7 =	vadd.f32 v18, v7  }
0xf5: {  	v18 =	vld [tilespmem:s2+$0x1090];
	v5 =	vadd.f32 v20, v5  }
0xf6: {  	v20 =	vld [tilespmem:s2+$0x10A0];
	v3 =	vadd.f32 v21, v3  }
0xf7: {  	v21 =	vld [tilespmem:s2+$0x10B0];
	v2 =	vadd.f32 v19, v2  }
0xf8: {  	v19 =	vld [tilespmem:s2+$0x10C0];
	v8 =	vadd.f32 v22, v8  }
0xf9: {  	v16 =	vadd.f32 v17, v16;
	v17 =	vld [tilespmem:s2+$0x10D0]  }
0xfa: {  	v1 =	vadd.f32 v18, v1;
	v18 =	vld [tilespmem:s2+$0x10E0]  }
0xfb: {  	v15 =	vadd.f32 v20, v15;
	v20 =	vld [tilespmem:s2+$0x10F0]  }
.Ltmp11:
0xfc: {  	v6 =	vadd.f32 v21, v6;
	v21 =	vld [tilespmem:s2+$0x1480];
	(pc) =	sbr.rel @p1 .LBB2_10-.Ltmp11, $4  }
0xfd: {  	v10 =	vadd.f32 v19, v10;
	v19 =	vld [tilespmem:s2+$0x1490]  }
0xfe: {  	v13 =	vadd.f32 v17, v13;
	v17 =	vld [tilespmem:s2+$0x14A0]  }
0xff: {  	v14 =	vadd.f32 v18, v14;
	v18 =	vld [tilespmem:s2+$0x14B0]  }
0x100: {  	s4 =	sadd.s32 $0x80, s4;
	v4 =	vadd.f32 v20, v4;
	v20 =	vld [tilespmem:s2+$0x14C0]  }
.LBB2_11:
0x101: {  	v22 =	vld [tilespmem:s2+$0x14D0]  }
0x102: {  	v23 =	vld [tilespmem:s2+$0x14E0]  }
0x103: {  	[tilespmem:$0x18280] =	vst v16;
	v16 =	vld [tilespmem:$0x18470]  }
0x104: {  	[tilespmem:$0x18290] =	vst v1;
	v1 =	vld [tilespmem:$0x18460]  }
0x105: {  	[tilespmem:$0x182A0] =	vst v15;
	v24 =	vld [tilespmem:$0x18450]  }
0x106: {  	[tilespmem:$0x182B0] =	vst v6;
	v15 =	vld [tilespmem:$0x18440]  }
0x107: {  	[tilespmem:$0x182C0] =	vst v10;
	v25 =	vld [tilespmem:$0x18430]  }
0x108: {  	[tilespmem:$0x182D0] =	vst v13;
	v13 =	vld [tilespmem:$0x18420]  }
0x109: {  	v6 =	vadd.f32 v21, v12;
	v12 =	vld [tilespmem:$0x18410];
	[tilespmem:$0x18370] =	vst v8  }
0x10a: {  	[tilespmem:$0x182E0] =	vst v14;
	v10 =	vadd.f32 v19, v11;
	v11 =	vld [tilespmem:$0x18400]  }
0x10b: {  	[tilespmem:$0x182F0] =	vst v4;
	v4 =	vld [tilespmem:$0x183F0]  }
0x10c: {  	v9 =	vadd.f32 v17, v9;
	[tilespmem:$0x18300] =	vst v6;
	v6 =	vld [tilespmem:$0x183E0]  }
0x10d: {  	v7 =	vadd.f32 v18, v7;
	[tilespmem:$0x18310] =	vst v10;
	v10 =	vadd.f32 v20, v5;
	v5 =	vld [tilespmem:$0x183D0]  }
0x10e: {  	[tilespmem:$0x18320] =	vst v9;
	v9 =	vadd.f32 v22, v3;
	v3 =	vld [tilespmem:$0x183C0]  }
0x10f: {  	s0 =	sand.u32 $0x7, s30;
	[tilespmem:$0x18330] =	vst v7;
	v14 =	vadd.f32 v23, v2;
	v2 =	vld [tilespmem:$0x183B0]  }
0x110: {  	s0 =	sshll.u32 s0, $0x7;
	v7 =	vld [tilespmem:$0x183A0];
	[tilespmem:$0x18340] =	vst v10  }
0x111: {  	s0 =	sadd.s32 $0x0, s0;
	v10 =	vld [tilespmem:$0x18380];
	[tilespmem:$0x18350] =	vst v9  }
0x112: {  	s5 =	sor.u32 $0x1C70, s0;
	[tilespmem:$0x18360] =	vst v14;
	v9 =	vld [tilespmem:$0x18390]  }
0x113: {  	s4 =	sor.u32 $0x1C00, s0;
	v8 =	vld [tilespmem:s5+$0x80]  }
0x114: {  	s6 =	sor.u32 $0x1C10, s0;
	v14 =	vld [tilespmem:s4+$0x80]  }
0x115: {  	s8 =	sor.u32 $0x1C20, s0;
	v18 =	vld [tilespmem:s6+$0x80]  }
0x116: {  	s13 =	sshll.u32 s26, $0x7;
	s10 =	sor.u32 $0x1C30, s0;
	v19 =	vld [tilespmem:s8+$0x80]  }
0x117: {  	[dreg:$0x4] =	wrdreg s13;
	s11 =	sor.u32 $0x1C40, s0;
	v22 =	vld [tilespmem:s10+$0x80]  }
0x118: {  	s18 =	sand.u32 $0x380, s30;
	s26 =	rddreg [dreg:$0x4];
	s5 =	sor.u32 $0x1C50, s0;
	v23 =	vld [tilespmem:s11+$0x80]  }
0x119: {  	s2 =	sor.u32 s18, s31;
	p1 =	sne.s32 s26, $0x80;
	v26 =	vld [tilespmem:s5+$0x80]  }
.Ltmp12:
0x11a: {  	s0 =	sor.u32 $0x1C60, s0;
	v21 =	vld [tilespmem:s2+$0x1880];
	(pc) =	sbr.rel @!p1 .LBB2_13-.Ltmp12, $4  }
0x11b: {  	v17 =	vld [tilespmem:s0+$0x80];
	v8 =	vadd.f32 v8, v16  }
0x11c: {  	v20 =	vld [tilespmem:s2+$0x1890];
	v11 =	vadd.f32 v14, v11;
	v12 =	vadd.f32 v18, v12  }
0x11d: {  	v13 =	vadd.f32 v19, v13;
	v14 =	vadd.f32 v22, v25;
	v19 =	vld [tilespmem:s2+$0x18A0]  }
0x11e: {  	s29 =	simm.s32 $0x1;
	s26 =	simm.s32 $0x80;
	v15 =	vadd.f32 v23, v15;
	v18 =	vld [tilespmem:s2+$0x18B0];
	v16 =	vadd.f32 v26, v24  }
.LBB2_12:
0x11f: {  	s0 =	sand.u32 $0x7, s29;
	v22 =	vld [tilespmem:s2+$0x18C0]  }
0x120: {  	s30 =	sadd.s32 $0x400, s30;
	s0 =	sshll.u32 s0, $0x7;
	v1 =	vadd.f32 v17, v1;
	v17 =	vld [tilespmem:s2+$0x18D0]  }
0x121: {  	s0 =	sadd.s32 s0, s30;
	v9 =	vadd.f32 v20, v9;
	v20 =	vld [tilespmem:s2+$0x18E0]  }
0x122: {  	s10 =	sor.u32 $0x1C70, s0;
	v7 =	vadd.f32 v19, v7;
	v19 =	vld [tilespmem:s2+$0x18F0]  }
0x123: {  	s31 =	sor.u32 $0x1C00, s0;
	v10 =	vadd.f32 v21, v10;
	v21 =	vld [tilespmem:s10+$0x80]  }
0x124: {  	s6 =	sor.u32 $0x1C20, s0;
	v2 =	vadd.f32 v18, v2;
	v18 =	vld [tilespmem:s31+$0x80]  }
0x125: {  	s18 =	sor.u32 $0x1C30, s0;
	v23 =	vld [tilespmem:s6+$0x80]  }
0x126: {  	s13 =	sor.u32 $0x1C40, s0;
	v24 =	vld [tilespmem:s18+$0x80]  }
0x127: {  	s4 =	smov.u32 s26;
	s26 =	sadd.s32 $0x80, s26;
	s11 =	sor.u32 $0x1C10, s0;
	v25 =	vld [tilespmem:s13+$0x80]  }
0x128: {  	s5 =	rddreg [dreg:$0x4];
	s8 =	sand.u32 $0xFFFFE000, s30;
	s31 =	sor.u32 $0x1C50, s0;
	v3 =	vadd.f32 v22, v3;
	v22 =	vld [tilespmem:s11+$0x80]  }
0x129: {  	s4 =	sand.u32 $0x380, s4;
	p1 =	sne.s32 s5, s26;
	s0 =	sor.u32 $0x1C60, s0;
	v26 =	vld [tilespmem:s31+$0x80]  }
.Ltmp13:
0x12a: {  	s2 =	sor.u32 s4, s8;
	v5 =	vadd.f32 v17, v5;
	v6 =	vadd.f32 v20, v6;
	v17 =	vld [tilespmem:s0+$0x80];
	(pc) =	sbr.rel @p1 .LBB2_12-.Ltmp13, $4  }
0x12b: {  	v4 =	vadd.f32 v19, v4;
	v8 =	vadd.f32 v21, v8;
	v21 =	vld [tilespmem:s2+$0x1880]  }
0x12c: {  	v11 =	vadd.f32 v18, v11;
	v13 =	vadd.f32 v23, v13;
	v20 =	vld [tilespmem:s2+$0x1890]  }
0x12d: {  	v14 =	vadd.f32 v24, v14;
	v19 =	vld [tilespmem:s2+$0x18A0];
	v15 =	vadd.f32 v25, v15  }
0x12e: {  	s29 =	sadd.s32 $0x1, s29;
	v18 =	vld [tilespmem:s2+$0x18B0];
	v12 =	vadd.f32 v22, v12;
	v16 =	vadd.f32 v26, v16  }
.LBB2_13:
0x12f: {  	v22 =	vld [tilespmem:s2+$0x18C0]  }
0x130: {  	v23 =	vld [tilespmem:s2+$0x18D0]  }
0x131: {  	v62 =	vld [tilespmem:s2+$0x18E0]  }
0x132: {  	v63 =	vld [tilespmem:s2+$0x18F0];
	[tilespmem:$0x18400] =	vst v11  }
0x133: {  	[tilespmem:$0x18420] =	vst v13  }
0x134: {  	[tilespmem:$0x18430] =	vst v14  }
0x135: {  	[tilespmem:$0x18470] =	vst v8  }
0x136: {  	[tilespmem:$0x18410] =	vst v12  }
0x137: {  	v10 =	vadd.f32 v21, v10;
	[tilespmem:$0x18440] =	vst v15  }
0x138: {  	v1 =	vadd.f32 v17, v1;
	[tilespmem:$0x18450] =	vst v16  }
0x139: {  	v9 =	vadd.f32 v20, v9;
	[tilespmem:$0x18380] =	vst v10  }
0x13a: {  	v7 =	vadd.f32 v19, v7;
	[tilespmem:$0x18460] =	vst v1  }
0x13b: {  	v2 =	vadd.f32 v18, v2;
	[tilespmem:$0x18390] =	vst v9  }
0x13c: {  	v3 =	vadd.f32 v22, v3;
	[tilespmem:$0x183A0] =	vst v7  }
0x13d: {  	v5 =	vadd.f32 v23, v5;
	[tilespmem:$0x183B0] =	vst v2  }
0x13e: {  	v2 =	vadd.f32 v62, v6;
	[tilespmem:$0x183C0] =	vst v3  }
0x13f: {  	v3 =	vadd.f32 v63, v4;
	[tilespmem:$0x183D0] =	vst v5  }
0x140: {  	[tilespmem:$0x183E0] =	vst v2  }
0x141: {  	[tilespmem:$0x183F0] =	vst v3  }
.LBB2_14:
0x142: {  	s0 =	sshll.u32 s21, $0x8  }
0x143: {  	s2 =	sshll.u32 s21, $0xB;
	s0 =	sand.u32 $0x300, s0  }
0x144: {  	s26 =	sand.u32 $0x2000, s2;
	s0 =	sor.u32 s0, s9  }
0x145: {  	s31 =	smin.u32 s28, $0xD;
	s0 =	sor.u32 s26, s0  }
0x146: {  	s2 =	sadd.s32 $0x2, s31;
	s0 =	sshrl.u32 s0, $0x3  }
0x147: {  	s4 =	sshll.u32 s2, $0x1;
	s0 =	sadd.s32 s7, s0  }
0x148: {  	[hbm4b:s0+s14] =	stream.strided.scatter [tilespmem:s16], [sflag:$0x3], $0x400, s15, s14, $0x38;
	[tilespmem:$0x18480] =	vst v63  }
0x149: {  	s4 =	ssub.s32 s3, s4;
	_ =	swait.ge [sflag:s12], $0x400  }
0x14a: {  	s5 =	sand.u32 $0x7, s4;
	[sflag:s12] =	ssyncset.done $0x0  }
0x14b: {  	s4 =	sshll.u32 s4, $0x7;
	s5 =	smul.u32 $0x30, s5;
	[sflag:s12] =	ssyncadd.s32 $0xFFFFFC00  }
0x14c: {  	s4 =	sand.u32 $0xC00, s4;
	s0 =	sld [smem:s31+$0x2]  }
0x14d: {  	s4 =	sor.u32 s4, s5  }
0x14e: {  	p1 =	seq.s32 s21, $0x7;
	s4 =	sadd.s32 $0x280, s4  }
0x14f: {  	p2 =	sge.s32 @!p1 s4, s0  }
0x150: {  	p1 =	por p2, p1  }
0x151: {  	s0 =	sshll.u32 @!p1 s2, $0x13;
	s2 =	sshll.u32 @!p1 s4, $0x7  }
0x152: {  	s0 =	sadd.s32 @!p1 s0, s2  }
0x153: {  	s4 =	simm.s32 @!p1 $0x80;
	s2 =	simm.s32 @!p1 $0x0;
	s0 =	sadd.s32 @!p1 s1, s0  }
0x154: {  	[tilespmem:s4], [sflag:$0x1] =	stream.linear.gather @!p1 [hbm4b:s0+s2], $0xC000, $0x38;
	[tilespmem:$0x18480] =	vst v63  }
0x155: {  	s0 =	simm.s32 $0x40;
	s2 =	simm.s32 $0x0  }
.LBB2_15:
0x156: {  	p1 =	sne.s32 s0, $0xFC0;
	[tilespmem:s2+$0x18080] =	vst v0;
	s2 =	smov.u32 s0;
	s0 =	sadd.s32 $0x40, s0  }
.Ltmp14:
0x157: {  	(pc) =	sbr.rel @p1 .LBB2_15-.Ltmp14, $2  }
0x158: {  	_ =	sdelay $0x2  }
0x159: {  	s2 =	sshra.s32 s2, $0x2  }
.Ltmp15:
0x15a: {  	(pc) =	sbr.rel @p0 .LBB2_26-.Ltmp15, $2  }
0x15b: {  	_ =	sdelay $0x2  }
0x15c: {  	[tilespmem:s2+$0x18080] =	vst v0  }
0x15d: {  	_ =	swait.ge [sflag:s17], $0xC000  }
0x15e: {  	[sflag:s17] =	ssyncset.done $0x0  }
0x15f: {  	[sflag:s17] =	ssyncadd.s32 $0xFFFF4000  }
0x160: {  	v1 =	vld [tilespmem:$0x18170]  }
0x161: {  	v2 =	vld [tilespmem:$0x18160]  }
0x162: {  	v3 =	vld [tilespmem:$0x18150]  }
0x163: {  	v5 =	vld [tilespmem:$0x18140]  }
0x164: {  	v7 =	vld [tilespmem:$0x18130]  }
0x165: {  	v9 =	vld [tilespmem:$0x18120]  }
0x166: {  	v11 =	vld [tilespmem:$0x18110]  }
0x167: {  	v12 =	vld [tilespmem:$0x18100]  }
0x168: {  	v14 =	vld [tilespmem:$0x180F0]  }
0x169: {  	v16 =	vld [tilespmem:$0x180E0]  }
0x16a: {  	v15 =	vld [tilespmem:$0x180D0]  }
0x16b: {  	v10 =	vld [tilespmem:$0x180C0]  }
0x16c: {  	v8 =	vld [tilespmem:$0x180B0]  }
0x16d: {  	s0 =	simm.s32 $0x0;
	v6 =	vld [tilespmem:$0x180A0]  }
0x16e: {  	s2 =	sand.u32 $0xFFFFE000, s0;
	s0 =	sand.u32 $0x380, s0;
	v4 =	vld [tilespmem:$0x18090]  }
0x16f: {  	s28 =	sor.u32 s0, s2;
	v17 =	vld [tilespmem:$0x18080]  }
0x170: {  	v13 =	vld [tilespmem:s28+$0xC4F0]  }
0x171: {  	s31 =	ssub.s32 s25, s23;
	v19 =	vld [tilespmem:s28+$0xC080]  }
0x172: {  	s0 =	ssub.s32 s31, s24;
	v20 =	vld [tilespmem:s28+$0xC090]  }
0x173: {  	v21 =	vld [tilespmem:s28+$0xC0A0];
	s0 =	sadd.s32 $0xFFFFFD80, s0  }
0x174: {  	v22 =	vld [tilespmem:s28+$0xC0B0];
	p0 =	sgt.s32 s0, $0x1  }
0x175: {  	v23 =	vld [tilespmem:s28+$0xC0C0];
	s0 =	simm.s32 @!p0 $0x1  }
0x176: {  	v24 =	vld [tilespmem:s28+$0xC0D0];
	s23 =	smin.u32 s0, $0x30  }
0x177: {  	v25 =	vld [tilespmem:s28+$0xC0E0];
	s24 =	sshll.u32 s23, $0xA  }
0x178: {  	v26 =	vld [tilespmem:s28+$0xC0F0];
	p0 =	sne.s32 s24, $0x400  }
.Ltmp16:
0x179: {  	v18 =	vld [tilespmem:s28+$0xC480];
	v13 =	vadd.f32 v13, v1;
	(pc) =	sbr.rel @!p0 .LBB2_19-.Ltmp16, $4  }
0x17a: {  	v1 =	vadd.f32 v19, v17;
	v4 =	vadd.f32 v20, v4;
	v19 =	vld [tilespmem:s28+$0xC490]  }
0x17b: {  	v6 =	vadd.f32 v21, v6;
	v8 =	vadd.f32 v22, v8;
	v17 =	vld [tilespmem:s28+$0xC4A0]  }
0x17c: {  	v10 =	vadd.f32 v23, v10;
	v15 =	vadd.f32 v24, v15;
	v20 =	vld [tilespmem:s28+$0xC4B0]  }
0x17d: {  	s25 =	simm.s32 $0x80;
	s2 =	simm.s32 $0x400;
	s0 =	smov.u32 s28;
	v16 =	vadd.f32 v25, v16;
	v14 =	vadd.f32 v26, v14;
	v21 =	vld [tilespmem:s28+$0xC4C0]  }
.LBB2_18:
0x17e: {  	s4 =	sand.u32 $0xFFFFE000, s2;
	s5 =	sand.u32 $0x380, s25;
	s2 =	sadd.s32 $0x400, s2;
	v12 =	vadd.f32 v18, v12;
	v18 =	vld [tilespmem:s0+$0xC4D0]  }
0x17f: {  	p0 =	sne.s32 s24, s2;
	v11 =	vadd.f32 v19, v11;
	v19 =	vld [tilespmem:s0+$0xC4E0];
	s0 =	sor.u32 s5, s4  }
0x180: {  	v22 =	vld [tilespmem:s0+$0xC4F0];
	v9 =	vadd.f32 v17, v9  }
0x181: {  	v17 =	vld [tilespmem:s0+$0xC080];
	v7 =	vadd.f32 v20, v7  }
0x182: {  	v20 =	vld [tilespmem:s0+$0xC090];
	v5 =	vadd.f32 v21, v5  }
0x183: {  	v21 =	vld [tilespmem:s0+$0xC0A0];
	v3 =	vadd.f32 v18, v3  }
0x184: {  	v18 =	vld [tilespmem:s0+$0xC0B0];
	v2 =	vadd.f32 v19, v2  }
0x185: {  	v19 =	vld [tilespmem:s0+$0xC0C0];
	v13 =	vadd.f32 v22, v13  }
0x186: {  	v1 =	vadd.f32 v17, v1;
	v17 =	vld [tilespmem:s0+$0xC0D0]  }
0x187: {  	v4 =	vadd.f32 v20, v4;
	v20 =	vld [tilespmem:s0+$0xC0E0]  }
0x188: {  	v6 =	vadd.f32 v21, v6;
	v21 =	vld [tilespmem:s0+$0xC0F0]  }
.Ltmp17:
0x189: {  	v8 =	vadd.f32 v18, v8;
	v18 =	vld [tilespmem:s0+$0xC480];
	(pc) =	sbr.rel @p0 .LBB2_18-.Ltmp17, $4  }
0x18a: {  	v10 =	vadd.f32 v19, v10;
	v19 =	vld [tilespmem:s0+$0xC490]  }
0x18b: {  	v15 =	vadd.f32 v17, v15;
	v17 =	vld [tilespmem:s0+$0xC4A0]  }
0x18c: {  	v16 =	vadd.f32 v20, v16;
	v20 =	vld [tilespmem:s0+$0xC4B0]  }
0x18d: {  	s25 =	sadd.s32 $0x80, s25;
	v14 =	vadd.f32 v21, v14;
	v21 =	vld [tilespmem:s0+$0xC4C0]  }
.LBB2_19:
0x18e: {  	v22 =	vld [tilespmem:s0+$0xC4D0]  }
0x18f: {  	v23 =	vld [tilespmem:s0+$0xC4E0]  }
0x190: {  	[tilespmem:$0x18080] =	vst v1;
	v24 =	vld [tilespmem:$0x18270]  }
0x191: {  	[tilespmem:$0x18090] =	vst v4;
	v1 =	vld [tilespmem:$0x18260]  }
0x192: {  	[tilespmem:$0x180A0] =	vst v6;
	v4 =	vld [tilespmem:$0x18250]  }
0x193: {  	[tilespmem:$0x180B0] =	vst v8;
	v6 =	vld [tilespmem:$0x18240]  }
0x194: {  	[tilespmem:$0x180C0] =	vst v10;
	v8 =	vld [tilespmem:$0x18230]  }
0x195: {  	[tilespmem:$0x180D0] =	vst v15;
	v10 =	vld [tilespmem:$0x18220]  }
0x196: {  	v15 =	vadd.f32 v18, v12;
	v12 =	vld [tilespmem:$0x18210];
	[tilespmem:$0x18170] =	vst v13  }
0x197: {  	[tilespmem:$0x180E0] =	vst v16;
	v16 =	vadd.f32 v19, v11;
	v11 =	vld [tilespmem:$0x18200]  }
0x198: {  	[tilespmem:$0x180F0] =	vst v14;
	v14 =	vld [tilespmem:$0x181F0]  }
0x199: {  	v9 =	vadd.f32 v17, v9;
	[tilespmem:$0x18100] =	vst v15;
	v15 =	vld [tilespmem:$0x181E0]  }
0x19a: {  	v7 =	vadd.f32 v20, v7;
	[tilespmem:$0x18110] =	vst v16;
	v16 =	vld [tilespmem:$0x18180]  }
0x19b: {  	v5 =	vadd.f32 v21, v5;
	[tilespmem:$0x18120] =	vst v9;
	v9 =	vld [tilespmem:$0x181D0]  }
0x19c: {  	v3 =	vadd.f32 v22, v3;
	[tilespmem:$0x18130] =	vst v7;
	v7 =	vld [tilespmem:$0x181C0]  }
0x19d: {  	v2 =	vadd.f32 v23, v2;
	[tilespmem:$0x18140] =	vst v5;
	v5 =	vld [tilespmem:$0x181B0]  }
0x19e: {  	[tilespmem:$0x18150] =	vst v3;
	v3 =	vld [tilespmem:$0x181A0]  }
0x19f: {  	[tilespmem:$0x18160] =	vst v2;
	v2 =	vld [tilespmem:$0x18190]  }
0x1a0: {  	v13 =	vld [tilespmem:s28+$0xCCF0]  }
0x1a1: {  	v17 =	vld [tilespmem:s28+$0xC880]  }
0x1a2: {  	v18 =	vld [tilespmem:s28+$0xC890]  }
0x1a3: {  	v20 =	vld [tilespmem:s28+$0xC8A0]  }
0x1a4: {  	v22 =	vld [tilespmem:s28+$0xC8B0]  }
0x1a5: {  	v23 =	vld [tilespmem:s28+$0xC8C0]  }
0x1a6: {  	v25 =	vld [tilespmem:s28+$0xC8D0]  }
0x1a7: {  	v26 =	vld [tilespmem:s28+$0xC8E0]  }
0x1a8: {  	p0 =	sne.s32 s24, $0x400;
	v27 =	vld [tilespmem:s28+$0xC8F0]  }
.Ltmp18:
0x1a9: {  	v21 =	vld [tilespmem:s28+$0xCC80];
	v13 =	vadd.f32 v13, v24;
	(pc) =	sbr.rel @!p0 .LBB2_21-.Ltmp18, $4  }
0x1aa: {  	v19 =	vld [tilespmem:s28+$0xCC90];
	v16 =	vadd.f32 v17, v16;
	v2 =	vadd.f32 v18, v2  }
0x1ab: {  	v3 =	vadd.f32 v20, v3;
	v5 =	vadd.f32 v22, v5;
	v17 =	vld [tilespmem:s28+$0xCCA0]  }
0x1ac: {  	v7 =	vadd.f32 v23, v7;
	v9 =	vadd.f32 v25, v9;
	v18 =	vld [tilespmem:s28+$0xCCB0]  }
0x1ad: {  	s0 =	simm.s32 $0x400;
	s2 =	simm.s32 $0x80;
	v15 =	vadd.f32 v26, v15;
	v14 =	vadd.f32 v27, v14;
	v20 =	vld [tilespmem:s28+$0xCCC0]  }
.LBB2_20:
0x1ae: {  	s4 =	sand.u32 $0xFFFFE000, s0;
	s5 =	sand.u32 $0x380, s2;
	s0 =	sadd.s32 $0x400, s0;
	v11 =	vadd.f32 v21, v11;
	v21 =	vld [tilespmem:s28+$0xCCD0]  }
0x1af: {  	p0 =	sne.s32 s24, s0;
	v12 =	vadd.f32 v19, v12;
	v19 =	vld [tilespmem:s28+$0xCCE0];
	s28 =	sor.u32 s5, s4  }
0x1b0: {  	v22 =	vld [tilespmem:s28+$0xCCF0];
	v10 =	vadd.f32 v17, v10  }
0x1b1: {  	v17 =	vld [tilespmem:s28+$0xC880];
	v8 =	vadd.f32 v18, v8  }
0x1b2: {  	v18 =	vld [tilespmem:s28+$0xC890];
	v6 =	vadd.f32 v20, v6  }
0x1b3: {  	v20 =	vld [tilespmem:s28+$0xC8A0];
	v4 =	vadd.f32 v21, v4  }
0x1b4: {  	v21 =	vld [tilespmem:s28+$0xC8B0];
	v1 =	vadd.f32 v19, v1  }
0x1b5: {  	v19 =	vld [tilespmem:s28+$0xC8C0];
	v13 =	vadd.f32 v22, v13  }
0x1b6: {  	v16 =	vadd.f32 v17, v16;
	v17 =	vld [tilespmem:s28+$0xC8D0]  }
0x1b7: {  	v2 =	vadd.f32 v18, v2;
	v18 =	vld [tilespmem:s28+$0xC8E0]  }
0x1b8: {  	v3 =	vadd.f32 v20, v3;
	v20 =	vld [tilespmem:s28+$0xC8F0]  }
.Ltmp19:
0x1b9: {  	v5 =	vadd.f32 v21, v5;
	v21 =	vld [tilespmem:s28+$0xCC80];
	(pc) =	sbr.rel @p0 .LBB2_20-.Ltmp19, $4  }
0x1ba: {  	v7 =	vadd.f32 v19, v7;
	v19 =	vld [tilespmem:s28+$0xCC90]  }
0x1bb: {  	v9 =	vadd.f32 v17, v9;
	v17 =	vld [tilespmem:s28+$0xCCA0]  }
0x1bc: {  	v15 =	vadd.f32 v18, v15;
	v18 =	vld [tilespmem:s28+$0xCCB0]  }
0x1bd: {  	s2 =	sadd.s32 $0x80, s2;
	v14 =	vadd.f32 v20, v14;
	v20 =	vld [tilespmem:s28+$0xCCC0]  }
.LBB2_21:
0x1be: {  	v22 =	vld [tilespmem:s28+$0xCCD0]  }
0x1bf: {  	v23 =	vld [tilespmem:s28+$0xCCE0]  }
0x1c0: {  	[tilespmem:$0x18180] =	vst v16;
	v16 =	vld [tilespmem:$0x18370]  }
0x1c1: {  	[tilespmem:$0x18190] =	vst v2;
	v2 =	vld [tilespmem:$0x18360]  }
0x1c2: {  	[tilespmem:$0x181A0] =	vst v3;
	v3 =	vld [tilespmem:$0x18350]  }
0x1c3: {  	[tilespmem:$0x181B0] =	vst v5;
	v5 =	vld [tilespmem:$0x18340]  }
0x1c4: {  	[tilespmem:$0x181C0] =	vst v7;
	v7 =	vld [tilespmem:$0x18330]  }
0x1c5: {  	[tilespmem:$0x181D0] =	vst v9;
	v9 =	vld [tilespmem:$0x18320]  }
0x1c6: {  	v21 =	vadd.f32 v21, v11;
	v11 =	vld [tilespmem:$0x18310];
	[tilespmem:$0x18270] =	vst v13  }
0x1c7: {  	v24 =	vld [tilespmem:$0x182F0];
	[tilespmem:$0x181E0] =	vst v15  }
0x1c8: {  	v13 =	vld [tilespmem:$0x18280];
	v15 =	vadd.f32 v19, v12;
	[tilespmem:$0x181F0] =	vst v14  }
0x1c9: {  	v12 =	vld [tilespmem:$0x18300];
	v10 =	vadd.f32 v17, v10;
	[tilespmem:$0x18200] =	vst v21  }
0x1ca: {  	v14 =	vld [tilespmem:$0x182E0];
	v8 =	vadd.f32 v18, v8;
	[tilespmem:$0x18210] =	vst v15  }
0x1cb: {  	v18 =	vld [tilespmem:$0x182D0];
	v6 =	vadd.f32 v20, v6;
	[tilespmem:$0x18220] =	vst v10  }
0x1cc: {  	v10 =	vld [tilespmem:$0x182C0];
	v4 =	vadd.f32 v22, v4;
	[tilespmem:$0x18230] =	vst v8  }
0x1cd: {  	s25 =	simm.s32 $0x0;
	v1 =	vadd.f32 v23, v1;
	[tilespmem:$0x18240] =	vst v6;
	v6 =	vld [tilespmem:$0x182B0]  }
0x1ce: {  	s28 =	sand.u32 $0xFFFFE000, s25;
	s0 =	sand.u32 $0x380, s25;
	[tilespmem:$0x18250] =	vst v4;
	v4 =	vld [tilespmem:$0x182A0]  }
0x1cf: {  	s2 =	sor.u32 s0, s28;
	[tilespmem:$0x18260] =	vst v1;
	v1 =	vld [tilespmem:$0x18290]  }
0x1d0: {  	v8 =	vld [tilespmem:s2+$0xD4F0]  }
0x1d1: {  	v15 =	vld [tilespmem:s2+$0xD080]  }
0x1d2: {  	v17 =	vld [tilespmem:s2+$0xD090]  }
0x1d3: {  	v20 =	vld [tilespmem:s2+$0xD0A0]  }
0x1d4: {  	v22 =	vld [tilespmem:s2+$0xD0B0]  }
0x1d5: {  	v23 =	vld [tilespmem:s2+$0xD0C0]  }
0x1d6: {  	v25 =	vld [tilespmem:s2+$0xD0D0]  }
0x1d7: {  	v26 =	vld [tilespmem:s2+$0xD0E0]  }
0x1d8: {  	p0 =	sne.s32 s24, $0x400;
	v27 =	vld [tilespmem:s2+$0xD0F0]  }
.Ltmp20:
0x1d9: {  	v21 =	vld [tilespmem:s2+$0xD480];
	v8 =	vadd.f32 v8, v16;
	(pc) =	sbr.rel @!p0 .LBB2_23-.Ltmp20, $4  }
0x1da: {  	v19 =	vld [tilespmem:s2+$0xD490];
	v16 =	vadd.f32 v15, v13;
	v1 =	vadd.f32 v17, v1  }
0x1db: {  	v15 =	vadd.f32 v20, v4;
	v6 =	vadd.f32 v22, v6;
	v17 =	vld [tilespmem:s2+$0xD4A0]  }
0x1dc: {  	v10 =	vadd.f32 v23, v10;
	v13 =	vadd.f32 v25, v18;
	v18 =	vld [tilespmem:s2+$0xD4B0]  }
0x1dd: {  	s4 =	simm.s32 $0x80;
	s0 =	simm.s32 $0x400;
	v14 =	vadd.f32 v26, v14;
	v4 =	vadd.f32 v27, v24;
	v20 =	vld [tilespmem:s2+$0xD4C0]  }
.LBB2_22:
0x1de: {  	s5 =	sand.u32 $0xFFFFE000, s0;
	s6 =	sand.u32 $0x380, s4;
	s0 =	sadd.s32 $0x400, s0;
	v12 =	vadd.f32 v21, v12;
	v21 =	vld [tilespmem:s2+$0xD4D0]  }
0x1df: {  	p0 =	sne.s32 s24, s0;
	v11 =	vadd.f32 v19, v11;
	v19 =	vld [tilespmem:s2+$0xD4E0];
	s2 =	sor.u32 s6, s5  }
0x1e0: {  	v22 =	vld [tilespmem:s2+$0xD4F0];
	v9 =	vadd.f32 v17, v9  }
0x1e1: {  	v17 =	vld [tilespmem:s2+$0xD080];
	v7 =	vadd.f32 v18, v7  }
0x1e2: {  	v18 =	vld [tilespmem:s2+$0xD090];
	v5 =	vadd.f32 v20, v5  }
0x1e3: {  	v20 =	vld [tilespmem:s2+$0xD0A0];
	v3 =	vadd.f32 v21, v3  }
0x1e4: {  	v21 =	vld [tilespmem:s2+$0xD0B0];
	v2 =	vadd.f32 v19, v2  }
0x1e5: {  	v19 =	vld [tilespmem:s2+$0xD0C0];
	v8 =	vadd.f32 v22, v8  }
0x1e6: {  	v16 =	vadd.f32 v17, v16;
	v17 =	vld [tilespmem:s2+$0xD0D0]  }
0x1e7: {  	v1 =	vadd.f32 v18, v1;
	v18 =	vld [tilespmem:s2+$0xD0E0]  }
0x1e8: {  	v15 =	vadd.f32 v20, v15;
	v20 =	vld [tilespmem:s2+$0xD0F0]  }
.Ltmp21:
0x1e9: {  	v6 =	vadd.f32 v21, v6;
	v21 =	vld [tilespmem:s2+$0xD480];
	(pc) =	sbr.rel @p0 .LBB2_22-.Ltmp21, $4  }
0x1ea: {  	v10 =	vadd.f32 v19, v10;
	v19 =	vld [tilespmem:s2+$0xD490]  }
0x1eb: {  	v13 =	vadd.f32 v17, v13;
	v17 =	vld [tilespmem:s2+$0xD4A0]  }
0x1ec: {  	v14 =	vadd.f32 v18, v14;
	v18 =	vld [tilespmem:s2+$0xD4B0]  }
0x1ed: {  	s4 =	sadd.s32 $0x80, s4;
	v4 =	vadd.f32 v20, v4;
	v20 =	vld [tilespmem:s2+$0xD4C0]  }
.LBB2_23:
0x1ee: {  	v22 =	vld [tilespmem:s2+$0xD4D0]  }
0x1ef: {  	v23 =	vld [tilespmem:s2+$0xD4E0]  }
0x1f0: {  	[tilespmem:$0x18280] =	vst v16;
	v16 =	vld [tilespmem:$0x18470]  }
0x1f1: {  	[tilespmem:$0x18290] =	vst v1;
	v1 =	vld [tilespmem:$0x18460]  }
0x1f2: {  	[tilespmem:$0x182A0] =	vst v15;
	v24 =	vld [tilespmem:$0x18450]  }
0x1f3: {  	[tilespmem:$0x182B0] =	vst v6;
	v15 =	vld [tilespmem:$0x18440]  }
0x1f4: {  	[tilespmem:$0x182C0] =	vst v10;
	v25 =	vld [tilespmem:$0x18430]  }
0x1f5: {  	[tilespmem:$0x182D0] =	vst v13;
	v13 =	vld [tilespmem:$0x18420]  }
0x1f6: {  	v6 =	vadd.f32 v21, v12;
	v12 =	vld [tilespmem:$0x18410];
	[tilespmem:$0x18370] =	vst v8  }
0x1f7: {  	[tilespmem:$0x182E0] =	vst v14;
	v10 =	vadd.f32 v19, v11;
	v11 =	vld [tilespmem:$0x18400]  }
0x1f8: {  	[tilespmem:$0x182F0] =	vst v4;
	v4 =	vld [tilespmem:$0x183F0]  }
0x1f9: {  	v9 =	vadd.f32 v17, v9;
	[tilespmem:$0x18300] =	vst v6;
	v6 =	vld [tilespmem:$0x183E0]  }
0x1fa: {  	v7 =	vadd.f32 v18, v7;
	[tilespmem:$0x18310] =	vst v10;
	v10 =	vadd.f32 v20, v5;
	v5 =	vld [tilespmem:$0x183D0]  }
0x1fb: {  	[tilespmem:$0x18320] =	vst v9;
	v9 =	vadd.f32 v22, v3;
	v3 =	vld [tilespmem:$0x183C0]  }
0x1fc: {  	s0 =	sand.u32 $0x7, s25;
	[tilespmem:$0x18330] =	vst v7;
	v14 =	vadd.f32 v23, v2;
	v2 =	vld [tilespmem:$0x183B0]  }
0x1fd: {  	s0 =	sshll.u32 s0, $0x7;
	v7 =	vld [tilespmem:$0x183A0];
	[tilespmem:$0x18340] =	vst v10  }
0x1fe: {  	s0 =	sadd.s32 $0x0, s0;
	v10 =	vld [tilespmem:$0x18380];
	[tilespmem:$0x18350] =	vst v9  }
0x1ff: {  	s10 =	sor.u32 $0x1C70, s0;
	[tilespmem:$0x18360] =	vst v14;
	v9 =	vld [tilespmem:$0x18390]  }
0x200: {  	s4 =	sor.u32 $0x1C00, s0;
	v8 =	vld [tilespmem:s10+$0xC080]  }
0x201: {  	s11 =	sor.u32 $0x1C10, s0;
	v14 =	vld [tilespmem:s4+$0xC080]  }
0x202: {  	s13 =	sor.u32 $0x1C20, s0;
	v18 =	vld [tilespmem:s11+$0xC080]  }
0x203: {  	s29 =	sshll.u32 s23, $0x7;
	s18 =	sor.u32 $0x1C30, s0;
	v19 =	vld [tilespmem:s13+$0xC080]  }
0x204: {  	[dreg:$0x5] =	wrdreg s29;
	s24 =	sor.u32 $0x1C40, s0;
	v22 =	vld [tilespmem:s18+$0xC080]  }
0x205: {  	s31 =	rddreg [dreg:$0x5];
	s5 =	sor.u32 $0x1C50, s0;
	v23 =	vld [tilespmem:s24+$0xC080]  }
0x206: {  	s30 =	sand.u32 $0x380, s25;
	s0 =	sor.u32 $0x1C60, s0;
	p0 =	sne.s32 s31, $0x80;
	v26 =	vld [tilespmem:s5+$0xC080]  }
.Ltmp22:
0x207: {  	s2 =	sor.u32 s30, s28;
	v17 =	vld [tilespmem:s0+$0xC080];
	(pc) =	sbr.rel @!p0 .LBB2_25-.Ltmp22, $4  }
0x208: {  	v21 =	vld [tilespmem:s2+$0xD880];
	v8 =	vadd.f32 v8, v16  }
0x209: {  	v20 =	vld [tilespmem:s2+$0xD890];
	v11 =	vadd.f32 v14, v11;
	v12 =	vadd.f32 v18, v12  }
0x20a: {  	v13 =	vadd.f32 v19, v13;
	v14 =	vadd.f32 v22, v25;
	v19 =	vld [tilespmem:s2+$0xD8A0]  }
0x20b: {  	s23 =	simm.s32 $0x80;
	s24 =	simm.s32 $0x1;
	v15 =	vadd.f32 v23, v15;
	v18 =	vld [tilespmem:s2+$0xD8B0];
	v16 =	vadd.f32 v26, v24  }
.LBB2_24:
0x20c: {  	s0 =	sand.u32 $0x7, s24;
	v22 =	vld [tilespmem:s2+$0xD8C0]  }
0x20d: {  	v1 =	vadd.f32 v17, v1;
	v17 =	vld [tilespmem:s2+$0xD8D0];
	s25 =	sadd.s32 $0x400, s25;
	s0 =	sshll.u32 s0, $0x7  }
0x20e: {  	v9 =	vadd.f32 v20, v9;
	v20 =	vld [tilespmem:s2+$0xD8E0];
	s0 =	sadd.s32 s0, s25  }
0x20f: {  	v7 =	vadd.f32 v19, v7;
	v19 =	vld [tilespmem:s2+$0xD8F0];
	s11 =	sor.u32 $0x1C70, s0  }
0x210: {  	v10 =	vadd.f32 v21, v10;
	s8 =	sor.u32 $0x1C00, s0;
	v21 =	vld [tilespmem:s11+$0xC080]  }
0x211: {  	v2 =	vadd.f32 v18, v2;
	s13 =	sor.u32 $0x1C20, s0;
	v18 =	vld [tilespmem:s8+$0xC080]  }
0x212: {  	s18 =	sor.u32 $0x1C30, s0;
	v23 =	vld [tilespmem:s13+$0xC080]  }
0x213: {  	s28 =	sor.u32 $0x1C40, s0;
	v24 =	vld [tilespmem:s18+$0xC080]  }
0x214: {  	s4 =	smov.u32 s23;
	s23 =	sadd.s32 $0x80, s23;
	s31 =	sor.u32 $0x1C50, s0;
	v25 =	vld [tilespmem:s28+$0xC080]  }
0x215: {  	s5 =	rddreg [dreg:$0x5];
	s6 =	sand.u32 $0xFFFFE000, s25;
	s10 =	sor.u32 $0x1C10, s0;
	v26 =	vld [tilespmem:s31+$0xC080]  }
0x216: {  	s4 =	sand.u32 $0x380, s4;
	p0 =	sne.s32 s5, s23;
	s0 =	sor.u32 $0x1C60, s0;
	v3 =	vadd.f32 v22, v3;
	v22 =	vld [tilespmem:s10+$0xC080]  }
.Ltmp23:
0x217: {  	s2 =	sor.u32 s4, s6;
	v5 =	vadd.f32 v17, v5;
	v6 =	vadd.f32 v20, v6;
	v17 =	vld [tilespmem:s0+$0xC080];
	(pc) =	sbr.rel @p0 .LBB2_24-.Ltmp23, $4  }
0x218: {  	v4 =	vadd.f32 v19, v4;
	v20 =	vld [tilespmem:s2+$0xD890];
	v8 =	vadd.f32 v21, v8  }
0x219: {  	v19 =	vld [tilespmem:s2+$0xD8A0];
	v11 =	vadd.f32 v18, v11;
	v13 =	vadd.f32 v23, v13  }
0x21a: {  	v21 =	vld [tilespmem:s2+$0xD880];
	v14 =	vadd.f32 v24, v14;
	v15 =	vadd.f32 v25, v15  }
0x21b: {  	s24 =	sadd.s32 $0x1, s24;
	v18 =	vld [tilespmem:s2+$0xD8B0];
	v16 =	vadd.f32 v26, v16;
	v12 =	vadd.f32 v22, v12  }
.Ltmp24:
0x21c: {  	_ = 	snop;
	(pc) =	sbr.rel .LBB2_25-.Ltmp24, $1  }
0x21d: {  	_ =	sdelay $0x3  }
.LBB2_28:
0x21e: {  	_ =	sfence.sel $0x180000  }
0x21f: {  	[bflag:$0x0] =	sbarrier.arrive $0xFFFF  }
0x220: {  	_ =	strace $0x90000047  }
0x221: {  	s0 =	stileid.u32;
	[bflag:$0x2] =	sbarrier.arrive $0xFFFF  }
0x222: {  	p0 =	sne.s32 s0, $0x0;
	s0 =	rddreg [dreg:$0x3]  }
0x223: {  	s0 =	sadd.s32 @!p0 $0x100000, s0  }
0x224: {  	[sflag:s0] =	ssyncadd.tile.s32 @!p0 $0x1;
	_ =	shalt  }
.Lfunc_end2:
_tile_overlayer_lowered:
.L_overlay_start_2:
0x225: {  	(tag) =	ssettag $0x2  }
0x226: {  	s0 =	rddreg [dreg:$0x0];
	s2 =	stileid.u32  }
0x227: {  	s1 =	rddreg [dreg:$0x1];
	p0 =	sne.s32 s2, $0x0  }
0x228: {  	s3 =	rddreg [dreg:$0x2];
	[bflag:$0x3] =	sbarrier.arrive $0xFFFF;
	s2 =	simm.s32 @!p0 $0x1C03  }
0x229: {  	[timem:s3], [sflag:s2] =	dma.local @!p0 [hbm:s0], s1  }
0x22a: {  	s0 =	simm.s32 @!p0 $0x3  }
0x22b: {  	_ =	swait.ge @!p0 [sflag:s0], s1  }
0x22c: {  	s1 =	ssub.s32 @!p0 $0x0, s1;
	[sflag:s0] =	ssyncset.done @!p0 $0x0  }
0x22d: {  	[sflag:s0] =	ssyncadd.s32 @!p0 s1  }
0x22e: {  	[bflag:$0x3] =	sbarrier.arrive $0xFFFF  }
0x22f: {  	_ =	shalt  }

</sc_bundles>
